<compile_context>
chip_gen: v7x
topology: tpu7x:2x2x1
jax: 0.10.2.dev20260603
libtpu: 0.0.44.dev20260713+nightly
codegen_flags: <defaults>
</compile_context>

<pallas_src>
import jax
import jax.numpy as jnp
from jax import lax
from jax.experimental import pallas as pl
from jax.experimental.pallas import tpu as pltpu
from jax.experimental.pallas import tpu_sc as plsc

_BATCH = 4096
_SEQ = 200
_EMBED = 64
_LANES = 16
_NC = 2
_NS = 16
_NW = _NC * _NS
_BTILE = _BATCH // _NW
_STILE = _SEQ // 8
_NBUF = 4


def _sc_body(x4_hbm, tok_hbm, pos_hbm, out_hbm, idx_v, gath_v, outb_v,
             pos_v, *sems):
    semg = sems[:_NBUF]
    semo = sems[_NBUF:2 * _NBUF]
    semi, semp = sems[2 * _NBUF], sems[2 * _NBUF + 1]
    wid = lax.axis_index("s") * _NC + lax.axis_index("c")
    idx_cp = pltpu.make_async_copy(x4_hbm.at[:, wid], idx_v, semi)
    pos_cp = pltpu.make_async_copy(pos_hbm, pos_v, semp)
    idx_cp.start()
    pos_cp.start()
    idx_cp.wait()

    evecs = [lax.iota(jnp.int32, 16) + 16 * ec for ec in range(4)]
    ehis = [(lax.iota(jnp.int32, 16) + 16 * ec) // 8 for ec in range(4)]
    elos = [(lax.iota(jnp.int32, 16) + 16 * ec) % 8 for ec in range(4)]

    def fire_gather(s, b):
        pltpu.async_copy(
            tok_hbm.at[idx_v.at[s // 8, s % 8]], gath_v.at[b], semg[b])

    for b in range(_NBUF):
        fire_gather(b, b)
    pos_cp.wait()

    def step_body(it, carry):
        for b in range(_NBUF):
            s = it * _NBUF + b
            pltpu.make_async_copy(
                tok_hbm.at[pl.ds(0, _BTILE)], gath_v.at[b], semg[b]).wait()
            pl.when(it > 0)(
                lambda: pltpu.make_async_copy(
                    tok_hbm.at[pl.ds(0, _BTILE)], gath_v.at[b],
                    semo[b]).wait())

            g = gath_v.at[b]
            bufv = jnp.full((16,), b, jnp.int32)
            pcs = [pos_v[s, pl.ds(ec * _LANES, _LANES)] for ec in range(4)]

            @plsc.parallel_loop(0, _BTILE, 1, unroll=16)
            def add_t(bb):
                bv = jnp.full((16,), bb, jnp.int32)
                for ec in range(4):
                    vals = g[bb, pl.ds(ec * _LANES, _LANES)] + pcs[ec]
                    plsc.store_scatter(outb_v, [bufv, ehis[ec], elos[ec], bv],
                                       vals)

            pl.when(it < (_SEQ // _NBUF) - 1)(lambda: fire_gather(s + _NBUF, b))
            pltpu.async_copy(
                outb_v.at[b, :, :, pl.ds(0, _BTILE)],
                out_hbm.at[s, pl.ds(0, 8), wid], semo[b])
        return carry

    lax.fori_loop(0, _SEQ // _NBUF, step_body, 0)
    for b in range(_NBUF):
        pltpu.make_async_copy(
            tok_hbm.at[pl.ds(0, _BTILE)], gath_v.at[b], semo[b]).wait()


def kernel(x, token_table, pos_table):
    x32 = x.astype(jnp.int32)
    x4 = x32.T.reshape(_STILE, 8, _NW, _BTILE).transpose(0, 2, 1, 3)
    f = pl.kernel(
        _sc_body,
        mesh=plsc.VectorSubcoreMesh(core_axis_name="c", subcore_axis_name="s"),
        compiler_params=pltpu.CompilerParams(
            use_tc_tiling_on_sc=False, needs_layout_passes=False),
        out_type=jax.ShapeDtypeStruct((_SEQ, 8, _NW, 8, _BTILE), jnp.float32),
        scratch_types=[
            pltpu.VMEM((_STILE, 8, _BTILE), jnp.int32),
            pltpu.VMEM((_NBUF, _BTILE, _EMBED), jnp.float32),
            pltpu.VMEM((_NBUF, 8, 8, _BTILE + 1), jnp.float32),
            pltpu.VMEM((_SEQ, _EMBED), jnp.float32),
        ] + [pltpu.SemaphoreType.DMA] * (2 * _NBUF + 2),
    )
    y5 = f(x4, token_table, pos_table)
    return y5.transpose(2, 4, 0, 1, 3).reshape(_BATCH, _SEQ, _EMBED)

# --- scband reference (transcript-rebuilt; emitter-appended) ---
"""Pipeline reference for scband-positional-embedding-68624987455680 (READ-ONLY COPY).

The authoritative reference and input builder live on the scoring server;
editing this copy changes nothing except your own understanding.
"""

import jax, jax.numpy as jnp
import numpy as np

VOCAB = 100000
EMBED = 64
MAX_LEN = 200
BATCH = 4096
SEQ = 200

def setup_inputs(seed: int = 0) -> dict:
    key = jax.random.key(seed)
    k1, k2, k3 = jax.random.split(key, 3)
    x = jax.random.randint(k1, (BATCH, SEQ), 0, VOCAB, dtype=jnp.int64 if jax.config.jax_enable_x64 else jnp.int32)
    token_table = jax.random.normal(k2, (VOCAB, EMBED), dtype=jnp.float32) * 0.02
    pos_table = jax.random.normal(k3, (MAX_LEN, EMBED), dtype=jnp.float32) * 0.02
    return {"x": x, "token_table": token_table, "pos_table": pos_table}

def reference(x, token_table, pos_table):
    length = x.shape[1]
    positions = jnp.arange(0, length)
    pos = jnp.take(pos_table, positions, axis=0)      # [SEQ, EMBED]
    tok = jnp.take(token_table, x, axis=0)            # [BATCH, SEQ, EMBED]
    return tok + pos[None, :, :]

if __name__ == "__main__":
    import jax
    _d = setup_inputs()
    print(jax.jit(kernel)(*tuple(_d.values())))

</pallas_src>

<mosaic_0001>
#map = affine_map<(d0, d1) -> (0, 0, 0, 0)>
#map1 = affine_map<(d0, d1) -> (0, 0)>
#map2 = affine_map<(d0, d1) -> (0, 0, 0, 0, 0)>
module attributes {stable_mosaic.version = 14 : i64} {
  func.func @_sc_body(%arg0: i32, %arg1: i32, %arg2: memref<25x32x8x128xi32, #tpu.memory_space<hbm>>, %arg3: memref<100000x64xf32, #tpu.memory_space<hbm>>, %arg4: memref<200x64xf32, #tpu.memory_space<hbm>>, %arg5: memref<200x8x32x8x128xf32, #tpu.memory_space<hbm>>, %arg6: memref<25x8x128xi32, #tpu.memory_space<vmem>>, %arg7: memref<4x128x64xf32, #tpu.memory_space<vmem>>, %arg8: memref<4x8x8x129xf32, #tpu.memory_space<vmem>>, %arg9: memref<200x64xf32, #tpu.memory_space<vmem>>, %arg10: memref<!tpu.dma_semaphore, #tpu.memory_space<semaphore_mem>>, %arg11: memref<!tpu.dma_semaphore, #tpu.memory_space<semaphore_mem>>, %arg12: memref<!tpu.dma_semaphore, #tpu.memory_space<semaphore_mem>>, %arg13: memref<!tpu.dma_semaphore, #tpu.memory_space<semaphore_mem>>, %arg14: memref<!tpu.dma_semaphore, #tpu.memory_space<semaphore_mem>>, %arg15: memref<!tpu.dma_semaphore, #tpu.memory_space<semaphore_mem>>, %arg16: memref<!tpu.dma_semaphore, #tpu.memory_space<semaphore_mem>>, %arg17: memref<!tpu.dma_semaphore, #tpu.memory_space<semaphore_mem>>, %arg18: memref<!tpu.dma_semaphore, #tpu.memory_space<semaphore_mem>>, %arg19: memref<!tpu.dma_semaphore, #tpu.memory_space<semaphore_mem>>) attributes {dimension_semantics = [#tpu.dimension_semantics<core_parallel>, #tpu.dimension_semantics<subcore_parallel>], iteration_bounds = array<i64: 2, 16>, scalar_prefetch = 0 : i64, scratch_operands = 14 : i64, tpu.core_type = #tpu.core_type<sc_vector_subcore>, window_params = [{transform_indices = #map}, {transform_indices = #map1}, {transform_indices = #map1}, {transform_indices = #map2}]} {
    %mul3A = arith.constant 2 : i32
    %mul3A_0 = arith.muli %arg1, %mul3A : i32
    %add3A = arith.addi %mul3A_0, %arg0 : i32
    %dma_start3A = arith.constant 0 : i32
    %dma_start3A_1 = arith.constant 0 : i32
    %dma_start3A_2 = arith.constant 0 : i32
    %dma_start3A_3 = tpu.memref_slice %arg2[%dma_start3A, %add3A, %dma_start3A_1, %dma_start3A_2] : memref<25x32x8x128xi32, #tpu.memory_space<hbm>> -> memref<25x1x8x128xi32, #tpu.memory_space<hbm>>
    %dma_start3A_4 = tpu.memref_squeeze %dma_start3A_3 : memref<25x1x8x128xi32, #tpu.memory_space<hbm>> -> memref<25x8x128xi32, #tpu.memory_space<hbm>>
    %dma_start3A_5 = arith.constant 0 : i32
    %dma_start3A_6 = arith.constant 0 : i32
    %dma_start3A_7 = arith.constant 0 : i32
    %dma_start3A_8 = tpu.memref_slice %arg2[%dma_start3A_5, %add3A, %dma_start3A_6, %dma_start3A_7] : memref<25x32x8x128xi32, #tpu.memory_space<hbm>> -> memref<25x1x8x128xi32, #tpu.memory_space<hbm>>
    %dma_start3A_9 = tpu.memref_squeeze %dma_start3A_8 : memref<25x1x8x128xi32, #tpu.memory_space<hbm>> -> memref<25x8x128xi32, #tpu.memory_space<hbm>>
    tpu.enqueue_dma source(%dma_start3A_9 : memref<25x8x128xi32, #tpu.memory_space<hbm>>) target(%arg6 : memref<25x8x128xi32, #tpu.memory_space<vmem>>) target_semaphore(%arg18 : memref<!tpu.dma_semaphore, #tpu.memory_space<semaphore_mem>>)
    tpu.enqueue_dma source(%arg4 : memref<200x64xf32, #tpu.memory_space<hbm>>) target(%arg9 : memref<200x64xf32, #tpu.memory_space<vmem>>) target_semaphore(%arg19 : memref<!tpu.dma_semaphore, #tpu.memory_space<semaphore_mem>>)
    %dma_wait3A = arith.constant 0 : i32
    %dma_wait3A_10 = arith.constant 0 : i32
    %dma_wait3A_11 = arith.constant 0 : i32
    %dma_wait3A_12 = tpu.memref_slice %arg2[%dma_wait3A, %add3A, %dma_wait3A_10, %dma_wait3A_11] : memref<25x32x8x128xi32, #tpu.memory_space<hbm>> -> memref<25x1x8x128xi32, #tpu.memory_space<hbm>>
    %dma_wait3A_13 = tpu.memref_squeeze %dma_wait3A_12 : memref<25x1x8x128xi32, #tpu.memory_space<hbm>> -> memref<25x8x128xi32, #tpu.memory_space<hbm>>
    %dma_wait3A_14 = arith.constant 0 : i32
    %dma_wait3A_15 = arith.constant 0 : i32
    %dma_wait3A_16 = arith.constant 0 : i32
    %dma_wait3A_17 = tpu.memref_slice %arg2[%dma_wait3A_14, %add3A, %dma_wait3A_15, %dma_wait3A_16] : memref<25x32x8x128xi32, #tpu.memory_space<hbm>> -> memref<25x1x8x128xi32, #tpu.memory_space<hbm>>
    %dma_wait3A_18 = tpu.memref_squeeze %dma_wait3A_17 : memref<25x1x8x128xi32, #tpu.memory_space<hbm>> -> memref<25x8x128xi32, #tpu.memory_space<hbm>>
    tpu.wait_dma2 semaphore(%arg18 : memref<!tpu.dma_semaphore, #tpu.memory_space<semaphore_mem>>) src(%dma_wait3A_18 : memref<25x8x128xi32, #tpu.memory_space<hbm>>) dst(%arg6 : memref<25x8x128xi32, #tpu.memory_space<vmem>>)
    %iota3A = tpu.iota {dimensions = array<i32: 0>} : vector<16xi32>
    %add3A_19 = arith.constant 0 : i32
    %add3A_20 = vector.broadcast %add3A_19 : i32 to vector<16xi32>
    %add3A_21 = arith.addi %iota3A, %add3A_20 : vector<16xi32>
    %iota3A_22 = tpu.iota {dimensions = array<i32: 0>} : vector<16xi32>
    %add3A_23 = arith.constant 16 : i32
    %add3A_24 = vector.broadcast %add3A_23 : i32 to vector<16xi32>
    %add3A_25 = arith.addi %iota3A_22, %add3A_24 : vector<16xi32>
    %iota3A_26 = tpu.iota {dimensions = array<i32: 0>} : vector<16xi32>
    %add3A_27 = arith.constant 32 : i32
    %add3A_28 = vector.broadcast %add3A_27 : i32 to vector<16xi32>
    %add3A_29 = arith.addi %iota3A_26, %add3A_28 : vector<16xi32>
    %iota3A_30 = tpu.iota {dimensions = array<i32: 0>} : vector<16xi32>
    %add3A_31 = arith.constant 48 : i32
    %add3A_32 = vector.broadcast %add3A_31 : i32 to vector<16xi32>
    %add3A_33 = arith.addi %iota3A_30, %add3A_32 : vector<16xi32>
    %iota3A_34 = tpu.iota {dimensions = array<i32: 0>} : vector<16xi32>
    %add3A_35 = arith.constant 0 : i32
    %add3A_36 = vector.broadcast %add3A_35 : i32 to vector<16xi32>
    %add3A_37 = arith.addi %iota3A_34, %add3A_36 : vector<16xi32>
    %jit3A = arith.constant 8 : i32
    %div3A = vector.broadcast %jit3A : i32 to vector<16xi32>
    %div3A_38 = arith.divsi %add3A_37, %div3A : vector<16xi32>
    %sign3A = arith.constant 0 : i32
    %sign3A_39 = vector.broadcast %sign3A : i32 to vector<16xi32>
    %sign3A_40 = arith.cmpi sgt, %add3A_37, %sign3A_39 : vector<16xi32>
    %sign3A_41 = arith.extui %sign3A_40 : vector<16xi1> to vector<16xi32>
    %sign3A_42 = arith.constant 0 : i32
    %sign3A_43 = vector.broadcast %sign3A_42 : i32 to vector<16xi32>
    %sign3A_44 = arith.cmpi slt, %add3A_37, %sign3A_43 : vector<16xi32>
    %sign3A_45 = arith.extui %sign3A_44 : vector<16xi1> to vector<16xi32>
    %sign3A_46 = arith.subi %sign3A_41, %sign3A_45 : vector<16xi32>
    %sign3A_47 = arith.constant 0 : i32
    %sign3A_48 = arith.cmpi sgt, %jit3A, %sign3A_47 : i32
    %sign3A_49 = arith.extui %sign3A_48 : i1 to i32
    %sign3A_50 = arith.constant 0 : i32
    %sign3A_51 = arith.cmpi slt, %jit3A, %sign3A_50 : i32
    %sign3A_52 = arith.extui %sign3A_51 : i1 to i32
    %sign3A_53 = arith.subi %sign3A_49, %sign3A_52 : i32
    %ne3A = vector.broadcast %sign3A_53 : i32 to vector<16xi32>
    %ne3A_54 = arith.cmpi ne, %sign3A_46, %ne3A : vector<16xi32>
    %rem3A = vector.broadcast %jit3A : i32 to vector<16xi32>
    %rem3A_55 = arith.remsi %add3A_37, %rem3A : vector<16xi32>
    %ne3A_56 = arith.constant 0 : i32
    %ne3A_57 = vector.broadcast %ne3A_56 : i32 to vector<16xi32>
    %ne3A_58 = arith.cmpi ne, %rem3A_55, %ne3A_57 : vector<16xi32>
    %and3A = arith.andi %ne3A_54, %ne3A_58 : vector<16xi1>
    %sub3A = arith.constant 1 : i32
    %sub3A_59 = vector.broadcast %sub3A : i32 to vector<16xi32>
    %sub3A_60 = arith.subi %div3A_38, %sub3A_59 : vector<16xi32>
    %select_n3A = arith.select %and3A, %sub3A_60, %div3A_38 : vector<16xi1>, vector<16xi32>
    %iota3A_61 = tpu.iota {dimensions = array<i32: 0>} : vector<16xi32>
    %add3A_62 = arith.constant 16 : i32
    %add3A_63 = vector.broadcast %add3A_62 : i32 to vector<16xi32>
    %add3A_64 = arith.addi %iota3A_61, %add3A_63 : vector<16xi32>
    %jit3A_65 = arith.constant 8 : i32
    %div3A_66 = vector.broadcast %jit3A_65 : i32 to vector<16xi32>
    %div3A_67 = arith.divsi %add3A_64, %div3A_66 : vector<16xi32>
    %sign3A_68 = arith.constant 0 : i32
    %sign3A_69 = vector.broadcast %sign3A_68 : i32 to vector<16xi32>
    %sign3A_70 = arith.cmpi sgt, %add3A_64, %sign3A_69 : vector<16xi32>
    %sign3A_71 = arith.extui %sign3A_70 : vector<16xi1> to vector<16xi32>
    %sign3A_72 = arith.constant 0 : i32
    %sign3A_73 = vector.broadcast %sign3A_72 : i32 to vector<16xi32>
    %sign3A_74 = arith.cmpi slt, %add3A_64, %sign3A_73 : vector<16xi32>
    %sign3A_75 = arith.extui %sign3A_74 : vector<16xi1> to vector<16xi32>
    %sign3A_76 = arith.subi %sign3A_71, %sign3A_75 : vector<16xi32>
    %sign3A_77 = arith.constant 0 : i32
    %sign3A_78 = arith.cmpi sgt, %jit3A_65, %sign3A_77 : i32
    %sign3A_79 = arith.extui %sign3A_78 : i1 to i32
    %sign3A_80 = arith.constant 0 : i32
    %sign3A_81 = arith.cmpi slt, %jit3A_65, %sign3A_80 : i32
    %sign3A_82 = arith.extui %sign3A_81 : i1 to i32
    %sign3A_83 = arith.subi %sign3A_79, %sign3A_82 : i32
    %ne3A_84 = vector.broadcast %sign3A_83 : i32 to vector<16xi32>
    %ne3A_85 = arith.cmpi ne, %sign3A_76, %ne3A_84 : vector<16xi32>
    %rem3A_86 = vector.broadcast %jit3A_65 : i32 to vector<16xi32>
    %rem3A_87 = arith.remsi %add3A_64, %rem3A_86 : vector<16xi32>
    %ne3A_88 = arith.constant 0 : i32
    %ne3A_89 = vector.broadcast %ne3A_88 : i32 to vector<16xi32>
    %ne3A_90 = arith.cmpi ne, %rem3A_87, %ne3A_89 : vector<16xi32>
    %and3A_91 = arith.andi %ne3A_85, %ne3A_90 : vector<16xi1>
    %sub3A_92 = arith.constant 1 : i32
    %sub3A_93 = vector.broadcast %sub3A_92 : i32 to vector<16xi32>
    %sub3A_94 = arith.subi %div3A_67, %sub3A_93 : vector<16xi32>
    %select_n3A_95 = arith.select %and3A_91, %sub3A_94, %div3A_67 : vector<16xi1>, vector<16xi32>
    %iota3A_96 = tpu.iota {dimensions = array<i32: 0>} : vector<16xi32>
    %add3A_97 = arith.constant 32 : i32
    %add3A_98 = vector.broadcast %add3A_97 : i32 to vector<16xi32>
    %add3A_99 = arith.addi %iota3A_96, %add3A_98 : vector<16xi32>
    %jit3A_100 = arith.constant 8 : i32
    %div3A_101 = vector.broadcast %jit3A_100 : i32 to vector<16xi32>
    %div3A_102 = arith.divsi %add3A_99, %div3A_101 : vector<16xi32>
    %sign3A_103 = arith.constant 0 : i32
    %sign3A_104 = vector.broadcast %sign3A_103 : i32 to vector<16xi32>
    %sign3A_105 = arith.cmpi sgt, %add3A_99, %sign3A_104 : vector<16xi32>
    %sign3A_106 = arith.extui %sign3A_105 : vector<16xi1> to vector<16xi32>
    %sign3A_107 = arith.constant 0 : i32
    %sign3A_108 = vector.broadcast %sign3A_107 : i32 to vector<16xi32>
    %sign3A_109 = arith.cmpi slt, %add3A_99, %sign3A_108 : vector<16xi32>
    %sign3A_110 = arith.extui %sign3A_109 : vector<16xi1> to vector<16xi32>
    %sign3A_111 = arith.subi %sign3A_106, %sign3A_110 : vector<16xi32>
    %sign3A_112 = arith.constant 0 : i32
    %sign3A_113 = arith.cmpi sgt, %jit3A_100, %sign3A_112 : i32
    %sign3A_114 = arith.extui %sign3A_113 : i1 to i32
    %sign3A_115 = arith.constant 0 : i32
    %sign3A_116 = arith.cmpi slt, %jit3A_100, %sign3A_115 : i32
    %sign3A_117 = arith.extui %sign3A_116 : i1 to i32
    %sign3A_118 = arith.subi %sign3A_114, %sign3A_117 : i32
    %ne3A_119 = vector.broadcast %sign3A_118 : i32 to vector<16xi32>
    %ne3A_120 = arith.cmpi ne, %sign3A_111, %ne3A_119 : vector<16xi32>
    %rem3A_121 = vector.broadcast %jit3A_100 : i32 to vector<16xi32>
    %rem3A_122 = arith.remsi %add3A_99, %rem3A_121 : vector<16xi32>
    %ne3A_123 = arith.constant 0 : i32
    %ne3A_124 = vector.broadcast %ne3A_123 : i32 to vector<16xi32>
    %ne3A_125 = arith.cmpi ne, %rem3A_122, %ne3A_124 : vector<16xi32>
    %and3A_126 = arith.andi %ne3A_120, %ne3A_125 : vector<16xi1>
    %sub3A_127 = arith.constant 1 : i32
    %sub3A_128 = vector.broadcast %sub3A_127 : i32 to vector<16xi32>
    %sub3A_129 = arith.subi %div3A_102, %sub3A_128 : vector<16xi32>
    %select_n3A_130 = arith.select %and3A_126, %sub3A_129, %div3A_102 : vector<16xi1>, vector<16xi32>
    %iota3A_131 = tpu.iota {dimensions = array<i32: 0>} : vector<16xi32>
    %add3A_132 = arith.constant 48 : i32
    %add3A_133 = vector.broadcast %add3A_132 : i32 to vector<16xi32>
    %add3A_134 = arith.addi %iota3A_131, %add3A_133 : vector<16xi32>
    %jit3A_135 = arith.constant 8 : i32
    %div3A_136 = vector.broadcast %jit3A_135 : i32 to vector<16xi32>
    %div3A_137 = arith.divsi %add3A_134, %div3A_136 : vector<16xi32>
    %sign3A_138 = arith.constant 0 : i32
    %sign3A_139 = vector.broadcast %sign3A_138 : i32 to vector<16xi32>
    %sign3A_140 = arith.cmpi sgt, %add3A_134, %sign3A_139 : vector<16xi32>
    %sign3A_141 = arith.extui %sign3A_140 : vector<16xi1> to vector<16xi32>
    %sign3A_142 = arith.constant 0 : i32
    %sign3A_143 = vector.broadcast %sign3A_142 : i32 to vector<16xi32>
    %sign3A_144 = arith.cmpi slt, %add3A_134, %sign3A_143 : vector<16xi32>
    %sign3A_145 = arith.extui %sign3A_144 : vector<16xi1> to vector<16xi32>
    %sign3A_146 = arith.subi %sign3A_141, %sign3A_145 : vector<16xi32>
    %sign3A_147 = arith.constant 0 : i32
    %sign3A_148 = arith.cmpi sgt, %jit3A_135, %sign3A_147 : i32
    %sign3A_149 = arith.extui %sign3A_148 : i1 to i32
    %sign3A_150 = arith.constant 0 : i32
    %sign3A_151 = arith.cmpi slt, %jit3A_135, %sign3A_150 : i32
    %sign3A_152 = arith.extui %sign3A_151 : i1 to i32
    %sign3A_153 = arith.subi %sign3A_149, %sign3A_152 : i32
    %ne3A_154 = vector.broadcast %sign3A_153 : i32 to vector<16xi32>
    %ne3A_155 = arith.cmpi ne, %sign3A_146, %ne3A_154 : vector<16xi32>
    %rem3A_156 = vector.broadcast %jit3A_135 : i32 to vector<16xi32>
    %rem3A_157 = arith.remsi %add3A_134, %rem3A_156 : vector<16xi32>
    %ne3A_158 = arith.constant 0 : i32
    %ne3A_159 = vector.broadcast %ne3A_158 : i32 to vector<16xi32>
    %ne3A_160 = arith.cmpi ne, %rem3A_157, %ne3A_159 : vector<16xi32>
    %and3A_161 = arith.andi %ne3A_155, %ne3A_160 : vector<16xi1>
    %sub3A_162 = arith.constant 1 : i32
    %sub3A_163 = vector.broadcast %sub3A_162 : i32 to vector<16xi32>
    %sub3A_164 = arith.subi %div3A_137, %sub3A_163 : vector<16xi32>
    %select_n3A_165 = arith.select %and3A_161, %sub3A_164, %div3A_137 : vector<16xi1>, vector<16xi32>
    %iota3A_166 = tpu.iota {dimensions = array<i32: 0>} : vector<16xi32>
    %add3A_167 = arith.constant 0 : i32
    %add3A_168 = vector.broadcast %add3A_167 : i32 to vector<16xi32>
    %add3A_169 = arith.addi %iota3A_166, %add3A_168 : vector<16xi32>
    %jit3A_170 = arith.constant 8 : i32
    %eq3A = arith.constant 0 : i32
    %eq3A_171 = arith.cmpi eq, %jit3A_170, %eq3A : i32
    %jit3A_172 = arith.constant 1 : i32
    %select_n3A_173 = arith.select %eq3A_171, %jit3A_172, %jit3A_170 : i32
    %rem3A_174 = vector.broadcast %select_n3A_173 : i32 to vector<16xi32>
    %rem3A_175 = arith.remsi %add3A_169, %rem3A_174 : vector<16xi32>
    %ne3A_176 = arith.constant 0 : i32
    %ne3A_177 = vector.broadcast %ne3A_176 : i32 to vector<16xi32>
    %ne3A_178 = arith.cmpi ne, %rem3A_175, %ne3A_177 : vector<16xi32>
    %lt3A = arith.constant 0 : i32
    %lt3A_179 = vector.broadcast %lt3A : i32 to vector<16xi32>
    %lt3A_180 = arith.cmpi slt, %rem3A_175, %lt3A_179 : vector<16xi32>
    %lt3A_181 = arith.constant 0 : i32
    %lt3A_182 = arith.cmpi slt, %select_n3A_173, %lt3A_181 : i32
    %ne3A_183 = vector.broadcast %lt3A_182 : i1 to vector<16xi1>
    %ne3A_184 = vector.broadcast %ne3A_183 : vector<16xi1> to vector<16xi1>
    %ne3A_185 = arith.xori %lt3A_180, %ne3A_184 : vector<16xi1>
    %and3A_186 = arith.andi %ne3A_185, %ne3A_178 : vector<16xi1>
    %add3A_187 = vector.broadcast %select_n3A_173 : i32 to vector<16xi32>
    %add3A_188 = arith.addi %rem3A_175, %add3A_187 : vector<16xi32>
    %select_n3A_189 = arith.select %and3A_186, %add3A_188, %rem3A_175 : vector<16xi1>, vector<16xi32>
    %iota3A_190 = tpu.iota {dimensions = array<i32: 0>} : vector<16xi32>
    %add3A_191 = arith.constant 16 : i32
    %add3A_192 = vector.broadcast %add3A_191 : i32 to vector<16xi32>
    %add3A_193 = arith.addi %iota3A_190, %add3A_192 : vector<16xi32>
    %jit3A_194 = arith.constant 8 : i32
    %eq3A_195 = arith.constant 0 : i32
    %eq3A_196 = arith.cmpi eq, %jit3A_194, %eq3A_195 : i32
    %jit3A_197 = arith.constant 1 : i32
    %select_n3A_198 = arith.select %eq3A_196, %jit3A_197, %jit3A_194 : i32
    %rem3A_199 = vector.broadcast %select_n3A_198 : i32 to vector<16xi32>
    %rem3A_200 = arith.remsi %add3A_193, %rem3A_199 : vector<16xi32>
    %ne3A_201 = arith.constant 0 : i32
    %ne3A_202 = vector.broadcast %ne3A_201 : i32 to vector<16xi32>
    %ne3A_203 = arith.cmpi ne, %rem3A_200, %ne3A_202 : vector<16xi32>
    %lt3A_204 = arith.constant 0 : i32
    %lt3A_205 = vector.broadcast %lt3A_204 : i32 to vector<16xi32>
    %lt3A_206 = arith.cmpi slt, %rem3A_200, %lt3A_205 : vector<16xi32>
    %lt3A_207 = arith.constant 0 : i32
    %lt3A_208 = arith.cmpi slt, %select_n3A_198, %lt3A_207 : i32
    %ne3A_209 = vector.broadcast %lt3A_208 : i1 to vector<16xi1>
    %ne3A_210 = vector.broadcast %ne3A_209 : vector<16xi1> to vector<16xi1>
    %ne3A_211 = arith.xori %lt3A_206, %ne3A_210 : vector<16xi1>
    %and3A_212 = arith.andi %ne3A_211, %ne3A_203 : vector<16xi1>
    %add3A_213 = vector.broadcast %select_n3A_198 : i32 to vector<16xi32>
    %add3A_214 = arith.addi %rem3A_200, %add3A_213 : vector<16xi32>
    %select_n3A_215 = arith.select %and3A_212, %add3A_214, %rem3A_200 : vector<16xi1>, vector<16xi32>
    %iota3A_216 = tpu.iota {dimensions = array<i32: 0>} : vector<16xi32>
    %add3A_217 = arith.constant 32 : i32
    %add3A_218 = vector.broadcast %add3A_217 : i32 to vector<16xi32>
    %add3A_219 = arith.addi %iota3A_216, %add3A_218 : vector<16xi32>
    %jit3A_220 = arith.constant 8 : i32
    %eq3A_221 = arith.constant 0 : i32
    %eq3A_222 = arith.cmpi eq, %jit3A_220, %eq3A_221 : i32
    %jit3A_223 = arith.constant 1 : i32
    %select_n3A_224 = arith.select %eq3A_222, %jit3A_223, %jit3A_220 : i32
    %rem3A_225 = vector.broadcast %select_n3A_224 : i32 to vector<16xi32>
    %rem3A_226 = arith.remsi %add3A_219, %rem3A_225 : vector<16xi32>
    %ne3A_227 = arith.constant 0 : i32
    %ne3A_228 = vector.broadcast %ne3A_227 : i32 to vector<16xi32>
    %ne3A_229 = arith.cmpi ne, %rem3A_226, %ne3A_228 : vector<16xi32>
    %lt3A_230 = arith.constant 0 : i32
    %lt3A_231 = vector.broadcast %lt3A_230 : i32 to vector<16xi32>
    %lt3A_232 = arith.cmpi slt, %rem3A_226, %lt3A_231 : vector<16xi32>
    %lt3A_233 = arith.constant 0 : i32
    %lt3A_234 = arith.cmpi slt, %select_n3A_224, %lt3A_233 : i32
    %ne3A_235 = vector.broadcast %lt3A_234 : i1 to vector<16xi1>
    %ne3A_236 = vector.broadcast %ne3A_235 : vector<16xi1> to vector<16xi1>
    %ne3A_237 = arith.xori %lt3A_232, %ne3A_236 : vector<16xi1>
    %and3A_238 = arith.andi %ne3A_237, %ne3A_229 : vector<16xi1>
    %add3A_239 = vector.broadcast %select_n3A_224 : i32 to vector<16xi32>
    %add3A_240 = arith.addi %rem3A_226, %add3A_239 : vector<16xi32>
    %select_n3A_241 = arith.select %and3A_238, %add3A_240, %rem3A_226 : vector<16xi1>, vector<16xi32>
    %iota3A_242 = tpu.iota {dimensions = array<i32: 0>} : vector<16xi32>
    %add3A_243 = arith.constant 48 : i32
    %add3A_244 = vector.broadcast %add3A_243 : i32 to vector<16xi32>
    %add3A_245 = arith.addi %iota3A_242, %add3A_244 : vector<16xi32>
    %jit3A_246 = arith.constant 8 : i32
    %eq3A_247 = arith.constant 0 : i32
    %eq3A_248 = arith.cmpi eq, %jit3A_246, %eq3A_247 : i32
    %jit3A_249 = arith.constant 1 : i32
    %select_n3A_250 = arith.select %eq3A_248, %jit3A_249, %jit3A_246 : i32
    %rem3A_251 = vector.broadcast %select_n3A_250 : i32 to vector<16xi32>
    %rem3A_252 = arith.remsi %add3A_245, %rem3A_251 : vector<16xi32>
    %ne3A_253 = arith.constant 0 : i32
    %ne3A_254 = vector.broadcast %ne3A_253 : i32 to vector<16xi32>
    %ne3A_255 = arith.cmpi ne, %rem3A_252, %ne3A_254 : vector<16xi32>
    %lt3A_256 = arith.constant 0 : i32
    %lt3A_257 = vector.broadcast %lt3A_256 : i32 to vector<16xi32>
    %lt3A_258 = arith.cmpi slt, %rem3A_252, %lt3A_257 : vector<16xi32>
    %lt3A_259 = arith.constant 0 : i32
    %lt3A_260 = arith.cmpi slt, %select_n3A_250, %lt3A_259 : i32
    %ne3A_261 = vector.broadcast %lt3A_260 : i1 to vector<16xi1>
    %ne3A_262 = vector.broadcast %ne3A_261 : vector<16xi1> to vector<16xi1>
    %ne3A_263 = arith.xori %lt3A_258, %ne3A_262 : vector<16xi1>
    %and3A_264 = arith.andi %ne3A_263, %ne3A_255 : vector<16xi1>
    %add3A_265 = vector.broadcast %select_n3A_250 : i32 to vector<16xi32>
    %add3A_266 = arith.addi %rem3A_252, %add3A_265 : vector<16xi32>
    %select_n3A_267 = arith.select %and3A_264, %add3A_266, %rem3A_252 : vector<16xi1>, vector<16xi32>
    %dma_start3A_268 = arith.constant 0 : i32
    %dma_start3A_269 = arith.constant 0 : i32
    %dma_start3A_270 = arith.constant 0 : i32
    %dma_start3A_271 = arith.constant 0 : i32
    %dma_start3A_272 = arith.constant 0 : i32
    %dma_start3A_273 = tpu.memref_slice %arg7[%dma_start3A_270, %dma_start3A_271, %dma_start3A_272] : memref<4x128x64xf32, #tpu.memory_space<vmem>> -> memref<1x128x64xf32, #tpu.memory_space<vmem>>
    %dma_start3A_274 = tpu.memref_squeeze %dma_start3A_273 : memref<1x128x64xf32, #tpu.memory_space<vmem>> -> memref<128x64xf32, #tpu.memory_space<vmem>>
    %dma_start3A_275 = arith.constant 0 : i32
    %dma_start3A_276 = tpu.memref_slice %arg6[%dma_start3A_268, %dma_start3A_269, %dma_start3A_275] : memref<25x8x128xi32, #tpu.memory_space<vmem>> -> memref<1x1x128xi32, #tpu.memory_space<vmem>>
    %dma_start3A_277 = tpu.memref_squeeze %dma_start3A_276 : memref<1x1x128xi32, #tpu.memory_space<vmem>> -> memref<128xi32, #tpu.memory_space<vmem>>
    %dma_start3A_278 = arith.constant 0 : i32
    %dma_start3A_279 = arith.constant 0 : i32
    %dma_start3A_280 = tpu.memref_slice %arg3[%dma_start3A_278, %dma_start3A_279] : memref<100000x64xf32, #tpu.memory_space<hbm>> -> memref<100000x64xf32, #tpu.memory_space<hbm>>
    tpu.enqueue_indirect_dma source(%dma_start3A_280 : memref<100000x64xf32, #tpu.memory_space<hbm>>) target(%dma_start3A_274 : memref<128x64xf32, #tpu.memory_space<vmem>>) offsets(%dma_start3A_277 : memref<128xi32, #tpu.memory_space<vmem>>) semaphore(%arg10 : memref<!tpu.dma_semaphore, #tpu.memory_space<semaphore_mem>>)
    %dma_start3A_281 = arith.constant 0 : i32
    %dma_start3A_282 = arith.constant 1 : i32
    %dma_start3A_283 = arith.constant 1 : i32
    %dma_start3A_284 = arith.constant 0 : i32
    %dma_start3A_285 = arith.constant 0 : i32
    %dma_start3A_286 = tpu.memref_slice %arg7[%dma_start3A_283, %dma_start3A_284, %dma_start3A_285] : memref<4x128x64xf32, #tpu.memory_space<vmem>> -> memref<1x128x64xf32, #tpu.memory_space<vmem>>
    %dma_start3A_287 = tpu.memref_squeeze %dma_start3A_286 : memref<1x128x64xf32, #tpu.memory_space<vmem>> -> memref<128x64xf32, #tpu.memory_space<vmem>>
    %dma_start3A_288 = arith.constant 0 : i32
    %dma_start3A_289 = tpu.memref_slice %arg6[%dma_start3A_281, %dma_start3A_282, %dma_start3A_288] : memref<25x8x128xi32, #tpu.memory_space<vmem>> -> memref<1x1x128xi32, #tpu.memory_space<vmem>>
    %dma_start3A_290 = tpu.memref_squeeze %dma_start3A_289 : memref<1x1x128xi32, #tpu.memory_space<vmem>> -> memref<128xi32, #tpu.memory_space<vmem>>
    %dma_start3A_291 = arith.constant 0 : i32
    %dma_start3A_292 = arith.constant 0 : i32
    %dma_start3A_293 = tpu.memref_slice %arg3[%dma_start3A_291, %dma_start3A_292] : memref<100000x64xf32, #tpu.memory_space<hbm>> -> memref<100000x64xf32, #tpu.memory_space<hbm>>
    tpu.enqueue_indirect_dma source(%dma_start3A_293 : memref<100000x64xf32, #tpu.memory_space<hbm>>) target(%dma_start3A_287 : memref<128x64xf32, #tpu.memory_space<vmem>>) offsets(%dma_start3A_290 : memref<128xi32, #tpu.memory_space<vmem>>) semaphore(%arg11 : memref<!tpu.dma_semaphore, #tpu.memory_space<semaphore_mem>>)
    %dma_start3A_294 = arith.constant 0 : i32
    %dma_start3A_295 = arith.constant 2 : i32
    %dma_start3A_296 = arith.constant 2 : i32
    %dma_start3A_297 = arith.constant 0 : i32
    %dma_start3A_298 = arith.constant 0 : i32
    %dma_start3A_299 = tpu.memref_slice %arg7[%dma_start3A_296, %dma_start3A_297, %dma_start3A_298] : memref<4x128x64xf32, #tpu.memory_space<vmem>> -> memref<1x128x64xf32, #tpu.memory_space<vmem>>
    %dma_start3A_300 = tpu.memref_squeeze %dma_start3A_299 : memref<1x128x64xf32, #tpu.memory_space<vmem>> -> memref<128x64xf32, #tpu.memory_space<vmem>>
    %dma_start3A_301 = arith.constant 0 : i32
    %dma_start3A_302 = tpu.memref_slice %arg6[%dma_start3A_294, %dma_start3A_295, %dma_start3A_301] : memref<25x8x128xi32, #tpu.memory_space<vmem>> -> memref<1x1x128xi32, #tpu.memory_space<vmem>>
    %dma_start3A_303 = tpu.memref_squeeze %dma_start3A_302 : memref<1x1x128xi32, #tpu.memory_space<vmem>> -> memref<128xi32, #tpu.memory_space<vmem>>
    %dma_start3A_304 = arith.constant 0 : i32
    %dma_start3A_305 = arith.constant 0 : i32
    %dma_start3A_306 = tpu.memref_slice %arg3[%dma_start3A_304, %dma_start3A_305] : memref<100000x64xf32, #tpu.memory_space<hbm>> -> memref<100000x64xf32, #tpu.memory_space<hbm>>
    tpu.enqueue_indirect_dma source(%dma_start3A_306 : memref<100000x64xf32, #tpu.memory_space<hbm>>) target(%dma_start3A_300 : memref<128x64xf32, #tpu.memory_space<vmem>>) offsets(%dma_start3A_303 : memref<128xi32, #tpu.memory_space<vmem>>) semaphore(%arg12 : memref<!tpu.dma_semaphore, #tpu.memory_space<semaphore_mem>>)
    %dma_start3A_307 = arith.constant 0 : i32
    %dma_start3A_308 = arith.constant 3 : i32
    %dma_start3A_309 = arith.constant 3 : i32
    %dma_start3A_310 = arith.constant 0 : i32
    %dma_start3A_311 = arith.constant 0 : i32
    %dma_start3A_312 = tpu.memref_slice %arg7[%dma_start3A_309, %dma_start3A_310, %dma_start3A_311] : memref<4x128x64xf32, #tpu.memory_space<vmem>> -> memref<1x128x64xf32, #tpu.memory_space<vmem>>
    %dma_start3A_313 = tpu.memref_squeeze %dma_start3A_312 : memref<1x128x64xf32, #tpu.memory_space<vmem>> -> memref<128x64xf32, #tpu.memory_space<vmem>>
    %dma_start3A_314 = arith.constant 0 : i32
    %dma_start3A_315 = tpu.memref_slice %arg6[%dma_start3A_307, %dma_start3A_308, %dma_start3A_314] : memref<25x8x128xi32, #tpu.memory_space<vmem>> -> memref<1x1x128xi32, #tpu.memory_space<vmem>>
    %dma_start3A_316 = tpu.memref_squeeze %dma_start3A_315 : memref<1x1x128xi32, #tpu.memory_space<vmem>> -> memref<128xi32, #tpu.memory_space<vmem>>
    %dma_start3A_317 = arith.constant 0 : i32
    %dma_start3A_318 = arith.constant 0 : i32
    %dma_start3A_319 = tpu.memref_slice %arg3[%dma_start3A_317, %dma_start3A_318] : memref<100000x64xf32, #tpu.memory_space<hbm>> -> memref<100000x64xf32, #tpu.memory_space<hbm>>
    tpu.enqueue_indirect_dma source(%dma_start3A_319 : memref<100000x64xf32, #tpu.memory_space<hbm>>) target(%dma_start3A_313 : memref<128x64xf32, #tpu.memory_space<vmem>>) offsets(%dma_start3A_316 : memref<128xi32, #tpu.memory_space<vmem>>) semaphore(%arg13 : memref<!tpu.dma_semaphore, #tpu.memory_space<semaphore_mem>>)
    tpu.wait_dma2 semaphore(%arg19 : memref<!tpu.dma_semaphore, #tpu.memory_space<semaphore_mem>>) src(%arg4 : memref<200x64xf32, #tpu.memory_space<hbm>>) dst(%arg9 : memref<200x64xf32, #tpu.memory_space<vmem>>)
    %scan3A = arith.constant 0 : i32
    %scan3A_320 = arith.constant 0 : i32
    %scan3A_321 = arith.constant 50 : i32
    %scan3A_322 = arith.addi %scan3A_320, %scan3A_321 : i32
    %scan3A_323 = arith.constant 1 : i32
    scf.for %scan3A_385 = %scan3A_320 to %scan3A_322 step %scan3A_323  : i32 {
      %mul3A_386 = arith.constant 4 : i32
      %mul3A_387 = arith.muli %scan3A_385, %mul3A_386 : i32
      %add3A_388 = arith.constant 0 : i32
      %add3A_389 = arith.addi %mul3A_387, %add3A_388 : i32
      %dma_wait3A_390 = arith.constant 0 : i32
      %dma_wait3A_391 = arith.constant 0 : i32
      %dma_wait3A_392 = arith.constant 0 : i32
      %dma_wait3A_393 = tpu.memref_slice %arg7[%dma_wait3A_390, %dma_wait3A_391, %dma_wait3A_392] : memref<4x128x64xf32, #tpu.memory_space<vmem>> -> memref<1x128x64xf32, #tpu.memory_space<vmem>>
      %dma_wait3A_394 = tpu.memref_squeeze %dma_wait3A_393 : memref<1x128x64xf32, #tpu.memory_space<vmem>> -> memref<128x64xf32, #tpu.memory_space<vmem>>
      %dma_wait3A_395 = arith.constant 0 : i32
      %dma_wait3A_396 = arith.constant 0 : i32
      %dma_wait3A_397 = tpu.memref_slice %arg3[%dma_wait3A_395, %dma_wait3A_396] : memref<100000x64xf32, #tpu.memory_space<hbm>> -> memref<128x64xf32, #tpu.memory_space<hbm>>
      %dma_wait3A_398 = arith.constant 0 : i32
      %dma_wait3A_399 = arith.constant 0 : i32
      %dma_wait3A_400 = tpu.memref_slice %arg7[%dma_wait3A_390, %dma_wait3A_398, %dma_wait3A_399] : memref<4x128x64xf32, #tpu.memory_space<vmem>> -> memref<1x128x64xf32, #tpu.memory_space<vmem>>
      %dma_wait3A_401 = tpu.memref_squeeze %dma_wait3A_400 : memref<1x128x64xf32, #tpu.memory_space<vmem>> -> memref<128x64xf32, #tpu.memory_space<vmem>>
      %dma_wait3A_402 = arith.constant 0 : i32
      %dma_wait3A_403 = arith.constant 0 : i32
      %dma_wait3A_404 = tpu.memref_slice %arg3[%dma_wait3A_402, %dma_wait3A_403] : memref<100000x64xf32, #tpu.memory_space<hbm>> -> memref<128x64xf32, #tpu.memory_space<hbm>>
      tpu.wait_dma2 semaphore(%arg10 : memref<!tpu.dma_semaphore, #tpu.memory_space<semaphore_mem>>) src(%dma_wait3A_404 : memref<128x64xf32, #tpu.memory_space<hbm>>) dst(%dma_wait3A_401 : memref<128x64xf32, #tpu.memory_space<vmem>>)
      %gt3A = arith.constant 0 : i32
      %gt3A_405 = arith.cmpi sgt, %scan3A_385, %gt3A : i32
      %convert_element_type3A = arith.extui %gt3A_405 : i1 to i32
      %cond3A = arith.constant 0 : i32
      %cond3A_406 = arith.cmpi ne, %convert_element_type3A, %cond3A : i32
      scf.if %cond3A_406 {
        %dma_wait3A_652 = arith.constant 0 : i32
        %dma_wait3A_653 = arith.constant 0 : i32
        %dma_wait3A_654 = arith.constant 0 : i32
        %dma_wait3A_655 = tpu.memref_slice %arg7[%dma_wait3A_652, %dma_wait3A_653, %dma_wait3A_654] : memref<4x128x64xf32, #tpu.memory_space<vmem>> -> memref<1x128x64xf32, #tpu.memory_space<vmem>>
        %dma_wait3A_656 = tpu.memref_squeeze %dma_wait3A_655 : memref<1x128x64xf32, #tpu.memory_space<vmem>> -> memref<128x64xf32, #tpu.memory_space<vmem>>
        %dma_wait3A_657 = arith.constant 0 : i32
        %dma_wait3A_658 = arith.constant 0 : i32
        %dma_wait3A_659 = tpu.memref_slice %arg3[%dma_wait3A_657, %dma_wait3A_658] : memref<100000x64xf32, #tpu.memory_space<hbm>> -> memref<128x64xf32, #tpu.memory_space<hbm>>
        %dma_wait3A_660 = arith.constant 0 : i32
        %dma_wait3A_661 = arith.constant 0 : i32
        %dma_wait3A_662 = tpu.memref_slice %arg7[%dma_wait3A_652, %dma_wait3A_660, %dma_wait3A_661] : memref<4x128x64xf32, #tpu.memory_space<vmem>> -> memref<1x128x64xf32, #tpu.memory_space<vmem>>
        %dma_wait3A_663 = tpu.memref_squeeze %dma_wait3A_662 : memref<1x128x64xf32, #tpu.memory_space<vmem>> -> memref<128x64xf32, #tpu.memory_space<vmem>>
        %dma_wait3A_664 = arith.constant 0 : i32
        %dma_wait3A_665 = arith.constant 0 : i32
        %dma_wait3A_666 = tpu.memref_slice %arg3[%dma_wait3A_664, %dma_wait3A_665] : memref<100000x64xf32, #tpu.memory_space<hbm>> -> memref<128x64xf32, #tpu.memory_space<hbm>>
        tpu.wait_dma2 semaphore(%arg14 : memref<!tpu.dma_semaphore, #tpu.memory_space<semaphore_mem>>) src(%dma_wait3A_666 : memref<128x64xf32, #tpu.memory_space<hbm>>) dst(%dma_wait3A_663 : memref<128x64xf32, #tpu.memory_space<vmem>>)
      } else {
      }
      %broadcast_in_dim3A = arith.constant 0 : i32
      %broadcast_in_dim3A_407 = vector.broadcast %broadcast_in_dim3A : i32 to vector<16xi32>
      %get3A = arith.index_cast %add3A_389 : i32 to index
      %get3A_408 = arith.constant 0 : index
      %get3A_409 = tpu.vector_load %arg9[%get3A, %get3A_408] {strides = array<i32>} : memref<200x64xf32, #tpu.memory_space<vmem>>, vector<16xf32>,
      %get3A_410 = arith.index_cast %add3A_389 : i32 to index
      %get3A_411 = arith.constant 16 : index
      %get3A_412 = tpu.vector_load %arg9[%get3A_410, %get3A_411] {strides = array<i32>} : memref<200x64xf32, #tpu.memory_space<vmem>>, vector<16xf32>,
      %get3A_413 = arith.index_cast %add3A_389 : i32 to index
      %get3A_414 = arith.constant 32 : index
      %get3A_415 = tpu.vector_load %arg9[%get3A_413, %get3A_414] {strides = array<i32>} : memref<200x64xf32, #tpu.memory_space<vmem>>, vector<16xf32>,
      %get3A_416 = arith.index_cast %add3A_389 : i32 to index
      %get3A_417 = arith.constant 48 : index
      %get3A_418 = tpu.vector_load %arg9[%get3A_416, %get3A_417] {strides = array<i32>} : memref<200x64xf32, #tpu.memory_space<vmem>>, vector<16xf32>,
      %parallel_loop3A = arith.constant 0 : i32
      %parallel_loop3A_419 = arith.constant 128 : i32
      %parallel_loop3A_420 = arith.constant 1 : i32
      %parallel_loop3A_421 = arith.constant 0 : i32
      scf.for %parallel_loop3A_652 = %parallel_loop3A to %parallel_loop3A_419 step %parallel_loop3A_420  : i32 {
        %parallel_loop3A_653 = vector.broadcast %parallel_loop3A_652 : i32 to vector<16xi32>
        %parallel_loop3A_654 = arith.constant 0 : i32
        %parallel_loop3A_655 = arith.constant 0 : i32
        %parallel_loop3A_656 = tpu.memref_slice %arg7[%parallel_loop3A_421, %parallel_loop3A_654, %parallel_loop3A_655] : memref<4x128x64xf32, #tpu.memory_space<vmem>> -> memref<1x128x64xf32, #tpu.memory_space<vmem>>
        %parallel_loop3A_657 = tpu.memref_squeeze %parallel_loop3A_656 : memref<1x128x64xf32, #tpu.memory_space<vmem>> -> memref<128x64xf32, #tpu.memory_space<vmem>>
        %parallel_loop3A_658 = arith.index_cast %parallel_loop3A_652 : i32 to index
        %parallel_loop3A_659 = arith.constant 0 : index
        %parallel_loop3A_660 = tpu.vector_load %parallel_loop3A_657[%parallel_loop3A_658, %parallel_loop3A_659] {strides = array<i32>} : memref<128x64xf32, #tpu.memory_space<vmem>>, vector<16xf32>,
        %parallel_loop3A_661 = arith.addf %parallel_loop3A_660, %get3A_409 : vector<16xf32>
        tpu.vector_store_idx %arg8[%broadcast_in_dim3A_407, %select_n3A, %select_n3A_189, %parallel_loop3A_653], %parallel_loop3A_661 : memref<4x8x8x129xf32, #tpu.memory_space<vmem>>[vector<16xi32>, vector<16xi32>, vector<16xi32>, vector<16xi32>], vector<16xf32>,
        %parallel_loop3A_662 = arith.constant 0 : i32
        %parallel_loop3A_663 = arith.constant 0 : i32
        %parallel_loop3A_664 = tpu.memref_slice %arg7[%parallel_loop3A_421, %parallel_loop3A_662, %parallel_loop3A_663] : memref<4x128x64xf32, #tpu.memory_space<vmem>> -> memref<1x128x64xf32, #tpu.memory_space<vmem>>
        %parallel_loop3A_665 = tpu.memref_squeeze %parallel_loop3A_664 : memref<1x128x64xf32, #tpu.memory_space<vmem>> -> memref<128x64xf32, #tpu.memory_space<vmem>>
        %parallel_loop3A_666 = arith.index_cast %parallel_loop3A_652 : i32 to index
        %parallel_loop3A_667 = arith.constant 16 : index
        %parallel_loop3A_668 = tpu.vector_load %parallel_loop3A_665[%parallel_loop3A_666, %parallel_loop3A_667] {strides = array<i32>} : memref<128x64xf32, #tpu.memory_space<vmem>>, vector<16xf32>,
        %parallel_loop3A_669 = arith.addf %parallel_loop3A_668, %get3A_412 : vector<16xf32>
        tpu.vector_store_idx %arg8[%broadcast_in_dim3A_407, %select_n3A_95, %select_n3A_215, %parallel_loop3A_653], %parallel_loop3A_669 : memref<4x8x8x129xf32, #tpu.memory_space<vmem>>[vector<16xi32>, vector<16xi32>, vector<16xi32>, vector<16xi32>], vector<16xf32>,
        %parallel_loop3A_670 = arith.constant 0 : i32
        %parallel_loop3A_671 = arith.constant 0 : i32
        %parallel_loop3A_672 = tpu.memref_slice %arg7[%parallel_loop3A_421, %parallel_loop3A_670, %parallel_loop3A_671] : memref<4x128x64xf32, #tpu.memory_space<vmem>> -> memref<1x128x64xf32, #tpu.memory_space<vmem>>
        %parallel_loop3A_673 = tpu.memref_squeeze %parallel_loop3A_672 : memref<1x128x64xf32, #tpu.memory_space<vmem>> -> memref<128x64xf32, #tpu.memory_space<vmem>>
        %parallel_loop3A_674 = arith.index_cast %parallel_loop3A_652 : i32 to index
        %parallel_loop3A_675 = arith.constant 32 : index
        %parallel_loop3A_676 = tpu.vector_load %parallel_loop3A_673[%parallel_loop3A_674, %parallel_loop3A_675] {strides = array<i32>} : memref<128x64xf32, #tpu.memory_space<vmem>>, vector<16xf32>,
        %parallel_loop3A_677 = arith.addf %parallel_loop3A_676, %get3A_415 : vector<16xf32>
        tpu.vector_store_idx %arg8[%broadcast_in_dim3A_407, %select_n3A_130, %select_n3A_241, %parallel_loop3A_653], %parallel_loop3A_677 : memref<4x8x8x129xf32, #tpu.memory_space<vmem>>[vector<16xi32>, vector<16xi32>, vector<16xi32>, vector<16xi32>], vector<16xf32>,
        %parallel_loop3A_678 = arith.constant 0 : i32
        %parallel_loop3A_679 = arith.constant 0 : i32
        %parallel_loop3A_680 = tpu.memref_slice %arg7[%parallel_loop3A_421, %parallel_loop3A_678, %parallel_loop3A_679] : memref<4x128x64xf32, #tpu.memory_space<vmem>> -> memref<1x128x64xf32, #tpu.memory_space<vmem>>
        %parallel_loop3A_681 = tpu.memref_squeeze %parallel_loop3A_680 : memref<1x128x64xf32, #tpu.memory_space<vmem>> -> memref<128x64xf32, #tpu.memory_space<vmem>>
        %parallel_loop3A_682 = arith.index_cast %parallel_loop3A_652 : i32 to index
        %parallel_loop3A_683 = arith.constant 48 : index
        %parallel_loop3A_684 = tpu.vector_load %parallel_loop3A_681[%parallel_loop3A_682, %parallel_loop3A_683] {strides = array<i32>} : memref<128x64xf32, #tpu.memory_space<vmem>>, vector<16xf32>,
        %parallel_loop3A_685 = arith.addf %parallel_loop3A_684, %get3A_418 : vector<16xf32>
        tpu.vector_store_idx %arg8[%broadcast_in_dim3A_407, %select_n3A_165, %select_n3A_267, %parallel_loop3A_653], %parallel_loop3A_685 : memref<4x8x8x129xf32, #tpu.memory_space<vmem>>[vector<16xi32>, vector<16xi32>, vector<16xi32>, vector<16xi32>], vector<16xf32>,
      } {sc.loop_unroll_factor = 16 : i64, sc.parallel_access}
      %lt3A_422 = arith.constant 49 : i32
      %lt3A_423 = arith.cmpi slt, %scan3A_385, %lt3A_422 : i32
      %convert_element_type3A_424 = arith.extui %lt3A_423 : i1 to i32
      %cond3A_425 = arith.constant 0 : i32
      %cond3A_426 = arith.cmpi ne, %convert_element_type3A_424, %cond3A_425 : i32
      scf.if %cond3A_426 {
        %add3A_652 = arith.constant 4 : i32
        %add3A_653 = arith.addi %add3A_389, %add3A_652 : i32
        %jit3A_654 = arith.constant 8 : i32
        %div3A_655 = arith.divsi %add3A_653, %jit3A_654 : i32
        %sign3A_656 = arith.constant 0 : i32
        %sign3A_657 = arith.cmpi sgt, %add3A_653, %sign3A_656 : i32
        %sign3A_658 = arith.extui %sign3A_657 : i1 to i32
        %sign3A_659 = arith.constant 0 : i32
        %sign3A_660 = arith.cmpi slt, %add3A_653, %sign3A_659 : i32
        %sign3A_661 = arith.extui %sign3A_660 : i1 to i32
        %sign3A_662 = arith.subi %sign3A_658, %sign3A_661 : i32
        %sign3A_663 = arith.constant 0 : i32
        %sign3A_664 = arith.cmpi sgt, %jit3A_654, %sign3A_663 : i32
        %sign3A_665 = arith.extui %sign3A_664 : i1 to i32
        %sign3A_666 = arith.constant 0 : i32
        %sign3A_667 = arith.cmpi slt, %jit3A_654, %sign3A_666 : i32
        %sign3A_668 = arith.extui %sign3A_667 : i1 to i32
        %sign3A_669 = arith.subi %sign3A_665, %sign3A_668 : i32
        %ne3A_670 = arith.cmpi ne, %sign3A_662, %sign3A_669 : i32
        %rem3A_671 = arith.remsi %add3A_653, %jit3A_654 : i32
        %ne3A_672 = arith.constant 0 : i32
        %ne3A_673 = arith.cmpi ne, %rem3A_671, %ne3A_672 : i32
        %and3A_674 = arith.andi %ne3A_670, %ne3A_673 : i1
        %sub3A_675 = arith.constant 1 : i32
        %sub3A_676 = arith.subi %div3A_655, %sub3A_675 : i32
        %select_n3A_677 = arith.select %and3A_674, %sub3A_676, %div3A_655 : i32
        %jit3A_678 = arith.constant 8 : i32
        %eq3A_679 = arith.constant 0 : i32
        %eq3A_680 = arith.cmpi eq, %jit3A_678, %eq3A_679 : i32
        %jit3A_681 = arith.constant 1 : i32
        %select_n3A_682 = arith.select %eq3A_680, %jit3A_681, %jit3A_678 : i32
        %rem3A_683 = arith.remsi %add3A_653, %select_n3A_682 : i32
        %ne3A_684 = arith.constant 0 : i32
        %ne3A_685 = arith.cmpi ne, %rem3A_683, %ne3A_684 : i32
        %lt3A_686 = arith.constant 0 : i32
        %lt3A_687 = arith.cmpi slt, %rem3A_683, %lt3A_686 : i32
        %lt3A_688 = arith.constant 0 : i32
        %lt3A_689 = arith.cmpi slt, %select_n3A_682, %lt3A_688 : i32
        %ne3A_690 = arith.xori %lt3A_687, %lt3A_689 : i1
        %and3A_691 = arith.andi %ne3A_690, %ne3A_685 : i1
        %add3A_692 = arith.addi %rem3A_683, %select_n3A_682 : i32
        %select_n3A_693 = arith.select %and3A_691, %add3A_692, %rem3A_683 : i32
        %dma_start3A_694 = arith.constant 0 : i32
        %dma_start3A_695 = arith.constant 0 : i32
        %dma_start3A_696 = arith.constant 0 : i32
        %dma_start3A_697 = tpu.memref_slice %arg7[%dma_start3A_694, %dma_start3A_695, %dma_start3A_696] : memref<4x128x64xf32, #tpu.memory_space<vmem>> -> memref<1x128x64xf32, #tpu.memory_space<vmem>>
        %dma_start3A_698 = tpu.memref_squeeze %dma_start3A_697 : memref<1x128x64xf32, #tpu.memory_space<vmem>> -> memref<128x64xf32, #tpu.memory_space<vmem>>
        %dma_start3A_699 = arith.constant 0 : i32
        %dma_start3A_700 = tpu.memref_slice %arg6[%select_n3A_677, %select_n3A_693, %dma_start3A_699] : memref<25x8x128xi32, #tpu.memory_space<vmem>> -> memref<1x1x128xi32, #tpu.memory_space<vmem>>
        %dma_start3A_701 = tpu.memref_squeeze %dma_start3A_700 : memref<1x1x128xi32, #tpu.memory_space<vmem>> -> memref<128xi32, #tpu.memory_space<vmem>>
        %dma_start3A_702 = arith.constant 0 : i32
        %dma_start3A_703 = arith.constant 0 : i32
        %dma_start3A_704 = tpu.memref_slice %arg3[%dma_start3A_702, %dma_start3A_703] : memref<100000x64xf32, #tpu.memory_space<hbm>> -> memref<100000x64xf32, #tpu.memory_space<hbm>>
        tpu.enqueue_indirect_dma source(%dma_start3A_704 : memref<100000x64xf32, #tpu.memory_space<hbm>>) target(%dma_start3A_698 : memref<128x64xf32, #tpu.memory_space<vmem>>) offsets(%dma_start3A_701 : memref<128xi32, #tpu.memory_space<vmem>>) semaphore(%arg10 : memref<!tpu.dma_semaphore, #tpu.memory_space<semaphore_mem>>)
      } else {
      }
      %dma_start3A_427 = arith.constant 0 : i32
      %dma_start3A_428 = arith.constant 0 : i32
      %dma_start3A_429 = arith.constant 0 : i32
      %dma_start3A_430 = arith.constant 0 : i32
      %dma_start3A_431 = tpu.memref_slice %arg8[%dma_start3A_427, %dma_start3A_428, %dma_start3A_429, %dma_start3A_430] : memref<4x8x8x129xf32, #tpu.memory_space<vmem>> -> memref<1x8x8x128xf32, #tpu.memory_space<vmem>>
      %dma_start3A_432 = tpu.memref_squeeze %dma_start3A_431 : memref<1x8x8x128xf32, #tpu.memory_space<vmem>> -> memref<8x8x128xf32, #tpu.memory_space<vmem>>
      %dma_start3A_433 = arith.constant 0 : i32
      %dma_start3A_434 = arith.constant 0 : i32
      %dma_start3A_435 = arith.constant 0 : i32
      %dma_start3A_436 = tpu.memref_slice %arg5[%add3A_389, %dma_start3A_433, %add3A, %dma_start3A_434, %dma_start3A_435] : memref<200x8x32x8x128xf32, #tpu.memory_space<hbm>> -> memref<1x8x1x8x128xf32, #tpu.memory_space<hbm>>
      %dma_start3A_437 = tpu.memref_squeeze %dma_start3A_436 : memref<1x8x1x8x128xf32, #tpu.memory_space<hbm>> -> memref<8x8x128xf32, #tpu.memory_space<hbm>>
      %dma_start3A_438 = arith.constant 0 : i32
      %dma_start3A_439 = arith.constant 0 : i32
      %dma_start3A_440 = arith.constant 0 : i32
      %dma_start3A_441 = tpu.memref_slice %arg5[%add3A_389, %dma_start3A_438, %add3A, %dma_start3A_439, %dma_start3A_440] : memref<200x8x32x8x128xf32, #tpu.memory_space<hbm>> -> memref<1x8x1x8x128xf32, #tpu.memory_space<hbm>>
      %dma_start3A_442 = tpu.memref_squeeze %dma_start3A_441 : memref<1x8x1x8x128xf32, #tpu.memory_space<hbm>> -> memref<8x8x128xf32, #tpu.memory_space<hbm>>
      %dma_start3A_443 = arith.constant 0 : i32
      %dma_start3A_444 = arith.constant 0 : i32
      %dma_start3A_445 = arith.constant 0 : i32
      %dma_start3A_446 = tpu.memref_slice %arg8[%dma_start3A_427, %dma_start3A_443, %dma_start3A_444, %dma_start3A_445] : memref<4x8x8x129xf32, #tpu.memory_space<vmem>> -> memref<1x8x8x128xf32, #tpu.memory_space<vmem>>
      %dma_start3A_447 = tpu.memref_squeeze %dma_start3A_446 : memref<1x8x8x128xf32, #tpu.memory_space<vmem>> -> memref<8x8x128xf32, #tpu.memory_space<vmem>>
      tpu.enqueue_dma source(%dma_start3A_447 : memref<8x8x128xf32, #tpu.memory_space<vmem>>) target(%dma_start3A_442 : memref<8x8x128xf32, #tpu.memory_space<hbm>>) target_semaphore(%arg14 : memref<!tpu.dma_semaphore, #tpu.memory_space<semaphore_mem>>)
      %mul3A_448 = arith.constant 4 : i32
      %mul3A_449 = arith.muli %scan3A_385, %mul3A_448 : i32
      %add3A_450 = arith.constant 1 : i32
      %add3A_451 = arith.addi %mul3A_449, %add3A_450 : i32
      %dma_wait3A_452 = arith.constant 1 : i32
      %dma_wait3A_453 = arith.constant 0 : i32
      %dma_wait3A_454 = arith.constant 0 : i32
      %dma_wait3A_455 = tpu.memref_slice %arg7[%dma_wait3A_452, %dma_wait3A_453, %dma_wait3A_454] : memref<4x128x64xf32, #tpu.memory_space<vmem>> -> memref<1x128x64xf32, #tpu.memory_space<vmem>>
      %dma_wait3A_456 = tpu.memref_squeeze %dma_wait3A_455 : memref<1x128x64xf32, #tpu.memory_space<vmem>> -> memref<128x64xf32, #tpu.memory_space<vmem>>
      %dma_wait3A_457 = arith.constant 0 : i32
      %dma_wait3A_458 = arith.constant 0 : i32
      %dma_wait3A_459 = tpu.memref_slice %arg3[%dma_wait3A_457, %dma_wait3A_458] : memref<100000x64xf32, #tpu.memory_space<hbm>> -> memref<128x64xf32, #tpu.memory_space<hbm>>
      %dma_wait3A_460 = arith.constant 0 : i32
      %dma_wait3A_461 = arith.constant 0 : i32
      %dma_wait3A_462 = tpu.memref_slice %arg7[%dma_wait3A_452, %dma_wait3A_460, %dma_wait3A_461] : memref<4x128x64xf32, #tpu.memory_space<vmem>> -> memref<1x128x64xf32, #tpu.memory_space<vmem>>
      %dma_wait3A_463 = tpu.memref_squeeze %dma_wait3A_462 : memref<1x128x64xf32, #tpu.memory_space<vmem>> -> memref<128x64xf32, #tpu.memory_space<vmem>>
      %dma_wait3A_464 = arith.constant 0 : i32
      %dma_wait3A_465 = arith.constant 0 : i32
      %dma_wait3A_466 = tpu.memref_slice %arg3[%dma_wait3A_464, %dma_wait3A_465] : memref<100000x64xf32, #tpu.memory_space<hbm>> -> memref<128x64xf32, #tpu.memory_space<hbm>>
      tpu.wait_dma2 semaphore(%arg11 : memref<!tpu.dma_semaphore, #tpu.memory_space<semaphore_mem>>) src(%dma_wait3A_466 : memref<128x64xf32, #tpu.memory_space<hbm>>) dst(%dma_wait3A_463 : memref<128x64xf32, #tpu.memory_space<vmem>>)
      %gt3A_467 = arith.constant 0 : i32
      %gt3A_468 = arith.cmpi sgt, %scan3A_385, %gt3A_467 : i32
      %convert_element_type3A_469 = arith.extui %gt3A_468 : i1 to i32
      %cond3A_470 = arith.constant 0 : i32
      %cond3A_471 = arith.cmpi ne, %convert_element_type3A_469, %cond3A_470 : i32
      scf.if %cond3A_471 {
        %dma_wait3A_652 = arith.constant 1 : i32
        %dma_wait3A_653 = arith.constant 0 : i32
        %dma_wait3A_654 = arith.constant 0 : i32
        %dma_wait3A_655 = tpu.memref_slice %arg7[%dma_wait3A_652, %dma_wait3A_653, %dma_wait3A_654] : memref<4x128x64xf32, #tpu.memory_space<vmem>> -> memref<1x128x64xf32, #tpu.memory_space<vmem>>
        %dma_wait3A_656 = tpu.memref_squeeze %dma_wait3A_655 : memref<1x128x64xf32, #tpu.memory_space<vmem>> -> memref<128x64xf32, #tpu.memory_space<vmem>>
        %dma_wait3A_657 = arith.constant 0 : i32
        %dma_wait3A_658 = arith.constant 0 : i32
        %dma_wait3A_659 = tpu.memref_slice %arg3[%dma_wait3A_657, %dma_wait3A_658] : memref<100000x64xf32, #tpu.memory_space<hbm>> -> memref<128x64xf32, #tpu.memory_space<hbm>>
        %dma_wait3A_660 = arith.constant 0 : i32
        %dma_wait3A_661 = arith.constant 0 : i32
        %dma_wait3A_662 = tpu.memref_slice %arg7[%dma_wait3A_652, %dma_wait3A_660, %dma_wait3A_661] : memref<4x128x64xf32, #tpu.memory_space<vmem>> -> memref<1x128x64xf32, #tpu.memory_space<vmem>>
        %dma_wait3A_663 = tpu.memref_squeeze %dma_wait3A_662 : memref<1x128x64xf32, #tpu.memory_space<vmem>> -> memref<128x64xf32, #tpu.memory_space<vmem>>
        %dma_wait3A_664 = arith.constant 0 : i32
        %dma_wait3A_665 = arith.constant 0 : i32
        %dma_wait3A_666 = tpu.memref_slice %arg3[%dma_wait3A_664, %dma_wait3A_665] : memref<100000x64xf32, #tpu.memory_space<hbm>> -> memref<128x64xf32, #tpu.memory_space<hbm>>
        tpu.wait_dma2 semaphore(%arg15 : memref<!tpu.dma_semaphore, #tpu.memory_space<semaphore_mem>>) src(%dma_wait3A_666 : memref<128x64xf32, #tpu.memory_space<hbm>>) dst(%dma_wait3A_663 : memref<128x64xf32, #tpu.memory_space<vmem>>)
      } else {
      }
      %broadcast_in_dim3A_472 = arith.constant 1 : i32
      %broadcast_in_dim3A_473 = vector.broadcast %broadcast_in_dim3A_472 : i32 to vector<16xi32>
      %get3A_474 = arith.index_cast %add3A_451 : i32 to index
      %get3A_475 = arith.constant 0 : index
      %get3A_476 = tpu.vector_load %arg9[%get3A_474, %get3A_475] {strides = array<i32>} : memref<200x64xf32, #tpu.memory_space<vmem>>, vector<16xf32>,
      %get3A_477 = arith.index_cast %add3A_451 : i32 to index
      %get3A_478 = arith.constant 16 : index
      %get3A_479 = tpu.vector_load %arg9[%get3A_477, %get3A_478] {strides = array<i32>} : memref<200x64xf32, #tpu.memory_space<vmem>>, vector<16xf32>,
      %get3A_480 = arith.index_cast %add3A_451 : i32 to index
      %get3A_481 = arith.constant 32 : index
      %get3A_482 = tpu.vector_load %arg9[%get3A_480, %get3A_481] {strides = array<i32>} : memref<200x64xf32, #tpu.memory_space<vmem>>, vector<16xf32>,
      %get3A_483 = arith.index_cast %add3A_451 : i32 to index
      %get3A_484 = arith.constant 48 : index
      %get3A_485 = tpu.vector_load %arg9[%get3A_483, %get3A_484] {strides = array<i32>} : memref<200x64xf32, #tpu.memory_space<vmem>>, vector<16xf32>,
      %parallel_loop3A_486 = arith.constant 0 : i32
      %parallel_loop3A_487 = arith.constant 128 : i32
      %parallel_loop3A_488 = arith.constant 1 : i32
      %parallel_loop3A_489 = arith.constant 1 : i32
      scf.for %parallel_loop3A_652 = %parallel_loop3A_486 to %parallel_loop3A_487 step %parallel_loop3A_488  : i32 {
        %parallel_loop3A_653 = vector.broadcast %parallel_loop3A_652 : i32 to vector<16xi32>
        %parallel_loop3A_654 = arith.constant 0 : i32
        %parallel_loop3A_655 = arith.constant 0 : i32
        %parallel_loop3A_656 = tpu.memref_slice %arg7[%parallel_loop3A_489, %parallel_loop3A_654, %parallel_loop3A_655] : memref<4x128x64xf32, #tpu.memory_space<vmem>> -> memref<1x128x64xf32, #tpu.memory_space<vmem>>
        %parallel_loop3A_657 = tpu.memref_squeeze %parallel_loop3A_656 : memref<1x128x64xf32, #tpu.memory_space<vmem>> -> memref<128x64xf32, #tpu.memory_space<vmem>>
        %parallel_loop3A_658 = arith.index_cast %parallel_loop3A_652 : i32 to index
        %parallel_loop3A_659 = arith.constant 0 : index
        %parallel_loop3A_660 = tpu.vector_load %parallel_loop3A_657[%parallel_loop3A_658, %parallel_loop3A_659] {strides = array<i32>} : memref<128x64xf32, #tpu.memory_space<vmem>>, vector<16xf32>,
        %parallel_loop3A_661 = arith.addf %parallel_loop3A_660, %get3A_476 : vector<16xf32>
        tpu.vector_store_idx %arg8[%broadcast_in_dim3A_473, %select_n3A, %select_n3A_189, %parallel_loop3A_653], %parallel_loop3A_661 : memref<4x8x8x129xf32, #tpu.memory_space<vmem>>[vector<16xi32>, vector<16xi32>, vector<16xi32>, vector<16xi32>], vector<16xf32>,
        %parallel_loop3A_662 = arith.constant 0 : i32
        %parallel_loop3A_663 = arith.constant 0 : i32
        %parallel_loop3A_664 = tpu.memref_slice %arg7[%parallel_loop3A_489, %parallel_loop3A_662, %parallel_loop3A_663] : memref<4x128x64xf32, #tpu.memory_space<vmem>> -> memref<1x128x64xf32, #tpu.memory_space<vmem>>
        %parallel_loop3A_665 = tpu.memref_squeeze %parallel_loop3A_664 : memref<1x128x64xf32, #tpu.memory_space<vmem>> -> memref<128x64xf32, #tpu.memory_space<vmem>>
        %parallel_loop3A_666 = arith.index_cast %parallel_loop3A_652 : i32 to index
        %parallel_loop3A_667 = arith.constant 16 : index
        %parallel_loop3A_668 = tpu.vector_load %parallel_loop3A_665[%parallel_loop3A_666, %parallel_loop3A_667] {strides = array<i32>} : memref<128x64xf32, #tpu.memory_space<vmem>>, vector<16xf32>,
        %parallel_loop3A_669 = arith.addf %parallel_loop3A_668, %get3A_479 : vector<16xf32>
        tpu.vector_store_idx %arg8[%broadcast_in_dim3A_473, %select_n3A_95, %select_n3A_215, %parallel_loop3A_653], %parallel_loop3A_669 : memref<4x8x8x129xf32, #tpu.memory_space<vmem>>[vector<16xi32>, vector<16xi32>, vector<16xi32>, vector<16xi32>], vector<16xf32>,
        %parallel_loop3A_670 = arith.constant 0 : i32
        %parallel_loop3A_671 = arith.constant 0 : i32
        %parallel_loop3A_672 = tpu.memref_slice %arg7[%parallel_loop3A_489, %parallel_loop3A_670, %parallel_loop3A_671] : memref<4x128x64xf32, #tpu.memory_space<vmem>> -> memref<1x128x64xf32, #tpu.memory_space<vmem>>
        %parallel_loop3A_673 = tpu.memref_squeeze %parallel_loop3A_672 : memref<1x128x64xf32, #tpu.memory_space<vmem>> -> memref<128x64xf32, #tpu.memory_space<vmem>>
        %parallel_loop3A_674 = arith.index_cast %parallel_loop3A_652 : i32 to index
        %parallel_loop3A_675 = arith.constant 32 : index
        %parallel_loop3A_676 = tpu.vector_load %parallel_loop3A_673[%parallel_loop3A_674, %parallel_loop3A_675] {strides = array<i32>} : memref<128x64xf32, #tpu.memory_space<vmem>>, vector<16xf32>,
        %parallel_loop3A_677 = arith.addf %parallel_loop3A_676, %get3A_482 : vector<16xf32>
        tpu.vector_store_idx %arg8[%broadcast_in_dim3A_473, %select_n3A_130, %select_n3A_241, %parallel_loop3A_653], %parallel_loop3A_677 : memref<4x8x8x129xf32, #tpu.memory_space<vmem>>[vector<16xi32>, vector<16xi32>, vector<16xi32>, vector<16xi32>], vector<16xf32>,
        %parallel_loop3A_678 = arith.constant 0 : i32
        %parallel_loop3A_679 = arith.constant 0 : i32
        %parallel_loop3A_680 = tpu.memref_slice %arg7[%parallel_loop3A_489, %parallel_loop3A_678, %parallel_loop3A_679] : memref<4x128x64xf32, #tpu.memory_space<vmem>> -> memref<1x128x64xf32, #tpu.memory_space<vmem>>
        %parallel_loop3A_681 = tpu.memref_squeeze %parallel_loop3A_680 : memref<1x128x64xf32, #tpu.memory_space<vmem>> -> memref<128x64xf32, #tpu.memory_space<vmem>>
        %parallel_loop3A_682 = arith.index_cast %parallel_loop3A_652 : i32 to index
        %parallel_loop3A_683 = arith.constant 48 : index
        %parallel_loop3A_684 = tpu.vector_load %parallel_loop3A_681[%parallel_loop3A_682, %parallel_loop3A_683] {strides = array<i32>} : memref<128x64xf32, #tpu.memory_space<vmem>>, vector<16xf32>,
        %parallel_loop3A_685 = arith.addf %parallel_loop3A_684, %get3A_485 : vector<16xf32>
        tpu.vector_store_idx %arg8[%broadcast_in_dim3A_473, %select_n3A_165, %select_n3A_267, %parallel_loop3A_653], %parallel_loop3A_685 : memref<4x8x8x129xf32, #tpu.memory_space<vmem>>[vector<16xi32>, vector<16xi32>, vector<16xi32>, vector<16xi32>], vector<16xf32>,
      } {sc.loop_unroll_factor = 16 : i64, sc.parallel_access}
      %lt3A_490 = arith.constant 49 : i32
      %lt3A_491 = arith.cmpi slt, %scan3A_385, %lt3A_490 : i32
      %convert_element_type3A_492 = arith.extui %lt3A_491 : i1 to i32
      %cond3A_493 = arith.constant 0 : i32
      %cond3A_494 = arith.cmpi ne, %convert_element_type3A_492, %cond3A_493 : i32
      scf.if %cond3A_494 {
        %add3A_652 = arith.constant 4 : i32
        %add3A_653 = arith.addi %add3A_451, %add3A_652 : i32
        %jit3A_654 = arith.constant 8 : i32
        %div3A_655 = arith.divsi %add3A_653, %jit3A_654 : i32
        %sign3A_656 = arith.constant 0 : i32
        %sign3A_657 = arith.cmpi sgt, %add3A_653, %sign3A_656 : i32
        %sign3A_658 = arith.extui %sign3A_657 : i1 to i32
        %sign3A_659 = arith.constant 0 : i32
        %sign3A_660 = arith.cmpi slt, %add3A_653, %sign3A_659 : i32
        %sign3A_661 = arith.extui %sign3A_660 : i1 to i32
        %sign3A_662 = arith.subi %sign3A_658, %sign3A_661 : i32
        %sign3A_663 = arith.constant 0 : i32
        %sign3A_664 = arith.cmpi sgt, %jit3A_654, %sign3A_663 : i32
        %sign3A_665 = arith.extui %sign3A_664 : i1 to i32
        %sign3A_666 = arith.constant 0 : i32
        %sign3A_667 = arith.cmpi slt, %jit3A_654, %sign3A_666 : i32
        %sign3A_668 = arith.extui %sign3A_667 : i1 to i32
        %sign3A_669 = arith.subi %sign3A_665, %sign3A_668 : i32
        %ne3A_670 = arith.cmpi ne, %sign3A_662, %sign3A_669 : i32
        %rem3A_671 = arith.remsi %add3A_653, %jit3A_654 : i32
        %ne3A_672 = arith.constant 0 : i32
        %ne3A_673 = arith.cmpi ne, %rem3A_671, %ne3A_672 : i32
        %and3A_674 = arith.andi %ne3A_670, %ne3A_673 : i1
        %sub3A_675 = arith.constant 1 : i32
        %sub3A_676 = arith.subi %div3A_655, %sub3A_675 : i32
        %select_n3A_677 = arith.select %and3A_674, %sub3A_676, %div3A_655 : i32
        %jit3A_678 = arith.constant 8 : i32
        %eq3A_679 = arith.constant 0 : i32
        %eq3A_680 = arith.cmpi eq, %jit3A_678, %eq3A_679 : i32
        %jit3A_681 = arith.constant 1 : i32
        %select_n3A_682 = arith.select %eq3A_680, %jit3A_681, %jit3A_678 : i32
        %rem3A_683 = arith.remsi %add3A_653, %select_n3A_682 : i32
        %ne3A_684 = arith.constant 0 : i32
        %ne3A_685 = arith.cmpi ne, %rem3A_683, %ne3A_684 : i32
        %lt3A_686 = arith.constant 0 : i32
        %lt3A_687 = arith.cmpi slt, %rem3A_683, %lt3A_686 : i32
        %lt3A_688 = arith.constant 0 : i32
        %lt3A_689 = arith.cmpi slt, %select_n3A_682, %lt3A_688 : i32
        %ne3A_690 = arith.xori %lt3A_687, %lt3A_689 : i1
        %and3A_691 = arith.andi %ne3A_690, %ne3A_685 : i1
        %add3A_692 = arith.addi %rem3A_683, %select_n3A_682 : i32
        %select_n3A_693 = arith.select %and3A_691, %add3A_692, %rem3A_683 : i32
        %dma_start3A_694 = arith.constant 1 : i32
        %dma_start3A_695 = arith.constant 0 : i32
        %dma_start3A_696 = arith.constant 0 : i32
        %dma_start3A_697 = tpu.memref_slice %arg7[%dma_start3A_694, %dma_start3A_695, %dma_start3A_696] : memref<4x128x64xf32, #tpu.memory_space<vmem>> -> memref<1x128x64xf32, #tpu.memory_space<vmem>>
        %dma_start3A_698 = tpu.memref_squeeze %dma_start3A_697 : memref<1x128x64xf32, #tpu.memory_space<vmem>> -> memref<128x64xf32, #tpu.memory_space<vmem>>
        %dma_start3A_699 = arith.constant 0 : i32
        %dma_start3A_700 = tpu.memref_slice %arg6[%select_n3A_677, %select_n3A_693, %dma_start3A_699] : memref<25x8x128xi32, #tpu.memory_space<vmem>> -> memref<1x1x128xi32, #tpu.memory_space<vmem>>
        %dma_start3A_701 = tpu.memref_squeeze %dma_start3A_700 : memref<1x1x128xi32, #tpu.memory_space<vmem>> -> memref<128xi32, #tpu.memory_space<vmem>>
        %dma_start3A_702 = arith.constant 0 : i32
        %dma_start3A_703 = arith.constant 0 : i32
        %dma_start3A_704 = tpu.memref_slice %arg3[%dma_start3A_702, %dma_start3A_703] : memref<100000x64xf32, #tpu.memory_space<hbm>> -> memref<100000x64xf32, #tpu.memory_space<hbm>>
        tpu.enqueue_indirect_dma source(%dma_start3A_704 : memref<100000x64xf32, #tpu.memory_space<hbm>>) target(%dma_start3A_698 : memref<128x64xf32, #tpu.memory_space<vmem>>) offsets(%dma_start3A_701 : memref<128xi32, #tpu.memory_space<vmem>>) semaphore(%arg11 : memref<!tpu.dma_semaphore, #tpu.memory_space<semaphore_mem>>)
      } else {
      }
      %dma_start3A_495 = arith.constant 1 : i32
      %dma_start3A_496 = arith.constant 0 : i32
      %dma_start3A_497 = arith.constant 0 : i32
      %dma_start3A_498 = arith.constant 0 : i32
      %dma_start3A_499 = tpu.memref_slice %arg8[%dma_start3A_495, %dma_start3A_496, %dma_start3A_497, %dma_start3A_498] : memref<4x8x8x129xf32, #tpu.memory_space<vmem>> -> memref<1x8x8x128xf32, #tpu.memory_space<vmem>>
      %dma_start3A_500 = tpu.memref_squeeze %dma_start3A_499 : memref<1x8x8x128xf32, #tpu.memory_space<vmem>> -> memref<8x8x128xf32, #tpu.memory_space<vmem>>
      %dma_start3A_501 = arith.constant 0 : i32
      %dma_start3A_502 = arith.constant 0 : i32
      %dma_start3A_503 = arith.constant 0 : i32
      %dma_start3A_504 = tpu.memref_slice %arg5[%add3A_451, %dma_start3A_501, %add3A, %dma_start3A_502, %dma_start3A_503] : memref<200x8x32x8x128xf32, #tpu.memory_space<hbm>> -> memref<1x8x1x8x128xf32, #tpu.memory_space<hbm>>
      %dma_start3A_505 = tpu.memref_squeeze %dma_start3A_504 : memref<1x8x1x8x128xf32, #tpu.memory_space<hbm>> -> memref<8x8x128xf32, #tpu.memory_space<hbm>>
      %dma_start3A_506 = arith.constant 0 : i32
      %dma_start3A_507 = arith.constant 0 : i32
      %dma_start3A_508 = arith.constant 0 : i32
      %dma_start3A_509 = tpu.memref_slice %arg5[%add3A_451, %dma_start3A_506, %add3A, %dma_start3A_507, %dma_start3A_508] : memref<200x8x32x8x128xf32, #tpu.memory_space<hbm>> -> memref<1x8x1x8x128xf32, #tpu.memory_space<hbm>>
      %dma_start3A_510 = tpu.memref_squeeze %dma_start3A_509 : memref<1x8x1x8x128xf32, #tpu.memory_space<hbm>> -> memref<8x8x128xf32, #tpu.memory_space<hbm>>
      %dma_start3A_511 = arith.constant 0 : i32
      %dma_start3A_512 = arith.constant 0 : i32
      %dma_start3A_513 = arith.constant 0 : i32
      %dma_start3A_514 = tpu.memref_slice %arg8[%dma_start3A_495, %dma_start3A_511, %dma_start3A_512, %dma_start3A_513] : memref<4x8x8x129xf32, #tpu.memory_space<vmem>> -> memref<1x8x8x128xf32, #tpu.memory_space<vmem>>
      %dma_start3A_515 = tpu.memref_squeeze %dma_start3A_514 : memref<1x8x8x128xf32, #tpu.memory_space<vmem>> -> memref<8x8x128xf32, #tpu.memory_space<vmem>>
      tpu.enqueue_dma source(%dma_start3A_515 : memref<8x8x128xf32, #tpu.memory_space<vmem>>) target(%dma_start3A_510 : memref<8x8x128xf32, #tpu.memory_space<hbm>>) target_semaphore(%arg15 : memref<!tpu.dma_semaphore, #tpu.memory_space<semaphore_mem>>)
      %mul3A_516 = arith.constant 4 : i32
      %mul3A_517 = arith.muli %scan3A_385, %mul3A_516 : i32
      %add3A_518 = arith.constant 2 : i32
      %add3A_519 = arith.addi %mul3A_517, %add3A_518 : i32
      %dma_wait3A_520 = arith.constant 2 : i32
      %dma_wait3A_521 = arith.constant 0 : i32
      %dma_wait3A_522 = arith.constant 0 : i32
      %dma_wait3A_523 = tpu.memref_slice %arg7[%dma_wait3A_520, %dma_wait3A_521, %dma_wait3A_522] : memref<4x128x64xf32, #tpu.memory_space<vmem>> -> memref<1x128x64xf32, #tpu.memory_space<vmem>>
      %dma_wait3A_524 = tpu.memref_squeeze %dma_wait3A_523 : memref<1x128x64xf32, #tpu.memory_space<vmem>> -> memref<128x64xf32, #tpu.memory_space<vmem>>
      %dma_wait3A_525 = arith.constant 0 : i32
      %dma_wait3A_526 = arith.constant 0 : i32
      %dma_wait3A_527 = tpu.memref_slice %arg3[%dma_wait3A_525, %dma_wait3A_526] : memref<100000x64xf32, #tpu.memory_space<hbm>> -> memref<128x64xf32, #tpu.memory_space<hbm>>
      %dma_wait3A_528 = arith.constant 0 : i32
      %dma_wait3A_529 = arith.constant 0 : i32
      %dma_wait3A_530 = tpu.memref_slice %arg7[%dma_wait3A_520, %dma_wait3A_528, %dma_wait3A_529] : memref<4x128x64xf32, #tpu.memory_space<vmem>> -> memref<1x128x64xf32, #tpu.memory_space<vmem>>
      %dma_wait3A_531 = tpu.memref_squeeze %dma_wait3A_530 : memref<1x128x64xf32, #tpu.memory_space<vmem>> -> memref<128x64xf32, #tpu.memory_space<vmem>>
      %dma_wait3A_532 = arith.constant 0 : i32
      %dma_wait3A_533 = arith.constant 0 : i32
      %dma_wait3A_534 = tpu.memref_slice %arg3[%dma_wait3A_532, %dma_wait3A_533] : memref<100000x64xf32, #tpu.memory_space<hbm>> -> memref<128x64xf32, #tpu.memory_space<hbm>>
      tpu.wait_dma2 semaphore(%arg12 : memref<!tpu.dma_semaphore, #tpu.memory_space<semaphore_mem>>) src(%dma_wait3A_534 : memref<128x64xf32, #tpu.memory_space<hbm>>) dst(%dma_wait3A_531 : memref<128x64xf32, #tpu.memory_space<vmem>>)
      %gt3A_535 = arith.constant 0 : i32
      %gt3A_536 = arith.cmpi sgt, %scan3A_385, %gt3A_535 : i32
      %convert_element_type3A_537 = arith.extui %gt3A_536 : i1 to i32
      %cond3A_538 = arith.constant 0 : i32
      %cond3A_539 = arith.cmpi ne, %convert_element_type3A_537, %cond3A_538 : i32
      scf.if %cond3A_539 {
        %dma_wait3A_652 = arith.constant 2 : i32
        %dma_wait3A_653 = arith.constant 0 : i32
        %dma_wait3A_654 = arith.constant 0 : i32
        %dma_wait3A_655 = tpu.memref_slice %arg7[%dma_wait3A_652, %dma_wait3A_653, %dma_wait3A_654] : memref<4x128x64xf32, #tpu.memory_space<vmem>> -> memref<1x128x64xf32, #tpu.memory_space<vmem>>
        %dma_wait3A_656 = tpu.memref_squeeze %dma_wait3A_655 : memref<1x128x64xf32, #tpu.memory_space<vmem>> -> memref<128x64xf32, #tpu.memory_space<vmem>>
        %dma_wait3A_657 = arith.constant 0 : i32
        %dma_wait3A_658 = arith.constant 0 : i32
        %dma_wait3A_659 = tpu.memref_slice %arg3[%dma_wait3A_657, %dma_wait3A_658] : memref<100000x64xf32, #tpu.memory_space<hbm>> -> memref<128x64xf32, #tpu.memory_space<hbm>>
        %dma_wait3A_660 = arith.constant 0 : i32
        %dma_wait3A_661 = arith.constant 0 : i32
        %dma_wait3A_662 = tpu.memref_slice %arg7[%dma_wait3A_652, %dma_wait3A_660, %dma_wait3A_661] : memref<4x128x64xf32, #tpu.memory_space<vmem>> -> memref<1x128x64xf32, #tpu.memory_space<vmem>>
        %dma_wait3A_663 = tpu.memref_squeeze %dma_wait3A_662 : memref<1x128x64xf32, #tpu.memory_space<vmem>> -> memref<128x64xf32, #tpu.memory_space<vmem>>
        %dma_wait3A_664 = arith.constant 0 : i32
        %dma_wait3A_665 = arith.constant 0 : i32
        %dma_wait3A_666 = tpu.memref_slice %arg3[%dma_wait3A_664, %dma_wait3A_665] : memref<100000x64xf32, #tpu.memory_space<hbm>> -> memref<128x64xf32, #tpu.memory_space<hbm>>
        tpu.wait_dma2 semaphore(%arg16 : memref<!tpu.dma_semaphore, #tpu.memory_space<semaphore_mem>>) src(%dma_wait3A_666 : memref<128x64xf32, #tpu.memory_space<hbm>>) dst(%dma_wait3A_663 : memref<128x64xf32, #tpu.memory_space<vmem>>)
      } else {
      }
      %broadcast_in_dim3A_540 = arith.constant 2 : i32
      %broadcast_in_dim3A_541 = vector.broadcast %broadcast_in_dim3A_540 : i32 to vector<16xi32>
      %get3A_542 = arith.index_cast %add3A_519 : i32 to index
      %get3A_543 = arith.constant 0 : index
      %get3A_544 = tpu.vector_load %arg9[%get3A_542, %get3A_543] {strides = array<i32>} : memref<200x64xf32, #tpu.memory_space<vmem>>, vector<16xf32>,
      %get3A_545 = arith.index_cast %add3A_519 : i32 to index
      %get3A_546 = arith.constant 16 : index
      %get3A_547 = tpu.vector_load %arg9[%get3A_545, %get3A_546] {strides = array<i32>} : memref<200x64xf32, #tpu.memory_space<vmem>>, vector<16xf32>,
      %get3A_548 = arith.index_cast %add3A_519 : i32 to index
      %get3A_549 = arith.constant 32 : index
      %get3A_550 = tpu.vector_load %arg9[%get3A_548, %get3A_549] {strides = array<i32>} : memref<200x64xf32, #tpu.memory_space<vmem>>, vector<16xf32>,
      %get3A_551 = arith.index_cast %add3A_519 : i32 to index
      %get3A_552 = arith.constant 48 : index
      %get3A_553 = tpu.vector_load %arg9[%get3A_551, %get3A_552] {strides = array<i32>} : memref<200x64xf32, #tpu.memory_space<vmem>>, vector<16xf32>,
      %parallel_loop3A_554 = arith.constant 0 : i32
      %parallel_loop3A_555 = arith.constant 128 : i32
      %parallel_loop3A_556 = arith.constant 1 : i32
      %parallel_loop3A_557 = arith.constant 2 : i32
      scf.for %parallel_loop3A_652 = %parallel_loop3A_554 to %parallel_loop3A_555 step %parallel_loop3A_556  : i32 {
        %parallel_loop3A_653 = vector.broadcast %parallel_loop3A_652 : i32 to vector<16xi32>
        %parallel_loop3A_654 = arith.constant 0 : i32
        %parallel_loop3A_655 = arith.constant 0 : i32
        %parallel_loop3A_656 = tpu.memref_slice %arg7[%parallel_loop3A_557, %parallel_loop3A_654, %parallel_loop3A_655] : memref<4x128x64xf32, #tpu.memory_space<vmem>> -> memref<1x128x64xf32, #tpu.memory_space<vmem>>
        %parallel_loop3A_657 = tpu.memref_squeeze %parallel_loop3A_656 : memref<1x128x64xf32, #tpu.memory_space<vmem>> -> memref<128x64xf32, #tpu.memory_space<vmem>>
        %parallel_loop3A_658 = arith.index_cast %parallel_loop3A_652 : i32 to index
        %parallel_loop3A_659 = arith.constant 0 : index
        %parallel_loop3A_660 = tpu.vector_load %parallel_loop3A_657[%parallel_loop3A_658, %parallel_loop3A_659] {strides = array<i32>} : memref<128x64xf32, #tpu.memory_space<vmem>>, vector<16xf32>,
        %parallel_loop3A_661 = arith.addf %parallel_loop3A_660, %get3A_544 : vector<16xf32>
        tpu.vector_store_idx %arg8[%broadcast_in_dim3A_541, %select_n3A, %select_n3A_189, %parallel_loop3A_653], %parallel_loop3A_661 : memref<4x8x8x129xf32, #tpu.memory_space<vmem>>[vector<16xi32>, vector<16xi32>, vector<16xi32>, vector<16xi32>], vector<16xf32>,
        %parallel_loop3A_662 = arith.constant 0 : i32
        %parallel_loop3A_663 = arith.constant 0 : i32
        %parallel_loop3A_664 = tpu.memref_slice %arg7[%parallel_loop3A_557, %parallel_loop3A_662, %parallel_loop3A_663] : memref<4x128x64xf32, #tpu.memory_space<vmem>> -> memref<1x128x64xf32, #tpu.memory_space<vmem>>
        %parallel_loop3A_665 = tpu.memref_squeeze %parallel_loop3A_664 : memref<1x128x64xf32, #tpu.memory_space<vmem>> -> memref<128x64xf32, #tpu.memory_space<vmem>>
        %parallel_loop3A_666 = arith.index_cast %parallel_loop3A_652 : i32 to index
        %parallel_loop3A_667 = arith.constant 16 : index
        %parallel_loop3A_668 = tpu.vector_load %parallel_loop3A_665[%parallel_loop3A_666, %parallel_loop3A_667] {strides = array<i32>} : memref<128x64xf32, #tpu.memory_space<vmem>>, vector<16xf32>,
        %parallel_loop3A_669 = arith.addf %parallel_loop3A_668, %get3A_547 : vector<16xf32>
        tpu.vector_store_idx %arg8[%broadcast_in_dim3A_541, %select_n3A_95, %select_n3A_215, %parallel_loop3A_653], %parallel_loop3A_669 : memref<4x8x8x129xf32, #tpu.memory_space<vmem>>[vector<16xi32>, vector<16xi32>, vector<16xi32>, vector<16xi32>], vector<16xf32>,
        %parallel_loop3A_670 = arith.constant 0 : i32
        %parallel_loop3A_671 = arith.constant 0 : i32
        %parallel_loop3A_672 = tpu.memref_slice %arg7[%parallel_loop3A_557, %parallel_loop3A_670, %parallel_loop3A_671] : memref<4x128x64xf32, #tpu.memory_space<vmem>> -> memref<1x128x64xf32, #tpu.memory_space<vmem>>
        %parallel_loop3A_673 = tpu.memref_squeeze %parallel_loop3A_672 : memref<1x128x64xf32, #tpu.memory_space<vmem>> -> memref<128x64xf32, #tpu.memory_space<vmem>>
        %parallel_loop3A_674 = arith.index_cast %parallel_loop3A_652 : i32 to index
        %parallel_loop3A_675 = arith.constant 32 : index
        %parallel_loop3A_676 = tpu.vector_load %parallel_loop3A_673[%parallel_loop3A_674, %parallel_loop3A_675] {strides = array<i32>} : memref<128x64xf32, #tpu.memory_space<vmem>>, vector<16xf32>,
        %parallel_loop3A_677 = arith.addf %parallel_loop3A_676, %get3A_550 : vector<16xf32>
        tpu.vector_store_idx %arg8[%broadcast_in_dim3A_541, %select_n3A_130, %select_n3A_241, %parallel_loop3A_653], %parallel_loop3A_677 : memref<4x8x8x129xf32, #tpu.memory_space<vmem>>[vector<16xi32>, vector<16xi32>, vector<16xi32>, vector<16xi32>], vector<16xf32>,
        %parallel_loop3A_678 = arith.constant 0 : i32
        %parallel_loop3A_679 = arith.constant 0 : i32
        %parallel_loop3A_680 = tpu.memref_slice %arg7[%parallel_loop3A_557, %parallel_loop3A_678, %parallel_loop3A_679] : memref<4x128x64xf32, #tpu.memory_space<vmem>> -> memref<1x128x64xf32, #tpu.memory_space<vmem>>
        %parallel_loop3A_681 = tpu.memref_squeeze %parallel_loop3A_680 : memref<1x128x64xf32, #tpu.memory_space<vmem>> -> memref<128x64xf32, #tpu.memory_space<vmem>>
        %parallel_loop3A_682 = arith.index_cast %parallel_loop3A_652 : i32 to index
        %parallel_loop3A_683 = arith.constant 48 : index
        %parallel_loop3A_684 = tpu.vector_load %parallel_loop3A_681[%parallel_loop3A_682, %parallel_loop3A_683] {strides = array<i32>} : memref<128x64xf32, #tpu.memory_space<vmem>>, vector<16xf32>,
        %parallel_loop3A_685 = arith.addf %parallel_loop3A_684, %get3A_553 : vector<16xf32>
        tpu.vector_store_idx %arg8[%broadcast_in_dim3A_541, %select_n3A_165, %select_n3A_267, %parallel_loop3A_653], %parallel_loop3A_685 : memref<4x8x8x129xf32, #tpu.memory_space<vmem>>[vector<16xi32>, vector<16xi32>, vector<16xi32>, vector<16xi32>], vector<16xf32>,
      } {sc.loop_unroll_factor = 16 : i64, sc.parallel_access}
      %lt3A_558 = arith.constant 49 : i32
      %lt3A_559 = arith.cmpi slt, %scan3A_385, %lt3A_558 : i32
      %convert_element_type3A_560 = arith.extui %lt3A_559 : i1 to i32
      %cond3A_561 = arith.constant 0 : i32
      %cond3A_562 = arith.cmpi ne, %convert_element_type3A_560, %cond3A_561 : i32
      scf.if %cond3A_562 {
        %add3A_652 = arith.constant 4 : i32
        %add3A_653 = arith.addi %add3A_519, %add3A_652 : i32
        %jit3A_654 = arith.constant 8 : i32
        %div3A_655 = arith.divsi %add3A_653, %jit3A_654 : i32
        %sign3A_656 = arith.constant 0 : i32
        %sign3A_657 = arith.cmpi sgt, %add3A_653, %sign3A_656 : i32
        %sign3A_658 = arith.extui %sign3A_657 : i1 to i32
        %sign3A_659 = arith.constant 0 : i32
        %sign3A_660 = arith.cmpi slt, %add3A_653, %sign3A_659 : i32
        %sign3A_661 = arith.extui %sign3A_660 : i1 to i32
        %sign3A_662 = arith.subi %sign3A_658, %sign3A_661 : i32
        %sign3A_663 = arith.constant 0 : i32
        %sign3A_664 = arith.cmpi sgt, %jit3A_654, %sign3A_663 : i32
        %sign3A_665 = arith.extui %sign3A_664 : i1 to i32
        %sign3A_666 = arith.constant 0 : i32
        %sign3A_667 = arith.cmpi slt, %jit3A_654, %sign3A_666 : i32
        %sign3A_668 = arith.extui %sign3A_667 : i1 to i32
        %sign3A_669 = arith.subi %sign3A_665, %sign3A_668 : i32
        %ne3A_670 = arith.cmpi ne, %sign3A_662, %sign3A_669 : i32
        %rem3A_671 = arith.remsi %add3A_653, %jit3A_654 : i32
        %ne3A_672 = arith.constant 0 : i32
        %ne3A_673 = arith.cmpi ne, %rem3A_671, %ne3A_672 : i32
        %and3A_674 = arith.andi %ne3A_670, %ne3A_673 : i1
        %sub3A_675 = arith.constant 1 : i32
        %sub3A_676 = arith.subi %div3A_655, %sub3A_675 : i32
        %select_n3A_677 = arith.select %and3A_674, %sub3A_676, %div3A_655 : i32
        %jit3A_678 = arith.constant 8 : i32
        %eq3A_679 = arith.constant 0 : i32
        %eq3A_680 = arith.cmpi eq, %jit3A_678, %eq3A_679 : i32
        %jit3A_681 = arith.constant 1 : i32
        %select_n3A_682 = arith.select %eq3A_680, %jit3A_681, %jit3A_678 : i32
        %rem3A_683 = arith.remsi %add3A_653, %select_n3A_682 : i32
        %ne3A_684 = arith.constant 0 : i32
        %ne3A_685 = arith.cmpi ne, %rem3A_683, %ne3A_684 : i32
        %lt3A_686 = arith.constant 0 : i32
        %lt3A_687 = arith.cmpi slt, %rem3A_683, %lt3A_686 : i32
        %lt3A_688 = arith.constant 0 : i32
        %lt3A_689 = arith.cmpi slt, %select_n3A_682, %lt3A_688 : i32
        %ne3A_690 = arith.xori %lt3A_687, %lt3A_689 : i1
        %and3A_691 = arith.andi %ne3A_690, %ne3A_685 : i1
        %add3A_692 = arith.addi %rem3A_683, %select_n3A_682 : i32
        %select_n3A_693 = arith.select %and3A_691, %add3A_692, %rem3A_683 : i32
        %dma_start3A_694 = arith.constant 2 : i32
        %dma_start3A_695 = arith.constant 0 : i32
        %dma_start3A_696 = arith.constant 0 : i32
        %dma_start3A_697 = tpu.memref_slice %arg7[%dma_start3A_694, %dma_start3A_695, %dma_start3A_696] : memref<4x128x64xf32, #tpu.memory_space<vmem>> -> memref<1x128x64xf32, #tpu.memory_space<vmem>>
        %dma_start3A_698 = tpu.memref_squeeze %dma_start3A_697 : memref<1x128x64xf32, #tpu.memory_space<vmem>> -> memref<128x64xf32, #tpu.memory_space<vmem>>
        %dma_start3A_699 = arith.constant 0 : i32
        %dma_start3A_700 = tpu.memref_slice %arg6[%select_n3A_677, %select_n3A_693, %dma_start3A_699] : memref<25x8x128xi32, #tpu.memory_space<vmem>> -> memref<1x1x128xi32, #tpu.memory_space<vmem>>
        %dma_start3A_701 = tpu.memref_squeeze %dma_start3A_700 : memref<1x1x128xi32, #tpu.memory_space<vmem>> -> memref<128xi32, #tpu.memory_space<vmem>>
        %dma_start3A_702 = arith.constant 0 : i32
        %dma_start3A_703 = arith.constant 0 : i32
        %dma_start3A_704 = tpu.memref_slice %arg3[%dma_start3A_702, %dma_start3A_703] : memref<100000x64xf32, #tpu.memory_space<hbm>> -> memref<100000x64xf32, #tpu.memory_space<hbm>>
        tpu.enqueue_indirect_dma source(%dma_start3A_704 : memref<100000x64xf32, #tpu.memory_space<hbm>>) target(%dma_start3A_698 : memref<128x64xf32, #tpu.memory_space<vmem>>) offsets(%dma_start3A_701 : memref<128xi32, #tpu.memory_space<vmem>>) semaphore(%arg12 : memref<!tpu.dma_semaphore, #tpu.memory_space<semaphore_mem>>)
      } else {
      }
      %dma_start3A_563 = arith.constant 2 : i32
      %dma_start3A_564 = arith.constant 0 : i32
      %dma_start3A_565 = arith.constant 0 : i32
      %dma_start3A_566 = arith.constant 0 : i32
      %dma_start3A_567 = tpu.memref_slice %arg8[%dma_start3A_563, %dma_start3A_564, %dma_start3A_565, %dma_start3A_566] : memref<4x8x8x129xf32, #tpu.memory_space<vmem>> -> memref<1x8x8x128xf32, #tpu.memory_space<vmem>>
      %dma_start3A_568 = tpu.memref_squeeze %dma_start3A_567 : memref<1x8x8x128xf32, #tpu.memory_space<vmem>> -> memref<8x8x128xf32, #tpu.memory_space<vmem>>
      %dma_start3A_569 = arith.constant 0 : i32
      %dma_start3A_570 = arith.constant 0 : i32
      %dma_start3A_571 = arith.constant 0 : i32
      %dma_start3A_572 = tpu.memref_slice %arg5[%add3A_519, %dma_start3A_569, %add3A, %dma_start3A_570, %dma_start3A_571] : memref<200x8x32x8x128xf32, #tpu.memory_space<hbm>> -> memref<1x8x1x8x128xf32, #tpu.memory_space<hbm>>
      %dma_start3A_573 = tpu.memref_squeeze %dma_start3A_572 : memref<1x8x1x8x128xf32, #tpu.memory_space<hbm>> -> memref<8x8x128xf32, #tpu.memory_space<hbm>>
      %dma_start3A_574 = arith.constant 0 : i32
      %dma_start3A_575 = arith.constant 0 : i32
      %dma_start3A_576 = arith.constant 0 : i32
      %dma_start3A_577 = tpu.memref_slice %arg5[%add3A_519, %dma_start3A_574, %add3A, %dma_start3A_575, %dma_start3A_576] : memref<200x8x32x8x128xf32, #tpu.memory_space<hbm>> -> memref<1x8x1x8x128xf32, #tpu.memory_space<hbm>>
      %dma_start3A_578 = tpu.memref_squeeze %dma_start3A_577 : memref<1x8x1x8x128xf32, #tpu.memory_space<hbm>> -> memref<8x8x128xf32, #tpu.memory_space<hbm>>
      %dma_start3A_579 = arith.constant 0 : i32
      %dma_start3A_580 = arith.constant 0 : i32
      %dma_start3A_581 = arith.constant 0 : i32
      %dma_start3A_582 = tpu.memref_slice %arg8[%dma_start3A_563, %dma_start3A_579, %dma_start3A_580, %dma_start3A_581] : memref<4x8x8x129xf32, #tpu.memory_space<vmem>> -> memref<1x8x8x128xf32, #tpu.memory_space<vmem>>
      %dma_start3A_583 = tpu.memref_squeeze %dma_start3A_582 : memref<1x8x8x128xf32, #tpu.memory_space<vmem>> -> memref<8x8x128xf32, #tpu.memory_space<vmem>>
      tpu.enqueue_dma source(%dma_start3A_583 : memref<8x8x128xf32, #tpu.memory_space<vmem>>) target(%dma_start3A_578 : memref<8x8x128xf32, #tpu.memory_space<hbm>>) target_semaphore(%arg16 : memref<!tpu.dma_semaphore, #tpu.memory_space<semaphore_mem>>)
      %mul3A_584 = arith.constant 4 : i32
      %mul3A_585 = arith.muli %scan3A_385, %mul3A_584 : i32
      %add3A_586 = arith.constant 3 : i32
      %add3A_587 = arith.addi %mul3A_585, %add3A_586 : i32
      %dma_wait3A_588 = arith.constant 3 : i32
      %dma_wait3A_589 = arith.constant 0 : i32
      %dma_wait3A_590 = arith.constant 0 : i32
      %dma_wait3A_591 = tpu.memref_slice %arg7[%dma_wait3A_588, %dma_wait3A_589, %dma_wait3A_590] : memref<4x128x64xf32, #tpu.memory_space<vmem>> -> memref<1x128x64xf32, #tpu.memory_space<vmem>>
      %dma_wait3A_592 = tpu.memref_squeeze %dma_wait3A_591 : memref<1x128x64xf32, #tpu.memory_space<vmem>> -> memref<128x64xf32, #tpu.memory_space<vmem>>
      %dma_wait3A_593 = arith.constant 0 : i32
      %dma_wait3A_594 = arith.constant 0 : i32
      %dma_wait3A_595 = tpu.memref_slice %arg3[%dma_wait3A_593, %dma_wait3A_594] : memref<100000x64xf32, #tpu.memory_space<hbm>> -> memref<128x64xf32, #tpu.memory_space<hbm>>
      %dma_wait3A_596 = arith.constant 0 : i32
      %dma_wait3A_597 = arith.constant 0 : i32
      %dma_wait3A_598 = tpu.memref_slice %arg7[%dma_wait3A_588, %dma_wait3A_596, %dma_wait3A_597] : memref<4x128x64xf32, #tpu.memory_space<vmem>> -> memref<1x128x64xf32, #tpu.memory_space<vmem>>
      %dma_wait3A_599 = tpu.memref_squeeze %dma_wait3A_598 : memref<1x128x64xf32, #tpu.memory_space<vmem>> -> memref<128x64xf32, #tpu.memory_space<vmem>>
      %dma_wait3A_600 = arith.constant 0 : i32
      %dma_wait3A_601 = arith.constant 0 : i32
      %dma_wait3A_602 = tpu.memref_slice %arg3[%dma_wait3A_600, %dma_wait3A_601] : memref<100000x64xf32, #tpu.memory_space<hbm>> -> memref<128x64xf32, #tpu.memory_space<hbm>>
      tpu.wait_dma2 semaphore(%arg13 : memref<!tpu.dma_semaphore, #tpu.memory_space<semaphore_mem>>) src(%dma_wait3A_602 : memref<128x64xf32, #tpu.memory_space<hbm>>) dst(%dma_wait3A_599 : memref<128x64xf32, #tpu.memory_space<vmem>>)
      %gt3A_603 = arith.constant 0 : i32
      %gt3A_604 = arith.cmpi sgt, %scan3A_385, %gt3A_603 : i32
      %convert_element_type3A_605 = arith.extui %gt3A_604 : i1 to i32
      %cond3A_606 = arith.constant 0 : i32
      %cond3A_607 = arith.cmpi ne, %convert_element_type3A_605, %cond3A_606 : i32
      scf.if %cond3A_607 {
        %dma_wait3A_652 = arith.constant 3 : i32
        %dma_wait3A_653 = arith.constant 0 : i32
        %dma_wait3A_654 = arith.constant 0 : i32
        %dma_wait3A_655 = tpu.memref_slice %arg7[%dma_wait3A_652, %dma_wait3A_653, %dma_wait3A_654] : memref<4x128x64xf32, #tpu.memory_space<vmem>> -> memref<1x128x64xf32, #tpu.memory_space<vmem>>
        %dma_wait3A_656 = tpu.memref_squeeze %dma_wait3A_655 : memref<1x128x64xf32, #tpu.memory_space<vmem>> -> memref<128x64xf32, #tpu.memory_space<vmem>>
        %dma_wait3A_657 = arith.constant 0 : i32
        %dma_wait3A_658 = arith.constant 0 : i32
        %dma_wait3A_659 = tpu.memref_slice %arg3[%dma_wait3A_657, %dma_wait3A_658] : memref<100000x64xf32, #tpu.memory_space<hbm>> -> memref<128x64xf32, #tpu.memory_space<hbm>>
        %dma_wait3A_660 = arith.constant 0 : i32
        %dma_wait3A_661 = arith.constant 0 : i32
        %dma_wait3A_662 = tpu.memref_slice %arg7[%dma_wait3A_652, %dma_wait3A_660, %dma_wait3A_661] : memref<4x128x64xf32, #tpu.memory_space<vmem>> -> memref<1x128x64xf32, #tpu.memory_space<vmem>>
        %dma_wait3A_663 = tpu.memref_squeeze %dma_wait3A_662 : memref<1x128x64xf32, #tpu.memory_space<vmem>> -> memref<128x64xf32, #tpu.memory_space<vmem>>
        %dma_wait3A_664 = arith.constant 0 : i32
        %dma_wait3A_665 = arith.constant 0 : i32
        %dma_wait3A_666 = tpu.memref_slice %arg3[%dma_wait3A_664, %dma_wait3A_665] : memref<100000x64xf32, #tpu.memory_space<hbm>> -> memref<128x64xf32, #tpu.memory_space<hbm>>
        tpu.wait_dma2 semaphore(%arg17 : memref<!tpu.dma_semaphore, #tpu.memory_space<semaphore_mem>>) src(%dma_wait3A_666 : memref<128x64xf32, #tpu.memory_space<hbm>>) dst(%dma_wait3A_663 : memref<128x64xf32, #tpu.memory_space<vmem>>)
      } else {
      }
      %broadcast_in_dim3A_608 = arith.constant 3 : i32
      %broadcast_in_dim3A_609 = vector.broadcast %broadcast_in_dim3A_608 : i32 to vector<16xi32>
      %get3A_610 = arith.index_cast %add3A_587 : i32 to index
      %get3A_611 = arith.constant 0 : index
      %get3A_612 = tpu.vector_load %arg9[%get3A_610, %get3A_611] {strides = array<i32>} : memref<200x64xf32, #tpu.memory_space<vmem>>, vector<16xf32>,
      %get3A_613 = arith.index_cast %add3A_587 : i32 to index
      %get3A_614 = arith.constant 16 : index
      %get3A_615 = tpu.vector_load %arg9[%get3A_613, %get3A_614] {strides = array<i32>} : memref<200x64xf32, #tpu.memory_space<vmem>>, vector<16xf32>,
      %get3A_616 = arith.index_cast %add3A_587 : i32 to index
      %get3A_617 = arith.constant 32 : index
      %get3A_618 = tpu.vector_load %arg9[%get3A_616, %get3A_617] {strides = array<i32>} : memref<200x64xf32, #tpu.memory_space<vmem>>, vector<16xf32>,
      %get3A_619 = arith.index_cast %add3A_587 : i32 to index
      %get3A_620 = arith.constant 48 : index
      %get3A_621 = tpu.vector_load %arg9[%get3A_619, %get3A_620] {strides = array<i32>} : memref<200x64xf32, #tpu.memory_space<vmem>>, vector<16xf32>,
      %parallel_loop3A_622 = arith.constant 0 : i32
      %parallel_loop3A_623 = arith.constant 128 : i32
      %parallel_loop3A_624 = arith.constant 1 : i32
      %parallel_loop3A_625 = arith.constant 3 : i32
      scf.for %parallel_loop3A_652 = %parallel_loop3A_622 to %parallel_loop3A_623 step %parallel_loop3A_624  : i32 {
        %parallel_loop3A_653 = vector.broadcast %parallel_loop3A_652 : i32 to vector<16xi32>
        %parallel_loop3A_654 = arith.constant 0 : i32
        %parallel_loop3A_655 = arith.constant 0 : i32
        %parallel_loop3A_656 = tpu.memref_slice %arg7[%parallel_loop3A_625, %parallel_loop3A_654, %parallel_loop3A_655] : memref<4x128x64xf32, #tpu.memory_space<vmem>> -> memref<1x128x64xf32, #tpu.memory_space<vmem>>
        %parallel_loop3A_657 = tpu.memref_squeeze %parallel_loop3A_656 : memref<1x128x64xf32, #tpu.memory_space<vmem>> -> memref<128x64xf32, #tpu.memory_space<vmem>>
        %parallel_loop3A_658 = arith.index_cast %parallel_loop3A_652 : i32 to index
        %parallel_loop3A_659 = arith.constant 0 : index
        %parallel_loop3A_660 = tpu.vector_load %parallel_loop3A_657[%parallel_loop3A_658, %parallel_loop3A_659] {strides = array<i32>} : memref<128x64xf32, #tpu.memory_space<vmem>>, vector<16xf32>,
        %parallel_loop3A_661 = arith.addf %parallel_loop3A_660, %get3A_612 : vector<16xf32>
        tpu.vector_store_idx %arg8[%broadcast_in_dim3A_609, %select_n3A, %select_n3A_189, %parallel_loop3A_653], %parallel_loop3A_661 : memref<4x8x8x129xf32, #tpu.memory_space<vmem>>[vector<16xi32>, vector<16xi32>, vector<16xi32>, vector<16xi32>], vector<16xf32>,
        %parallel_loop3A_662 = arith.constant 0 : i32
        %parallel_loop3A_663 = arith.constant 0 : i32
        %parallel_loop3A_664 = tpu.memref_slice %arg7[%parallel_loop3A_625, %parallel_loop3A_662, %parallel_loop3A_663] : memref<4x128x64xf32, #tpu.memory_space<vmem>> -> memref<1x128x64xf32, #tpu.memory_space<vmem>>
        %parallel_loop3A_665 = tpu.memref_squeeze %parallel_loop3A_664 : memref<1x128x64xf32, #tpu.memory_space<vmem>> -> memref<128x64xf32, #tpu.memory_space<vmem>>
        %parallel_loop3A_666 = arith.index_cast %parallel_loop3A_652 : i32 to index
        %parallel_loop3A_667 = arith.constant 16 : index
        %parallel_loop3A_668 = tpu.vector_load %parallel_loop3A_665[%parallel_loop3A_666, %parallel_loop3A_667] {strides = array<i32>} : memref<128x64xf32, #tpu.memory_space<vmem>>, vector<16xf32>,
        %parallel_loop3A_669 = arith.addf %parallel_loop3A_668, %get3A_615 : vector<16xf32>
        tpu.vector_store_idx %arg8[%broadcast_in_dim3A_609, %select_n3A_95, %select_n3A_215, %parallel_loop3A_653], %parallel_loop3A_669 : memref<4x8x8x129xf32, #tpu.memory_space<vmem>>[vector<16xi32>, vector<16xi32>, vector<16xi32>, vector<16xi32>], vector<16xf32>,
        %parallel_loop3A_670 = arith.constant 0 : i32
        %parallel_loop3A_671 = arith.constant 0 : i32
        %parallel_loop3A_672 = tpu.memref_slice %arg7[%parallel_loop3A_625, %parallel_loop3A_670, %parallel_loop3A_671] : memref<4x128x64xf32, #tpu.memory_space<vmem>> -> memref<1x128x64xf32, #tpu.memory_space<vmem>>
        %parallel_loop3A_673 = tpu.memref_squeeze %parallel_loop3A_672 : memref<1x128x64xf32, #tpu.memory_space<vmem>> -> memref<128x64xf32, #tpu.memory_space<vmem>>
        %parallel_loop3A_674 = arith.index_cast %parallel_loop3A_652 : i32 to index
        %parallel_loop3A_675 = arith.constant 32 : index
        %parallel_loop3A_676 = tpu.vector_load %parallel_loop3A_673[%parallel_loop3A_674, %parallel_loop3A_675] {strides = array<i32>} : memref<128x64xf32, #tpu.memory_space<vmem>>, vector<16xf32>,
        %parallel_loop3A_677 = arith.addf %parallel_loop3A_676, %get3A_618 : vector<16xf32>
        tpu.vector_store_idx %arg8[%broadcast_in_dim3A_609, %select_n3A_130, %select_n3A_241, %parallel_loop3A_653], %parallel_loop3A_677 : memref<4x8x8x129xf32, #tpu.memory_space<vmem>>[vector<16xi32>, vector<16xi32>, vector<16xi32>, vector<16xi32>], vector<16xf32>,
        %parallel_loop3A_678 = arith.constant 0 : i32
        %parallel_loop3A_679 = arith.constant 0 : i32
        %parallel_loop3A_680 = tpu.memref_slice %arg7[%parallel_loop3A_625, %parallel_loop3A_678, %parallel_loop3A_679] : memref<4x128x64xf32, #tpu.memory_space<vmem>> -> memref<1x128x64xf32, #tpu.memory_space<vmem>>
        %parallel_loop3A_681 = tpu.memref_squeeze %parallel_loop3A_680 : memref<1x128x64xf32, #tpu.memory_space<vmem>> -> memref<128x64xf32, #tpu.memory_space<vmem>>
        %parallel_loop3A_682 = arith.index_cast %parallel_loop3A_652 : i32 to index
        %parallel_loop3A_683 = arith.constant 48 : index
        %parallel_loop3A_684 = tpu.vector_load %parallel_loop3A_681[%parallel_loop3A_682, %parallel_loop3A_683] {strides = array<i32>} : memref<128x64xf32, #tpu.memory_space<vmem>>, vector<16xf32>,
        %parallel_loop3A_685 = arith.addf %parallel_loop3A_684, %get3A_621 : vector<16xf32>
        tpu.vector_store_idx %arg8[%broadcast_in_dim3A_609, %select_n3A_165, %select_n3A_267, %parallel_loop3A_653], %parallel_loop3A_685 : memref<4x8x8x129xf32, #tpu.memory_space<vmem>>[vector<16xi32>, vector<16xi32>, vector<16xi32>, vector<16xi32>], vector<16xf32>,
      } {sc.loop_unroll_factor = 16 : i64, sc.parallel_access}
      %lt3A_626 = arith.constant 49 : i32
      %lt3A_627 = arith.cmpi slt, %scan3A_385, %lt3A_626 : i32
      %convert_element_type3A_628 = arith.extui %lt3A_627 : i1 to i32
      %cond3A_629 = arith.constant 0 : i32
      %cond3A_630 = arith.cmpi ne, %convert_element_type3A_628, %cond3A_629 : i32
      scf.if %cond3A_630 {
        %add3A_652 = arith.constant 4 : i32
        %add3A_653 = arith.addi %add3A_587, %add3A_652 : i32
        %jit3A_654 = arith.constant 8 : i32
        %div3A_655 = arith.divsi %add3A_653, %jit3A_654 : i32
        %sign3A_656 = arith.constant 0 : i32
        %sign3A_657 = arith.cmpi sgt, %add3A_653, %sign3A_656 : i32
        %sign3A_658 = arith.extui %sign3A_657 : i1 to i32
        %sign3A_659 = arith.constant 0 : i32
        %sign3A_660 = arith.cmpi slt, %add3A_653, %sign3A_659 : i32
        %sign3A_661 = arith.extui %sign3A_660 : i1 to i32
        %sign3A_662 = arith.subi %sign3A_658, %sign3A_661 : i32
        %sign3A_663 = arith.constant 0 : i32
        %sign3A_664 = arith.cmpi sgt, %jit3A_654, %sign3A_663 : i32
        %sign3A_665 = arith.extui %sign3A_664 : i1 to i32
        %sign3A_666 = arith.constant 0 : i32
        %sign3A_667 = arith.cmpi slt, %jit3A_654, %sign3A_666 : i32
        %sign3A_668 = arith.extui %sign3A_667 : i1 to i32
        %sign3A_669 = arith.subi %sign3A_665, %sign3A_668 : i32
        %ne3A_670 = arith.cmpi ne, %sign3A_662, %sign3A_669 : i32
        %rem3A_671 = arith.remsi %add3A_653, %jit3A_654 : i32
        %ne3A_672 = arith.constant 0 : i32
        %ne3A_673 = arith.cmpi ne, %rem3A_671, %ne3A_672 : i32
        %and3A_674 = arith.andi %ne3A_670, %ne3A_673 : i1
        %sub3A_675 = arith.constant 1 : i32
        %sub3A_676 = arith.subi %div3A_655, %sub3A_675 : i32
        %select_n3A_677 = arith.select %and3A_674, %sub3A_676, %div3A_655 : i32
        %jit3A_678 = arith.constant 8 : i32
        %eq3A_679 = arith.constant 0 : i32
        %eq3A_680 = arith.cmpi eq, %jit3A_678, %eq3A_679 : i32
        %jit3A_681 = arith.constant 1 : i32
        %select_n3A_682 = arith.select %eq3A_680, %jit3A_681, %jit3A_678 : i32
        %rem3A_683 = arith.remsi %add3A_653, %select_n3A_682 : i32
        %ne3A_684 = arith.constant 0 : i32
        %ne3A_685 = arith.cmpi ne, %rem3A_683, %ne3A_684 : i32
        %lt3A_686 = arith.constant 0 : i32
        %lt3A_687 = arith.cmpi slt, %rem3A_683, %lt3A_686 : i32
        %lt3A_688 = arith.constant 0 : i32
        %lt3A_689 = arith.cmpi slt, %select_n3A_682, %lt3A_688 : i32
        %ne3A_690 = arith.xori %lt3A_687, %lt3A_689 : i1
        %and3A_691 = arith.andi %ne3A_690, %ne3A_685 : i1
        %add3A_692 = arith.addi %rem3A_683, %select_n3A_682 : i32
        %select_n3A_693 = arith.select %and3A_691, %add3A_692, %rem3A_683 : i32
        %dma_start3A_694 = arith.constant 3 : i32
        %dma_start3A_695 = arith.constant 0 : i32
        %dma_start3A_696 = arith.constant 0 : i32
        %dma_start3A_697 = tpu.memref_slice %arg7[%dma_start3A_694, %dma_start3A_695, %dma_start3A_696] : memref<4x128x64xf32, #tpu.memory_space<vmem>> -> memref<1x128x64xf32, #tpu.memory_space<vmem>>
        %dma_start3A_698 = tpu.memref_squeeze %dma_start3A_697 : memref<1x128x64xf32, #tpu.memory_space<vmem>> -> memref<128x64xf32, #tpu.memory_space<vmem>>
        %dma_start3A_699 = arith.constant 0 : i32
        %dma_start3A_700 = tpu.memref_slice %arg6[%select_n3A_677, %select_n3A_693, %dma_start3A_699] : memref<25x8x128xi32, #tpu.memory_space<vmem>> -> memref<1x1x128xi32, #tpu.memory_space<vmem>>
        %dma_start3A_701 = tpu.memref_squeeze %dma_start3A_700 : memref<1x1x128xi32, #tpu.memory_space<vmem>> -> memref<128xi32, #tpu.memory_space<vmem>>
        %dma_start3A_702 = arith.constant 0 : i32
        %dma_start3A_703 = arith.constant 0 : i32
        %dma_start3A_704 = tpu.memref_slice %arg3[%dma_start3A_702, %dma_start3A_703] : memref<100000x64xf32, #tpu.memory_space<hbm>> -> memref<100000x64xf32, #tpu.memory_space<hbm>>
        tpu.enqueue_indirect_dma source(%dma_start3A_704 : memref<100000x64xf32, #tpu.memory_space<hbm>>) target(%dma_start3A_698 : memref<128x64xf32, #tpu.memory_space<vmem>>) offsets(%dma_start3A_701 : memref<128xi32, #tpu.memory_space<vmem>>) semaphore(%arg13 : memref<!tpu.dma_semaphore, #tpu.memory_space<semaphore_mem>>)
      } else {
      }
      %dma_start3A_631 = arith.constant 3 : i32
      %dma_start3A_632 = arith.constant 0 : i32
      %dma_start3A_633 = arith.constant 0 : i32
      %dma_start3A_634 = arith.constant 0 : i32
      %dma_start3A_635 = tpu.memref_slice %arg8[%dma_start3A_631, %dma_start3A_632, %dma_start3A_633, %dma_start3A_634] : memref<4x8x8x129xf32, #tpu.memory_space<vmem>> -> memref<1x8x8x128xf32, #tpu.memory_space<vmem>>
      %dma_start3A_636 = tpu.memref_squeeze %dma_start3A_635 : memref<1x8x8x128xf32, #tpu.memory_space<vmem>> -> memref<8x8x128xf32, #tpu.memory_space<vmem>>
      %dma_start3A_637 = arith.constant 0 : i32
      %dma_start3A_638 = arith.constant 0 : i32
      %dma_start3A_639 = arith.constant 0 : i32
      %dma_start3A_640 = tpu.memref_slice %arg5[%add3A_587, %dma_start3A_637, %add3A, %dma_start3A_638, %dma_start3A_639] : memref<200x8x32x8x128xf32, #tpu.memory_space<hbm>> -> memref<1x8x1x8x128xf32, #tpu.memory_space<hbm>>
      %dma_start3A_641 = tpu.memref_squeeze %dma_start3A_640 : memref<1x8x1x8x128xf32, #tpu.memory_space<hbm>> -> memref<8x8x128xf32, #tpu.memory_space<hbm>>
      %dma_start3A_642 = arith.constant 0 : i32
      %dma_start3A_643 = arith.constant 0 : i32
      %dma_start3A_644 = arith.constant 0 : i32
      %dma_start3A_645 = tpu.memref_slice %arg5[%add3A_587, %dma_start3A_642, %add3A, %dma_start3A_643, %dma_start3A_644] : memref<200x8x32x8x128xf32, #tpu.memory_space<hbm>> -> memref<1x8x1x8x128xf32, #tpu.memory_space<hbm>>
      %dma_start3A_646 = tpu.memref_squeeze %dma_start3A_645 : memref<1x8x1x8x128xf32, #tpu.memory_space<hbm>> -> memref<8x8x128xf32, #tpu.memory_space<hbm>>
      %dma_start3A_647 = arith.constant 0 : i32
      %dma_start3A_648 = arith.constant 0 : i32
      %dma_start3A_649 = arith.constant 0 : i32
      %dma_start3A_650 = tpu.memref_slice %arg8[%dma_start3A_631, %dma_start3A_647, %dma_start3A_648, %dma_start3A_649] : memref<4x8x8x129xf32, #tpu.memory_space<vmem>> -> memref<1x8x8x128xf32, #tpu.memory_space<vmem>>
      %dma_start3A_651 = tpu.memref_squeeze %dma_start3A_650 : memref<1x8x8x128xf32, #tpu.memory_space<vmem>> -> memref<8x8x128xf32, #tpu.memory_space<vmem>>
      tpu.enqueue_dma source(%dma_start3A_651 : memref<8x8x128xf32, #tpu.memory_space<vmem>>) target(%dma_start3A_646 : memref<8x8x128xf32, #tpu.memory_space<hbm>>) target_semaphore(%arg17 : memref<!tpu.dma_semaphore, #tpu.memory_space<semaphore_mem>>)
    }
    %scan3A_324 = arith.constant 50 : i32
    %dma_wait3A_325 = arith.constant 0 : i32
    %dma_wait3A_326 = arith.constant 0 : i32
    %dma_wait3A_327 = arith.constant 0 : i32
    %dma_wait3A_328 = tpu.memref_slice %arg7[%dma_wait3A_325, %dma_wait3A_326, %dma_wait3A_327] : memref<4x128x64xf32, #tpu.memory_space<vmem>> -> memref<1x128x64xf32, #tpu.memory_space<vmem>>
    %dma_wait3A_329 = tpu.memref_squeeze %dma_wait3A_328 : memref<1x128x64xf32, #tpu.memory_space<vmem>> -> memref<128x64xf32, #tpu.memory_space<vmem>>
    %dma_wait3A_330 = arith.constant 0 : i32
    %dma_wait3A_331 = arith.constant 0 : i32
    %dma_wait3A_332 = tpu.memref_slice %arg3[%dma_wait3A_330, %dma_wait3A_331] : memref<100000x64xf32, #tpu.memory_space<hbm>> -> memref<128x64xf32, #tpu.memory_space<hbm>>
    %dma_wait3A_333 = arith.constant 0 : i32
    %dma_wait3A_334 = arith.constant 0 : i32
    %dma_wait3A_335 = tpu.memref_slice %arg7[%dma_wait3A_325, %dma_wait3A_333, %dma_wait3A_334] : memref<4x128x64xf32, #tpu.memory_space<vmem>> -> memref<1x128x64xf32, #tpu.memory_space<vmem>>
    %dma_wait3A_336 = tpu.memref_squeeze %dma_wait3A_335 : memref<1x128x64xf32, #tpu.memory_space<vmem>> -> memref<128x64xf32, #tpu.memory_space<vmem>>
    %dma_wait3A_337 = arith.constant 0 : i32
    %dma_wait3A_338 = arith.constant 0 : i32
    %dma_wait3A_339 = tpu.memref_slice %arg3[%dma_wait3A_337, %dma_wait3A_338] : memref<100000x64xf32, #tpu.memory_space<hbm>> -> memref<128x64xf32, #tpu.memory_space<hbm>>
    tpu.wait_dma2 semaphore(%arg14 : memref<!tpu.dma_semaphore, #tpu.memory_space<semaphore_mem>>) src(%dma_wait3A_339 : memref<128x64xf32, #tpu.memory_space<hbm>>) dst(%dma_wait3A_336 : memref<128x64xf32, #tpu.memory_space<vmem>>)
    %dma_wait3A_340 = arith.constant 1 : i32
    %dma_wait3A_341 = arith.constant 0 : i32
    %dma_wait3A_342 = arith.constant 0 : i32
    %dma_wait3A_343 = tpu.memref_slice %arg7[%dma_wait3A_340, %dma_wait3A_341, %dma_wait3A_342] : memref<4x128x64xf32, #tpu.memory_space<vmem>> -> memref<1x128x64xf32, #tpu.memory_space<vmem>>
    %dma_wait3A_344 = tpu.memref_squeeze %dma_wait3A_343 : memref<1x128x64xf32, #tpu.memory_space<vmem>> -> memref<128x64xf32, #tpu.memory_space<vmem>>
    %dma_wait3A_345 = arith.constant 0 : i32
    %dma_wait3A_346 = arith.constant 0 : i32
    %dma_wait3A_347 = tpu.memref_slice %arg3[%dma_wait3A_345, %dma_wait3A_346] : memref<100000x64xf32, #tpu.memory_space<hbm>> -> memref<128x64xf32, #tpu.memory_space<hbm>>
    %dma_wait3A_348 = arith.constant 0 : i32
    %dma_wait3A_349 = arith.constant 0 : i32
    %dma_wait3A_350 = tpu.memref_slice %arg7[%dma_wait3A_340, %dma_wait3A_348, %dma_wait3A_349] : memref<4x128x64xf32, #tpu.memory_space<vmem>> -> memref<1x128x64xf32, #tpu.memory_space<vmem>>
    %dma_wait3A_351 = tpu.memref_squeeze %dma_wait3A_350 : memref<1x128x64xf32, #tpu.memory_space<vmem>> -> memref<128x64xf32, #tpu.memory_space<vmem>>
    %dma_wait3A_352 = arith.constant 0 : i32
    %dma_wait3A_353 = arith.constant 0 : i32
    %dma_wait3A_354 = tpu.memref_slice %arg3[%dma_wait3A_352, %dma_wait3A_353] : memref<100000x64xf32, #tpu.memory_space<hbm>> -> memref<128x64xf32, #tpu.memory_space<hbm>>
    tpu.wait_dma2 semaphore(%arg15 : memref<!tpu.dma_semaphore, #tpu.memory_space<semaphore_mem>>) src(%dma_wait3A_354 : memref<128x64xf32, #tpu.memory_space<hbm>>) dst(%dma_wait3A_351 : memref<128x64xf32, #tpu.memory_space<vmem>>)
    %dma_wait3A_355 = arith.constant 2 : i32
    %dma_wait3A_356 = arith.constant 0 : i32
    %dma_wait3A_357 = arith.constant 0 : i32
    %dma_wait3A_358 = tpu.memref_slice %arg7[%dma_wait3A_355, %dma_wait3A_356, %dma_wait3A_357] : memref<4x128x64xf32, #tpu.memory_space<vmem>> -> memref<1x128x64xf32, #tpu.memory_space<vmem>>
    %dma_wait3A_359 = tpu.memref_squeeze %dma_wait3A_358 : memref<1x128x64xf32, #tpu.memory_space<vmem>> -> memref<128x64xf32, #tpu.memory_space<vmem>>
    %dma_wait3A_360 = arith.constant 0 : i32
    %dma_wait3A_361 = arith.constant 0 : i32
    %dma_wait3A_362 = tpu.memref_slice %arg3[%dma_wait3A_360, %dma_wait3A_361] : memref<100000x64xf32, #tpu.memory_space<hbm>> -> memref<128x64xf32, #tpu.memory_space<hbm>>
    %dma_wait3A_363 = arith.constant 0 : i32
    %dma_wait3A_364 = arith.constant 0 : i32
    %dma_wait3A_365 = tpu.memref_slice %arg7[%dma_wait3A_355, %dma_wait3A_363, %dma_wait3A_364] : memref<4x128x64xf32, #tpu.memory_space<vmem>> -> memref<1x128x64xf32, #tpu.memory_space<vmem>>
    %dma_wait3A_366 = tpu.memref_squeeze %dma_wait3A_365 : memref<1x128x64xf32, #tpu.memory_space<vmem>> -> memref<128x64xf32, #tpu.memory_space<vmem>>
    %dma_wait3A_367 = arith.constant 0 : i32
    %dma_wait3A_368 = arith.constant 0 : i32
    %dma_wait3A_369 = tpu.memref_slice %arg3[%dma_wait3A_367, %dma_wait3A_368] : memref<100000x64xf32, #tpu.memory_space<hbm>> -> memref<128x64xf32, #tpu.memory_space<hbm>>
    tpu.wait_dma2 semaphore(%arg16 : memref<!tpu.dma_semaphore, #tpu.memory_space<semaphore_mem>>) src(%dma_wait3A_369 : memref<128x64xf32, #tpu.memory_space<hbm>>) dst(%dma_wait3A_366 : memref<128x64xf32, #tpu.memory_space<vmem>>)
    %dma_wait3A_370 = arith.constant 3 : i32
    %dma_wait3A_371 = arith.constant 0 : i32
    %dma_wait3A_372 = arith.constant 0 : i32
    %dma_wait3A_373 = tpu.memref_slice %arg7[%dma_wait3A_370, %dma_wait3A_371, %dma_wait3A_372] : memref<4x128x64xf32, #tpu.memory_space<vmem>> -> memref<1x128x64xf32, #tpu.memory_space<vmem>>
    %dma_wait3A_374 = tpu.memref_squeeze %dma_wait3A_373 : memref<1x128x64xf32, #tpu.memory_space<vmem>> -> memref<128x64xf32, #tpu.memory_space<vmem>>
    %dma_wait3A_375 = arith.constant 0 : i32
    %dma_wait3A_376 = arith.constant 0 : i32
    %dma_wait3A_377 = tpu.memref_slice %arg3[%dma_wait3A_375, %dma_wait3A_376] : memref<100000x64xf32, #tpu.memory_space<hbm>> -> memref<128x64xf32, #tpu.memory_space<hbm>>
    %dma_wait3A_378 = arith.constant 0 : i32
    %dma_wait3A_379 = arith.constant 0 : i32
    %dma_wait3A_380 = tpu.memref_slice %arg7[%dma_wait3A_370, %dma_wait3A_378, %dma_wait3A_379] : memref<4x128x64xf32, #tpu.memory_space<vmem>> -> memref<1x128x64xf32, #tpu.memory_space<vmem>>
    %dma_wait3A_381 = tpu.memref_squeeze %dma_wait3A_380 : memref<1x128x64xf32, #tpu.memory_space<vmem>> -> memref<128x64xf32, #tpu.memory_space<vmem>>
    %dma_wait3A_382 = arith.constant 0 : i32
    %dma_wait3A_383 = arith.constant 0 : i32
    %dma_wait3A_384 = tpu.memref_slice %arg3[%dma_wait3A_382, %dma_wait3A_383] : memref<100000x64xf32, #tpu.memory_space<hbm>> -> memref<128x64xf32, #tpu.memory_space<hbm>>
    tpu.wait_dma2 semaphore(%arg17 : memref<!tpu.dma_semaphore, #tpu.memory_space<semaphore_mem>>) src(%dma_wait3A_384 : memref<128x64xf32, #tpu.memory_space<hbm>>) dst(%dma_wait3A_381 : memref<128x64xf32, #tpu.memory_space<vmem>>)
    return
  }
}

</mosaic_0001>

<sc_bundles>
// kernel: kernel.3.cloned.1.call-start
scs
__scs_entry_jumppad:
0x0: {  	(pc) =	sbr.rel $0x88, $3  }
0x1: {  	(tag) =	ssettag $0x0;
	lr =	simm.s32 $0x1  }
0x2: {  	[smem:$0x3F9E] =	sst lr;
	_ =	strace $0xD0000000  }
0x3: {  	_ = 	snop  }
0x4: {  	_ = 	snop  }
0x5: {  	_ = 	snop  }
0x6: {  	_ = 	snop  }
0x7: {  	_ = 	snop  }
__scs_overlays_trampoline_lowered:
0x8: {  	[smem:$0x3FAD] =	sst s0  }
0x9: {  	[smem:$0x3FAE] =	sst s1  }
0xa: {  	[smem:$0x3FAF] =	sst s2  }
0xb: {  	[smem:$0x3FB0] =	sst s3  }
0xc: {  	[smem:$0x3FB1] =	sst s4  }
0xd: {  	[smem:$0x3FB2] =	sst s5  }
0xe: {  	[smem:$0x3FB3] =	sst s6  }
0xf: {  	[smem:$0x3FB4] =	sst s7  }
0x10: {  	[smem:$0x3FB5] =	sst s8  }
0x11: {  	[smem:$0x3FB6] =	sst s9;
	s0 =	simm.s32 @!p0 $0x0  }
0x12: {  	s1 =	sld [smem:$0x3F9C];
	s0 =	simm.s32 @p0 $0x1  }
0x13: {  	[smem:$0x3FB7] =	sst s0;
	s0 =	simm.s32 @!p1 $0x0  }
0x14: {  	s2 =	sld [smem:$0x3F9B];
	s0 =	simm.s32 @p1 $0x1  }
0x15: {  	[smem:$0x3FB8] =	sst s0;
	s0 =	simm.s32 @!p2 $0x0  }
0x16: {  	s3 =	sld [smem:$0x3FDB];
	s0 =	simm.s32 @p2 $0x1  }
0x17: {  	s4 =	simm.s32 $0x1BF5;
	[smem:$0x3FBA] =	sst s0  }
0x18: {  	s0 =	sld [smem:$0x3F9D];
	_ =	swait.ge [sflag:s4], $0x0  }
0x19: {  	s7 =	sld [smem:$0x3F9E]  }
0x1a: {  	s8 =	sadd.s32 $0xFFFFE003, lr  }
0x1b: {  	s9 =	sadd.s32 $0xFFFFFEF7, lr;
	s5 =	simm.s32 $0xFFFFFFFF;
	p2 =	slt.u32 s8, $0xFFFFF086  }
0x1c: {  	p1 =	slt.u32 s9, $0xF7A;
	s5 =	simm.s32 @!p2 $0x0  }
0x1d: {  	s5 =	simm.s32 @p1 $0x1;
	p0 =	seq.s32 s7, s2  }
0x1e: {  	s7 =	smul.u32 @!p0 $0xF7A, s2;
	p2 =	seq.s32 @!p0 s5, $0x0  }
0x1f: {  	s9 =	smul.u32 $0xF7A, s1;
	s8 =	simm.s32 @!p0 $0x1BF5;
	p2 =	por !p2, p0  }
0x20: {  	[sflag:s8] =	ssyncset.s32 @!p0 $0xFFFFF086;
	s6 =	sadd.s32 @!p0 s3, s7;
	s7 =	simm.s32 @!p0 $0x108  }
0x21: {  	s3 =	sadd.s32 s3, s9;
	s6 =	sadd.s32 @!p0 $0x88, s6;
	s7 =	simm.s32 @p2 $0x1082  }
0x22: {  	[simem:s7], [sflag:s8] =	dma.local @!p0 [hbm:s6], $0xF7A  }
0x23: {  	s9 =	sor.u32 $0xD0000000, s2;
	s6 =	simm.s32 $0x108;
	_ =	swait.ge @!p0 [sflag:s8], $0x0  }
0x24: {  	s3 =	sadd.s32 $0x88, s3;
	s6 =	simm.s32 @!p1 $0x1082;
	[sflag:s4] =	ssyncset.s32 $0xFFFFF086  }
0x25: {  	[simem:s6], [sflag:s4] =	dma.local [hbm:s3], $0xF7A  }
0x26: {  	[smem:$0x3F9E] =	sst s1;
	(tag) =	ssettag s2;
	_ =	strace s9  }
0x27: {  	s1 =	sld [smem:$0x3FAE]  }
0x28: {  	s2 =	sld [smem:$0x3FAF]  }
0x29: {  	s4 =	sld [smem:$0x3FB1]  }
0x2a: {  	p0 =	seq.s32 s5, $0x0;
	s5 =	sld [smem:$0x3FB2]  }
0x2b: {  	s6 =	sld [smem:$0x3FB3]  }
0x2c: {  	s7 =	sld [smem:$0x3FB4]  }
0x2d: {  	s3 =	simm.s32 $0x108;
	s8 =	sld [smem:$0x3FB5]  }
0x2e: {  	s3 =	simm.s32 @!p0 $0x1082;
	s9 =	sld [smem:$0x3FB6]  }
0x2f: {  	lr =	sadd.s32 s0, s3;
	s0 =	sld [smem:$0x3FAD]  }
0x30: {  	s3 =	sld [smem:$0x3FB0]  }
0x31: {  	[smem:$0x3FB9] =	sst s10  }
0x32: {  	s10 =	sld [smem:$0x3FB7];
	_ =	sdelay $0x3  }
0x33: {  	p0 =	seq.s32 s10, $0x1;
	s10 =	sld [smem:$0x3FB9];
	_ =	sdelay $0x3  }
0x34: {  	[smem:$0x3FB9] =	sst s10  }
0x35: {  	s10 =	sld [smem:$0x3FB8];
	_ =	sdelay $0x3  }
0x36: {  	p1 =	seq.s32 s10, $0x1;
	s10 =	sld [smem:$0x3FB9];
	_ =	sdelay $0x3  }
0x37: {  	[smem:$0x3FB9] =	sst s10  }
0x38: {  	s10 =	sld [smem:$0x3FBA]  }
0x39: {  	_ = 	snop;
	(pc) =	sbr.ind lr, $3  }
0x3a: {  	_ = 	snop  }
0x3b: {  	_ = 	snop  }
0x3c: {  	p2 =	seq.s32 s10, $0x1;
	s10 =	sld [smem:$0x3FB9]  }
0x3d: {  	_ =	shalt  }
0x3e: {  	_ =	shalt  }
0x3f: {  	_ =	shalt  }
0x40: {  	_ =	shalt  }
0x41: {  	_ =	shalt  }
0x42: {  	_ =	shalt  }
0x43: {  	_ =	shalt  }
0x44: {  	_ =	shalt  }
0x45: {  	_ =	shalt  }
0x46: {  	_ =	shalt  }
0x47: {  	_ =	shalt  }
0x48: {  	_ =	shalt  }
0x49: {  	_ =	shalt  }
0x4a: {  	_ =	shalt  }
0x4b: {  	_ =	shalt  }
0x4c: {  	_ =	shalt  }
0x4d: {  	_ =	shalt  }
0x4e: {  	_ =	shalt  }
0x4f: {  	_ =	shalt  }
0x50: {  	_ =	shalt  }
0x51: {  	_ =	shalt  }
0x52: {  	_ =	shalt  }
0x53: {  	_ =	shalt  }
0x54: {  	_ =	shalt  }
0x55: {  	_ =	shalt  }
0x56: {  	_ =	shalt  }
0x57: {  	_ =	shalt  }
0x58: {  	_ =	shalt  }
0x59: {  	_ =	shalt  }
0x5a: {  	_ =	shalt  }
0x5b: {  	_ =	shalt  }
0x5c: {  	_ =	shalt  }
0x5d: {  	_ =	shalt  }
0x5e: {  	_ =	shalt  }
0x5f: {  	_ =	shalt  }
0x60: {  	_ =	shalt  }
0x61: {  	_ =	shalt  }
0x62: {  	_ =	shalt  }
0x63: {  	_ =	shalt  }
0x64: {  	_ =	shalt  }
0x65: {  	_ =	shalt  }
0x66: {  	_ =	shalt  }
0x67: {  	_ =	shalt  }
0x68: {  	_ =	shalt  }
0x69: {  	_ =	shalt  }
0x6a: {  	_ =	shalt  }
0x6b: {  	_ =	shalt  }
0x6c: {  	_ =	shalt  }
0x6d: {  	_ =	shalt  }
0x6e: {  	_ =	shalt  }
0x6f: {  	_ =	shalt  }
0x70: {  	_ =	shalt  }
0x71: {  	_ =	shalt  }
0x72: {  	_ =	shalt  }
0x73: {  	_ =	shalt  }
0x74: {  	_ =	shalt  }
0x75: {  	_ =	shalt  }
0x76: {  	_ =	shalt  }
0x77: {  	_ =	shalt  }
0x78: {  	_ =	shalt  }
0x79: {  	_ =	shalt  }
0x7a: {  	_ =	shalt  }
0x7b: {  	_ =	shalt  }
0x7c: {  	_ =	shalt  }
0x7d: {  	_ =	shalt  }
0x7e: {  	_ =	shalt  }
0x7f: {  	_ =	shalt  }
0x80: {  	_ =	shalt  }
0x81: {  	_ =	shalt  }
0x82: {  	_ =	shalt  }
0x83: {  	_ =	shalt  }
0x84: {  	_ =	shalt  }
0x85: {  	_ =	shalt  }
0x86: {  	_ =	shalt  }
0x87: {  	_ =	shalt  }
.Lfunc_end0:
.L_simem_size_0:
called_computation_lowered:
.L_overlay_start_0:
0x88: {  	s2 =	sld [smem:$0x3FD9]  }
0x89: {  	s3 =	sld [smem:$0x3FFE];
	_ =	sdelay $0x1  }
0x8a: {  	s1 =	srdreg.scid  }
0x8b: {  	s0 =	sand.u32 $0x1, s1  }
0x8c: {  	s17 =	sshll.u32 s0, $0xA;
	s2 =	sadd.s32 s3, s2  }
0x8d: {  	s2 =	sadd.s32 s2, s17  }
0x8e: {  	[smem:$0x3FC5] =	sst s2  }
0x8f: {  	_ = 	snop  }
0x90: {  	s2 =	sld [smem:$0x3FC9]  }
0x91: {  	s18 =	sld [smem:$0x3FD0];
	(tm) =	ssettm $0x1  }
0x92: {  	s4 =	sld [smem:$0x3FFB];
	_ =	sdelay $0x3  }
0x93: {  	_ =	strace s4  }
0x94: {  	s4 =	sld [smem:$0x3FFC];
	_ =	sdelay $0x3  }
0x95: {  	_ =	strace s4  }
0x96: {  	s4 =	sld [smem:$0x3FFD];
	_ =	sdelay $0x3  }
0x97: {  	_ =	strace s4  }
0x98: {  	_ =	strace $0x8FFFFFFF  }
0x99: {  	s19 =	sld [smem:$0x3FDB];
	_ =	sdelay $0x1  }
0x9a: {  	s5 =	simm.s32 $_scs_section_size  }
0x9b: {  	s6 =	simm.s32 $_size__tile_overlayer_lowered;
	s7 =	simm.s32 $_tile_overlayer_lowered  }
0x9c: {  	s22 =	simm.s32 $0x1BFF;
	s21 =	sshll.u32 s7, $0x1;
	s4 =	sadd.s32 s5, s19  }
0x9d: {  	s8 =	simm.s32 $0x0;
	s20 =	sshll.u32 s6, $0x1;
	s6 =	sadd.s32 s21, s4  }
0x9e: {  	[timem:s8], [sflag:s22] =	dma.local [hbm:s6], s20  }
0x9f: {  	_ =	swait.ge [sflag:s22], s20  }
0xa0: {  	s5 =	ssub.s32 $0x0, s20;
	[sflag:s22] =	ssyncset.done $0x0  }
0xa1: {  	[sflag:s22] =	ssyncadd.s32 s5;
	_ =	sdelay $0x1  }
0xa2: {  	s23 =	simm.s32 $0x1B8B  }
0xa3: {  	_ =	swait.ge [sflag:s23], $0x1  }
0xa4: {  	[sflag:s23] =	ssyncset.done $0x0  }
0xa5: {  	s25 =	simm.s32 $0x1B8E;
	s24 =	sld [smem:$0x3FFE];
	[sflag:s23] =	ssyncadd.s32 $0xFFFFFFFF  }
0xa6: {  	s26 =	simm.s32 $execute0_lowered;
	[smem:$0x3FD2] =	sst s25  }
0xa7: {  	s6 =	sshll.u32 s26, $0x1;
	_ =	strace $0x80000046;
	[dreg:$0x1] =	wrdreg $0xFFFFFFFF  }
0xa8: {  	s28 =	simm.s32 $_size_execute0_lowered;
	s4 =	sadd.s32 s4, s6;
	[dreg:$0x0] =	wrdreg $0x0  }
0xa9: {  	s6 =	sshll.u32 s28, $0x1;
	[dreg:$0x2] =	wrdreg s4  }
0xaa: {  	[dreg:$0x3] =	wrdreg s6  }
0xab: {  	[dreg:$0x4] =	wrdreg $0xC0  }
0xac: {  	_ =	task [dreg:s8], $0x5FFFF  }
0xad: {  	[dreg:$0x1] =	wrdreg $0xFFFFFFFF  }
0xae: {  	[dreg:$0x0] =	wrdreg $0x60  }
0xaf: {  	[dreg:$0x2] =	wrdreg s2  }
0xb0: {  	[dreg:$0x3] =	wrdreg s24  }
0xb1: {  	[dreg:$0x4] =	wrdreg s18  }
0xb2: {  	[dreg:$0x5] =	wrdreg $0x9  }
0xb3: {  	_ =	task.clear_ibuf [dreg:s8], $0x6FFFF;
	_ =	strace $0x90000046  }
0xb4: {  	s29 =	simm.s32 $0x9;
	_ =	strace $0x80000048  }
0xb5: {  	_ =	swait.ge [sflag:s29], $0x1  }
0xb6: {  	[sflag:s29] =	ssyncadd.s32 $0xFFFFFFFF  }
0xb7: {  	_ =	strace $0x90000048  }
0xb8: {  	_ =	sfence  }
0xb9: {  	s30 =	sld [smem:$0x0];
	_ =	sdelay $0x2  }
0xba: {  	s31 =	sshll.u32 s1, $0xD;
	s1 =	sshrl.u32 s1, $0x2  }
0xbb: {  	s3 =	sand.u32 $0x4000, s31;
	s1 =	sadd.s32 s1, s30  }
0xbc: {  	s0 =	sor.u32 s3, s0;
	s1 =	sshll.u32 s1, $0x11  }
0xbd: {  	s0 =	sor.u32 s1, s0  }
0xbe: {  	s0 =	sadd.s32 $0x8F2B, s0  }
0xbf: {  	[sflag:s0] =	ssyncadd.remote.s32 $0x1  }
0xc0: {  	_ =	sfence.sel $0xFFFF  }
0xc1: {  	[dreg:$0x0] =	wrdreg $0xFFFFFFFF;
	(pc) =	sbr.abs _section_cstart, $3  }
0xc2: {  	[dreg:$0x1] =	wrdreg $0xFFFFFFFF  }
0xc3: {  	_ =	task.clear_ibuf [dreg:s8], $0x2FFFF;
	_ =	strace $0x9FFFFFFF  }
0xc4: {  	(tm) =	ssettm $0x7FFFFFFF  }
0xc5: {  	_ =	shalt  }
tec
execute0_lowered:
.L_overlay_start_1:
0x0: {  	(tag) =	ssettag $0x1  }
0x1: {  	s0 =	rddreg [dreg:$0x0];
	v0 =	vlaneseq.u32  }
0x2: {  	s3 =	rddreg [dreg:$0x1];
	s2 =	simm.s32 $0x0;
	v52 =	vmul.u32 $0x88, v0  }
0x3: {  	[smem:$0x7FF] =	sst s2  }
0x4: {  	s1 =	rddreg [dreg:$0x2];
	_ =	strace $0x80000047;
	v2 =	vadd.s32 $0x1986, v52;
	[tilespmem:$0x1FDE0] =	vst v52  }
0x5: {  	v51 =	vadd.s32 $0x880, v52;
	[tilespmem:$0x1FD90] =	vst v2  }
0x6: {  	v55 =	vadd.s32 $0x1100, v52;
	[tilespmem:$0x1FDF0] =	vst v51  }
0x7: {  	v8 =	vadd.s32 $0x1980, v52;
	[tilespmem:$0x1FE00] =	vst v55  }
0x8: {  	v34 =	vor.u32 $0x1, v52;
	[tilespmem:$0x1FE10] =	vst v8  }
0x9: {  	v36 =	vadd.s32 $0x881, v52;
	[tilespmem:$0x1FE20] =	vst v34  }
0xa: {  	v59 =	vadd.s32 $0x1101, v52;
	[tilespmem:$0x1FE30] =	vst v36  }
0xb: {  	v60 =	vadd.s32 $0x1981, v52;
	[tilespmem:$0x1FE40] =	vst v59  }
0xc: {  	v38 =	vor.u32 $0x2, v52;
	[tilespmem:$0x1FE50] =	vst v60  }
0xd: {  	v39 =	vadd.s32 $0x882, v52;
	[tilespmem:$0x1FE60] =	vst v38  }
0xe: {  	v31 =	vadd.s32 $0x1102, v52;
	[tilespmem:$0x1FE70] =	vst v39  }
0xf: {  	v32 =	vadd.s32 $0x1982, v52;
	[tilespmem:$0x1FE80] =	vst v31  }
0x10: {  	v49 =	vor.u32 $0x3, v52;
	[tilespmem:$0x1FE90] =	vst v32  }
0x11: {  	v50 =	vadd.s32 $0x883, v52;
	[tilespmem:$0x1FEA0] =	vst v49  }
0x12: {  	v63 =	vadd.s32 $0x1103, v52;
	[tilespmem:$0x1FEB0] =	vst v50  }
0x13: {  	v11 =	vadd.s32 $0x1983, v52;
	[tilespmem:$0x1FEC0] =	vst v63  }
0x14: {  	v53 =	vor.u32 $0x4, v52;
	[tilespmem:$0x1FED0] =	vst v11  }
0x15: {  	v54 =	vadd.s32 $0x884, v52;
	[tilespmem:$0x1FEE0] =	vst v53  }
0x16: {  	v35 =	vadd.s32 $0x1104, v52;
	[tilespmem:$0x1FEF0] =	vst v54  }
0x17: {  	v10 =	vadd.s32 $0x1984, v52;
	[tilespmem:$0x1FF00] =	vst v35  }
0x18: {  	v57 =	vor.u32 $0x5, v52;
	[tilespmem:$0x1FF10] =	vst v10  }
0x19: {  	v58 =	vadd.s32 $0x885, v52;
	[tilespmem:$0x1FF20] =	vst v57  }
0x1a: {  	v56 =	vadd.s32 $0x1105, v52;
	[tilespmem:$0x1FF30] =	vst v58  }
0x1b: {  	v9 =	vadd.s32 $0x1985, v52;
	[tilespmem:$0x1FF40] =	vst v56  }
0x1c: {  	v61 =	vor.u32 $0x6, v52;
	[tilespmem:$0x1FF50] =	vst v9  }
0x1d: {  	v62 =	vadd.s32 $0x886, v52;
	[tilespmem:$0x1FF60] =	vst v61  }
0x1e: {  	v47 =	vadd.s32 $0x1106, v52;
	[tilespmem:$0x1FF70] =	vst v62  }
0x1f: {  	v0 =	vor.u32 $0x7, v52;
	[tilespmem:$0x1FF80] =	vst v47  }
0x20: {  	v3 =	vadd.s32 $0x3300, v52;
	[tilespmem:$0x1FF90] =	vst v0  }
0x21: {  	s4 =	srdreg.scid;
	s5 =	stileid.u32;
	v4 =	vadd.s32 $0x3B80, v52;
	[tilespmem:$0x1FFB0] =	vst v3  }
0x22: {  	s12 =	simm.s32 $0x9;
	s13 =	simm.s32 $0x80;
	s18 =	simm.s32 $0x180;
	v5 =	vadd.s32 $0x2201, v52;
	[tilespmem:$0x1FFC0] =	vst v4  }
0x23: {  	s19 =	simm.s32 $0xC400;
	s20 =	simm.s32 $0xA;
	s21 =	simm.s32 $0x1;
	v6 =	vadd.s32 $0x2A81, v52;
	[tilespmem:$0x1FFD0] =	vst v5  }
0x24: {  	s22 =	simm.s32 $0xE400;
	s23 =	simm.s32 $0x2;
	s24 =	simm.s32 $0x3;
	v7 =	vadd.s32 $0x3301, v52;
	[tilespmem:$0x1FFE0] =	vst v6  }
0x25: {  	s28 =	simm.s32 $0x6;
	s29 =	simm.s32 $0x7;
	s4 =	sand.u32 $0x1, s4;
	v2 =	vadd.s32 $0x887, v52;
	[tilespmem:$0x1FFF0] =	vst v7  }
0x26: {  	s30 =	simm.s32 $0x8;
	s5 =	sshll.u32 s5, $0xB;
	s6 =	sshll.u32 s4, $0xA;
	[tilespmem:$0x1FDA0] =	vst v2;
	v2 =	vadd.s32 $0x1107, v52  }
0x27: {  	s31 =	simm.s32 $0x0;
	s7 =	ssub.s32 $0x2, s4;
	s5 =	sor.u32 s6, s5;
	[tilespmem:$0x1FDB0] =	vst v2;
	v2 =	vadd.s32 $0x1987, v52  }
0x28: {  	s4 =	sadd.s32 $0xC00, s3;
	s8 =	sshrl.u32 s7, $0x1;
	s26 =	sshrl.u32 s5, $0x3;
	[tilespmem:$0x1FDC0] =	vst v2;
	v2 =	vadd.s32 $0x2200, v52  }
0x29: {  	v1 =	vimm.s32 $0x0;
	vm0 =	vcmask $0x300;
	s6 =	sadd.s32 $0x400, s3;
	s25 =	ssub.s32 s7, s8;
	s7 =	sadd.s32 s0, s26;
	[tilespmem:$0x1FDD0] =	vst v2;
	v2 =	vadd.s32 $0x2A80, v52  }
0x2a: {  	v1 =	vsel vm0, $0x3, v1;
	s8 =	smax.u32 s25, $0x1;
	s25 =	simm.s32 $0x4;
	s26 =	simm.s32 $0x5;
	[tilespmem:$0x1FFA0] =	vst v2  }
.LBB2_1:
0x2b: {  	s0 =	simm.s32 $0x400;
	s3 =	simm.s32 $0x8000  }
0x2c: {  	[tilespmem:s2], [sflag:$0x9] =	stream.strided.gather [hbm4b:s7+s0], $0x6400, s3, s0, $0x38;
	[tilespmem:$0x19E00] =	vst v63  }
0x2d: {  	s11 =	simm.s32 $0x16C00  }
0x2e: {  	[tilespmem:s11], [sflag:$0xA] =	stream.linear.gather [hbm4b:s6+s2], $0x3200, $0x38;
	[tilespmem:$0x19E00] =	vst v63  }
0x2f: {  	_ =	swait.ge [sflag:s12], $0x6400  }
0x30: {  	[sflag:s12] =	ssyncset.done $0x0  }
0x31: {  	s14 =	simm.s32 $0x6400;
	[sflag:s12] =	ssyncadd.s32 $0xFFFF9C00  }
0x32: {  	[tilespmem:s14], [sflag:$0x1] =	stream.indirect.gather [hbm4b:s4+s13], $0x40, s2, s13, $0xb8;
	[tilespmem:$0x19E00] =	vst v63  }
0x33: {  	s15 =	simm.s32 $0x8400  }
0x34: {  	[tilespmem:s15], [sflag:$0x2] =	stream.indirect.gather [hbm4b:s4+s13], $0x40, s13, s13, $0xb8;
	[tilespmem:$0x19E00] =	vst v63  }
0x35: {  	s16 =	simm.s32 $0x100;
	s17 =	simm.s32 $0xA400  }
0x36: {  	[tilespmem:s17], [sflag:$0x3] =	stream.indirect.gather [hbm4b:s4+s13], $0x40, s16, s13, $0xb8;
	[tilespmem:$0x19E00] =	vst v63  }
0x37: {  	_ = 	snop  }
0x38: {  	[tilespmem:s19], [sflag:$0x4] =	stream.indirect.gather [hbm4b:s4+s13], $0x40, s18, s13, $0xb8;
	[tilespmem:$0x19E00] =	vst v63  }
0x39: {  	_ =	swait.ge [sflag:s20], $0x3200  }
0x3a: {  	[sflag:s20] =	ssyncset.done $0x0  }
0x3b: {  	s0 =	simm.s32 $0x0;
	[sflag:s20] =	ssyncadd.s32 $0xFFFFCE00  }
.LBB2_2:
0x3c: {  	s3 =	simm.s32 $0x0;
	s17 =	simm.s32 $0x1  }
0x3d: {  	s9 =	simm.s32 $0x2;
	s10 =	simm.s32 $0x3;
	s11 =	simm.s32 $0x5;
	v2 =	vmov s3;
	v3 =	vmov s17  }
0x3e: {  	s14 =	simm.s32 $0x6;
	s15 =	simm.s32 $0x7;
	s16 =	simm.s32 $0x8;
	v4 =	vmov s9;
	v5 =	vmov s10;
	v7 =	vmov s11  }
0x3f: {  	_ =	swait.ge [sflag:s21], $0x2000;
	s10 =	simm.s32 $0x4;
	v8 =	vmov s14;
	s17 =	simm.s32 $0x9;
	v9 =	vmov s15;
	v10 =	vmov s16  }
0x40: {  	s11 =	simm.s32 $0xA;
	s14 =	simm.s32 $0xB;
	s15 =	simm.s32 $0xC;
	v2 =	vshrl.u32 v2, $0x3;
	v6 =	vmov s10;
	v11 =	vmov s17  }
0x41: {  	p1 =	seq.s32 s0, $0x0;
	s16 =	simm.s32 $0xD;
	[sflag:s21] =	ssyncset.done $0x0;
	v12 =	vmov s11;
	v13 =	vmov s14;
	v14 =	vmov s15  }
0x42: {  	s3 =	simm.s32 @!p1 $0x5;
	v15 =	vmov s16;
	[sflag:s21] =	ssyncadd.s32 $0xFFFFE000;
	v3 =	vshrl.u32 v3, $0x3;
	v4 =	vshrl.u32 v4, $0x3  }
0x43: {  	s17 =	simm.s32 $0xE;
	v5 =	vshrl.u32 v5, $0x3;
	v7 =	vshrl.u32 v7, $0x3;
	v8 =	vshrl.u32 v8, $0x3;
	_ =	swait.ge @!p1 [sflag:s3], $0x2000  }
0x44: {  	s10 =	sshll.u32 s0, $0x8;
	v9 =	vshrl.u32 v9, $0x3;
	s14 =	simm.s32 $0xF;
	v16 =	vmov s17;
	v2 =	vshll.u32 v2, v1;
	[sflag:s3] =	ssyncset.done @!p1 $0x0  }
0x45: {  	v6 =	vshrl.u32 v6, $0x3;
	s11 =	sand.u32 $0x3FFFFF00, s10;
	v17 =	vshrl.u32 v15, $0x3;
	v15 =	vmov s14;
	[sflag:s3] =	ssyncadd.s32 @!p1 $0xFFFFE000  }
0x46: {  	v12 =	vshrl.u32 v12, $0x3;
	v13 =	vshrl.u32 v13, $0x3;
	v15 =	vshrl.u32 v15, $0x3;
	v43 =	vld [tilespmem:s11+$0x16C00]  }
0x47: {  	v14 =	vshrl.u32 v14, $0x3;
	v3 =	vshll.u32 v3, v1;
	s3 =	simm.s32 $0x6600;
	v15 =	vshll.u32 v15, v1;
	v42 =	vld [tilespmem:s11+$0x16C10]  }
0x48: {  	v4 =	vshll.u32 v4, v1;
	v19 =	vshll.u32 v9, v1;
	v9 =	vld [tilespmem:s3+$0x1C0];
	v20 =	vbroadcast v15, $0x0  }
0x49: {  	v5 =	vshll.u32 v5, v1;
	v7 =	vshll.u32 v7, v1;
	v2 =	vbroadcast v2, $0x0;
	v21 =	vld [tilespmem:s3+$0xFFFFFE00]  }
0x4a: {  	v23 =	vshll.u32 v13, v1;
	v13 =	vld [tilespmem:s3+$0xFFFFFE40];
	v15 =	vbroadcast v3, $0x0;
	v24 =	vadd.s32 v0, v20  }
0x4b: {  	v18 =	vshrl.u32 v16, $0x3;
	v16 =	vbroadcast v4, $0x0;
	v25 =	vadd.s32 v52, v2;
	v26 =	vld [tilespmem:s3+$0xFFFFFE80]  }
0x4c: {  	v8 =	vshll.u32 v8, v1;
	v41 =	vld [tilespmem:s11+$0x16C20];
	v3 =	vshll.u32 v14, v1;
	v4 =	vadd.s32 v34, v15  }
0x4d: {  	v40 =	vld [tilespmem:s11+$0x16C30];
	v14 =	vbroadcast v5, $0x0;
	v5 =	vadd.s32 v38, v16;
	v29 =	vadd.f32 v9, v43  }
0x4e: {  	v6 =	vshll.u32 v6, v1;
	v22 =	vshll.u32 v12, v1;
	v27 =	vld [tilespmem:s3+$0xFFFFFEC0];
	v21 =	vadd.f32 v21, v43  }
0x4f: {  	v12 =	vbroadcast v6, $0x0;
	v28 =	vld [tilespmem:s3+$0xFFFFFF00];
	v9 =	vbroadcast v7, $0x0;
	v7 =	vadd.f32 v13, v43;
	[tilespmem:v24+s22+$0x0] =	vst.idx.msk $0xffff, v29  }
0x50: {  	v6 =	vbroadcast v8, $0x0;
	v44 =	vld [tilespmem:s3+$0xFFFFFF40];
	v30 =	vadd.s32 v49, v14;
	v8 =	vadd.f32 v26, v43;
	[tilespmem:v25+s22+$0x0] =	vst.idx.msk $0xffff, v21  }
0x51: {  	v10 =	vshrl.u32 v10, $0x3;
	v46 =	vld [tilespmem:s3+$0xFFFFFF80];
	v45 =	vadd.s32 v53, v12;
	[tilespmem:v4+s22+$0x0] =	vst.idx.msk $0xffff, v7  }
0x52: {  	v11 =	vshrl.u32 v11, $0x3;
	v10 =	vshll.u32 v10, v1;
	v48 =	vld [tilespmem:s3+$0xFFFFFFC0];
	v21 =	vadd.s32 v57, v9;
	[tilespmem:v5+s22+$0x0] =	vst.idx.msk $0xffff, v8  }
0x53: {  	v37 =	vadd.s32 v61, v6;
	v13 =	vbroadcast v19, $0x0;
	v4 =	vadd.f32 v27, v43;
	v33 =	vld [tilespmem:$0x1FDA0]  }
0x54: {  	v11 =	vshll.u32 v11, v1;
	v10 =	vbroadcast v10, $0x0;
	v5 =	vadd.f32 v28, v43;
	v8 =	vld [tilespmem:s3+$0x0]  }
0x55: {  	v11 =	vbroadcast v11, $0x0;
	v27 =	vadd.s32 v0, v13;
	v28 =	vld [tilespmem:s3+$0x40];
	[tilespmem:v30+s22+$0x0] =	vst.idx.msk $0xffff, v4;
	v4 =	vadd.f32 v44, v43  }
0x56: {  	v29 =	vadd.s32 v52, v10;
	v24 =	vld [tilespmem:s3+$0x1D0];
	[tilespmem:v45+s22+$0x0] =	vst.idx.msk $0xffff, v5;
	v5 =	vadd.f32 v46, v43  }
0x57: {  	[tilespmem:v21+s22+$0x0] =	vst.idx.msk $0xffff, v4;
	v21 =	vadd.s32 v34, v11  }
0x58: {  	[tilespmem:v37+s22+$0x0] =	vst.idx.msk $0xffff, v5;
	v37 =	vadd.f32 v48, v43;
	v19 =	vadd.s32 v33, v20  }
0x59: {  	v17 =	vshll.u32 v17, v1;
	v8 =	vadd.f32 v8, v43  }
0x5a: {  	v26 =	vld [tilespmem:s3+$0x100];
	v5 =	vbroadcast v3, $0x0;
	v3 =	vbroadcast v17, $0x0;
	v17 =	vadd.f32 v28, v43;
	[tilespmem:v27+s22+$0x0] =	vst.idx.msk $0xffff, v37  }
0x5b: {  	v7 =	vbroadcast v22, $0x0;
	v22 =	vld [tilespmem:s3+$0xC0];
	v4 =	vbroadcast v23, $0x0;
	v23 =	vadd.f32 v24, v42;
	[tilespmem:v29+s22+$0x0] =	vst.idx.msk $0xffff, v8  }
0x5c: {  	v30 =	vld [tilespmem:s3+$0x80];
	[tilespmem:v21+s22+$0x0] =	vst.idx.msk $0xffff, v17  }
0x5d: {  	v48 =	vld [tilespmem:s3+$0x140];
	[tilespmem:v19+s22+$0x0] =	vst.idx.msk $0xffff, v23  }
0x5e: {  	v44 =	vadd.s32 v49, v4;
	v37 =	vld [tilespmem:$0x1FDB0]  }
0x5f: {  	v18 =	vshll.u32 v18, v1;
	v25 =	vadd.s32 v38, v7  }
0x60: {  	v27 =	vadd.s32 v57, v3;
	v8 =	vbroadcast v18, $0x0;
	v18 =	vld [tilespmem:s3+$0xFFFFFE50]  }
0x61: {  	v17 =	vadd.f32 v22, v43;
	v19 =	vadd.s32 v53, v5;
	v23 =	vld [tilespmem:s3+$0x1E0]  }
0x62: {  	v28 =	vld [tilespmem:s3+$0x180];
	v24 =	vadd.f32 v26, v43;
	v26 =	vadd.s32 v36, v15;
	v46 =	vadd.f32 v30, v43  }
0x63: {  	v22 =	vld [tilespmem:s3+$0xFFFFFE90];
	[tilespmem:v44+s22+$0x0] =	vst.idx.msk $0xffff, v17;
	v17 =	vadd.f32 v48, v43;
	v21 =	vadd.s32 v37, v20  }
0x64: {  	[tilespmem:v25+s22+$0x0] =	vst.idx.msk $0xffff, v46;
	v25 =	vadd.s32 v61, v8  }
0x65: {  	v30 =	vadd.s32 v39, v16;
	v18 =	vadd.f32 v18, v42;
	[tilespmem:v27+s22+$0x0] =	vst.idx.msk $0xffff, v17  }
0x66: {  	v48 =	vld [tilespmem:s3+$0xFFFFFF10];
	[tilespmem:v19+s22+$0x0] =	vst.idx.msk $0xffff, v24;
	v19 =	vadd.f32 v23, v41  }
0x67: {  	v29 =	vld [tilespmem:s3+$0xFFFFFED0];
	v17 =	vadd.f32 v28, v43;
	[tilespmem:v26+s22+$0x0] =	vst.idx.msk $0xffff, v18  }
0x68: {  	[tilespmem:v21+s22+$0x0] =	vst.idx.msk $0xffff, v19;
	v19 =	vadd.f32 v22, v42  }
0x69: {  	v45 =	vld [tilespmem:s3+$0xFFFFFF50];
	v23 =	vadd.s32 v50, v14;
	[tilespmem:v25+s22+$0x0] =	vst.idx.msk $0xffff, v17  }
0x6a: {  	v46 =	vadd.s32 v54, v12;
	v28 =	vld [tilespmem:s3+$0xFFFFFF90];
	[tilespmem:v30+s22+$0x0] =	vst.idx.msk $0xffff, v19  }
0x6b: {  	v19 =	vadd.f32 v48, v42;
	v48 =	vld [tilespmem:$0x1FDC0]  }
0x6c: {  	v18 =	vadd.f32 v29, v42;
	v25 =	vld [tilespmem:s3+$0xFFFFFFD0];
	v22 =	vadd.s32 v62, v6  }
0x6d: {  	v26 =	vld [tilespmem:s3+$0x10];
	v21 =	vadd.s32 v58, v9  }
0x6e: {  	v17 =	vld [tilespmem:s3+$0x1F0];
	[tilespmem:v23+s22+$0x0] =	vst.idx.msk $0xffff, v18;
	v23 =	vadd.s32 v33, v13  }
0x6f: {  	[tilespmem:v46+s22+$0x0] =	vst.idx.msk $0xffff, v19;
	v19 =	vadd.f32 v28, v42;
	v46 =	vadd.s32 v51, v10  }
0x70: {  	v18 =	vadd.f32 v45, v42;
	v45 =	vld [tilespmem:s3+$0x50];
	v20 =	vadd.s32 v48, v20  }
0x71: {  	v44 =	vld [tilespmem:s3+$0x110];
	[tilespmem:v22+s22+$0x0] =	vst.idx.msk $0xffff, v19;
	v19 =	vadd.f32 v25, v42  }
0x72: {  	v26 =	vadd.f32 v26, v42;
	v28 =	vld [tilespmem:s3+$0x90];
	[tilespmem:v21+s22+$0x0] =	vst.idx.msk $0xffff, v18;
	v18 =	vadd.s32 v36, v11  }
0x73: {  	v21 =	vld [tilespmem:s3+$0xD0];
	v17 =	vadd.f32 v17, v40;
	[tilespmem:v23+s22+$0x0] =	vst.idx.msk $0xffff, v19  }
0x74: {  	v30 =	vld [tilespmem:s3+$0x150];
	v22 =	vadd.s32 v39, v7;
	[tilespmem:v46+s22+$0x0] =	vst.idx.msk $0xffff, v26  }
0x75: {  	v29 =	vadd.s32 v50, v4;
	v23 =	vld [tilespmem:s3+$0xFFFFFE10];
	[tilespmem:v20+s22+$0x0] =	vst.idx.msk $0xffff, v17;
	v17 =	vadd.f32 v45, v42  }
0x76: {  	v19 =	vadd.s32 v54, v5;
	v20 =	vld [tilespmem:s3+$0x190];
	[tilespmem:$0x1FD70] =	vst v3  }
0x77: {  	v26 =	vadd.s32 v58, v3;
	v45 =	vadd.f32 v28, v42;
	[tilespmem:v18+s22+$0x0] =	vst.idx.msk $0xffff, v17  }
0x78: {  	v46 =	vld [tilespmem:s3+$0xFFFFFE60];
	v17 =	vadd.f32 v21, v42;
	v18 =	vadd.s32 v62, v8;
	[tilespmem:$0x1FD80] =	vst v2  }
0x79: {  	v44 =	vadd.f32 v44, v42;
	v21 =	vadd.s32 v51, v2;
	v28 =	vld [tilespmem:s3+$0xFFFFFEA0];
	[tilespmem:v22+s22+$0x0] =	vst.idx.msk $0xffff, v45  }
0x7a: {  	v24 =	vadd.s32 v59, v15;
	v25 =	vld [tilespmem:s3+$0xFFFFFEE0];
	[tilespmem:v29+s22+$0x0] =	vst.idx.msk $0xffff, v17;
	v17 =	vadd.f32 v30, v42  }
0x7b: {  	v29 =	vadd.s32 v31, v16;
	v30 =	vld [tilespmem:s3+$0xFFFFFF20];
	[tilespmem:v19+s22+$0x0] =	vst.idx.msk $0xffff, v44;
	v19 =	vadd.f32 v20, v42  }
0x7c: {  	v22 =	vadd.s32 v63, v14;
	v45 =	vld [tilespmem:s3+$0xFFFFFF60];
	v20 =	vadd.f32 v23, v42;
	[tilespmem:v26+s22+$0x0] =	vst.idx.msk $0xffff, v17  }
0x7d: {  	v44 =	vld [tilespmem:s3+$0xFFFFFFA0];
	v17 =	vadd.f32 v46, v41;
	v46 =	vadd.s32 v35, v12;
	[tilespmem:v18+s22+$0x0] =	vst.idx.msk $0xffff, v19  }
0x7e: {  	[tilespmem:v21+s22+$0x0] =	vst.idx.msk $0xffff, v20;
	v19 =	vadd.s32 v56, v9;
	v20 =	vld [tilespmem:s3+$0xFFFFFFE0];
	v18 =	vadd.f32 v28, v41  }
0x7f: {  	v21 =	vadd.s32 v47, v6;
	[tilespmem:v24+s22+$0x0] =	vst.idx.msk $0xffff, v17;
	v17 =	vadd.f32 v25, v41  }
0x80: {  	v24 =	vld [tilespmem:s3+$0x20];
	v25 =	vadd.s32 v37, v13;
	[tilespmem:v29+s22+$0x0] =	vst.idx.msk $0xffff, v18;
	v18 =	vadd.f32 v30, v41  }
0x81: {  	v28 =	vld [tilespmem:s3+$0x60];
	[tilespmem:v22+s22+$0x0] =	vst.idx.msk $0xffff, v17;
	v17 =	vadd.f32 v45, v41  }
0x82: {  	v22 =	vadd.s32 v55, v10;
	v45 =	vld [tilespmem:s3+$0xA0];
	[tilespmem:v46+s22+$0x0] =	vst.idx.msk $0xffff, v18;
	v18 =	vadd.f32 v44, v41  }
0x83: {  	v46 =	vadd.s32 v59, v11;
	v44 =	vld [tilespmem:s3+$0xE0];
	[tilespmem:v19+s22+$0x0] =	vst.idx.msk $0xffff, v17;
	v17 =	vadd.f32 v20, v41  }
0x84: {  	v19 =	vld [tilespmem:s3+$0x120];
	[tilespmem:v21+s22+$0x0] =	vst.idx.msk $0xffff, v18;
	v21 =	vadd.s32 v31, v7  }
0x85: {  	v20 =	vld [tilespmem:s3+$0x160];
	v18 =	vadd.f32 v24, v41;
	[tilespmem:v25+s22+$0x0] =	vst.idx.msk $0xffff, v17;
	v25 =	vadd.s32 v63, v4  }
0x86: {  	v17 =	vadd.f32 v28, v41;
	v24 =	vld [tilespmem:s3+$0x1A0];
	v28 =	vadd.s32 v35, v5  }
0x87: {  	v23 =	vld [tilespmem:s3+$0xFFFFFE70];
	[tilespmem:v22+s22+$0x0] =	vst.idx.msk $0xffff, v18;
	v18 =	vadd.f32 v45, v41;
	v22 =	vadd.s32 v56, v3  }
0x88: {  	v26 =	vadd.s32 v47, v8;
	v29 =	vld [tilespmem:s3+$0xFFFFFE20];
	[tilespmem:v46+s22+$0x0] =	vst.idx.msk $0xffff, v17;
	v17 =	vadd.f32 v44, v41  }
0x89: {  	v3 =	vld [tilespmem:s3+$0xFFFFFEB0];
	v19 =	vadd.f32 v19, v41;
	[tilespmem:v21+s22+$0x0] =	vst.idx.msk $0xffff, v18  }
0x8a: {  	v44 =	vld [tilespmem:s3+$0xFFFFFEF0];
	v20 =	vadd.f32 v20, v41;
	[tilespmem:v25+s22+$0x0] =	vst.idx.msk $0xffff, v17  }
0x8b: {  	v24 =	vadd.f32 v24, v41;
	v30 =	vld [tilespmem:$0x1FED0];
	[tilespmem:v28+s22+$0x0] =	vst.idx.msk $0xffff, v19  }
0x8c: {  	v46 =	vadd.s32 v55, v2;
	v2 =	vld [tilespmem:$0x1FF10];
	[tilespmem:v22+s22+$0x0] =	vst.idx.msk $0xffff, v20  }
0x8d: {  	s15 =	simm.s32 $0x10;
	v15 =	vadd.s32 v60, v15;
	v27 =	vld [tilespmem:$0x1FF50];
	[tilespmem:v26+s22+$0x0] =	vst.idx.msk $0xffff, v24  }
0x8e: {  	v18 =	vmov s15;
	v45 =	vld [tilespmem:$0x1FD90]  }
0x8f: {  	v16 =	vadd.s32 v32, v16;
	v21 =	vld [tilespmem:s3+$0xFFFFFF30];
	v17 =	vshrl.u32 v18, $0x3;
	v18 =	vadd.f32 v29, v41  }
0x90: {  	v23 =	vadd.f32 v23, v40;
	v25 =	vld [tilespmem:s3+$0xFFFFFF70];
	v14 =	vadd.s32 v30, v14  }
0x91: {  	v28 =	vld [tilespmem:s3+$0xFFFFFFB0];
	[tilespmem:v46+s22+$0x0] =	vst.idx.msk $0xffff, v18;
	v12 =	vadd.s32 v2, v12  }
0x92: {  	v22 =	vadd.f32 v3, v40;
	[tilespmem:v15+s22+$0x0] =	vst.idx.msk $0xffff, v23;
	v9 =	vadd.s32 v27, v9  }
0x93: {  	v26 =	vadd.f32 v44, v40;
	v46 =	vld [tilespmem:$0x1FE10];
	v6 =	vadd.s32 v45, v6  }
0x94: {  	v21 =	vadd.f32 v21, v40;
	[tilespmem:v16+s22+$0x0] =	vst.idx.msk $0xffff, v22  }
0x95: {  	v29 =	vld [tilespmem:s3+$0xFFFFFFF0];
	v15 =	vadd.f32 v25, v40;
	[tilespmem:v14+s22+$0x0] =	vst.idx.msk $0xffff, v26  }
0x96: {  	v44 =	vld [tilespmem:s3+$0x30];
	v16 =	vadd.f32 v28, v40;
	[tilespmem:v12+s22+$0x0] =	vst.idx.msk $0xffff, v21  }
0x97: {  	v13 =	vadd.s32 v48, v13;
	[tilespmem:v9+s22+$0x0] =	vst.idx.msk $0xffff, v15  }
0x98: {  	v3 =	vld [tilespmem:s3+$0x70];
	v10 =	vadd.s32 v46, v10;
	[tilespmem:v6+s22+$0x0] =	vst.idx.msk $0xffff, v16  }
0x99: {  	v5 =	vadd.s32 v2, v5;
	v2 =	vld [tilespmem:$0x1FD70]  }
0x9a: {  	s16 =	simm.s32 $0x11;
	s17 =	simm.s32 $0x12;
	v11 =	vadd.s32 v60, v11;
	v7 =	vadd.s32 v32, v7;
	v25 =	vld [tilespmem:s3+$0xB0];
	v14 =	vadd.f32 v29, v40  }
0x9b: {  	s10 =	simm.s32 $0x13;
	s11 =	simm.s32 $0x14;
	v19 =	vmov s16;
	v20 =	vmov s17;
	v28 =	vld [tilespmem:s3+$0xF0];
	v21 =	vadd.f32 v44, v40  }
0x9c: {  	s14 =	simm.s32 $0x15;
	s15 =	simm.s32 $0x16;
	v24 =	vmov s10;
	v18 =	vmov s11;
	v4 =	vadd.s32 v30, v4;
	v30 =	vld [tilespmem:s3+$0x170];
	[tilespmem:v13+s22+$0x0] =	vst.idx.msk $0xffff, v14  }
0x9d: {  	v17 =	vshll.u32 v17, v1;
	v23 =	vmov s14;
	v22 =	vmov s15;
	v29 =	vld [tilespmem:s3+$0x130];
	[tilespmem:v10+s22+$0x0] =	vst.idx.msk $0xffff, v21  }
0x9e: {  	s17 =	simm.s32 $0x18;
	s15 =	simm.s32 $0x1C;
	v8 =	vadd.s32 v45, v8;
	v9 =	vadd.f32 v3, v40;
	v3 =	vadd.s32 v27, v2;
	v2 =	vld [tilespmem:$0x1FD80]  }
0x9f: {  	s16 =	simm.s32 $0x17;
	s10 =	simm.s32 $0x19;
	v45 =	vmov s15;
	v25 =	vadd.f32 v25, v40;
	v12 =	vmov s17;
	v15 =	vld [tilespmem:s3+$0x1B0]  }
0xa0: {  	s11 =	simm.s32 $0x1A;
	v26 =	vmov s16;
	s16 =	simm.s32 $0x1D;
	v44 =	vmov s10;
	v12 =	vshrl.u32 v12, $0x3;
	v16 =	vld [tilespmem:s3+$0xFFFFFE30]  }
0xa1: {  	s17 =	simm.s32 $0x1E;
	v6 =	vmov s11;
	v13 =	vadd.f32 v28, v40;
	v28 =	vmov s16  }
0xa2: {  	s14 =	simm.s32 $0x1B;
	v10 =	vshrl.u32 v24, $0x3;
	v14 =	vadd.f32 v29, v40;
	v29 =	vmov s17;
	[tilespmem:v11+s22+$0x0] =	vst.idx.msk $0xffff, v9  }
0xa3: {  	v27 =	vmov s14;
	v11 =	vadd.f32 v30, v40;
	[tilespmem:v7+s22+$0x0] =	vst.idx.msk $0xffff, v25;
	v2 =	vadd.s32 v46, v2  }
0xa4: {  	v9 =	vshrl.u32 v19, $0x3;
	v7 =	vadd.f32 v15, v40;
	[tilespmem:v4+s22+$0x0] =	vst.idx.msk $0xffff, v13;
	v15 =	vshrl.u32 v20, $0x3  }
0xa5: {  	v4 =	vadd.f32 v16, v40;
	[tilespmem:v5+s22+$0x0] =	vst.idx.msk $0xffff, v14;
	v16 =	vshrl.u32 v18, $0x3;
	v13 =	vshrl.u32 v23, $0x3  }
0xa6: {  	v14 =	vshrl.u32 v22, $0x3;
	v5 =	vshrl.u32 v29, $0x3;
	[tilespmem:v8+s22+$0x0] =	vst.idx.msk $0xffff, v7;
	v7 =	vshrl.u32 v6, $0x3  }
0xa7: {  	v8 =	vshrl.u32 v27, $0x3;
	v6 =	vshrl.u32 v45, $0x3;
	[tilespmem:v3+s22+$0x0] =	vst.idx.msk $0xffff, v11;
	v11 =	vshrl.u32 v26, $0x3  }
0xa8: {  	s9 =	sshll.u32 s0, $0x2;
	s10 =	simm.s32 $0x20;
	s11 =	simm.s32 $0x1F;
	v3 =	vshrl.u32 v44, $0x3;
	[tilespmem:v2+s22+$0x0] =	vst.idx.msk $0xffff, v4;
	v2 =	vbroadcast v17, $0x0;
	v4 =	vshrl.u32 v28, $0x3  }
.LBB2_3:
0xa9: {  	v9 =	vshll.u32 v9, v1  }
0xaa: {  	v18 =	vshll.u32 v15, v1;
	v15 =	vmov s11;
	v10 =	vshll.u32 v10, v1  }
0xab: {  	v19 =	vshll.u32 v16, v1;
	v13 =	vshll.u32 v13, v1;
	s3 =	sadd.s32 $0x400, s3;
	v15 =	vshrl.u32 v15, $0x3  }
0xac: {  	v20 =	vshll.u32 v14, v1;
	v11 =	vshll.u32 v11, v1;
	v22 =	vld [tilespmem:s3+$0x1C0];
	v14 =	vshll.u32 v15, v1  }
0xad: {  	v21 =	vshll.u32 v12, v1;
	v3 =	vshll.u32 v3, v1;
	v23 =	vld [tilespmem:s3+$0xFFFFFE00];
	v17 =	vbroadcast v14, $0x0  }
0xae: {  	v24 =	vshll.u32 v7, v1;
	v25 =	vshll.u32 v8, v1;
	v6 =	vshll.u32 v6, v1;
	v8 =	vld [tilespmem:s3+$0xFFFFFE40]  }
0xaf: {  	v30 =	vshll.u32 v5, v1;
	v27 =	vld [tilespmem:s3+$0xFFFFFE80];
	v15 =	vbroadcast v9, $0x0;
	v9 =	vadd.s32 v0, v17  }
0xb0: {  	v26 =	vadd.s32 v52, v2;
	v16 =	vbroadcast v18, $0x0;
	v18 =	vshll.u32 v4, v1;
	v29 =	vld [tilespmem:s3+$0xFFFFFEC0]  }
0xb1: {  	v12 =	vbroadcast v19, $0x0;
	v44 =	vld [tilespmem:s3+$0xFFFFFF40];
	v14 =	vbroadcast v10, $0x0;
	v28 =	vadd.s32 v34, v15  }
0xb2: {  	v7 =	vbroadcast v13, $0x0;
	v5 =	vadd.s32 v38, v16;
	v10 =	vld [tilespmem:s3+$0xFFFFFF00];
	v19 =	vadd.f32 v22, v43  }
0xb3: {  	v46 =	vld [tilespmem:s3+$0xFFFFFF80];
	v4 =	vbroadcast v20, $0x0;
	v22 =	vadd.f32 v23, v43;
	v23 =	vadd.s32 v49, v14  }
0xb4: {  	v13 =	vbroadcast v11, $0x0;
	v11 =	vld [tilespmem:s3+$0x0];
	v45 =	vadd.s32 v53, v12;
	v8 =	vadd.f32 v8, v43;
	[tilespmem:v9+s22+$0x0] =	vst.idx.msk $0xffff, v19  }
0xb5: {  	[tilespmem:v26+s22+$0x0] =	vst.idx.msk $0xffff, v22;
	v9 =	vadd.f32 v27, v43;
	v19 =	vadd.s32 v57, v7;
	v20 =	vld [tilespmem:s3+$0x1D0]  }
0xb6: {  	v22 =	vadd.s32 v61, v4;
	v26 =	vld [tilespmem:s3+$0xFFFFFFC0];
	[tilespmem:v28+s22+$0x0] =	vst.idx.msk $0xffff, v8;
	v8 =	vadd.f32 v29, v43  }
0xb7: {  	v28 =	vld [tilespmem:s3+$0x40];
	[tilespmem:v5+s22+$0x0] =	vst.idx.msk $0xffff, v9;
	v5 =	vadd.f32 v10, v43;
	v9 =	vbroadcast v21, $0x0;
	v21 =	vadd.s32 v33, v17  }
0xb8: {  	v27 =	vadd.s32 v0, v13;
	[tilespmem:v23+s22+$0x0] =	vst.idx.msk $0xffff, v8;
	v23 =	vadd.f32 v44, v43;
	v44 =	vld [tilespmem:s3+$0x80];
	v10 =	vbroadcast v3, $0x0  }
0xb9: {  	v8 =	vbroadcast v24, $0x0;
	v3 =	vadd.f32 v46, v43;
	v46 =	vld [tilespmem:$0x1FD90];
	[tilespmem:v45+s22+$0x0] =	vst.idx.msk $0xffff, v5;
	v29 =	vadd.s32 v52, v9  }
0xba: {  	v5 =	vbroadcast v25, $0x0;
	[tilespmem:v19+s22+$0x0] =	vst.idx.msk $0xffff, v23;
	v19 =	vadd.s32 v34, v10;
	v23 =	vld [tilespmem:s3+$0xC0];
	v20 =	vadd.f32 v20, v42  }
0xbb: {  	v6 =	vbroadcast v6, $0x0;
	v24 =	vadd.s32 v38, v8;
	[tilespmem:v22+s22+$0x0] =	vst.idx.msk $0xffff, v3;
	v22 =	vadd.f32 v26, v43;
	v25 =	vld [tilespmem:s3+$0x100]  }
0xbc: {  	v11 =	vadd.f32 v11, v43;
	v45 =	vld [tilespmem:s3+$0x140];
	v3 =	vbroadcast v18, $0x0;
	v26 =	vadd.s32 v49, v5;
	[tilespmem:v21+s22+$0x0] =	vst.idx.msk $0xffff, v20  }
0xbd: {  	v18 =	vadd.f32 v28, v43;
	[tilespmem:v27+s22+$0x0] =	vst.idx.msk $0xffff, v22;
	v20 =	vadd.s32 v53, v6;
	v21 =	vld [tilespmem:s3+$0x1E0]  }
0xbe: {  	v28 =	vld [tilespmem:s3+$0x180];
	v44 =	vadd.f32 v44, v43;
	v27 =	vadd.s32 v57, v3;
	[tilespmem:v29+s22+$0x0] =	vst.idx.msk $0xffff, v11;
	v11 =	vbroadcast v30, $0x0  }
0xbf: {  	v29 =	vld [tilespmem:s3+$0xFFFFFE50];
	[tilespmem:v19+s22+$0x0] =	vst.idx.msk $0xffff, v18;
	v18 =	vadd.f32 v23, v43;
	v19 =	vadd.s32 v37, v17  }
0xc0: {  	[tilespmem:v24+s22+$0x0] =	vst.idx.msk $0xffff, v44;
	v22 =	vadd.f32 v25, v43;
	v23 =	vld [tilespmem:s3+$0xFFFFFE90];
	v24 =	vadd.s32 v61, v11  }
0xc1: {  	v25 =	vadd.s32 v36, v15;
	v30 =	vld [tilespmem:s3+$0xFFFFFED0];
	[tilespmem:v26+s22+$0x0] =	vst.idx.msk $0xffff, v18;
	v18 =	vadd.f32 v45, v43  }
0xc2: {  	v44 =	vld [tilespmem:s3+$0xFFFFFF10];
	v26 =	vadd.s32 v39, v16;
	[tilespmem:v20+s22+$0x0] =	vst.idx.msk $0xffff, v22;
	v20 =	vadd.f32 v21, v41  }
0xc3: {  	v22 =	vld [tilespmem:s3+$0xFFFFFF50];
	v21 =	vadd.s32 v50, v14;
	[tilespmem:v27+s22+$0x0] =	vst.idx.msk $0xffff, v18;
	v18 =	vadd.f32 v28, v43  }
0xc4: {  	v45 =	vadd.f32 v29, v42;
	v28 =	vadd.s32 v54, v12;
	v29 =	vld [tilespmem:s3+$0xFFFFFF90];
	[tilespmem:v19+s22+$0x0] =	vst.idx.msk $0xffff, v20  }
0xc5: {  	v19 =	vadd.f32 v23, v42;
	v20 =	vadd.s32 v58, v7;
	[tilespmem:v24+s22+$0x0] =	vst.idx.msk $0xffff, v18;
	v18 =	vld [tilespmem:s3+$0x1F0]  }
0xc6: {  	[tilespmem:v25+s22+$0x0] =	vst.idx.msk $0xffff, v45;
	v45 =	vadd.f32 v30, v42;
	v24 =	vadd.s32 v62, v4;
	v25 =	vld [tilespmem:s3+$0xFFFFFFD0]  }
0xc7: {  	v17 =	vadd.s32 v48, v17;
	[tilespmem:v26+s22+$0x0] =	vst.idx.msk $0xffff, v19;
	v19 =	vadd.f32 v44, v42;
	v26 =	vld [tilespmem:s3+$0x10]  }
0xc8: {  	v23 =	vld [tilespmem:s3+$0x50];
	v44 =	vadd.f32 v22, v42;
	v22 =	vadd.s32 v33, v13;
	[tilespmem:v21+s22+$0x0] =	vst.idx.msk $0xffff, v45  }
0xc9: {  	v45 =	vadd.s32 v51, v9;
	[tilespmem:v28+s22+$0x0] =	vst.idx.msk $0xffff, v19;
	v19 =	vadd.f32 v29, v42;
	v28 =	vld [tilespmem:s3+$0x90]  }
0xca: {  	v21 =	vld [tilespmem:s3+$0xD0];
	[tilespmem:v20+s22+$0x0] =	vst.idx.msk $0xffff, v44;
	v20 =	vadd.s32 v36, v10;
	v18 =	vadd.f32 v18, v40  }
0xcb: {  	v44 =	vld [tilespmem:s3+$0x110];
	[tilespmem:v24+s22+$0x0] =	vst.idx.msk $0xffff, v19;
	v19 =	vadd.f32 v25, v42;
	v24 =	vadd.s32 v39, v8  }
0xcc: {  	v30 =	vld [tilespmem:s3+$0x150];
	v29 =	vadd.s32 v50, v5;
	v26 =	vadd.f32 v26, v42;
	[tilespmem:v17+s22+$0x0] =	vst.idx.msk $0xffff, v18  }
0xcd: {  	[tilespmem:v22+s22+$0x0] =	vst.idx.msk $0xffff, v19;
	v17 =	vadd.f32 v23, v42;
	v18 =	vadd.s32 v54, v6;
	v19 =	vld [tilespmem:s3+$0x190]  }
0xce: {  	v22 =	vld [tilespmem:s3+$0xFFFFFE10];
	[tilespmem:v45+s22+$0x0] =	vst.idx.msk $0xffff, v26;
	v45 =	vadd.f32 v28, v42;
	v26 =	vadd.s32 v58, v3  }
0xcf: {  	v27 =	vld [tilespmem:s3+$0xFFFFFE60];
	[tilespmem:v20+s22+$0x0] =	vst.idx.msk $0xffff, v17;
	v17 =	vadd.f32 v21, v42;
	v20 =	vadd.s32 v62, v11  }
0xd0: {  	v28 =	vld [tilespmem:s3+$0xFFFFFEA0];
	v21 =	vadd.s32 v51, v2;
	v23 =	vadd.f32 v44, v42;
	[tilespmem:v24+s22+$0x0] =	vst.idx.msk $0xffff, v45  }
0xd1: {  	v44 =	vadd.s32 v59, v15;
	v45 =	vld [tilespmem:s3+$0xFFFFFEE0];
	[tilespmem:v29+s22+$0x0] =	vst.idx.msk $0xffff, v17;
	v17 =	vadd.f32 v30, v42  }
0xd2: {  	v29 =	vadd.s32 v31, v16;
	v30 =	vld [tilespmem:s3+$0xFFFFFF20];
	[tilespmem:v18+s22+$0x0] =	vst.idx.msk $0xffff, v23;
	v18 =	vadd.f32 v19, v42  }
0xd3: {  	v19 =	vadd.f32 v22, v42;
	v22 =	vadd.s32 v63, v14;
	v23 =	vld [tilespmem:s3+$0xFFFFFF60];
	[tilespmem:v26+s22+$0x0] =	vst.idx.msk $0xffff, v17  }
0xd4: {  	v17 =	vadd.f32 v27, v41;
	v26 =	vadd.s32 v35, v12;
	v27 =	vld [tilespmem:s3+$0xFFFFFFA0];
	[tilespmem:v20+s22+$0x0] =	vst.idx.msk $0xffff, v18  }
0xd5: {  	[tilespmem:v21+s22+$0x0] =	vst.idx.msk $0xffff, v19;
	v18 =	vadd.f32 v28, v41;
	v19 =	vadd.s32 v56, v7;
	v20 =	vld [tilespmem:s3+$0xFFFFFFE0]  }
0xd6: {  	v21 =	vadd.s32 v47, v4;
	[tilespmem:v44+s22+$0x0] =	vst.idx.msk $0xffff, v17;
	v17 =	vadd.f32 v45, v41;
	v44 =	vld [tilespmem:s3+$0x20]  }
0xd7: {  	v28 =	vld [tilespmem:s3+$0x60];
	v45 =	vadd.s32 v37, v13;
	[tilespmem:v29+s22+$0x0] =	vst.idx.msk $0xffff, v18;
	v18 =	vadd.f32 v30, v41  }
0xd8: {  	[tilespmem:v22+s22+$0x0] =	vst.idx.msk $0xffff, v17;
	v17 =	vadd.f32 v23, v41;
	v22 =	vadd.s32 v55, v9;
	v23 =	vld [tilespmem:s3+$0xA0]  }
0xd9: {  	v29 =	vld [tilespmem:s3+$0xFFFFFE20];
	[tilespmem:v26+s22+$0x0] =	vst.idx.msk $0xffff, v18;
	v18 =	vadd.f32 v27, v41  }
0xda: {  	[tilespmem:v19+s22+$0x0] =	vst.idx.msk $0xffff, v17;
	v17 =	vadd.f32 v20, v41;
	v19 =	vadd.s32 v31, v8;
	v20 =	vld [tilespmem:s3+$0x120]  }
0xdb: {  	v30 =	vld [tilespmem:s3+$0xFFFFFEB0];
	v26 =	vadd.s32 v59, v10;
	[tilespmem:v21+s22+$0x0] =	vst.idx.msk $0xffff, v18;
	v18 =	vadd.f32 v44, v41  }
0xdc: {  	v27 =	vld [tilespmem:s3+$0xE0];
	[tilespmem:v45+s22+$0x0] =	vst.idx.msk $0xffff, v17;
	v45 =	vadd.s32 v35, v6  }
0xdd: {  	v17 =	vadd.f32 v28, v41;
	v28 =	vld [tilespmem:s3+$0x1A0];
	[tilespmem:v22+s22+$0x0] =	vst.idx.msk $0xffff, v18;
	v18 =	vadd.f32 v23, v41  }
0xde: {  	v21 =	vadd.s32 v63, v5;
	v44 =	vld [tilespmem:s3+$0x160]  }
0xdf: {  	v15 =	vadd.s32 v60, v15;
	v25 =	vld [tilespmem:s3+$0xFFFFFF70];
	[tilespmem:v19+s22+$0x0] =	vst.idx.msk $0xffff, v18;
	v18 =	vadd.f32 v20, v41  }
0xe0: {  	v16 =	vadd.s32 v32, v16;
	v22 =	vadd.s32 v56, v3;
	v23 =	vld [tilespmem:s3+$0xFFFFFE70];
	[tilespmem:v26+s22+$0x0] =	vst.idx.msk $0xffff, v17  }
0xe1: {  	v24 =	vmov s10;
	v4 =	vadd.s32 v46, v4;
	v17 =	vadd.f32 v27, v41;
	[tilespmem:v45+s22+$0x0] =	vst.idx.msk $0xffff, v18;
	v45 =	vld [tilespmem:$0x1FED0]  }
0xe2: {  	v26 =	vadd.s32 v47, v11;
	v27 =	vadd.s32 v55, v2;
	v18 =	vadd.f32 v28, v41;
	v28 =	vld [tilespmem:$0x1FF10]  }
0xe3: {  	v20 =	vshrl.u32 v24, $0x3;
	v24 =	vadd.f32 v29, v41;
	v29 =	vld [tilespmem:$0x1FF50];
	[tilespmem:v21+s22+$0x0] =	vst.idx.msk $0xffff, v17;
	v17 =	vadd.f32 v44, v41  }
0xe4: {  	v13 =	vadd.s32 v48, v13;
	v10 =	vadd.s32 v60, v10;
	v19 =	vld [tilespmem:s3+$0xFFFFFEF0];
	v44 =	vadd.f32 v30, v40  }
0xe5: {  	v8 =	vadd.s32 v32, v8;
	v11 =	vadd.s32 v46, v11;
	v21 =	vld [tilespmem:s3+$0xFFFFFF30];
	[tilespmem:v22+s22+$0x0] =	vst.idx.msk $0xffff, v17  }
0xe6: {  	v20 =	vshll.u32 v20, v1;
	[tilespmem:v16+s22+$0x0] =	vst.idx.msk $0xffff, v44;
	v44 =	vld [tilespmem:$0x1FE10];
	v14 =	vadd.s32 v45, v14  }
0xe7: {  	s17 =	sadd.s32 $0x1, s10;
	s14 =	sadd.s32 $0x2, s10;
	v22 =	vadd.f32 v23, v40;
	v23 =	vld [tilespmem:s3+$0xFFFFFFB0];
	[tilespmem:v26+s22+$0x0] =	vst.idx.msk $0xffff, v18;
	v12 =	vadd.s32 v28, v12  }
0xe8: {  	s15 =	sadd.s32 $0x3, s10;
	v17 =	vmov s17;
	v18 =	vmov s14;
	[tilespmem:v27+s22+$0x0] =	vst.idx.msk $0xffff, v24;
	v26 =	vld [tilespmem:s3+$0xFFFFFFF0];
	v7 =	vadd.s32 v29, v7  }
0xe9: {  	v27 =	vmov s15;
	[tilespmem:v15+s22+$0x0] =	vst.idx.msk $0xffff, v22;
	v15 =	vadd.f32 v19, v40;
	v19 =	vld [tilespmem:s3+$0x30];
	v3 =	vadd.s32 v29, v3  }
0xea: {  	s17 =	sadd.s32 $0x5, s10;
	v16 =	vadd.f32 v21, v40;
	v21 =	vld [tilespmem:s3+$0x70];
	v5 =	vadd.s32 v45, v5;
	v6 =	vadd.s32 v28, v6  }
0xeb: {  	s16 =	sadd.s32 $0x4, s10;
	v24 =	vmov s17;
	v9 =	vadd.s32 v44, v9;
	[tilespmem:v14+s22+$0x0] =	vst.idx.msk $0xffff, v15;
	v14 =	vadd.f32 v25, v40;
	v15 =	vld [tilespmem:s3+$0xB0]  }
0xec: {  	s14 =	sadd.s32 $0x6, s10;
	s15 =	sadd.s32 $0x7, s10;
	v22 =	vmov s16;
	v2 =	vadd.s32 v44, v2;
	[tilespmem:v12+s22+$0x0] =	vst.idx.msk $0xffff, v16;
	v12 =	vadd.f32 v23, v40;
	v16 =	vld [tilespmem:s3+$0xF0]  }
0xed: {  	s16 =	sadd.s32 $0x8, s10;
	v25 =	vmov s14;
	v23 =	vmov s15;
	s15 =	sadd.s32 $0xB, s10;
	[tilespmem:v7+s22+$0x0] =	vst.idx.msk $0xffff, v14;
	v7 =	vadd.f32 v26, v40;
	v14 =	vld [tilespmem:s3+$0x130]  }
0xee: {  	s17 =	sadd.s32 $0x9, s10;
	v29 =	vmov s15;
	v26 =	vmov s16;
	[tilespmem:v4+s22+$0x0] =	vst.idx.msk $0xffff, v12;
	v4 =	vadd.f32 v19, v40;
	v12 =	vld [tilespmem:s3+$0x170];
	s16 =	sadd.s32 $0xC, s10  }
0xef: {  	s14 =	sadd.s32 $0xA, s10;
	v19 =	vmov s17;
	s17 =	sadd.s32 $0xD, s10;
	v30 =	vmov s16;
	[tilespmem:v13+s22+$0x0] =	vst.idx.msk $0xffff, v7;
	v7 =	vadd.f32 v21, v40;
	v13 =	vld [tilespmem:s3+$0x1B0]  }
0xf0: {  	v28 =	vld [tilespmem:s3+$0xFFFFFE30];
	v44 =	vmov s17;
	v21 =	vmov s14;
	[tilespmem:v9+s22+$0x0] =	vst.idx.msk $0xffff, v4;
	s14 =	sadd.s32 $0xE, s10;
	v4 =	vadd.f32 v15, v40  }
0xf1: {  	v9 =	vshrl.u32 v17, $0x3;
	v45 =	vmov s14;
	[tilespmem:v10+s22+$0x0] =	vst.idx.msk $0xffff, v7;
	v7 =	vadd.f32 v16, v40  }
0xf2: {  	p0 =	slt.u32 s10, $0x70;
	v15 =	vshrl.u32 v18, $0x3;
	v10 =	vshrl.u32 v27, $0x3;
	[tilespmem:v8+s22+$0x0] =	vst.idx.msk $0xffff, v4;
	v4 =	vadd.f32 v14, v40  }
.Ltmp0:
0xf3: {  	v16 =	vshrl.u32 v22, $0x3;
	v14 =	vshrl.u32 v25, $0x3;
	[tilespmem:v5+s22+$0x0] =	vst.idx.msk $0xffff, v7;
	v5 =	vadd.f32 v12, v40;
	(pc) =	sbr.rel @p0 .LBB2_3-.Ltmp0, $4  }
0xf4: {  	v8 =	vshrl.u32 v29, $0x3;
	v12 =	vshrl.u32 v26, $0x3;
	[tilespmem:v6+s22+$0x0] =	vst.idx.msk $0xffff, v4;
	v4 =	vadd.f32 v13, v40  }
0xf5: {  	v7 =	vshrl.u32 v21, $0x3;
	v6 =	vadd.f32 v28, v40;
	v13 =	vshrl.u32 v24, $0x3;
	[tilespmem:v3+s22+$0x0] =	vst.idx.msk $0xffff, v5  }
0xf6: {  	v3 =	vshrl.u32 v19, $0x3;
	v5 =	vshrl.u32 v45, $0x3;
	[tilespmem:v11+s22+$0x0] =	vst.idx.msk $0xffff, v4;
	v11 =	vshrl.u32 v23, $0x3  }
0xf7: {  	s11 =	sadd.s32 $0xF, s10;
	s10 =	sadd.s32 $0x10, s10;
	[tilespmem:v2+s22+$0x0] =	vst.idx.msk $0xffff, v6;
	v6 =	vshrl.u32 v30, $0x3;
	v2 =	vbroadcast v20, $0x0;
	v4 =	vshrl.u32 v44, $0x3  }
0xf8: {  	v9 =	vshll.u32 v9, v1;
	v15 =	vshll.u32 v15, v1;
	v17 =	vmov s11;
	s3 =	sadd.s32 $0x400, s3  }
0xf9: {  	v10 =	vshll.u32 v10, v1;
	v16 =	vshll.u32 v16, v1;
	v17 =	vshrl.u32 v17, $0x3;
	v18 =	vld [tilespmem:s3+$0x1C0]  }
0xfa: {  	v13 =	vshll.u32 v13, v1;
	v14 =	vshll.u32 v14, v1;
	v19 =	vld [tilespmem:s3+$0xFFFFFE00];
	v17 =	vshll.u32 v17, v1  }
0xfb: {  	v11 =	vshll.u32 v11, v1;
	v20 =	vshll.u32 v3, v1;
	v17 =	vbroadcast v17, $0x0  }
0xfc: {  	v22 =	vshll.u32 v8, v1;
	v8 =	vld [tilespmem:s3+$0xFFFFFE40];
	v3 =	vbroadcast v9, $0x0;
	v24 =	vadd.s32 v52, v2  }
0xfd: {  	v23 =	vshll.u32 v6, v1;
	v25 =	vld [tilespmem:s3+$0xFFFFFE80];
	v6 =	vbroadcast v15, $0x0;
	v45 =	vadd.s32 v0, v17  }
0xfe: {  	v15 =	vshll.u32 v4, v1;
	v27 =	vld [tilespmem:s3+$0xFFFFFEC0];
	v4 =	vbroadcast v10, $0x0;
	v26 =	vadd.s32 v34, v3  }
0xff: {  	v10 =	vadd.s32 v38, v6;
	v44 =	vadd.f32 v18, v43;
	v18 =	vadd.f32 v19, v43  }
0x100: {  	v28 =	vshll.u32 v5, v1;
	v29 =	vld [tilespmem:s3+$0xFFFFFF00];
	v5 =	vbroadcast v16, $0x0;
	v19 =	vadd.s32 v49, v4  }
0x101: {  	v21 =	vshll.u32 v7, v1;
	v30 =	vld [tilespmem:s3+$0xFFFFFF40];
	v7 =	vbroadcast v13, $0x0;
	v13 =	vadd.f32 v8, v43;
	[tilespmem:v24+s22+$0x0] =	vst.idx.msk $0xffff, v18  }
0x102: {  	v16 =	vadd.s32 v53, v5;
	v8 =	vbroadcast v14, $0x0;
	v14 =	vadd.f32 v25, v43;
	[tilespmem:v45+s22+$0x0] =	vst.idx.msk $0xffff, v44;
	v44 =	vld [tilespmem:s3+$0xFFFFFF80]  }
0x103: {  	v9 =	vbroadcast v11, $0x0;
	v18 =	vadd.s32 v57, v7;
	[tilespmem:v26+s22+$0x0] =	vst.idx.msk $0xffff, v13;
	v26 =	vld [tilespmem:s3+$0xFFFFFFC0];
	v45 =	vadd.f32 v27, v43  }
0x104: {  	v12 =	vshll.u32 v12, v1;
	v25 =	vadd.s32 v61, v8;
	[tilespmem:v10+s22+$0x0] =	vst.idx.msk $0xffff, v14;
	v24 =	vld [tilespmem:s3+$0x1D0]  }
0x105: {  	v14 =	vadd.f32 v29, v43;
	v10 =	vbroadcast v12, $0x0;
	v27 =	vld [tilespmem:s3+$0x0];
	[tilespmem:v19+s22+$0x0] =	vst.idx.msk $0xffff, v45;
	v19 =	vadd.s32 v0, v9  }
0x106: {  	v11 =	vbroadcast v20, $0x0;
	v29 =	vadd.s32 v33, v17;
	v45 =	vadd.f32 v30, v43;
	v30 =	vld [tilespmem:s3+$0x40]  }
0x107: {  	v20 =	vld [tilespmem:s3+$0x80];
	v12 =	vbroadcast v21, $0x0;
	[tilespmem:v16+s22+$0x0] =	vst.idx.msk $0xffff, v14;
	v16 =	vadd.s32 v52, v10;
	v44 =	vadd.f32 v44, v43  }
0x108: {  	v21 =	vld [tilespmem:s3+$0xC0];
	v0 =	vmov v52;
	v52 =	vadd.f32 v26, v43;
	[tilespmem:v18+s22+$0x0] =	vst.idx.msk $0xffff, v45;
	v18 =	vadd.s32 v34, v11  }
0x109: {  	v13 =	vbroadcast v22, $0x0;
	v26 =	vld [tilespmem:s3+$0x100];
	v45 =	vadd.f32 v24, v42;
	[tilespmem:v25+s22+$0x0] =	vst.idx.msk $0xffff, v44  }
0x10a: {  	v14 =	vbroadcast v23, $0x0;
	v34 =	vadd.f32 v27, v43;
	v27 =	vld [tilespmem:s3+$0x140];
	v25 =	vadd.s32 v38, v12;
	[tilespmem:v19+s22+$0x0] =	vst.idx.msk $0xffff, v52  }
0x10b: {  	v15 =	vbroadcast v15, $0x0;
	v38 =	vadd.s32 v49, v13;
	v44 =	vadd.f32 v30, v43;
	v52 =	vld [tilespmem:s3+$0x180];
	[tilespmem:v29+s22+$0x0] =	vst.idx.msk $0xffff, v45  }
0x10c: {  	[tilespmem:v16+s22+$0x0] =	vst.idx.msk $0xffff, v34;
	v16 =	vbroadcast v28, $0x0;
	v45 =	vadd.s32 v53, v14;
	v29 =	vld [tilespmem:s3+$0x1E0]  }
0x10d: {  	v20 =	vadd.f32 v20, v43;
	v49 =	vadd.s32 v57, v15;
	[tilespmem:v18+s22+$0x0] =	vst.idx.msk $0xffff, v44;
	v18 =	vld [tilespmem:s3+$0xFFFFFE50]  }
0x10e: {  	v53 =	vadd.f32 v21, v43;
	v57 =	vadd.f32 v26, v43;
	v26 =	vadd.s32 v61, v16;
	v44 =	vld [tilespmem:s3+$0xFFFFFF10]  }
0x10f: {  	v24 =	vadd.s32 v39, v6;
	v21 =	vadd.s32 v37, v17;
	v61 =	vld [tilespmem:s3+$0xFFFFFF90];
	[tilespmem:v25+s22+$0x0] =	vst.idx.msk $0xffff, v20  }
0x110: {  	v34 =	vadd.s32 v36, v3;
	v27 =	vadd.f32 v27, v43;
	v20 =	vld [tilespmem:s3+$0xFFFFFE90];
	[tilespmem:v38+s22+$0x0] =	vst.idx.msk $0xffff, v53  }
0x111: {  	v38 =	vld [tilespmem:s3+$0xFFFFFED0];
	v52 =	vadd.f32 v52, v43;
	[tilespmem:v45+s22+$0x0] =	vst.idx.msk $0xffff, v57;
	v57 =	vadd.s32 v54, v5  }
0x112: {  	[tilespmem:v49+s22+$0x0] =	vst.idx.msk $0xffff, v27;
	v49 =	vadd.s32 v50, v4;
	v53 =	vld [tilespmem:s3+$0xFFFFFF50];
	v45 =	vadd.f32 v29, v41  }
0x113: {  	v18 =	vadd.f32 v18, v42;
	[tilespmem:v26+s22+$0x0] =	vst.idx.msk $0xffff, v52;
	v43 =	vadd.f32 v44, v42;
	v44 =	vld [tilespmem:s3+$0x10]  }
0x114: {  	v19 =	vadd.s32 v62, v8;
	v26 =	vadd.s32 v58, v7;
	v52 =	vld [tilespmem:s3+$0x50];
	[tilespmem:v21+s22+$0x0] =	vst.idx.msk $0xffff, v45  }
0x115: {  	v17 =	vadd.s32 v48, v17;
	[tilespmem:v34+s22+$0x0] =	vst.idx.msk $0xffff, v18;
	v20 =	vadd.f32 v20, v42;
	v27 =	vld [tilespmem:s3+$0x1F0]  }
0x116: {  	v34 =	vadd.f32 v38, v42;
	v38 =	vld [tilespmem:s3+$0xFFFFFFD0];
	[tilespmem:v57+s22+$0x0] =	vst.idx.msk $0xffff, v43;
	v57 =	vadd.s32 v51, v10  }
0x117: {  	v45 =	vadd.f32 v53, v42;
	v53 =	vadd.f32 v61, v42;
	v61 =	vld [tilespmem:s3+$0x90];
	[tilespmem:v24+s22+$0x0] =	vst.idx.msk $0xffff, v20  }
0x118: {  	[tilespmem:v49+s22+$0x0] =	vst.idx.msk $0xffff, v34;
	v49 =	vadd.s32 v33, v9  }
0x119: {  	v43 =	vadd.s32 v50, v13;
	[tilespmem:v26+s22+$0x0] =	vst.idx.msk $0xffff, v45;
	v34 =	vld [tilespmem:s3+$0xD0];
	v24 =	vadd.f32 v44, v42  }
0x11a: {  	v50 =	vld [tilespmem:s3+$0x190];
	v33 =	vadd.s32 v36, v11;
	[tilespmem:v19+s22+$0x0] =	vst.idx.msk $0xffff, v53;
	v27 =	vadd.f32 v27, v40  }
0x11b: {  	v44 =	vld [tilespmem:s3+$0x150];
	v45 =	vadd.f32 v52, v42;
	v36 =	vadd.f32 v38, v42;
	[tilespmem:v57+s22+$0x0] =	vst.idx.msk $0xffff, v24  }
0x11c: {  	v52 =	vld [tilespmem:s3+$0xFFFFFE10];
	v38 =	vadd.s32 v39, v12;
	v53 =	vadd.f32 v61, v42;
	[tilespmem:v17+s22+$0x0] =	vst.idx.msk $0xffff, v27  }
0x11d: {  	v39 =	vld [tilespmem:s3+$0x110];
	v61 =	vadd.s32 v62, v16;
	v62 =	vadd.s32 v51, v2;
	[tilespmem:v49+s22+$0x0] =	vst.idx.msk $0xffff, v36  }
0x11e: {  	v57 =	vld [tilespmem:s3+$0xFFFFFE60];
	v49 =	vadd.s32 v54, v14;
	v54 =	vadd.s32 v58, v15;
	v58 =	vadd.f32 v34, v42  }
0x11f: {  	[tilespmem:v33+s22+$0x0] =	vst.idx.msk $0xffff, v45;
	v33 =	vld [tilespmem:s3+$0xFFFFFEA0]  }
0x120: {  	v25 =	vadd.f32 v50, v42;
	v34 =	vadd.s32 v59, v3;
	v36 =	vld [tilespmem:s3+$0xFFFFFEE0];
	[tilespmem:v43+s22+$0x0] =	vst.idx.msk $0xffff, v58  }
0x121: {  	v27 =	vadd.f32 v44, v42;
	v21 =	vadd.f32 v52, v42;
	v44 =	vld [tilespmem:s3+$0xFFFFFF60];
	[tilespmem:v38+s22+$0x0] =	vst.idx.msk $0xffff, v53  }
0x122: {  	v43 =	vadd.s32 v63, v4;
	v22 =	vadd.f32 v39, v42;
	[tilespmem:v61+s22+$0x0] =	vst.idx.msk $0xffff, v25  }
0x123: {  	v51 =	vadd.s32 v56, v7;
	v45 =	vadd.s32 v35, v5;
	v52 =	vld [tilespmem:s3+$0xFFFFFFE0];
	[tilespmem:v62+s22+$0x0] =	vst.idx.msk $0xffff, v21  }
0x124: {  	v38 =	vadd.s32 v31, v6;
	v39 =	vld [tilespmem:s3+$0xFFFFFF20];
	v18 =	vadd.f32 v57, v41;
	[tilespmem:v49+s22+$0x0] =	vst.idx.msk $0xffff, v22  }
0x125: {  	v61 =	vadd.s32 v37, v9;
	[tilespmem:v54+s22+$0x0] =	vst.idx.msk $0xffff, v27;
	v49 =	vld [tilespmem:s3+$0xFFFFFFA0];
	v53 =	vadd.f32 v36, v41  }
0x126: {  	v57 =	vld [tilespmem:s3+$0x20];
	v50 =	vadd.f32 v33, v41;
	v33 =	vadd.f32 v44, v41;
	[tilespmem:v34+s22+$0x0] =	vst.idx.msk $0xffff, v18  }
0x127: {  	v54 =	vadd.s32 v47, v8;
	v36 =	vld [tilespmem:s3+$0xA0];
	[tilespmem:v43+s22+$0x0] =	vst.idx.msk $0xffff, v53  }
0x128: {  	v62 =	vld [tilespmem:s3+$0x60];
	v34 =	vadd.s32 v55, v10;
	v42 =	vadd.f32 v52, v41;
	[tilespmem:v51+s22+$0x0] =	vst.idx.msk $0xffff, v33  }
0x129: {  	v44 =	vld [tilespmem:s3+$0x120];
	v43 =	vadd.s32 v31, v12;
	[tilespmem:v38+s22+$0x0] =	vst.idx.msk $0xffff, v50;
	v58 =	vadd.f32 v39, v41  }
0x12a: {  	v38 =	vadd.s32 v59, v11;
	v39 =	vld [tilespmem:s3+$0xE0];
	[tilespmem:v61+s22+$0x0] =	vst.idx.msk $0xffff, v42;
	v37 =	vadd.f32 v49, v41  }
0x12b: {  	v52 =	vadd.s32 v35, v14;
	v50 =	vld [tilespmem:s3+$0x160];
	[tilespmem:v45+s22+$0x0] =	vst.idx.msk $0xffff, v58;
	v45 =	vadd.f32 v57, v41  }
0x12c: {  	v53 =	vld [tilespmem:s3+$0x1A0];
	v49 =	vadd.s32 v63, v13;
	v57 =	vadd.f32 v36, v41;
	[tilespmem:v54+s22+$0x0] =	vst.idx.msk $0xffff, v37  }
0x12d: {  	v51 =	vadd.f32 v62, v41;
	v58 =	vadd.s32 v56, v15;
	[tilespmem:v34+s22+$0x0] =	vst.idx.msk $0xffff, v45;
	v54 =	vld [tilespmem:s3+$0xFFFFFE20]  }
0x12e: {  	v62 =	vadd.s32 v47, v16;
	v24 =	vadd.f32 v44, v41;
	[tilespmem:v43+s22+$0x0] =	vst.idx.msk $0xffff, v57  }
0x12f: {  	v63 =	vadd.s32 v55, v2;
	[tilespmem:v38+s22+$0x0] =	vst.idx.msk $0xffff, v51;
	v61 =	vadd.f32 v39, v41  }
0x130: {  	v59 =	vld [tilespmem:s3+$0xFFFFFE70];
	v20 =	vadd.f32 v50, v41;
	[tilespmem:v52+s22+$0x0] =	vst.idx.msk $0xffff, v24  }
0x131: {  	v33 =	vld [tilespmem:s3+$0xFFFFFEB0];
	v23 =	vadd.f32 v53, v41;
	[tilespmem:v49+s22+$0x0] =	vst.idx.msk $0xffff, v61  }
0x132: {  	v36 =	vld [tilespmem:s3+$0xFFFFFF70];
	[tilespmem:v58+s22+$0x0] =	vst.idx.msk $0xffff, v20;
	v18 =	vadd.f32 v54, v41  }
0x133: {  	v28 =	vld [tilespmem:$0x1FED0];
	[tilespmem:v62+s22+$0x0] =	vst.idx.msk $0xffff, v23  }
0x134: {  	v25 =	vld [tilespmem:$0x1FF10];
	[tilespmem:v63+s22+$0x0] =	vst.idx.msk $0xffff, v18  }
0x135: {  	v24 =	vld [tilespmem:$0x1FF50]  }
0x136: {  	v3 =	vadd.s32 v60, v3;
	v34 =	vld [tilespmem:s3+$0xFFFFFEF0]  }
0x137: {  	v6 =	vadd.s32 v32, v6;
	v35 =	vld [tilespmem:s3+$0xFFFFFF30]  }
0x138: {  	v37 =	vld [tilespmem:s3+$0xFFFFFFB0];
	v4 =	vadd.s32 v28, v4  }
0x139: {  	v17 =	vadd.f32 v59, v40;
	v39 =	vld [tilespmem:s3+$0xFFFFFFF0];
	v5 =	vadd.s32 v25, v5  }
0x13a: {  	v47 =	vld [tilespmem:s3+$0xB0];
	v38 =	vadd.f32 v33, v40;
	v7 =	vadd.s32 v24, v7  }
0x13b: {  	v8 =	vadd.s32 v46, v8;
	v43 =	vld [tilespmem:s3+$0x70];
	[tilespmem:v3+s22+$0x0] =	vst.idx.msk $0xffff, v17;
	v3 =	vadd.f32 v34, v40  }
0x13c: {  	v9 =	vadd.s32 v48, v9;
	v52 =	vld [tilespmem:s3+$0x130];
	v42 =	vadd.f32 v35, v40;
	[tilespmem:v6+s22+$0x0] =	vst.idx.msk $0xffff, v38  }
0x13d: {  	v51 =	vadd.s32 v32, v12;
	v50 =	vld [tilespmem:s3+$0xF0];
	[tilespmem:v4+s22+$0x0] =	vst.idx.msk $0xffff, v3;
	v3 =	vadd.f32 v36, v40  }
0x13e: {  	v49 =	vadd.s32 v60, v11;
	v48 =	vadd.f32 v37, v40;
	v44 =	vld [tilespmem:$0x1FE10];
	[tilespmem:v5+s22+$0x0] =	vst.idx.msk $0xffff, v42  }
0x13f: {  	v57 =	vld [tilespmem:s3+$0x1B0];
	v56 =	vadd.s32 v25, v14;
	[tilespmem:v7+s22+$0x0] =	vst.idx.msk $0xffff, v3;
	v3 =	vadd.f32 v39, v40  }
0x140: {  	v55 =	vld [tilespmem:s3+$0x170];
	v59 =	vadd.f32 v47, v40;
	v54 =	vadd.s32 v28, v13;
	[tilespmem:v8+s22+$0x0] =	vst.idx.msk $0xffff, v48  }
0x141: {  	v61 =	vadd.s32 v46, v16;
	v41 =	vld [tilespmem:s3+$0x30];
	[tilespmem:v9+s22+$0x0] =	vst.idx.msk $0xffff, v3;
	v3 =	vadd.f32 v43, v40  }
0x142: {  	v62 =	vadd.f32 v52, v40;
	v58 =	vld [tilespmem:s3+$0xFFFFFE30];
	v60 =	vadd.s32 v24, v15;
	[tilespmem:v51+s22+$0x0] =	vst.idx.msk $0xffff, v59  }
0x143: {  	v45 =	vadd.s32 v44, v10;
	[tilespmem:v49+s22+$0x0] =	vst.idx.msk $0xffff, v3;
	v3 =	vadd.f32 v50, v40  }
0x144: {  	v63 =	vadd.f32 v57, v40;
	[tilespmem:v56+s22+$0x0] =	vst.idx.msk $0xffff, v62;
	v2 =	vadd.s32 v44, v2  }
0x145: {  	[tilespmem:v54+s22+$0x0] =	vst.idx.msk $0xffff, v3;
	v3 =	vadd.f32 v55, v40  }
0x146: {  	p0 =	seq.s32 s0, $0x31;
	v53 =	vadd.f32 v41, v40;
	[tilespmem:v61+s22+$0x0] =	vst.idx.msk $0xffff, v63  }
0x147: {  	s3 =	sshll.u32 @!p0 s9, $0x7;
	[tilespmem:v60+s22+$0x0] =	vst.idx.msk $0xffff, v3;
	v3 =	vadd.f32 v58, v40  }
0x148: {  	s16 =	sshll.u32 s0, $0x14;
	s10 =	sadd.s32 @!p0 $0x200, s3;
	[tilespmem:v45+s22+$0x0] =	vst.idx.msk $0xffff, v53  }
0x149: {  	s11 =	simm.s32 @!p0 $0x80;
	s14 =	simm.s32 @!p0 $0x6400;
	s10 =	sand.u32 @!p0 $0xFE00, s10;
	[tilespmem:v2+s22+$0x0] =	vst.idx.msk $0xffff, v3  }
0x14a: {  	[tilespmem:s14], [sflag:$0x1] =	stream.indirect.gather @!p0 [hbm4b:s4+s11], $0x40, s10, s11, $0xb8;
	[tilespmem:$0x19E00] =	vst v63  }
0x14b: {  	s10 =	sor.u32 s5, s16  }
0x14c: {  	s10 =	sshrl.u32 s10, $0x3  }
0x14d: {  	s17 =	simm.s32 $0xE400;
	s11 =	sadd.s32 s1, s10  }
0x14e: {  	[hbm4b:s11+s2] =	stream.linear.scatter [tilespmem:s17], [sflag:$0x5], $0x80, $0x38;
	[tilespmem:$0x19E00] =	vst v63  }
0x14f: {  	s14 =	simm.s32 $0xE488;
	s15 =	sadd.s32 $0x10, s11  }
0x150: {  	[hbm4b:s15+s2] =	stream.linear.scatter [tilespmem:s14], [sflag:$0x5], $0x80, $0x38;
	[tilespmem:$0x19E00] =	vst v63  }
0x151: {  	s16 =	simm.s32 $0xE510;
	s17 =	sadd.s32 $0x20, s11  }
0x152: {  	[hbm4b:s17+s2] =	stream.linear.scatter [tilespmem:s16], [sflag:$0x5], $0x80, $0x38;
	[tilespmem:$0x19E00] =	vst v63  }
0x153: {  	s14 =	simm.s32 $0xE598;
	s15 =	sadd.s32 $0x30, s11  }
0x154: {  	[hbm4b:s15+s2] =	stream.linear.scatter [tilespmem:s14], [sflag:$0x5], $0x80, $0x38;
	[tilespmem:$0x19E00] =	vst v63  }
0x155: {  	s16 =	simm.s32 $0xE620;
	s17 =	sadd.s32 $0x40, s11  }
0x156: {  	[hbm4b:s17+s2] =	stream.linear.scatter [tilespmem:s16], [sflag:$0x5], $0x80, $0x38;
	[tilespmem:$0x19E00] =	vst v63  }
0x157: {  	s10 =	simm.s32 $0x440;
	s14 =	simm.s32 $0xE6A8;
	s15 =	sadd.s32 $0x50, s11  }
0x158: {  	[hbm4b:s15+s2] =	stream.linear.scatter [tilespmem:s14], [sflag:$0x5], $0x80, $0x38;
	[tilespmem:$0x19E00] =	vst v63  }
0x159: {  	s16 =	simm.s32 $0xE730;
	s17 =	sadd.s32 $0x60, s11;
	s14 =	simm.s32 $0x2200  }
0x15a: {  	[hbm4b:s17+s2] =	stream.linear.scatter [tilespmem:s16], [sflag:$0x5], $0x80, $0x38;
	[tilespmem:$0x19E00] =	vst v63  }
0x15b: {  	s15 =	simm.s32 $0xE7B8;
	s16 =	sadd.s32 $0x70, s11;
	s11 =	sadd.s32 $0x1000, s11  }
.LBB2_5:
0x15c: {  	[hbm4b:s16+s2] =	stream.linear.scatter [tilespmem:s15], [sflag:$0x5], $0x80, $0x38;
	[tilespmem:$0x19E00] =	vst v63  }
0x15d: {  	s15 =	smov.u32 s10;
	s10 =	smov.u32 s14  }
0x15e: {  	s17 =	sadd.s32 $0x1100, s14;
	s10 =	sshra.s32 s10, $0x2;
	s16 =	sadd.s32 $0xE400, s15  }
0x15f: {  	[hbm4b:s11+s2] =	stream.linear.scatter [tilespmem:s16], [sflag:$0x5], $0x80, $0x38;
	[tilespmem:$0x19E00] =	vst v63  }
0x160: {  	p2 =	sne.s32 s14, $0x7700;
	s14 =	sadd.s32 $0xE488, s15;
	s16 =	sadd.s32 $0x10, s11  }
0x161: {  	[hbm4b:s16+s2] =	stream.linear.scatter [tilespmem:s14], [sflag:$0x5], $0x80, $0x38;
	[tilespmem:$0x19E00] =	vst v63  }
0x162: {  	s14 =	sadd.s32 $0xE510, s15;
	s16 =	sadd.s32 $0x20, s11  }
0x163: {  	[hbm4b:s16+s2] =	stream.linear.scatter [tilespmem:s14], [sflag:$0x5], $0x80, $0x38;
	[tilespmem:$0x19E00] =	vst v63  }
0x164: {  	s14 =	sadd.s32 $0xE598, s15;
	s16 =	sadd.s32 $0x30, s11  }
0x165: {  	[hbm4b:s16+s2] =	stream.linear.scatter [tilespmem:s14], [sflag:$0x5], $0x80, $0x38;
	[tilespmem:$0x19E00] =	vst v63  }
0x166: {  	s14 =	sadd.s32 $0xE620, s15;
	s16 =	sadd.s32 $0x40, s11  }
0x167: {  	[hbm4b:s16+s2] =	stream.linear.scatter [tilespmem:s14], [sflag:$0x5], $0x80, $0x38;
	[tilespmem:$0x19E00] =	vst v63  }
.Ltmp1:
0x168: {  	s14 =	sadd.s32 $0xE6A8, s15;
	s16 =	sadd.s32 $0x50, s11;
	(pc) =	sbr.rel @p2 .LBB2_5-.Ltmp1, $4  }
0x169: {  	[hbm4b:s16+s2] =	stream.linear.scatter [tilespmem:s14], [sflag:$0x5], $0x80, $0x38;
	[tilespmem:$0x19E00] =	vst v63  }
0x16a: {  	s14 =	sadd.s32 $0xE730, s15;
	s16 =	sadd.s32 $0x60, s11;
	s15 =	sadd.s32 $0xE7B8, s15  }
0x16b: {  	[hbm4b:s16+s2] =	stream.linear.scatter [tilespmem:s14], [sflag:$0x5], $0x80, $0x38;
	[tilespmem:$0x19E00] =	vst v63  }
0x16c: {  	s16 =	sadd.s32 $0x70, s11;
	s11 =	sadd.s32 $0x1000, s11;
	s14 =	smov.u32 s17  }
0x16d: {  	[hbm4b:s16+s2] =	stream.linear.scatter [tilespmem:s15], [sflag:$0x5], $0x80, $0x38;
	[tilespmem:$0x19E00] =	vst v63  }
0x16e: {  	s14 =	sadd.s32 $0xE400, s10  }
0x16f: {  	[hbm4b:s11+s2] =	stream.linear.scatter [tilespmem:s14], [sflag:$0x5], $0x80, $0x38;
	[tilespmem:$0x19E00] =	vst v63  }
0x170: {  	s16 =	sadd.s32 $0xE488, s10;
	s17 =	sadd.s32 $0x10, s11  }
0x171: {  	[hbm4b:s17+s2] =	stream.linear.scatter [tilespmem:s16], [sflag:$0x5], $0x80, $0x38;
	[tilespmem:$0x19E00] =	vst v63  }
0x172: {  	s16 =	sadd.s32 $0xE510, s10;
	s17 =	sadd.s32 $0x20, s11  }
0x173: {  	[hbm4b:s17+s2] =	stream.linear.scatter [tilespmem:s16], [sflag:$0x5], $0x80, $0x38;
	[tilespmem:$0x19E00] =	vst v63  }
0x174: {  	s15 =	sadd.s32 $0xE7B8, s10;
	s16 =	sadd.s32 $0xE598, s10;
	s17 =	sadd.s32 $0x30, s11  }
0x175: {  	[hbm4b:s17+s2] =	stream.linear.scatter [tilespmem:s16], [sflag:$0x5], $0x80, $0x38;
	[tilespmem:$0x19E00] =	vst v63  }
0x176: {  	s14 =	simm.s32 $0x1;
	s16 =	sadd.s32 $0xE620, s10;
	s17 =	sadd.s32 $0x40, s11  }
0x177: {  	[hbm4b:s17+s2] =	stream.linear.scatter [tilespmem:s16], [sflag:$0x5], $0x80, $0x38;
	[tilespmem:$0x19E00] =	vst v63  }
0x178: {  	v3 =	vmov s14;
	s14 =	simm.s32 $0xC;
	s16 =	sadd.s32 $0xE6A8, s10;
	s17 =	sadd.s32 $0x50, s11  }
0x179: {  	[hbm4b:s17+s2] =	stream.linear.scatter [tilespmem:s16], [sflag:$0x5], $0x80, $0x38;
	[tilespmem:$0x19E00] =	vst v63  }
0x17a: {  	s16 =	sadd.s32 $0xE730, s10;
	s17 =	sadd.s32 $0x60, s11;
	s10 =	sor.u32 $0x1, s9  }
0x17b: {  	[hbm4b:s17+s2] =	stream.linear.scatter [tilespmem:s16], [sflag:$0x5], $0x80, $0x38;
	[tilespmem:$0x19E00] =	vst v63  }
0x17c: {  	v33 =	vadd.s32 $0x2202, v0;
	v32 =	vadd.s32 $0x2203, v0;
	s16 =	sadd.s32 $0x70, s11;
	s17 =	simm.s32 $0x0;
	s11 =	simm.s32 $0xB  }
0x17d: {  	v14 =	vmov s14;
	v3 =	vshrl.u32 v3, $0x3;
	v2 =	vmov s17;
	[hbm4b:s16+s2] =	stream.linear.scatter [tilespmem:s15], [sflag:$0x5], $0x80, $0x38;
	[tilespmem:$0x19E00] =	vst v63  }
0x17e: {  	v14 =	vshrl.u32 v14, $0x3;
	s17 =	simm.s32 $0x4;
	v13 =	vmov s11;
	s11 =	simm.s32 @!p1 $0x6;
	v2 =	vshrl.u32 v2, $0x3;
	s15 =	simm.s32 $0x2  }
0x17f: {  	s16 =	simm.s32 $0x3;
	v6 =	vmov s17;
	s17 =	simm.s32 $0x7;
	v17 =	vshrl.u32 v13, $0x3;
	v2 =	vshll.u32 v2, v1;
	_ =	swait.ge [sflag:s23], $0x2000  }
0x180: {  	v4 =	vmov s15;
	v5 =	vmov s16;
	s15 =	simm.s32 $0x5;
	s16 =	simm.s32 $0x6;
	v9 =	vmov s17;
	[sflag:s23] =	ssyncset.done $0x0  }
0x181: {  	s17 =	simm.s32 $0xA;
	v6 =	vshrl.u32 v6, $0x3;
	v7 =	vmov s15;
	v8 =	vmov s16;
	s15 =	simm.s32 $0x8;
	[sflag:s23] =	ssyncadd.s32 $0xFFFFE000  }
0x182: {  	s16 =	simm.s32 $0x9;
	v12 =	vmov s17;
	s17 =	sshll.u32 s10, $0x6;
	v13 =	vbroadcast v2, $0x0;
	v2 =	vshll.u32 v6, v1;
	_ =	swait.ge @!p1 [sflag:s11], $0x2000  }
0x183: {  	v10 =	vmov s15;
	v11 =	vmov s16;
	s15 =	simm.s32 $0xD;
	s16 =	simm.s32 $0xE;
	v7 =	vshrl.u32 v7, $0x3;
	[sflag:s11] =	ssyncset.done @!p1 $0x0;
	v47 =	vld [tilespmem:$0x1FDD0]  }
0x184: {  	v8 =	vshrl.u32 v8, $0x3;
	v15 =	vmov s15;
	v16 =	vmov s16;
	s15 =	sand.u32 $0x3FFFFFC0, s17;
	s16 =	simm.s32 $0xF;
	v46 =	vld [tilespmem:$0x1FFD0];
	[sflag:s11] =	ssyncadd.s32 @!p1 $0xFFFFE000  }
0x185: {  	v6 =	vshll.u32 v7, v1;
	v7 =	vshll.u32 v8, v1;
	v8 =	vmov s16;
	v49 =	vld [tilespmem:s15+$0x16C00]  }
0x186: {  	v3 =	vshll.u32 v3, v1;
	v19 =	vshll.u32 v14, v1;
	v8 =	vshrl.u32 v8, $0x3;
	v42 =	vld [tilespmem:s15+$0x16C10]  }
0x187: {  	v5 =	vshrl.u32 v5, $0x3;
	v9 =	vshrl.u32 v9, $0x3;
	s11 =	simm.s32 $0x87F0;
	v41 =	vld [tilespmem:s15+$0x16C20];
	v8 =	vshll.u32 v8, v1  }
0x188: {  	v24 =	vmovc v0;
	v18 =	vshll.u32 v5, v1;
	v5 =	vshll.u32 v9, v1;
	v14 =	vld [tilespmem:s11+$0xFFFFFFD0];
	v8 =	vbroadcast v8, $0x0  }
0x189: {  	v4 =	vshrl.u32 v4, $0x3;
	v27 =	vbroadcast v5, $0x0;
	v5 =	vadd.s32 $0x2207, v24;
	v20 =	vld [tilespmem:s11+$0xFFFFFC10]  }
0x18a: {  	v26 =	vbroadcast v3, $0x0;
	v4 =	vshll.u32 v4, v1;
	v22 =	vld [tilespmem:s11+$0xFFFFFC50];
	v23 =	vadd.s32 v5, v8  }
0x18b: {  	v39 =	vbroadcast v2, $0x0;
	v44 =	vbroadcast v4, $0x0;
	v30 =	vld [tilespmem:s11+$0xFFFFFC90];
	v29 =	vadd.s32 v47, v13  }
0x18c: {  	v34 =	vbroadcast v18, $0x0;
	v38 =	vbroadcast v6, $0x0;
	v18 =	vld [tilespmem:s11+$0xFFFFFCD0];
	v4 =	vadd.s32 v46, v26  }
0x18d: {  	v37 =	vbroadcast v7, $0x0;
	v2 =	vadd.s32 v33, v44;
	v6 =	vld [tilespmem:s11+$0xFFFFFD10];
	v7 =	vadd.f32 v14, v49  }
0x18e: {  	v31 =	vadd.s32 $0x2204, v0;
	v48 =	vadd.s32 v32, v34;
	v51 =	vld [tilespmem:s11+$0xFFFFFD50];
	v20 =	vadd.f32 v20, v49  }
0x18f: {  	v25 =	vadd.s32 $0x2205, v0;
	v50 =	vadd.s32 v31, v39;
	v40 =	vld [tilespmem:s15+$0x16C30];
	v22 =	vadd.f32 v22, v49;
	[tilespmem:v23+s22+$0x0] =	vst.idx.msk $0xffff, v7  }
0x190: {  	v10 =	vshrl.u32 v10, $0x3;
	v52 =	vadd.s32 v25, v38;
	v53 =	vld [tilespmem:s11+$0xFFFFFD90];
	[tilespmem:v29+s22+$0x0] =	vst.idx.msk $0xffff, v20;
	v7 =	vadd.f32 v30, v49  }
0x191: {  	v0 =	vadd.s32 $0x2206, v0;
	v9 =	vshll.u32 v10, v1;
	[tilespmem:v4+s22+$0x0] =	vst.idx.msk $0xffff, v22;
	v4 =	vadd.f32 v18, v49  }
0x192: {  	v36 =	vbroadcast v9, $0x0;
	v9 =	vadd.s32 v0, v37;
	v62 =	vld [tilespmem:s11+$0xFFFFFE50];
	[tilespmem:v2+s22+$0x0] =	vst.idx.msk $0xffff, v7;
	v2 =	vadd.f32 v6, v49  }
0x193: {  	v20 =	vld [tilespmem:s11+$0xFFFFFFE0];
	[tilespmem:v48+s22+$0x0] =	vst.idx.msk $0xffff, v4;
	v4 =	vadd.f32 v51, v49  }
0x194: {  	v57 =	vadd.s32 $0x2A87, v24;
	v29 =	vld [tilespmem:s11+$0xFFFFFDD0];
	[tilespmem:v50+s22+$0x0] =	vst.idx.msk $0xffff, v2  }
0x195: {  	v11 =	vshrl.u32 v11, $0x3;
	v63 =	vld [tilespmem:s11+$0xFFFFFE90];
	v7 =	vadd.s32 v57, v8;
	v2 =	vadd.f32 v53, v49;
	[tilespmem:v52+s22+$0x0] =	vst.idx.msk $0xffff, v4  }
0x196: {  	v12 =	vshrl.u32 v12, $0x3;
	v10 =	vshll.u32 v11, v1;
	v3 =	vadd.s32 v5, v27;
	v6 =	vld [tilespmem:s11+$0xFFFFFE10];
	[tilespmem:$0x1FC00] =	vst v33  }
0x197: {  	v11 =	vshll.u32 v12, v1;
	v12 =	vshll.u32 v17, v1;
	v43 =	vbroadcast v10, $0x0;
	[tilespmem:v9+s22+$0x0] =	vst.idx.msk $0xffff, v2  }
0x198: {  	v30 =	vadd.s32 v47, v36;
	v18 =	vbroadcast v12, $0x0;
	v12 =	vld [tilespmem:s11+$0xFFFFFED0];
	v45 =	vadd.f32 v20, v42;
	[tilespmem:$0x1FC10] =	vst v32  }
0x199: {  	v2 =	vadd.f32 v29, v49;
	v29 =	vld [tilespmem:s11+$0xFFFFFF10];
	[tilespmem:$0x1FC20] =	vst v31  }
0x19a: {  	v17 =	vbroadcast v11, $0x0;
	v11 =	vadd.s32 v46, v43;
	[tilespmem:v7+s22+$0x0] =	vst.idx.msk $0xffff, v45  }
0x19b: {  	v15 =	vshrl.u32 v15, $0x3;
	v16 =	vshrl.u32 v16, $0x3;
	v6 =	vadd.f32 v6, v49;
	[tilespmem:v3+s22+$0x0] =	vst.idx.msk $0xffff, v2  }
0x19c: {  	v28 =	vshll.u32 v16, v1;
	v4 =	vadd.s32 v33, v17;
	v59 =	vld [tilespmem:s11+$0xFFFFFF50];
	[tilespmem:$0x1FC30] =	vst v25  }
0x19d: {  	v35 =	vbroadcast v28, $0x0;
	v2 =	vadd.f32 v62, v49;
	v60 =	vld [tilespmem:s11+$0xFFFFFFF0];
	[tilespmem:v30+s22+$0x0] =	vst.idx.msk $0xffff, v6  }
0x19e: {  	v21 =	vshll.u32 v15, v1;
	v15 =	vmov v13;
	v6 =	vld [tilespmem:s11+$0xFFFFFF90];
	[tilespmem:$0x1FC40] =	vst v0  }
0x19f: {  	v13 =	vadd.s32 $0x3307, v24;
	v3 =	vadd.f32 v63, v49;
	v30 =	vadd.s32 v0, v35;
	v0 =	vld [tilespmem:s11+$0xFFFFFC60];
	[tilespmem:v11+s22+$0x0] =	vst.idx.msk $0xffff, v2  }
0x1a0: {  	v61 =	vld [tilespmem:s11+$0xFFFFFCA0];
	[tilespmem:$0x1FC50] =	vst v13  }
0x1a1: {  	v56 =	vbroadcast v19, $0x0;
	[tilespmem:v4+s22+$0x0] =	vst.idx.msk $0xffff, v3  }
0x1a2: {  	v16 =	vbroadcast v21, $0x0;
	v9 =	vadd.s32 v32, v18;
	v50 =	vld [tilespmem:$0x1FFE0]  }
0x1a3: {  	v58 =	vadd.s32 v31, v56  }
0x1a4: {  	v7 =	vadd.s32 v25, v16  }
0x1a5: {  	v11 =	vadd.f32 v12, v49;
	v12 =	vadd.s32 v13, v8  }
0x1a6: {  	v4 =	vadd.f32 v29, v49  }
0x1a7: {  	v2 =	vadd.s32 $0x2A82, v24;
	v54 =	vld [tilespmem:s11+$0xFFFFFCE0];
	[tilespmem:v9+s22+$0x0] =	vst.idx.msk $0xffff, v11;
	v9 =	vadd.f32 v59, v49;
	v29 =	vadd.s32 v50, v26  }
0x1a8: {  	v3 =	vadd.s32 $0x2A83, v24;
	v11 =	vadd.s32 v2, v44;
	v48 =	vadd.f32 v60, v41;
	[tilespmem:v58+s22+$0x0] =	vst.idx.msk $0xffff, v4  }
0x1a9: {  	v63 =	vadd.s32 v3, v34;
	[tilespmem:v7+s22+$0x0] =	vst.idx.msk $0xffff, v9;
	v9 =	vadd.f32 v6, v49  }
0x1aa: {  	v62 =	vld [tilespmem:s11+$0xFFFFFD20];
	v0 =	vadd.f32 v0, v42;
	[tilespmem:v12+s22+$0x0] =	vst.idx.msk $0xffff, v48  }
0x1ab: {  	v55 =	vld [tilespmem:s11+$0xFFFFFD60];
	v4 =	vadd.s32 $0x2A84, v24;
	v12 =	vadd.f32 v61, v42;
	[tilespmem:v30+s22+$0x0] =	vst.idx.msk $0xffff, v9  }
0x1ac: {  	v59 =	vld [tilespmem:s11+$0xFFFFFDA0];
	v58 =	vadd.s32 v4, v39;
	[tilespmem:v29+s22+$0x0] =	vst.idx.msk $0xffff, v0;
	v29 =	vadd.f32 v54, v42  }
0x1ad: {  	v23 =	vmov v34;
	v34 =	vld [tilespmem:s11+$0xFFFFFDE0];
	[tilespmem:v11+s22+$0x0] =	vst.idx.msk $0xffff, v12  }
0x1ae: {  	v6 =	vadd.s32 $0x2A85, v24;
	v9 =	vld [tilespmem:s11+$0x0];
	v0 =	vadd.s32 $0x3B87, v24;
	[tilespmem:v63+s22+$0x0] =	vst.idx.msk $0xffff, v29  }
0x1af: {  	v11 =	vadd.f32 v62, v42;
	v12 =	vld [tilespmem:s11+$0xFFFFFE20];
	v8 =	vadd.s32 v0, v8;
	[tilespmem:$0x1FC60] =	vst v0;
	v0 =	vadd.s32 v0, v27  }
0x1b0: {  	v7 =	vadd.s32 $0x2A86, v24;
	v33 =	vadd.s32 v6, v38;
	[tilespmem:$0x1FCE0] =	vst v0  }
0x1b1: {  	v30 =	vadd.s32 v7, v37;
	[tilespmem:v58+s22+$0x0] =	vst.idx.msk $0xffff, v11  }
0x1b2: {  	v25 =	vmov v44;
	v44 =	vld [tilespmem:$0x1FFA0]  }
0x1b3: {  	v29 =	vadd.f32 v55, v42;
	v48 =	vld [tilespmem:s11+$0xFFFFFE60]  }
0x1b4: {  	v10 =	vadd.s32 v57, v27;
	v11 =	vadd.f32 v59, v42;
	v53 =	vld [tilespmem:s11+$0xFFFFFEA0]  }
0x1b5: {  	[tilespmem:v33+s22+$0x0] =	vst.idx.msk $0xffff, v29;
	v29 =	vadd.s32 v50, v43  }
0x1b6: {  	v9 =	vadd.f32 v9, v40;
	[tilespmem:v30+s22+$0x0] =	vst.idx.msk $0xffff, v11;
	v30 =	vadd.s32 v2, v17  }
0x1b7: {  	v11 =	vadd.f32 v34, v42;
	v52 =	vadd.s32 v44, v36  }
0x1b8: {  	v60 =	vld [tilespmem:s11+$0xFFFFFEE0];
	[tilespmem:v8+s22+$0x0] =	vst.idx.msk $0xffff, v9;
	v8 =	vadd.f32 v48, v42  }
0x1b9: {  	v61 =	vld [tilespmem:s11+$0xFFFFFF20];
	[tilespmem:v10+s22+$0x0] =	vst.idx.msk $0xffff, v11;
	v9 =	vadd.f32 v53, v42  }
0x1ba: {  	v28 =	vadd.s32 v13, v27;
	v12 =	vadd.f32 v12, v42;
	v13 =	vld [tilespmem:s11+$0xFFFFFFA0];
	[tilespmem:v29+s22+$0x0] =	vst.idx.msk $0xffff, v8  }
0x1bb: {  	v62 =	vadd.s32 v3, v18;
	v14 =	vld [tilespmem:s11+$0xFFFFFC20];
	[tilespmem:v30+s22+$0x0] =	vst.idx.msk $0xffff, v9  }
0x1bc: {  	v54 =	vld [tilespmem:s11+$0xFFFFFCB0];
	v11 =	vadd.s32 v4, v56;
	[tilespmem:v52+s22+$0x0] =	vst.idx.msk $0xffff, v12  }
0x1bd: {  	v59 =	vadd.s32 v44, v15;
	v51 =	vld [tilespmem:$0x1FFF0]  }
0x1be: {  	v19 =	vmovc v17;
	v63 =	vld [tilespmem:s11+$0xFFFFFF60];
	v10 =	vadd.f32 v60, v42;
	v29 =	vadd.s32 v7, v35;
	v8 =	vadd.s32 $0x3302, v24  }
0x1bf: {  	v21 =	vmovc v15;
	v20 =	vmovc v18;
	v32 =	vadd.s32 $0x3B84, v24;
	v15 =	vld [tilespmem:s11+$0xFFFFFCF0];
	v30 =	vadd.f32 v61, v42;
	v48 =	vadd.s32 v8, v25  }
0x1c0: {  	v58 =	vld [tilespmem:s11+$0xFFFFFC70];
	v14 =	vadd.f32 v14, v42;
	v9 =	vadd.s32 $0x3303, v24;
	v12 =	vadd.s32 v6, v16;
	[tilespmem:v62+s22+$0x0] =	vst.idx.msk $0xffff, v10  }
0x1c1: {  	v31 =	vadd.s32 $0x3B83, v24;
	v18 =	vld [tilespmem:s11+$0xFFFFFD30];
	v13 =	vadd.f32 v13, v42;
	[tilespmem:v11+s22+$0x0] =	vst.idx.msk $0xffff, v30;
	v30 =	vadd.s32 v9, v23  }
0x1c2: {  	v27 =	vadd.s32 $0x3B82, v24;
	[tilespmem:v59+s22+$0x0] =	vst.idx.msk $0xffff, v14;
	v14 =	vadd.f32 v54, v41;
	v55 =	vadd.s32 v51, v26  }
0x1c3: {  	v22 =	vmovc v16;
	v0 =	vadd.s32 $0x3B81, v24;
	v17 =	vld [tilespmem:s11+$0xFFFFFDB0];
	v45 =	vadd.f32 v63, v42;
	v10 =	vadd.s32 $0x3304, v24;
	[tilespmem:v29+s22+$0x0] =	vst.idx.msk $0xffff, v13  }
0x1c4: {  	s17 =	simm.s32 $0x10;
	v33 =	vadd.s32 $0x3B85, v24;
	v16 =	vld [tilespmem:s11+$0xFFFFFD70];
	v15 =	vadd.f32 v15, v41;
	v62 =	vadd.s32 v10, v39;
	[tilespmem:v48+s22+$0x0] =	vst.idx.msk $0xffff, v14  }
0x1c5: {  	v58 =	vadd.f32 v58, v41;
	v11 =	vadd.s32 $0x3305, v24;
	v13 =	vmov s17;
	v59 =	vld [tilespmem:s11+$0xFFFFFDF0];
	[tilespmem:v12+s22+$0x0] =	vst.idx.msk $0xffff, v45  }
0x1c6: {  	s15 =	simm.s32 $0x11;
	v61 =	vld [tilespmem:s11+$0xFFFFFE30];
	v29 =	vadd.s32 v11, v38;
	v13 =	vshrl.u32 v13, $0x3;
	v14 =	vadd.f32 v18, v41;
	[tilespmem:v30+s22+$0x0] =	vst.idx.msk $0xffff, v15  }
0x1c7: {  	v18 =	vld [tilespmem:s11+$0xFFFFFE70];
	v12 =	vadd.s32 $0x3306, v24;
	[tilespmem:v55+s22+$0x0] =	vst.idx.msk $0xffff, v58;
	v55 =	vshll.u32 v13, v1;
	v13 =	vmov s15;
	s15 =	simm.s32 $0x14  }
0x1c8: {  	v34 =	vadd.s32 $0x3B86, v24;
	v60 =	vadd.s32 v12, v37;
	v45 =	vld [tilespmem:$0x1FFB0];
	v24 =	vmov s15  }
0x1c9: {  	s16 =	simm.s32 $0x12;
	v15 =	vadd.f32 v16, v41;
	v30 =	vld [tilespmem:s11+$0xFFFFFEB0];
	[tilespmem:v62+s22+$0x0] =	vst.idx.msk $0xffff, v14  }
0x1ca: {  	v48 =	vmov s16;
	s16 =	simm.s32 $0x15;
	v62 =	vld [tilespmem:s11+$0xFFFFFEF0];
	[tilespmem:$0x1FC70] =	vst v24  }
0x1cb: {  	s17 =	simm.s32 $0x13;
	v14 =	vadd.f32 v17, v41;
	[tilespmem:v29+s22+$0x0] =	vst.idx.msk $0xffff, v15;
	v29 =	vadd.s32 v8, v19;
	v24 =	vmovc v19;
	v19 =	vmov s16  }
0x1cc: {  	v58 =	vmov s17;
	s17 =	simm.s32 $0x16;
	v17 =	vadd.s32 v51, v43;
	v15 =	vadd.f32 v59, v41;
	v59 =	vld [tilespmem:s11+$0xFFFFFF30];
	[tilespmem:$0x1FC80] =	vst v19  }
0x1cd: {  	v19 =	vmov s17;
	v16 =	vadd.s32 v45, v36;
	[tilespmem:v60+s22+$0x0] =	vst.idx.msk $0xffff, v14  }
0x1ce: {  	s15 =	simm.s32 $0x17;
	v14 =	vadd.f32 v61, v41;
	v61 =	vld [tilespmem:s11+$0xFFFFFF70];
	[tilespmem:$0x1FCA0] =	vst v19  }
0x1cf: {  	v54 =	vmovc v20;
	v60 =	vadd.s32 v9, v20;
	v20 =	vmov s15;
	[tilespmem:v28+s22+$0x0] =	vst.idx.msk $0xffff, v15;
	v15 =	vadd.f32 v18, v41  }
0x1d0: {  	v19 =	vld [tilespmem:s11+$0xFFFFFFB0];
	[tilespmem:$0x1FCC0] =	vst v20  }
0x1d1: {  	s16 =	simm.s32 $0x18;
	[tilespmem:v17+s22+$0x0] =	vst.idx.msk $0xffff, v15  }
0x1d2: {  	[tilespmem:v16+s22+$0x0] =	vst.idx.msk $0xffff, v14;
	v16 =	vadd.f32 v30, v41;
	v14 =	vmov s16  }
0x1d3: {  	s17 =	simm.s32 $0x19;
	v18 =	vadd.s32 v10, v56;
	v20 =	vld [tilespmem:s11+$0xFFFFFC30];
	[tilespmem:$0x1FCF0] =	vst v14  }
0x1d4: {  	v62 =	vadd.f32 v62, v41;
	v15 =	vmov s17;
	[tilespmem:v29+s22+$0x0] =	vst.idx.msk $0xffff, v16  }
0x1d5: {  	s15 =	simm.s32 $0x1A;
	v30 =	vadd.s32 v11, v22;
	v17 =	vld [tilespmem:s11+$0xFFFFFC80];
	[tilespmem:$0x1FD10] =	vst v15  }
0x1d6: {  	v29 =	vadd.f32 v59, v41;
	v15 =	vmov s15;
	[tilespmem:v60+s22+$0x0] =	vst.idx.msk $0xffff, v62  }
0x1d7: {  	s16 =	simm.s32 $0x1B;
	v14 =	vadd.s32 v12, v35;
	v16 =	vld [tilespmem:s11+$0xFFFFFCC0];
	[tilespmem:$0x1FD30] =	vst v15  }
0x1d8: {  	v59 =	vadd.s32 v45, v21;
	v60 =	vadd.f32 v61, v41;
	v15 =	vmov s16;
	[tilespmem:v18+s22+$0x0] =	vst.idx.msk $0xffff, v29  }
0x1d9: {  	v26 =	vadd.s32 v0, v26;
	s17 =	simm.s32 $0x1C;
	v62 =	vld [tilespmem:s11+$0xFFFFFD00];
	[tilespmem:$0x1FD50] =	vst v15  }
0x1da: {  	v19 =	vadd.f32 v19, v41;
	v18 =	vadd.s32 v27, v25;
	v15 =	vmov s17;
	[tilespmem:v30+s22+$0x0] =	vst.idx.msk $0xffff, v60  }
0x1db: {  	v52 =	vmov v21;
	v20 =	vadd.f32 v20, v41;
	v21 =	vld [tilespmem:s11+$0xFFFFFD40];
	v30 =	vadd.s32 v31, v23;
	[tilespmem:$0x1FD60] =	vst v15  }
0x1dc: {  	[tilespmem:v14+s22+$0x0] =	vst.idx.msk $0xffff, v19;
	v14 =	vadd.f32 v17, v40  }
0x1dd: {  	v16 =	vadd.f32 v16, v40;
	[tilespmem:v59+s22+$0x0] =	vst.idx.msk $0xffff, v20  }
0x1de: {  	v15 =	vld [tilespmem:s11+$0xFFFFFD80];
	[tilespmem:v26+s22+$0x0] =	vst.idx.msk $0xffff, v14;
	v26 =	vadd.f32 v62, v40  }
0x1df: {  	v17 =	vadd.s32 v32, v39;
	v19 =	vld [tilespmem:s11+$0xFFFFFDC0];
	[tilespmem:v18+s22+$0x0] =	vst.idx.msk $0xffff, v16  }
0x1e0: {  	v53 =	vmov v22;
	v22 =	vld [tilespmem:s11+$0xFFFFFE00];
	[tilespmem:v30+s22+$0x0] =	vst.idx.msk $0xffff, v26  }
0x1e1: {  	v20 =	vadd.s32 v33, v38;
	v16 =	vld [tilespmem:$0x1FC70]  }
0x1e2: {  	v59 =	vshrl.u32 v13, $0x3;
	v13 =	vld [tilespmem:s11+$0xFFFFFE80];
	v18 =	vadd.f32 v21, v40  }
0x1e3: {  	v14 =	vld [tilespmem:s11+$0xFFFFFE40]  }
0x1e4: {  	v29 =	vshrl.u32 v48, $0x3;
	v15 =	vadd.f32 v15, v40;
	v48 =	vld [tilespmem:$0x1FFC0];
	[tilespmem:v17+s22+$0x0] =	vst.idx.msk $0xffff, v18  }
0x1e5: {  	v30 =	vld [tilespmem:s11+$0xFFFFFEC0];
	[tilespmem:$0x1FC90] =	vst v0  }
0x1e6: {  	v62 =	vadd.s32 v34, v37;
	v37 =	vshrl.u32 v16, $0x3;
	v16 =	vld [tilespmem:$0x1FC80];
	[tilespmem:v20+s22+$0x0] =	vst.idx.msk $0xffff, v15  }
0x1e7: {  	v21 =	vadd.s32 v0, v43;
	v0 =	vld [tilespmem:$0x1FCA0];
	_ =	sdelay $0x1  }
0x1e8: {  	v17 =	vadd.f32 v19, v40  }
0x1e9: {  	v25 =	vld [tilespmem:s11+$0xFFFFFF00];
	[tilespmem:$0x1FCB0] =	vst v27  }
0x1ea: {  	[tilespmem:v62+s22+$0x0] =	vst.idx.msk $0xffff, v17  }
0x1eb: {  	v15 =	vshrl.u32 v0, $0x3;
	v0 =	vld [tilespmem:$0x1FCC0];
	_ =	sdelay $0x4  }
0x1ec: {  	v18 =	vshrl.u32 v0, $0x3;
	v0 =	vld [tilespmem:$0x1FCE0];
	_ =	sdelay $0x5  }
0x1ed: {  	v19 =	vadd.f32 v22, v40  }
0x1ee: {  	v28 =	vld [tilespmem:s11+$0xFFFFFF40];
	[tilespmem:$0x1FCD0] =	vst v31  }
0x1ef: {  	v23 =	vadd.s32 v48, v36;
	[tilespmem:v0+s22+$0x0] =	vst.idx.msk $0xffff, v19  }
0x1f0: {  	v0 =	vld [tilespmem:$0x1FCF0];
	_ =	sdelay $0x1  }
0x1f1: {  	v14 =	vadd.f32 v14, v40  }
0x1f2: {  	v22 =	vadd.s32 v27, v24;
	v24 =	vld [tilespmem:s11+$0xFFFFFF80];
	[tilespmem:$0x1FD00] =	vst v32  }
0x1f3: {  	[tilespmem:v23+s22+$0x0] =	vst.idx.msk $0xffff, v14  }
0x1f4: {  	v17 =	vshrl.u32 v0, $0x3;
	v0 =	vld [tilespmem:$0x1FD10];
	_ =	sdelay $0x1  }
0x1f5: {  	v20 =	vadd.f32 v13, v40;
	v26 =	vld [tilespmem:s11+$0xFFFFFFC0]  }
0x1f6: {  	v27 =	vld [tilespmem:s11+$0xFFFFFC40];
	[tilespmem:$0x1FD20] =	vst v33  }
0x1f7: {  	[tilespmem:v21+s22+$0x0] =	vst.idx.msk $0xffff, v20  }
0x1f8: {  	v19 =	vshrl.u32 v0, $0x3;
	v0 =	vld [tilespmem:$0x1FD30];
	_ =	sdelay $0x1  }
0x1f9: {  	v14 =	vadd.f32 v30, v40  }
0x1fa: {  	[tilespmem:$0x1FD40] =	vst v34  }
0x1fb: {  	v54 =	vadd.s32 v31, v54;
	[tilespmem:v22+s22+$0x0] =	vst.idx.msk $0xffff, v14  }
0x1fc: {  	v20 =	vshrl.u32 v0, $0x3;
	v0 =	vld [tilespmem:$0x1FD50];
	_ =	sdelay $0x1  }
0x1fd: {  	v38 =	vshrl.u32 v16, $0x3;
	v16 =	vadd.s32 v32, v56;
	v23 =	vadd.f32 v25, v40  }
0x1fe: {  	s17 =	simm.s32 $0x1E;
	v30 =	vadd.s32 v33, v53  }
0x1ff: {  	v63 =	vmov s17;
	[tilespmem:v54+s22+$0x0] =	vst.idx.msk $0xffff, v23  }
0x200: {  	v13 =	vadd.s32 v34, v35;
	v22 =	vadd.f32 v28, v40;
	v21 =	vshrl.u32 v0, $0x3;
	v0 =	vld [tilespmem:$0x1FD60]  }
0x201: {  	s16 =	simm.s32 $0x1D;
	v60 =	vshrl.u32 v58, $0x3;
	v25 =	vadd.s32 v48, v52;
	v28 =	vadd.f32 v24, v40  }
0x202: {  	v39 =	vmov s16;
	v14 =	vshll.u32 v59, v1;
	[tilespmem:v16+s22+$0x0] =	vst.idx.msk $0xffff, v22;
	v16 =	vshll.u32 v29, v1  }
0x203: {  	v24 =	vshrl.u32 v39, $0x3;
	v22 =	vadd.f32 v26, v40;
	[tilespmem:v30+s22+$0x0] =	vst.idx.msk $0xffff, v28;
	v28 =	vshll.u32 v60, v1  }
0x204: {  	v26 =	vshrl.u32 v63, $0x3;
	v30 =	vadd.f32 v27, v40;
	v29 =	vshll.u32 v37, v1  }
0x205: {  	s14 =	simm.s32 $0x20;
	s15 =	simm.s32 $0x1F;
	v27 =	vshll.u32 v38, v1;
	[tilespmem:v13+s22+$0x0] =	vst.idx.msk $0xffff, v22;
	v13 =	vbroadcast v55, $0x0;
	v23 =	vshrl.u32 v0, $0x3  }
.LBB2_7:
0x206: {  	v54 =	vld [tilespmem:$0x1FC00]  }
0x207: {  	v53 =	vld [tilespmem:$0x1FC10]  }
0x208: {  	v52 =	vld [tilespmem:$0x1FC20]  }
0x209: {  	v58 =	vshll.u32 v15, v1;
	v15 =	vshll.u32 v18, v1;
	v43 =	vld [tilespmem:$0x1FC30]  }
0x20a: {  	v18 =	vmov s15;
	v17 =	vshll.u32 v17, v1;
	v61 =	vshll.u32 v21, v1;
	s11 =	sadd.s32 $0x400, s11;
	v0 =	vld [tilespmem:$0x1FC40];
	[tilespmem:v25+s22+$0x0] =	vst.idx.msk $0xffff, v30  }
0x20b: {  	v23 =	vshll.u32 v23, v1;
	v59 =	vbroadcast v27, $0x0;
	v18 =	vshrl.u32 v18, $0x3;
	v62 =	vld [tilespmem:s11+$0xFFFFFC10]  }
0x20c: {  	v30 =	vshll.u32 v20, v1;
	v63 =	vld [tilespmem:s11+$0xFFFFFC50];
	v20 =	vbroadcast v14, $0x0;
	v18 =	vshll.u32 v18, v1  }
0x20d: {  	v25 =	vshll.u32 v19, v1;
	v60 =	vld [tilespmem:s11+$0xFFFFFFD0];
	v22 =	vbroadcast v18, $0x0;
	v33 =	vadd.s32 v47, v13  }
0x20e: {  	v21 =	vbroadcast v15, $0x0;
	v34 =	vld [tilespmem:s11+$0xFFFFFC90];
	v19 =	vbroadcast v16, $0x0;
	v16 =	vadd.s32 v46, v20  }
0x20f: {  	v15 =	vbroadcast v29, $0x0;
	v18 =	vbroadcast v28, $0x0;
	v28 =	vld [tilespmem:s11+$0xFFFFFCD0];
	v32 =	vadd.s32 v5, v22  }
0x210: {  	v29 =	vld [tilespmem:s11+$0xFFFFFD10];
	v14 =	vbroadcast v17, $0x0;
	v27 =	vadd.s32 v54, v19;
	v62 =	vadd.f32 v62, v49  }
0x211: {  	v37 =	vld [tilespmem:s11+$0xFFFFFD50];
	v35 =	vadd.s32 v53, v18;
	v36 =	vadd.s32 v52, v15;
	v63 =	vadd.f32 v63, v49  }
0x212: {  	v58 =	vbroadcast v58, $0x0;
	v39 =	vld [tilespmem:s11+$0xFFFFFD90];
	v38 =	vadd.s32 v43, v59;
	v60 =	vadd.f32 v60, v49;
	[tilespmem:v33+s22+$0x0] =	vst.idx.msk $0xffff, v62  }
0x213: {  	v17 =	vadd.f32 v34, v49;
	v34 =	vadd.s32 v47, v14;
	v47 =	vld [tilespmem:s11+$0xFFFFFE90];
	[tilespmem:v16+s22+$0x0] =	vst.idx.msk $0xffff, v63  }
0x214: {  	v55 =	vadd.s32 v0, v58;
	v16 =	vadd.f32 v28, v49;
	v28 =	vld [tilespmem:s11+$0xFFFFFDD0];
	[tilespmem:v32+s22+$0x0] =	vst.idx.msk $0xffff, v60  }
0x215: {  	v24 =	vshll.u32 v24, v1;
	[tilespmem:v27+s22+$0x0] =	vst.idx.msk $0xffff, v17;
	v17 =	vadd.f32 v29, v49;
	v27 =	vld [tilespmem:s11+$0xFFFFFE10]  }
0x216: {  	v26 =	vshll.u32 v26, v1;
	v29 =	vadd.f32 v37, v49;
	v37 =	vld [tilespmem:s11+$0xFFFFFE50];
	[tilespmem:v35+s22+$0x0] =	vst.idx.msk $0xffff, v16;
	v16 =	vbroadcast v30, $0x0  }
0x217: {  	v31 =	vadd.s32 v5, v21;
	v56 =	vld [tilespmem:s11+$0xFFFFFFE0];
	v30 =	vadd.f32 v39, v49;
	[tilespmem:v36+s22+$0x0] =	vst.idx.msk $0xffff, v17  }
0x218: {  	v62 =	vbroadcast v24, $0x0;
	v17 =	vbroadcast v61, $0x0;
	[tilespmem:v38+s22+$0x0] =	vst.idx.msk $0xffff, v29;
	v29 =	vadd.s32 v54, v16;
	v54 =	vld [tilespmem:s11+$0xFFFFFED0]  }
0x219: {  	v60 =	vbroadcast v25, $0x0;
	v25 =	vadd.s32 v57, v22;
	v61 =	vbroadcast v23, $0x0;
	[tilespmem:v55+s22+$0x0] =	vst.idx.msk $0xffff, v30;
	v55 =	vld [tilespmem:s11+$0xFFFFFF10]  }
0x21a: {  	v63 =	vbroadcast v26, $0x0;
	v28 =	vadd.f32 v28, v49;
	v30 =	vadd.s32 v53, v17;
	v53 =	vld [tilespmem:s11+$0xFFFFFCE0]  }
0x21b: {  	v46 =	vadd.s32 v46, v60;
	v24 =	vadd.f32 v27, v49;
	v27 =	vadd.s32 v52, v61;
	v52 =	vld [tilespmem:s11+$0xFFFFFCA0]  }
0x21c: {  	v23 =	vadd.f32 v56, v42;
	v56 =	vld [tilespmem:s11+$0xFFFFFF50];
	[tilespmem:v31+s22+$0x0] =	vst.idx.msk $0xffff, v28  }
0x21d: {  	v31 =	vadd.s32 v0, v63;
	v0 =	vld [tilespmem:$0x1FC50];
	[tilespmem:v34+s22+$0x0] =	vst.idx.msk $0xffff, v24;
	v24 =	vadd.f32 v47, v49  }
0x21e: {  	v28 =	vld [tilespmem:s11+$0xFFFFFF90];
	[tilespmem:v25+s22+$0x0] =	vst.idx.msk $0xffff, v23;
	v23 =	vadd.f32 v37, v49  }
0x21f: {  	v25 =	vadd.s32 v43, v62;
	v43 =	vld [tilespmem:s11+$0xFFFFFC60];
	[tilespmem:v29+s22+$0x0] =	vst.idx.msk $0xffff, v24;
	v24 =	vadd.f32 v55, v49  }
0x220: {  	v26 =	vld [tilespmem:s11+$0xFFFFFFF0];
	[tilespmem:v46+s22+$0x0] =	vst.idx.msk $0xffff, v23;
	v46 =	vadd.f32 v54, v49  }
0x221: {  	v55 =	vld [tilespmem:s11+$0xFFFFFD20];
	[tilespmem:v27+s22+$0x0] =	vst.idx.msk $0xffff, v24  }
0x222: {  	v47 =	vadd.s32 v0, v22;
	v27 =	vld [tilespmem:s11+$0xFFFFFD60];
	[tilespmem:v30+s22+$0x0] =	vst.idx.msk $0xffff, v46;
	v30 =	vadd.f32 v56, v49  }
0x223: {  	v29 =	vadd.s32 v50, v20;
	v23 =	vadd.s32 v0, v21;
	v0 =	vld [tilespmem:$0x1FC60]  }
0x224: {  	v56 =	vld [tilespmem:s11+$0xFFFFFDA0];
	[tilespmem:v25+s22+$0x0] =	vst.idx.msk $0xffff, v30;
	v25 =	vadd.f32 v28, v49  }
0x225: {  	v54 =	vadd.s32 v2, v19;
	v46 =	vld [tilespmem:s11+$0xFFFFFE20];
	v24 =	vadd.f32 v26, v41  }
0x226: {  	v26 =	vadd.s32 v3, v18;
	v28 =	vadd.f32 v43, v42;
	[tilespmem:v31+s22+$0x0] =	vst.idx.msk $0xffff, v25;
	v31 =	vld [tilespmem:s11+$0xFFFFFDE0]  }
0x227: {  	v30 =	vadd.s32 v4, v15;
	[tilespmem:v47+s22+$0x0] =	vst.idx.msk $0xffff, v24;
	v47 =	vld [tilespmem:s11+$0xFFFFFEE0]  }
0x228: {  	v24 =	vadd.f32 v52, v42;
	[tilespmem:v29+s22+$0x0] =	vst.idx.msk $0xffff, v28;
	v28 =	vadd.f32 v53, v42;
	v53 =	vld [tilespmem:s11+$0xFFFFFF60]  }
0x229: {  	v43 =	vadd.s32 v6, v59;
	v25 =	vld [tilespmem:s11+$0x0]  }
0x22a: {  	v29 =	vadd.s32 v7, v58;
	[tilespmem:v54+s22+$0x0] =	vst.idx.msk $0xffff, v24;
	v24 =	vadd.f32 v55, v42;
	v54 =	vld [tilespmem:s11+$0xFFFFFC70]  }
0x22b: {  	v22 =	vadd.s32 v0, v22;
	[tilespmem:v26+s22+$0x0] =	vst.idx.msk $0xffff, v28;
	v26 =	vadd.f32 v27, v42;
	v27 =	vld [tilespmem:s11+$0xFFFFFE60]  }
0x22c: {  	v35 =	vadd.s32 v57, v21;
	[tilespmem:v30+s22+$0x0] =	vst.idx.msk $0xffff, v24;
	v30 =	vld [tilespmem:s11+$0xFFFFFEA0]  }
0x22d: {  	v55 =	vadd.s32 v44, v13;
	v28 =	vadd.s32 v44, v14;
	v24 =	vadd.f32 v56, v42;
	v56 =	vld [tilespmem:s11+$0xFFFFFCB0]  }
0x22e: {  	[tilespmem:v43+s22+$0x0] =	vst.idx.msk $0xffff, v26;
	v26 =	vadd.s32 v50, v60;
	v44 =	vld [tilespmem:s11+$0xFFFFFD30];
	v25 =	vadd.f32 v25, v40  }
0x22f: {  	[tilespmem:v29+s22+$0x0] =	vst.idx.msk $0xffff, v24;
	v24 =	vadd.f32 v31, v42;
	v29 =	vadd.s32 v2, v16;
	v31 =	vld [tilespmem:s11+$0xFFFFFF20]  }
0x230: {  	v52 =	vadd.s32 v3, v17;
	v32 =	vadd.f32 v46, v42;
	v46 =	vld [tilespmem:s11+$0xFFFFFDB0];
	[tilespmem:v22+s22+$0x0] =	vst.idx.msk $0xffff, v25  }
0x231: {  	[tilespmem:v35+s22+$0x0] =	vst.idx.msk $0xffff, v24;
	v22 =	vadd.f32 v27, v42;
	v25 =	vld [tilespmem:s11+$0xFFFFFFA0]  }
0x232: {  	v24 =	vadd.s32 v4, v61;
	v27 =	vld [tilespmem:s11+$0xFFFFFC20];
	[tilespmem:v28+s22+$0x0] =	vst.idx.msk $0xffff, v32;
	v28 =	vadd.f32 v30, v42  }
0x233: {  	v30 =	vadd.s32 v6, v62;
	[tilespmem:v26+s22+$0x0] =	vst.idx.msk $0xffff, v22;
	v22 =	vadd.f32 v47, v42;
	v47 =	vld [tilespmem:s11+$0xFFFFFDF0]  }
0x234: {  	[tilespmem:v29+s22+$0x0] =	vst.idx.msk $0xffff, v28;
	v28 =	vadd.f32 v31, v42;
	v31 =	vld [tilespmem:s11+$0xFFFFFCF0]  }
0x235: {  	[tilespmem:v52+s22+$0x0] =	vst.idx.msk $0xffff, v22;
	v52 =	vld [tilespmem:s11+$0xFFFFFE30]  }
0x236: {  	v26 =	vadd.s32 v7, v63;
	v29 =	vadd.s32 v51, v20;
	v22 =	vadd.f32 v53, v42;
	v53 =	vld [tilespmem:s11+$0xFFFFFE70]  }
0x237: {  	[tilespmem:v24+s22+$0x0] =	vst.idx.msk $0xffff, v28;
	v24 =	vadd.f32 v25, v42;
	v25 =	vadd.f32 v27, v42;
	v28 =	vld [tilespmem:s11+$0xFFFFFD70]  }
0x238: {  	v43 =	vadd.s32 v8, v19;
	[tilespmem:v30+s22+$0x0] =	vst.idx.msk $0xffff, v22;
	v22 =	vadd.f32 v54, v41;
	v54 =	vld [tilespmem:s11+$0xFFFFFEF0]  }
0x239: {  	v27 =	vadd.s32 v9, v18;
	[tilespmem:v55+s22+$0x0] =	vst.idx.msk $0xffff, v25;
	v55 =	vld [tilespmem:s11+$0xFFFFFF30]  }
0x23a: {  	v21 =	vadd.s32 v0, v21;
	v30 =	vadd.s32 v10, v15;
	v35 =	vld [tilespmem:s11+$0xFFFFFF70]  }
0x23b: {  	[tilespmem:v26+s22+$0x0] =	vst.idx.msk $0xffff, v24;
	v24 =	vmov s14;
	v25 =	vadd.f32 v56, v41;
	v26 =	vadd.s32 v11, v59;
	v56 =	vld [tilespmem:$0x1FFB0]  }
0x23c: {  	v24 =	vshrl.u32 v24, $0x3;
	[tilespmem:v29+s22+$0x0] =	vst.idx.msk $0xffff, v22;
	v29 =	vadd.f32 v31, v41;
	v31 =	vadd.s32 v12, v58;
	v34 =	vld [tilespmem:s11+$0xFFFFFFB0]  }
0x23d: {  	v22 =	vshll.u32 v24, v1;
	[tilespmem:v43+s22+$0x0] =	vst.idx.msk $0xffff, v25;
	v25 =	vadd.f32 v44, v41;
	v44 =	vld [tilespmem:s11+$0xFFFFFC30]  }
0x23e: {  	[tilespmem:v27+s22+$0x0] =	vst.idx.msk $0xffff, v29;
	v27 =	vadd.f32 v28, v41;
	v28 =	vadd.s32 v45, v14;
	v29 =	vld [tilespmem:s11+$0xFFFFFEB0]  }
0x23f: {  	v45 =	vld [tilespmem:s11+$0xFFFFFC80];
	[tilespmem:v30+s22+$0x0] =	vst.idx.msk $0xffff, v25;
	v25 =	vadd.f32 v46, v41;
	v30 =	vadd.s32 v51, v60  }
0x240: {  	v33 =	vld [tilespmem:s11+$0xFFFFFD00];
	[tilespmem:v26+s22+$0x0] =	vst.idx.msk $0xffff, v27;
	v26 =	vadd.f32 v47, v41;
	v27 =	vadd.s32 v8, v16  }
0x241: {  	[tilespmem:v31+s22+$0x0] =	vst.idx.msk $0xffff, v25;
	v25 =	vadd.f32 v52, v41;
	v31 =	vadd.s32 v9, v17;
	v52 =	vld [tilespmem:$0x1FC90]  }
0x242: {  	s17 =	sadd.s32 $0x2, s14;
	v47 =	vld [tilespmem:s11+$0xFFFFFCC0];
	[tilespmem:v23+s22+$0x0] =	vst.idx.msk $0xffff, v26;
	v23 =	vadd.f32 v53, v41;
	v26 =	vadd.s32 v10, v61  }
0x243: {  	v36 =	vmov s17;
	s17 =	sadd.s32 $0x4, s14;
	v46 =	vadd.s32 v56, v13;
	v53 =	vld [tilespmem:$0x1FCB0];
	[tilespmem:v28+s22+$0x0] =	vst.idx.msk $0xffff, v25;
	v25 =	vadd.f32 v29, v41  }
0x244: {  	v38 =	vmov s17;
	v56 =	vld [tilespmem:$0x1FD20];
	v28 =	vadd.s32 v11, v62;
	[tilespmem:v30+s22+$0x0] =	vst.idx.msk $0xffff, v23;
	v23 =	vadd.f32 v54, v41  }
0x245: {  	s17 =	sadd.s32 $0x6, s14;
	v36 =	vshrl.u32 v36, $0x3;
	v30 =	vadd.s32 v12, v63;
	v54 =	vld [tilespmem:$0x1FCD0];
	[tilespmem:v27+s22+$0x0] =	vst.idx.msk $0xffff, v25;
	v25 =	vadd.f32 v55, v41  }
0x246: {  	s16 =	sadd.s32 $0x1, s14;
	v0 =	vmov s17;
	v55 =	vld [tilespmem:$0x1FD00];
	v20 =	vadd.s32 v52, v20;
	[tilespmem:v31+s22+$0x0] =	vst.idx.msk $0xffff, v23;
	v23 =	vadd.f32 v35, v41  }
0x247: {  	v24 =	vmov s16;
	s16 =	sadd.s32 $0x3, s14;
	v35 =	vld [tilespmem:s11+$0xFFFFFD40];
	[tilespmem:v26+s22+$0x0] =	vst.idx.msk $0xffff, v25;
	v25 =	vadd.f32 v34, v41;
	v34 =	vadd.f32 v44, v41  }
0x248: {  	v37 =	vmov s16;
	s16 =	sadd.s32 $0x5, s14;
	v24 =	vshrl.u32 v24, $0x3;
	v19 =	vadd.s32 v53, v19;
	v44 =	vld [tilespmem:s11+$0xFFFFFD80]  }
0x249: {  	v14 =	vadd.s32 v48, v14;
	v39 =	vmov s16;
	[tilespmem:v46+s22+$0x0] =	vst.idx.msk $0xffff, v34;
	v34 =	vadd.s32 v56, v59;
	v59 =	vld [tilespmem:$0x1FD40]  }
0x24a: {  	s16 =	sadd.s32 $0x7, s14;
	v37 =	vshrl.u32 v37, $0x3;
	[tilespmem:v28+s22+$0x0] =	vst.idx.msk $0xffff, v23;
	v23 =	vadd.f32 v45, v40;
	v45 =	vld [tilespmem:s11+$0xFFFFFDC0];
	v18 =	vadd.s32 v54, v18  }
0x24b: {  	s17 =	sadd.s32 $0x8, s14;
	v43 =	vmov s16;
	[tilespmem:v30+s22+$0x0] =	vst.idx.msk $0xffff, v25;
	v25 =	vadd.f32 v47, v40;
	v46 =	vld [tilespmem:s11+$0xFFFFFE00];
	v15 =	vadd.s32 v55, v15  }
0x24c: {  	v29 =	vmov s17;
	v62 =	vadd.s32 v56, v62;
	v16 =	vadd.s32 v53, v16;
	v53 =	vld [tilespmem:s11+$0xFFFFFF40];
	[tilespmem:v20+s22+$0x0] =	vst.idx.msk $0xffff, v23  }
0x24d: {  	v54 =	vadd.s32 v54, v17;
	v17 =	vshrl.u32 v29, $0x3;
	v20 =	vadd.f32 v33, v40;
	[tilespmem:v19+s22+$0x0] =	vst.idx.msk $0xffff, v25;
	v25 =	vld [tilespmem:s11+$0xFFFFFE80]  }
0x24e: {  	v19 =	vadd.f32 v35, v40;
	v35 =	vshrl.u32 v38, $0x3;
	v23 =	vadd.s32 v59, v58;
	v58 =	vld [tilespmem:s11+$0xFFFFFE40]  }
0x24f: {  	v38 =	vshrl.u32 v39, $0x3;
	v39 =	vadd.s32 v52, v60;
	v60 =	vld [tilespmem:s11+$0xFFFFFFC0];
	[tilespmem:v18+s22+$0x0] =	vst.idx.msk $0xffff, v20;
	v18 =	vadd.f32 v44, v40  }
0x250: {  	s16 =	sadd.s32 $0x9, s14;
	v29 =	vadd.s32 v55, v61;
	v61 =	vld [tilespmem:s11+$0xFFFFFC40];
	[tilespmem:v15+s22+$0x0] =	vst.idx.msk $0xffff, v19;
	v15 =	vshrl.u32 v0, $0x3;
	v0 =	vadd.f32 v46, v40  }
0x251: {  	v32 =	vmov s16;
	s17 =	sadd.s32 $0xA, s14;
	v52 =	vld [tilespmem:s11+$0xFFFFFF00];
	v63 =	vadd.s32 v59, v63;
	v19 =	vadd.f32 v45, v40;
	[tilespmem:v34+s22+$0x0] =	vst.idx.msk $0xffff, v18  }
0x252: {  	s16 =	sadd.s32 $0xB, s14;
	v27 =	vmov s17;
	v20 =	vld [tilespmem:s11+$0xFFFFFEC0];
	[tilespmem:v21+s22+$0x0] =	vst.idx.msk $0xffff, v0;
	v0 =	vadd.f32 v25, v40;
	v25 =	vadd.s32 v48, v13  }
0x253: {  	s17 =	sadd.s32 $0xC, s14;
	v31 =	vmov s16;
	v13 =	vadd.f32 v53, v40;
	[tilespmem:v23+s22+$0x0] =	vst.idx.msk $0xffff, v19;
	v23 =	vadd.f32 v58, v40;
	v58 =	vld [tilespmem:s11+$0xFFFFFF80]  }
0x254: {  	s16 =	sadd.s32 $0xD, s14;
	v26 =	vmov s17;
	s17 =	sadd.s32 $0xE, s14;
	v21 =	vshrl.u32 v31, $0x3;
	v31 =	vadd.f32 v60, v40;
	[tilespmem:v39+s22+$0x0] =	vst.idx.msk $0xffff, v0  }
0x255: {  	p2 =	slt.u32 s14, $0x70;
	v28 =	vmov s16;
	v30 =	vmov s17;
	v18 =	vshrl.u32 v43, $0x3;
	[tilespmem:v29+s22+$0x0] =	vst.idx.msk $0xffff, v13  }
.Ltmp2:
0x256: {  	v19 =	vshrl.u32 v32, $0x3;
	v0 =	vadd.f32 v52, v40;
	v13 =	vbroadcast v22, $0x0;
	[tilespmem:v63+s22+$0x0] =	vst.idx.msk $0xffff, v31;
	(pc) =	sbr.rel @p2 .LBB2_7-.Ltmp2, $4  }
0x257: {  	v47 =	vld [tilespmem:$0x1FDD0];
	v29 =	vshll.u32 v35, v1;
	[tilespmem:v14+s22+$0x0] =	vst.idx.msk $0xffff, v23;
	v14 =	vadd.f32 v20, v40;
	v23 =	vshrl.u32 v26, $0x3  }
0x258: {  	v44 =	vld [tilespmem:$0x1FFA0];
	[tilespmem:v54+s22+$0x0] =	vst.idx.msk $0xffff, v0;
	v26 =	vshrl.u32 v30, $0x3;
	v30 =	vadd.f32 v61, v40;
	v0 =	vadd.f32 v58, v40  }
0x259: {  	v46 =	vld [tilespmem:$0x1FFD0];
	v20 =	vshrl.u32 v27, $0x3;
	v27 =	vshll.u32 v38, v1;
	[tilespmem:v16+s22+$0x0] =	vst.idx.msk $0xffff, v14;
	v14 =	vshll.u32 v24, v1  }
0x25a: {  	s15 =	sadd.s32 $0xF, s14;
	s14 =	sadd.s32 $0x10, s14;
	v45 =	vld [tilespmem:$0x1FFB0];
	v16 =	vshll.u32 v36, v1;
	v24 =	vshrl.u32 v28, $0x3;
	v28 =	vshll.u32 v37, v1;
	[tilespmem:v62+s22+$0x0] =	vst.idx.msk $0xffff, v0  }
0x25b: {  	v0 =	vmov s15  }
0x25c: {  	v0 =	vshrl.u32 v0, $0x3  }
0x25d: {  	s11 =	sadd.s32 $0x400, s11;
	v0 =	vshll.u32 v0, v1  }
0x25e: {  	v22 =	vld [tilespmem:s11+$0xFFFFFFD0];
	v0 =	vbroadcast v0, $0x0  }
0x25f: {  	v31 =	vld [tilespmem:s11+$0xFFFFFC10]  }
0x260: {  	v14 =	vbroadcast v14, $0x0;
	v32 =	vld [tilespmem:s11+$0xFFFFFC50];
	v33 =	vadd.s32 v5, v0  }
0x261: {  	v35 =	vadd.s32 v47, v13  }
0x262: {  	v54 =	vld [tilespmem:$0x1FC00];
	v39 =	vadd.s32 v46, v14  }
0x263: {  	v36 =	vld [tilespmem:s11+$0xFFFFFC90];
	v22 =	vadd.f32 v22, v49  }
0x264: {  	v34 =	vshll.u32 v15, v1;
	v15 =	vbroadcast v28, $0x0;
	[tilespmem:v25+s22+$0x0] =	vst.idx.msk $0xffff, v30;
	v28 =	vld [tilespmem:s11+$0xFFFFFCD0];
	v62 =	vadd.f32 v31, v49  }
0x265: {  	v53 =	vld [tilespmem:$0x1FC10];
	v63 =	vadd.f32 v32, v49;
	[tilespmem:v33+s22+$0x0] =	vst.idx.msk $0xffff, v22  }
0x266: {  	v52 =	vld [tilespmem:$0x1FC20];
	[tilespmem:v35+s22+$0x0] =	vst.idx.msk $0xffff, v62  }
0x267: {  	v16 =	vbroadcast v16, $0x0;
	v58 =	vld [tilespmem:$0x1FC30];
	[tilespmem:v39+s22+$0x0] =	vst.idx.msk $0xffff, v63  }
0x268: {  	v39 =	vld [tilespmem:$0x1FC40]  }
0x269: {  	v37 =	vshll.u32 v18, v1;
	v18 =	vbroadcast v29, $0x0;
	v29 =	vld [tilespmem:s11+$0xFFFFFD10];
	v43 =	vadd.s32 v54, v16  }
0x26a: {  	v38 =	vshll.u32 v17, v1;
	v17 =	vbroadcast v27, $0x0;
	v30 =	vld [tilespmem:s11+$0xFFFFFD90];
	v27 =	vadd.s32 v53, v15  }
0x26b: {  	v25 =	vshll.u32 v19, v1;
	v19 =	vbroadcast v34, $0x0;
	v56 =	vld [tilespmem:s11+$0xFFFFFE50]  }
0x26c: {  	v34 =	vshll.u32 v20, v1;
	v60 =	vadd.f32 v36, v49;
	v22 =	vld [tilespmem:s11+$0xFFFFFD50];
	v55 =	vadd.s32 v52, v18  }
0x26d: {  	v20 =	vbroadcast v37, $0x0;
	v28 =	vadd.f32 v28, v49;
	v62 =	vld [tilespmem:s11+$0xFFFFFFE0];
	v63 =	vadd.s32 v39, v19  }
0x26e: {  	v33 =	vld [tilespmem:s11+$0xFFFFFDD0];
	[tilespmem:v43+s22+$0x0] =	vst.idx.msk $0xffff, v60;
	v43 =	vadd.f32 v29, v49;
	v61 =	vadd.s32 v58, v17  }
0x26f: {  	v29 =	vadd.s32 v57, v0;
	[tilespmem:v27+s22+$0x0] =	vst.idx.msk $0xffff, v28;
	v27 =	vadd.s32 v5, v20;
	v5 =	vbroadcast v38, $0x0;
	v28 =	vld [tilespmem:s11+$0xFFFFFE10]  }
0x270: {  	v37 =	vshll.u32 v21, v1;
	v21 =	vbroadcast v25, $0x0;
	v59 =	vadd.f32 v30, v49  }
0x271: {  	v22 =	vadd.f32 v22, v49;
	v60 =	vadd.s32 v47, v5;
	[tilespmem:v55+s22+$0x0] =	vst.idx.msk $0xffff, v43  }
0x272: {  	v62 =	vadd.f32 v62, v42;
	v43 =	vld [tilespmem:s11+$0xFFFFFED0];
	[tilespmem:v63+s22+$0x0] =	vst.idx.msk $0xffff, v59;
	v63 =	vadd.s32 v46, v21  }
0x273: {  	v56 =	vadd.f32 v56, v49;
	v33 =	vadd.f32 v33, v49;
	[tilespmem:v61+s22+$0x0] =	vst.idx.msk $0xffff, v22;
	v22 =	vbroadcast v34, $0x0;
	v61 =	vld [tilespmem:s11+$0xFFFFFE90]  }
0x274: {  	v32 =	vld [tilespmem:s11+$0xFFFFFF10];
	[tilespmem:v29+s22+$0x0] =	vst.idx.msk $0xffff, v62;
	v28 =	vadd.f32 v28, v49;
	v55 =	vshll.u32 v23, v1  }
0x275: {  	[tilespmem:v27+s22+$0x0] =	vst.idx.msk $0xffff, v33;
	v27 =	vld [tilespmem:s11+$0xFFFFFF50];
	v46 =	vshll.u32 v24, v1;
	v24 =	vbroadcast v55, $0x0;
	v47 =	vadd.s32 v54, v22  }
0x276: {  	v26 =	vshll.u32 v26, v1;
	v62 =	vld [tilespmem:s11+$0xFFFFFF90];
	[tilespmem:v60+s22+$0x0] =	vst.idx.msk $0xffff, v28;
	v23 =	vbroadcast v37, $0x0  }
0x277: {  	v26 =	vbroadcast v26, $0x0;
	v59 =	vld [tilespmem:s11+$0xFFFFFFF0];
	v25 =	vbroadcast v46, $0x0;
	v55 =	vadd.s32 v52, v24;
	[tilespmem:v63+s22+$0x0] =	vst.idx.msk $0xffff, v56  }
0x278: {  	v54 =	vadd.s32 v53, v23;
	v35 =	vadd.f32 v43, v49;
	v61 =	vadd.f32 v61, v49;
	v43 =	vld [tilespmem:$0x1FC50]  }
0x279: {  	v60 =	vadd.s32 v58, v25;
	v63 =	vld [tilespmem:s11+$0xFFFFFC60]  }
0x27a: {  	v32 =	vadd.f32 v32, v49;
	v52 =	vld [tilespmem:s11+$0xFFFFFCA0];
	[tilespmem:v47+s22+$0x0] =	vst.idx.msk $0xffff, v61;
	v47 =	vadd.s32 v39, v26  }
0x27b: {  	v27 =	vadd.f32 v27, v49;
	v53 =	vadd.s32 v50, v14  }
0x27c: {  	v38 =	vadd.f32 v59, v41;
	[tilespmem:v55+s22+$0x0] =	vst.idx.msk $0xffff, v32;
	v55 =	vadd.s32 v2, v16  }
0x27d: {  	v59 =	vadd.f32 v62, v49;
	[tilespmem:v54+s22+$0x0] =	vst.idx.msk $0xffff, v35;
	v46 =	vadd.s32 v43, v0  }
0x27e: {  	v56 =	vld [tilespmem:s11+$0xFFFFFD20];
	[tilespmem:v60+s22+$0x0] =	vst.idx.msk $0xffff, v27;
	v31 =	vadd.f32 v63, v42  }
0x27f: {  	v54 =	vld [tilespmem:s11+$0xFFFFFCE0];
	v30 =	vadd.f32 v52, v42;
	[tilespmem:v47+s22+$0x0] =	vst.idx.msk $0xffff, v59  }
0x280: {  	v60 =	vld [tilespmem:s11+$0xFFFFFD60];
	[tilespmem:v53+s22+$0x0] =	vst.idx.msk $0xffff, v31  }
0x281: {  	[tilespmem:v55+s22+$0x0] =	vst.idx.msk $0xffff, v30  }
0x282: {  	v58 =	vadd.s32 v3, v15;
	v62 =	vld [tilespmem:s11+$0xFFFFFDA0];
	[tilespmem:v46+s22+$0x0] =	vst.idx.msk $0xffff, v38  }
0x283: {  	v61 =	vadd.s32 v4, v18;
	v39 =	vld [tilespmem:$0x1FC60]  }
0x284: {  	v52 =	vld [tilespmem:s11+$0xFFFFFDE0];
	v63 =	vadd.s32 v6, v17;
	v47 =	vadd.f32 v54, v42  }
0x285: {  	v49 =	vadd.s32 v7, v19;
	v53 =	vadd.f32 v56, v42;
	v56 =	vadd.f32 v60, v42;
	v60 =	vld [tilespmem:s11+$0xFFFFFEA0]  }
0x286: {  	v55 =	vadd.s32 v57, v20;
	v46 =	vld [tilespmem:s11+$0x0]  }
0x287: {  	v2 =	vadd.s32 v2, v22;
	v57 =	vld [tilespmem:s11+$0xFFFFFE60];
	[tilespmem:v58+s22+$0x0] =	vst.idx.msk $0xffff, v47  }
0x288: {  	v54 =	vld [tilespmem:s11+$0xFFFFFE20];
	[tilespmem:v61+s22+$0x0] =	vst.idx.msk $0xffff, v53;
	v58 =	vadd.f32 v62, v42;
	v0 =	vadd.s32 v39, v0  }
0x289: {  	v36 =	vld [tilespmem:s11+$0xFFFFFF20];
	[tilespmem:v63+s22+$0x0] =	vst.idx.msk $0xffff, v56;
	v61 =	vadd.s32 v50, v21;
	v63 =	vadd.f32 v52, v42  }
0x28a: {  	v59 =	vadd.s32 v44, v5;
	v38 =	vld [tilespmem:s11+$0xFFFFFF60];
	v50 =	vadd.f32 v60, v42;
	[tilespmem:v49+s22+$0x0] =	vst.idx.msk $0xffff, v58  }
0x28b: {  	v62 =	vld [tilespmem:s11+$0xFFFFFEE0];
	[tilespmem:v55+s22+$0x0] =	vst.idx.msk $0xffff, v63;
	v29 =	vadd.f32 v46, v40  }
0x28c: {  	v47 =	vadd.s32 v4, v24;
	v49 =	vld [tilespmem:s11+$0xFFFFFFA0];
	[tilespmem:v2+s22+$0x0] =	vst.idx.msk $0xffff, v50;
	v46 =	vadd.f32 v57, v42  }
0x28d: {  	v3 =	vadd.s32 v3, v23;
	[tilespmem:v0+s22+$0x0] =	vst.idx.msk $0xffff, v29;
	v0 =	vadd.f32 v54, v42  }
0x28e: {  	v55 =	vadd.s32 v7, v26;
	v57 =	vadd.f32 v36, v42;
	v36 =	vld [tilespmem:s11+$0xFFFFFDB0];
	[tilespmem:v61+s22+$0x0] =	vst.idx.msk $0xffff, v46  }
0x28f: {  	v52 =	vadd.s32 v6, v25;
	[tilespmem:v59+s22+$0x0] =	vst.idx.msk $0xffff, v0;
	v0 =	vld [tilespmem:s11+$0xFFFFFC20]  }
0x290: {  	v53 =	vld [tilespmem:s11+$0xFFFFFC70];
	v54 =	vadd.f32 v62, v42;
	v29 =	vadd.f32 v38, v42;
	v38 =	vadd.s32 v12, v19  }
0x291: {  	v56 =	vld [tilespmem:s11+$0xFFFFFCB0];
	v2 =	vadd.s32 v44, v13;
	[tilespmem:v47+s22+$0x0] =	vst.idx.msk $0xffff, v57;
	v30 =	vadd.f32 v49, v42  }
0x292: {  	v58 =	vld [tilespmem:s11+$0xFFFFFCF0];
	v63 =	vadd.s32 v10, v18;
	[tilespmem:v3+s22+$0x0] =	vst.idx.msk $0xffff, v54;
	v3 =	vadd.s32 v51, v14  }
0x293: {  	v60 =	vld [tilespmem:s11+$0xFFFFFD30];
	[tilespmem:v55+s22+$0x0] =	vst.idx.msk $0xffff, v30;
	v49 =	vadd.f32 v36, v41;
	v59 =	vadd.s32 v8, v16  }
0x294: {  	v61 =	vadd.s32 v9, v15;
	v62 =	vld [tilespmem:s11+$0xFFFFFD70];
	[tilespmem:v52+s22+$0x0] =	vst.idx.msk $0xffff, v29;
	v0 =	vadd.f32 v0, v42  }
0x295: {  	v50 =	vadd.s32 v51, v21;
	v27 =	vadd.f32 v53, v41;
	v51 =	vld [tilespmem:s11+$0xFFFFFEF0];
	[tilespmem:v38+s22+$0x0] =	vst.idx.msk $0xffff, v49  }
0x296: {  	v37 =	vld [tilespmem:s11+$0xFFFFFDF0];
	[tilespmem:v2+s22+$0x0] =	vst.idx.msk $0xffff, v0;
	v0 =	vadd.f32 v56, v41;
	v2 =	vadd.s32 v11, v17  }
0x297: {  	v54 =	vadd.s32 v9, v23;
	[tilespmem:v3+s22+$0x0] =	vst.idx.msk $0xffff, v27;
	v3 =	vadd.f32 v58, v41;
	v42 =	vld [tilespmem:s11+$0xFFFFFE30]  }
0x298: {  	v44 =	vld [tilespmem:s11+$0xFFFFFE70];
	[tilespmem:v59+s22+$0x0] =	vst.idx.msk $0xffff, v0;
	v0 =	vadd.s32 v43, v20;
	v43 =	vadd.f32 v60, v41  }
0x299: {  	v46 =	vadd.s32 v45, v5;
	v47 =	vld [tilespmem:s11+$0xFFFFFEB0];
	[tilespmem:v61+s22+$0x0] =	vst.idx.msk $0xffff, v3;
	v3 =	vadd.f32 v62, v41  }
0x29a: {  	v60 =	vadd.f32 v51, v41;
	[tilespmem:v63+s22+$0x0] =	vst.idx.msk $0xffff, v43  }
0x29b: {  	[tilespmem:v2+s22+$0x0] =	vst.idx.msk $0xffff, v3;
	v2 =	vadd.f32 v37, v41;
	v3 =	vadd.s32 v8, v22  }
0x29c: {  	v53 =	vadd.f32 v42, v41;
	[tilespmem:v54+s22+$0x0] =	vst.idx.msk $0xffff, v60  }
0x29d: {  	[tilespmem:v0+s22+$0x0] =	vst.idx.msk $0xffff, v2;
	v0 =	vadd.f32 v44, v41  }
0x29e: {  	v58 =	vadd.f32 v47, v41;
	[tilespmem:v46+s22+$0x0] =	vst.idx.msk $0xffff, v53  }
0x29f: {  	v52 =	vld [tilespmem:s11+$0xFFFFFF30];
	[tilespmem:v50+s22+$0x0] =	vst.idx.msk $0xffff, v0  }
0x2a0: {  	v55 =	vld [tilespmem:s11+$0xFFFFFF70];
	[tilespmem:v3+s22+$0x0] =	vst.idx.msk $0xffff, v58  }
0x2a1: {  	v63 =	vld [tilespmem:$0x1FC90]  }
0x2a2: {  	v56 =	vld [tilespmem:s11+$0xFFFFFFB0];
	v2 =	vadd.s32 v10, v24  }
0x2a3: {  	v57 =	vld [tilespmem:s11+$0xFFFFFC30];
	v59 =	vadd.s32 v11, v25  }
0x2a4: {  	v61 =	vadd.s32 v12, v26;
	v0 =	vld [tilespmem:s11+$0xFFFFFC80]  }
0x2a5: {  	v8 =	vadd.f32 v52, v41;
	v3 =	vadd.s32 v45, v13  }
0x2a6: {  	v33 =	vadd.f32 v55, v41;
	v32 =	vld [tilespmem:s11+$0xFFFFFD00];
	v31 =	vadd.s32 v63, v14  }
0x2a7: {  	v62 =	vld [tilespmem:s11+$0xFFFFFCC0];
	v10 =	vadd.f32 v56, v41;
	[tilespmem:v2+s22+$0x0] =	vst.idx.msk $0xffff, v8  }
0x2a8: {  	v4 =	vadd.f32 v57, v41;
	v34 =	vld [tilespmem:$0x1FCB0];
	[tilespmem:v59+s22+$0x0] =	vst.idx.msk $0xffff, v33  }
0x2a9: {  	v36 =	vld [tilespmem:$0x1FCD0];
	[tilespmem:v61+s22+$0x0] =	vst.idx.msk $0xffff, v10;
	v0 =	vadd.f32 v0, v40  }
0x2aa: {  	v41 =	vld [tilespmem:$0x1FD00];
	[tilespmem:v3+s22+$0x0] =	vst.idx.msk $0xffff, v4  }
0x2ab: {  	v44 =	vld [tilespmem:$0x1FD20];
	[tilespmem:v31+s22+$0x0] =	vst.idx.msk $0xffff, v0  }
0x2ac: {  	v47 =	vld [tilespmem:$0x1FD40]  }
0x2ad: {  	v35 =	vld [tilespmem:s11+$0xFFFFFD40];
	v2 =	vadd.s32 v34, v16  }
0x2ae: {  	v38 =	vld [tilespmem:s11+$0xFFFFFD80];
	v37 =	vadd.s32 v36, v15  }
0x2af: {  	v43 =	vld [tilespmem:s11+$0xFFFFFDC0];
	v42 =	vadd.s32 v41, v18  }
0x2b0: {  	v46 =	vld [tilespmem:s11+$0xFFFFFE00];
	v3 =	vadd.f32 v62, v40;
	v45 =	vadd.s32 v44, v17  }
0x2b1: {  	v50 =	vld [tilespmem:s11+$0xFFFFFE40];
	v0 =	vadd.f32 v32, v40;
	v49 =	vadd.s32 v47, v19  }
0x2b2: {  	v51 =	vld [tilespmem:s11+$0xFFFFFE80];
	[tilespmem:v2+s22+$0x0] =	vst.idx.msk $0xffff, v3;
	v2 =	vadd.s32 v39, v20;
	v3 =	vadd.f32 v35, v40  }
0x2b3: {  	v5 =	vadd.s32 v48, v5;
	v52 =	vld [tilespmem:s11+$0xFFFFFEC0];
	[tilespmem:v37+s22+$0x0] =	vst.idx.msk $0xffff, v0;
	v0 =	vadd.f32 v38, v40  }
0x2b4: {  	v54 =	vld [tilespmem:s11+$0xFFFFFF00];
	v53 =	vadd.s32 v63, v21;
	[tilespmem:v42+s22+$0x0] =	vst.idx.msk $0xffff, v3;
	v3 =	vadd.f32 v43, v40  }
0x2b5: {  	v56 =	vld [tilespmem:s11+$0xFFFFFF40];
	v55 =	vadd.s32 v34, v22;
	[tilespmem:v45+s22+$0x0] =	vst.idx.msk $0xffff, v0;
	v0 =	vadd.f32 v46, v40  }
0x2b6: {  	v58 =	vld [tilespmem:s11+$0xFFFFFF80];
	v57 =	vadd.s32 v36, v23;
	[tilespmem:v49+s22+$0x0] =	vst.idx.msk $0xffff, v3;
	v3 =	vadd.f32 v50, v40  }
0x2b7: {  	v59 =	vld [tilespmem:s11+$0xFFFFFFC0];
	[tilespmem:v2+s22+$0x0] =	vst.idx.msk $0xffff, v0;
	v0 =	vadd.f32 v51, v40;
	v2 =	vadd.s32 v41, v24  }
0x2b8: {  	v60 =	vld [tilespmem:s11+$0xFFFFFC40];
	v11 =	vadd.f32 v52, v40;
	[tilespmem:v5+s22+$0x0] =	vst.idx.msk $0xffff, v3;
	v3 =	vadd.s32 v44, v25  }
0x2b9: {  	v61 =	vadd.f32 v54, v40;
	[tilespmem:v53+s22+$0x0] =	vst.idx.msk $0xffff, v0;
	v0 =	vadd.s32 v47, v26  }
0x2ba: {  	v62 =	vadd.s32 v48, v13;
	v6 =	vadd.f32 v56, v40;
	[tilespmem:v55+s22+$0x0] =	vst.idx.msk $0xffff, v11  }
0x2bb: {  	v63 =	vadd.f32 v58, v40;
	[tilespmem:v57+s22+$0x0] =	vst.idx.msk $0xffff, v61  }
0x2bc: {  	[tilespmem:v2+s22+$0x0] =	vst.idx.msk $0xffff, v6;
	v2 =	vadd.f32 v59, v40  }
0x2bd: {  	s10 =	sshll.u32 s10, $0x12;
	[tilespmem:v3+s22+$0x0] =	vst.idx.msk $0xffff, v63;
	v3 =	vadd.f32 v60, v40  }
0x2be: {  	s14 =	simm.s32 @!p0 $0x80;
	s10 =	sor.u32 s5, s10;
	s11 =	sadd.s32 @!p0 $0x280, s3;
	[tilespmem:v0+s22+$0x0] =	vst.idx.msk $0xffff, v2  }
0x2bf: {  	s15 =	simm.s32 @!p0 $0x8400;
	s10 =	sshrl.u32 s10, $0x3;
	s11 =	sand.u32 @!p0 $0xFE80, s11;
	[tilespmem:v62+s22+$0x0] =	vst.idx.msk $0xffff, v3  }
0x2c0: {  	[tilespmem:s15], [sflag:$0x2] =	stream.indirect.gather @!p0 [hbm4b:s4+s14], $0x40, s11, s14, $0xb8;
	[tilespmem:$0x19E00] =	vst v63  }
0x2c1: {  	s17 =	simm.s32 $0x10600;
	s11 =	sadd.s32 s1, s10  }
0x2c2: {  	[hbm4b:s11+s2] =	stream.linear.scatter [tilespmem:s17], [sflag:$0x6], $0x80, $0x38;
	[tilespmem:$0x19E00] =	vst v63  }
0x2c3: {  	s14 =	simm.s32 $0x10688;
	s15 =	sadd.s32 $0x10, s11  }
0x2c4: {  	[hbm4b:s15+s2] =	stream.linear.scatter [tilespmem:s14], [sflag:$0x6], $0x80, $0x38;
	[tilespmem:$0x19E00] =	vst v63  }
0x2c5: {  	s16 =	simm.s32 $0x10710;
	s17 =	sadd.s32 $0x20, s11  }
0x2c6: {  	[hbm4b:s17+s2] =	stream.linear.scatter [tilespmem:s16], [sflag:$0x6], $0x80, $0x38;
	[tilespmem:$0x19E00] =	vst v63  }
0x2c7: {  	s14 =	simm.s32 $0x10798;
	s15 =	sadd.s32 $0x30, s11  }
0x2c8: {  	[hbm4b:s15+s2] =	stream.linear.scatter [tilespmem:s14], [sflag:$0x6], $0x80, $0x38;
	[tilespmem:$0x19E00] =	vst v63  }
0x2c9: {  	s16 =	simm.s32 $0x10820;
	s17 =	sadd.s32 $0x40, s11  }
0x2ca: {  	[hbm4b:s17+s2] =	stream.linear.scatter [tilespmem:s16], [sflag:$0x6], $0x80, $0x38;
	[tilespmem:$0x19E00] =	vst v63  }
0x2cb: {  	s10 =	simm.s32 $0x440;
	s14 =	simm.s32 $0x108A8;
	s15 =	sadd.s32 $0x50, s11  }
0x2cc: {  	[hbm4b:s15+s2] =	stream.linear.scatter [tilespmem:s14], [sflag:$0x6], $0x80, $0x38;
	[tilespmem:$0x19E00] =	vst v63  }
0x2cd: {  	s16 =	simm.s32 $0x10930;
	s17 =	sadd.s32 $0x60, s11;
	s14 =	simm.s32 $0x2200  }
0x2ce: {  	[hbm4b:s17+s2] =	stream.linear.scatter [tilespmem:s16], [sflag:$0x6], $0x80, $0x38;
	[tilespmem:$0x19E00] =	vst v63  }
0x2cf: {  	s15 =	simm.s32 $0x109B8;
	s16 =	sadd.s32 $0x70, s11;
	s11 =	sadd.s32 $0x1000, s11  }
.LBB2_9:
0x2d0: {  	[hbm4b:s16+s2] =	stream.linear.scatter [tilespmem:s15], [sflag:$0x6], $0x80, $0x38;
	[tilespmem:$0x19E00] =	vst v63  }
0x2d1: {  	s15 =	smov.u32 s10;
	s10 =	smov.u32 s14  }
0x2d2: {  	s17 =	sadd.s32 $0x1100, s14;
	s10 =	sshra.s32 s10, $0x2;
	s16 =	sadd.s32 $0x10600, s15  }
0x2d3: {  	[hbm4b:s11+s2] =	stream.linear.scatter [tilespmem:s16], [sflag:$0x6], $0x80, $0x38;
	[tilespmem:$0x19E00] =	vst v63  }
0x2d4: {  	p2 =	sne.s32 s14, $0x7700;
	s14 =	sadd.s32 $0x10688, s15;
	s16 =	sadd.s32 $0x10, s11  }
0x2d5: {  	[hbm4b:s16+s2] =	stream.linear.scatter [tilespmem:s14], [sflag:$0x6], $0x80, $0x38;
	[tilespmem:$0x19E00] =	vst v63  }
0x2d6: {  	s14 =	sadd.s32 $0x10710, s15;
	s16 =	sadd.s32 $0x20, s11  }
0x2d7: {  	[hbm4b:s16+s2] =	stream.linear.scatter [tilespmem:s14], [sflag:$0x6], $0x80, $0x38;
	[tilespmem:$0x19E00] =	vst v63  }
0x2d8: {  	s14 =	sadd.s32 $0x10798, s15;
	s16 =	sadd.s32 $0x30, s11  }
0x2d9: {  	[hbm4b:s16+s2] =	stream.linear.scatter [tilespmem:s14], [sflag:$0x6], $0x80, $0x38;
	[tilespmem:$0x19E00] =	vst v63  }
0x2da: {  	s14 =	sadd.s32 $0x10820, s15;
	s16 =	sadd.s32 $0x40, s11  }
0x2db: {  	[hbm4b:s16+s2] =	stream.linear.scatter [tilespmem:s14], [sflag:$0x6], $0x80, $0x38;
	[tilespmem:$0x19E00] =	vst v63  }
.Ltmp3:
0x2dc: {  	s14 =	sadd.s32 $0x108A8, s15;
	s16 =	sadd.s32 $0x50, s11;
	(pc) =	sbr.rel @p2 .LBB2_9-.Ltmp3, $4  }
0x2dd: {  	[hbm4b:s16+s2] =	stream.linear.scatter [tilespmem:s14], [sflag:$0x6], $0x80, $0x38;
	[tilespmem:$0x19E00] =	vst v63  }
0x2de: {  	s14 =	sadd.s32 $0x10930, s15;
	s16 =	sadd.s32 $0x60, s11;
	s15 =	sadd.s32 $0x109B8, s15  }
0x2df: {  	[hbm4b:s16+s2] =	stream.linear.scatter [tilespmem:s14], [sflag:$0x6], $0x80, $0x38;
	[tilespmem:$0x19E00] =	vst v63  }
0x2e0: {  	s16 =	sadd.s32 $0x70, s11;
	s11 =	sadd.s32 $0x1000, s11;
	s14 =	smov.u32 s17  }
0x2e1: {  	[hbm4b:s16+s2] =	stream.linear.scatter [tilespmem:s15], [sflag:$0x6], $0x80, $0x38;
	[tilespmem:$0x19E00] =	vst v63  }
0x2e2: {  	s14 =	sadd.s32 $0x10600, s10  }
0x2e3: {  	[hbm4b:s11+s2] =	stream.linear.scatter [tilespmem:s14], [sflag:$0x6], $0x80, $0x38;
	[tilespmem:$0x19E00] =	vst v63  }
0x2e4: {  	s16 =	sadd.s32 $0x10688, s10;
	s17 =	sadd.s32 $0x10, s11;
	s15 =	simm.s32 $0x2  }
0x2e5: {  	[hbm4b:s17+s2] =	stream.linear.scatter [tilespmem:s16], [sflag:$0x6], $0x80, $0x38;
	[tilespmem:$0x19E00] =	vst v63  }
0x2e6: {  	v3 =	vmov s15;
	s15 =	simm.s32 $0x5;
	s16 =	sadd.s32 $0x10710, s10;
	s17 =	sadd.s32 $0x20, s11  }
0x2e7: {  	[hbm4b:s17+s2] =	stream.linear.scatter [tilespmem:s16], [sflag:$0x6], $0x80, $0x38;
	[tilespmem:$0x19E00] =	vst v63  }
0x2e8: {  	s14 =	simm.s32 $0x1;
	s16 =	sadd.s32 $0x10798, s10;
	s17 =	sadd.s32 $0x30, s11  }
0x2e9: {  	[hbm4b:s17+s2] =	stream.linear.scatter [tilespmem:s16], [sflag:$0x6], $0x80, $0x38;
	[tilespmem:$0x19E00] =	vst v63  }
0x2ea: {  	v6 =	vmov s15;
	s15 =	simm.s32 $0xA;
	s16 =	sadd.s32 $0x10820, s10;
	s17 =	sadd.s32 $0x40, s11  }
0x2eb: {  	[hbm4b:s17+s2] =	stream.linear.scatter [tilespmem:s16], [sflag:$0x6], $0x80, $0x38;
	[tilespmem:$0x19E00] =	vst v63  }
0x2ec: {  	v2 =	vmov s14;
	s14 =	simm.s32 $0x9;
	s16 =	sadd.s32 $0x108A8, s10;
	s17 =	sadd.s32 $0x50, s11  }
0x2ed: {  	[hbm4b:s17+s2] =	stream.linear.scatter [tilespmem:s16], [sflag:$0x6], $0x80, $0x38;
	[tilespmem:$0x19E00] =	vst v63  }
0x2ee: {  	v43 =	vld [tilespmem:$0x1FDE0];
	v11 =	vmov s15;
	s15 =	simm.s32 $0xE;
	s16 =	sadd.s32 $0x10930, s10;
	s17 =	sadd.s32 $0x60, s11  }
0x2ef: {  	[hbm4b:s17+s2] =	stream.linear.scatter [tilespmem:s16], [sflag:$0x6], $0x80, $0x38;
	[tilespmem:$0x19E00] =	vst v63  }
0x2f0: {  	v3 =	vshrl.u32 v3, $0x3;
	s16 =	sadd.s32 $0x109B8, s10;
	s17 =	sadd.s32 $0x70, s11;
	s11 =	simm.s32 $0x0  }
0x2f1: {  	v6 =	vshrl.u32 v6, $0x3;
	v10 =	vmov s14;
	v15 =	vmov s15;
	[hbm4b:s17+s2] =	stream.linear.scatter [tilespmem:s16], [sflag:$0x6], $0x80, $0x38;
	[tilespmem:$0x19E00] =	vst v63  }
0x2f2: {  	v2 =	vshrl.u32 v2, $0x3;
	v11 =	vshrl.u32 v11, $0x3;
	s10 =	sor.u32 $0x2, s9;
	v0 =	vmov s11;
	s11 =	simm.s32 $0x8;
	_ =	swait.ge [sflag:s24], $0x2000  }
0x2f3: {  	v6 =	vshll.u32 v6, v1;
	v44 =	vadd.s32 $0x4400, v43;
	v39 =	vadd.s32 $0x4401, v43;
	s16 =	simm.s32 $0x3;
	s17 =	simm.s32 $0x4;
	[sflag:s24] =	ssyncset.done $0x0  }
0x2f4: {  	v0 =	vshrl.u32 v0, $0x3;
	v9 =	vmov s11;
	s11 =	simm.s32 @!p1 $0x7;
	v4 =	vmov s16;
	s16 =	simm.s32 $0x6;
	[sflag:s24] =	ssyncadd.s32 $0xFFFFE000  }
0x2f5: {  	v5 =	vmov s17;
	s17 =	simm.s32 $0x7;
	v0 =	vshll.u32 v0, v1;
	v7 =	vmov s16;
	s16 =	simm.s32 $0xB;
	_ =	swait.ge @!p1 [sflag:s11], $0x2000  }
0x2f6: {  	v8 =	vmov s17;
	s17 =	simm.s32 $0xC;
	v4 =	vshrl.u32 v4, $0x3;
	v12 =	vmov s16;
	s16 =	sshll.u32 s10, $0x6;
	[sflag:s11] =	ssyncset.done @!p1 $0x0  }
0x2f7: {  	s15 =	simm.s32 $0xF;
	v46 =	vbroadcast v0, $0x0;
	v0 =	vshll.u32 v2, v1;
	v13 =	vmov s17;
	s17 =	sand.u32 $0x3FFFFFC0, s16;
	[sflag:s11] =	ssyncadd.s32 @!p1 $0xFFFFE000  }
0x2f8: {  	v2 =	vshll.u32 v3, v1;
	v3 =	vshll.u32 v4, v1;
	v4 =	vmov s15;
	v50 =	vld [tilespmem:s17+$0x16C00]  }
0x2f9: {  	v38 =	vadd.s32 $0x4402, v43;
	v37 =	vadd.s32 $0x4403, v43;
	v4 =	vshrl.u32 v4, $0x3;
	v42 =	vld [tilespmem:s17+$0x16C10]  }
0x2fa: {  	v36 =	vadd.s32 $0x4404, v43;
	v15 =	vshrl.u32 v15, $0x3;
	v4 =	vshll.u32 v4, v1;
	s11 =	simm.s32 $0xA7F0;
	v41 =	vld [tilespmem:s17+$0x16C20]  }
0x2fb: {  	v63 =	vadd.s32 $0x4407, v43;
	v12 =	vshrl.u32 v12, $0x3;
	v28 =	vbroadcast v4, $0x0;
	v17 =	vld [tilespmem:s11+$0xFFFFFFD0]  }
0x2fc: {  	v19 =	vbroadcast v6, $0x0;
	v4 =	vshll.u32 v11, v1;
	v11 =	vshll.u32 v12, v1;
	v12 =	vld [tilespmem:s11+$0xFFFFFC10]  }
0x2fd: {  	v5 =	vshrl.u32 v5, $0x3;
	v26 =	vbroadcast v0, $0x0;
	v18 =	vld [tilespmem:s11+$0xFFFFFC50];
	v0 =	vadd.s32 v63, v28  }
0x2fe: {  	v5 =	vshll.u32 v5, v1;
	v25 =	vbroadcast v2, $0x0;
	v20 =	vadd.s32 v44, v46;
	v21 =	vld [tilespmem:s11+$0xFFFFFC90]  }
0x2ff: {  	v2 =	vshll.u32 v15, v1;
	v24 =	vbroadcast v3, $0x0;
	v3 =	vadd.s32 v39, v26;
	v15 =	vld [tilespmem:s11+$0xFFFFFCD0]  }
0x300: {  	v23 =	vbroadcast v5, $0x0;
	v5 =	vadd.s32 v38, v25;
	v40 =	vld [tilespmem:s17+$0x16C30];
	v17 =	vadd.f32 v17, v50  }
0x301: {  	v7 =	vshrl.u32 v7, $0x3;
	v22 =	vld [tilespmem:s11+$0xFFFFFD10];
	v6 =	vadd.f32 v12, v50;
	v12 =	vadd.s32 v37, v24  }
0x302: {  	v8 =	vshrl.u32 v8, $0x3;
	v7 =	vshll.u32 v7, v1;
	v30 =	vld [tilespmem:s11+$0xFFFFFD50];
	v18 =	vadd.f32 v18, v50;
	[tilespmem:v0+s22+$0x0] =	vst.idx.msk $0xffff, v17  }
0x303: {  	v51 =	vbroadcast v7, $0x0;
	v7 =	vadd.s32 v36, v23;
	v31 =	vld [tilespmem:s11+$0xFFFFFD90];
	[tilespmem:v20+s22+$0x0] =	vst.idx.msk $0xffff, v6;
	v6 =	vadd.f32 v21, v50  }
0x304: {  	v35 =	vadd.s32 $0x4405, v43;
	v8 =	vshll.u32 v8, v1;
	[tilespmem:v3+s22+$0x0] =	vst.idx.msk $0xffff, v18;
	v3 =	vadd.f32 v15, v50;
	v15 =	vld [tilespmem:s11+$0xFFFFFDD0]  }
0x305: {  	v10 =	vshrl.u32 v10, $0x3;
	v27 =	vbroadcast v8, $0x0;
	v0 =	vadd.s32 v35, v19;
	v8 =	vld [tilespmem:s11+$0xFFFFFFE0];
	[tilespmem:v5+s22+$0x0] =	vst.idx.msk $0xffff, v6  }
0x306: {  	v34 =	vadd.s32 $0x4406, v43;
	v10 =	vshll.u32 v10, v1;
	v5 =	vadd.f32 v22, v50;
	v6 =	vld [tilespmem:s11+$0xFFFFFE10];
	[tilespmem:v12+s22+$0x0] =	vst.idx.msk $0xffff, v3  }
0x307: {  	v9 =	vshrl.u32 v9, $0x3;
	v32 =	vadd.s32 v34, v51;
	v22 =	vbroadcast v10, $0x0;
	v10 =	vld [tilespmem:s11+$0xFFFFFE50];
	[tilespmem:$0x1FB30] =	vst v44  }
0x308: {  	v9 =	vshll.u32 v9, v1;
	v17 =	vadd.s32 $0x4C87, v43;
	v3 =	vadd.f32 v30, v50;
	[tilespmem:v7+s22+$0x0] =	vst.idx.msk $0xffff, v5  }
0x309: {  	v21 =	vbroadcast v9, $0x0;
	v9 =	vadd.s32 v17, v28;
	v5 =	vld [tilespmem:s11+$0xFFFFFE90];
	[tilespmem:$0x1FB40] =	vst v39  }
0x30a: {  	s14 =	simm.s32 $0xD;
	v20 =	vbroadcast v4, $0x0;
	v4 =	vadd.f32 v31, v50;
	[tilespmem:v0+s22+$0x0] =	vst.idx.msk $0xffff, v3  }
0x30b: {  	v14 =	vmov s14;
	v33 =	vadd.s32 v63, v27;
	v0 =	vld [tilespmem:s11+$0xFFFFFED0];
	[tilespmem:$0x1FB50] =	vst v38  }
0x30c: {  	v16 =	vshrl.u32 v14, $0x3;
	v3 =	vadd.f32 v8, v42;
	[tilespmem:v32+s22+$0x0] =	vst.idx.msk $0xffff, v4  }
0x30d: {  	v16 =	vshll.u32 v16, v1;
	v18 =	vbroadcast v11, $0x0;
	v12 =	vadd.s32 v44, v21;
	v11 =	vld [tilespmem:s11+$0xFFFFFF10];
	[tilespmem:$0x1FB60] =	vst v37  }
0x30e: {  	v13 =	vshrl.u32 v13, $0x3;
	v7 =	vadd.s32 v39, v22;
	v4 =	vadd.f32 v15, v50;
	[tilespmem:v9+s22+$0x0] =	vst.idx.msk $0xffff, v3  }
0x30f: {  	v47 =	vbroadcast v16, $0x0;
	v29 =	vshll.u32 v13, v1;
	v30 =	vld [tilespmem:s11+$0xFFFFFF50];
	[tilespmem:$0x1FB70] =	vst v36  }
0x310: {  	v49 =	vbroadcast v29, $0x0;
	v8 =	vadd.s32 v38, v20;
	v6 =	vadd.f32 v6, v50;
	[tilespmem:v33+s22+$0x0] =	vst.idx.msk $0xffff, v4  }
0x311: {  	v48 =	vbroadcast v2, $0x0;
	v29 =	vadd.s32 v37, v18;
	v2 =	vadd.f32 v10, v50;
	v4 =	vld [tilespmem:s11+$0xFFFFFFF0];
	[tilespmem:$0x1FB80] =	vst v35  }
0x312: {  	v3 =	vadd.s32 v36, v49;
	[tilespmem:v12+s22+$0x0] =	vst.idx.msk $0xffff, v6  }
0x313: {  	v14 =	vadd.s32 $0x5507, v43;
	v5 =	vadd.f32 v5, v50;
	v9 =	vadd.s32 v35, v47;
	v6 =	vld [tilespmem:s11+$0xFFFFFF90];
	[tilespmem:v7+s22+$0x0] =	vst.idx.msk $0xffff, v2  }
0x314: {  	v0 =	vadd.f32 v0, v50;
	v10 =	vld [tilespmem:s11+$0xFFFFFC60];
	v7 =	vadd.s32 v14, v28;
	[tilespmem:$0x1FB90] =	vst v34  }
0x315: {  	v60 =	vadd.s32 $0x4C81, v43;
	v12 =	vadd.s32 v34, v48;
	v2 =	vadd.f32 v11, v50;
	v31 =	vld [tilespmem:s11+$0xFFFFFCA0];
	[tilespmem:v8+s22+$0x0] =	vst.idx.msk $0xffff, v5  }
0x316: {  	v61 =	vadd.s32 $0x4C82, v43;
	v5 =	vadd.s32 v60, v26;
	[tilespmem:v29+s22+$0x0] =	vst.idx.msk $0xffff, v0;
	v0 =	vadd.f32 v30, v50  }
0x317: {  	v11 =	vadd.s32 v61, v25;
	v8 =	vld [tilespmem:s11+$0xFFFFFCE0];
	[tilespmem:v3+s22+$0x0] =	vst.idx.msk $0xffff, v2;
	v4 =	vadd.f32 v4, v41  }
0x318: {  	v62 =	vadd.s32 $0x4C83, v43;
	v29 =	vld [tilespmem:s11+$0xFFFFFD20];
	[tilespmem:v9+s22+$0x0] =	vst.idx.msk $0xffff, v0;
	v0 =	vadd.f32 v6, v50  }
0x319: {  	v30 =	vadd.s32 v62, v24;
	v2 =	vadd.s32 $0x4C84, v43;
	v39 =	vld [tilespmem:s11+$0xFFFFFD60];
	v6 =	vadd.f32 v10, v42;
	[tilespmem:v7+s22+$0x0] =	vst.idx.msk $0xffff, v4  }
0x31a: {  	v3 =	vadd.s32 $0x4C85, v43;
	v9 =	vadd.s32 v2, v23;
	v10 =	vld [tilespmem:s11+$0xFFFFFDA0];
	v7 =	vadd.f32 v31, v42;
	[tilespmem:v12+s22+$0x0] =	vst.idx.msk $0xffff, v0  }
0x31b: {  	v4 =	vadd.s32 $0x4C86, v43;
	v31 =	vadd.s32 v3, v19;
	v0 =	vld [tilespmem:s11+$0x0];
	[tilespmem:v5+s22+$0x0] =	vst.idx.msk $0xffff, v6  }
0x31c: {  	v13 =	vadd.s32 $0x5D87, v43;
	v5 =	vadd.f32 v8, v42;
	v6 =	vadd.s32 v4, v51;
	v8 =	vld [tilespmem:s11+$0xFFFFFDE0];
	[tilespmem:v11+s22+$0x0] =	vst.idx.msk $0xffff, v7  }
0x31d: {  	v28 =	vadd.s32 v13, v28;
	v12 =	vld [tilespmem:s11+$0xFFFFFE20];
	v7 =	vadd.f32 v29, v42;
	[tilespmem:$0x1FBA0] =	vst v17  }
0x31e: {  	v29 =	vadd.s32 v17, v27;
	v11 =	vadd.s32 $0x4C80, v43;
	[tilespmem:v30+s22+$0x0] =	vst.idx.msk $0xffff, v5;
	v5 =	vadd.f32 v39, v42;
	v30 =	vld [tilespmem:s11+$0xFFFFFE60]  }
0x31f: {  	[tilespmem:v9+s22+$0x0] =	vst.idx.msk $0xffff, v7;
	v7 =	vadd.f32 v10, v42;
	v9 =	vadd.s32 v11, v21;
	v10 =	vld [tilespmem:s11+$0xFFFFFEA0]  }
0x320: {  	v0 =	vadd.f32 v0, v40;
	[tilespmem:v31+s22+$0x0] =	vst.idx.msk $0xffff, v5;
	v5 =	vadd.s32 v60, v22;
	v31 =	vld [tilespmem:s11+$0xFFFFFEE0]  }
0x321: {  	[tilespmem:v6+s22+$0x0] =	vst.idx.msk $0xffff, v7;
	v6 =	vadd.f32 v8, v42;
	v7 =	vadd.s32 v61, v20;
	v8 =	vld [tilespmem:s11+$0xFFFFFF20]  }
0x322: {  	v44 =	vadd.s32 v62, v18;
	v45 =	vld [tilespmem:s11+$0xFFFFFF60];
	v12 =	vadd.f32 v12, v42;
	[tilespmem:v28+s22+$0x0] =	vst.idx.msk $0xffff, v0  }
0x323: {  	v28 =	vadd.s32 v2, v49;
	[tilespmem:v29+s22+$0x0] =	vst.idx.msk $0xffff, v6;
	v29 =	vld [tilespmem:s11+$0xFFFFFFA0];
	v0 =	vadd.f32 v30, v42  }
0x324: {  	v30 =	vld [tilespmem:s11+$0xFFFFFC20];
	[tilespmem:v9+s22+$0x0] =	vst.idx.msk $0xffff, v12;
	v6 =	vadd.f32 v10, v42;
	v9 =	vadd.s32 v3, v47  }
0x325: {  	v10 =	vld [tilespmem:s11+$0xFFFFFC70];
	v12 =	vadd.s32 v4, v48;
	[tilespmem:v5+s22+$0x0] =	vst.idx.msk $0xffff, v0;
	v0 =	vadd.f32 v31, v42  }
0x326: {  	v5 =	vadd.s32 $0x5501, v43;
	v31 =	vadd.s32 v11, v46;
	[tilespmem:v7+s22+$0x0] =	vst.idx.msk $0xffff, v6;
	v8 =	vadd.f32 v8, v42  }
0x327: {  	v52 =	vld [tilespmem:s11+$0xFFFFFCB0];
	v53 =	vadd.s32 v5, v26;
	[tilespmem:v44+s22+$0x0] =	vst.idx.msk $0xffff, v0;
	v0 =	vadd.f32 v45, v42  }
0x328: {  	v54 =	vld [tilespmem:s11+$0xFFFFFCF0];
	v6 =	vadd.s32 $0x5502, v43;
	[tilespmem:v28+s22+$0x0] =	vst.idx.msk $0xffff, v8;
	v28 =	vadd.f32 v29, v42  }
0x329: {  	v56 =	vld [tilespmem:s11+$0xFFFFFD30];
	v7 =	vadd.s32 $0x5503, v43;
	v55 =	vadd.s32 v6, v25;
	v29 =	vadd.f32 v30, v42;
	[tilespmem:v9+s22+$0x0] =	vst.idx.msk $0xffff, v0  }
0x32a: {  	v57 =	vld [tilespmem:s11+$0xFFFFFD70];
	v8 =	vadd.s32 $0x5504, v43;
	v30 =	vadd.s32 v7, v24;
	v0 =	vadd.f32 v10, v41;
	[tilespmem:v12+s22+$0x0] =	vst.idx.msk $0xffff, v28  }
0x32b: {  	v59 =	vld [tilespmem:s11+$0xFFFFFDB0];
	v58 =	vadd.s32 v8, v23;
	[tilespmem:v31+s22+$0x0] =	vst.idx.msk $0xffff, v29  }
0x32c: {  	v9 =	vadd.s32 $0x5505, v43;
	v28 =	vadd.f32 v52, v41;
	v52 =	vld [tilespmem:s11+$0xFFFFFE30];
	[tilespmem:v53+s22+$0x0] =	vst.idx.msk $0xffff, v0  }
0x32d: {  	v10 =	vadd.s32 $0x5506, v43;
	v29 =	vadd.s32 v9, v19;
	v31 =	vld [tilespmem:s11+$0xFFFFFDF0];
	v0 =	vadd.f32 v54, v41;
	[tilespmem:$0x1FBB0] =	vst v14  }
0x32e: {  	v34 =	vadd.s32 v10, v51;
	[tilespmem:v55+s22+$0x0] =	vst.idx.msk $0xffff, v28;
	v28 =	vadd.f32 v56, v41  }
0x32f: {  	v12 =	vadd.s32 $0x5500, v43;
	v53 =	vadd.s32 v14, v27;
	v54 =	vld [tilespmem:s11+$0xFFFFFE70];
	[tilespmem:v30+s22+$0x0] =	vst.idx.msk $0xffff, v0  }
0x330: {  	v17 =	vadd.s32 $0x5D81, v43;
	v0 =	vadd.f32 v57, v41;
	v30 =	vadd.s32 v12, v21;
	v33 =	vld [tilespmem:s11+$0xFFFFFEB0];
	[tilespmem:v58+s22+$0x0] =	vst.idx.msk $0xffff, v28  }
0x331: {  	v37 =	vadd.s32 v5, v22;
	v35 =	vadd.s32 v6, v20;
	v55 =	vld [tilespmem:s11+$0xFFFFFEF0];
	v28 =	vadd.f32 v59, v41;
	[tilespmem:$0x1FBC0] =	vst v13  }
0x332: {  	v26 =	vadd.s32 v17, v26;
	[tilespmem:v29+s22+$0x0] =	vst.idx.msk $0xffff, v0;
	v0 =	vadd.f32 v31, v41  }
0x333: {  	v22 =	vadd.s32 v17, v22;
	v29 =	vld [tilespmem:s11+$0xFFFFFF30];
	[tilespmem:v34+s22+$0x0] =	vst.idx.msk $0xffff, v28;
	v28 =	vadd.f32 v52, v41  }
0x334: {  	v27 =	vadd.s32 v13, v27;
	v31 =	vld [tilespmem:s11+$0xFFFFFF70];
	[tilespmem:v53+s22+$0x0] =	vst.idx.msk $0xffff, v0;
	v53 =	vadd.s32 v7, v18  }
0x335: {  	v13 =	vld [tilespmem:s11+$0xFFFFFC80];
	v33 =	vadd.f32 v33, v41;
	[tilespmem:v30+s22+$0x0] =	vst.idx.msk $0xffff, v28;
	v30 =	vadd.s32 v8, v49  }
0x336: {  	v44 =	vadd.s32 $0x5D82, v43;
	v14 =	vadd.s32 v9, v47;
	v15 =	vld [tilespmem:s11+$0xFFFFFD00];
	v0 =	vadd.f32 v54, v41  }
0x337: {  	v25 =	vadd.s32 v44, v25;
	v57 =	vadd.s32 $0x5D83, v43;
	v52 =	vld [tilespmem:s11+$0xFFFFFFB0];
	v55 =	vadd.f32 v55, v41;
	[tilespmem:v35+s22+$0x0] =	vst.idx.msk $0xffff, v33  }
0x338: {  	s16 =	simm.s32 $0x10;
	v24 =	vadd.s32 v57, v24;
	v54 =	vld [tilespmem:s11+$0xFFFFFC30];
	[tilespmem:v37+s22+$0x0] =	vst.idx.msk $0xffff, v0;
	v29 =	vadd.f32 v29, v41  }
0x339: {  	v39 =	vmov s16;
	v38 =	vld [tilespmem:s11+$0xFFFFFCC0];
	v0 =	vadd.s32 v10, v48;
	v31 =	vadd.f32 v31, v41;
	[tilespmem:v53+s22+$0x0] =	vst.idx.msk $0xffff, v55  }
0x33a: {  	v45 =	vadd.s32 $0x5D85, v43;
	v35 =	vadd.s32 v12, v46;
	v13 =	vadd.f32 v13, v40;
	[tilespmem:v30+s22+$0x0] =	vst.idx.msk $0xffff, v29  }
0x33b: {  	v16 =	vadd.s32 v45, v19;
	v34 =	vshrl.u32 v39, $0x3;
	v39 =	vld [tilespmem:s11+$0xFFFFFD40];
	v15 =	vadd.f32 v15, v40;
	[tilespmem:v14+s22+$0x0] =	vst.idx.msk $0xffff, v31  }
0x33c: {  	v20 =	vadd.s32 v44, v20;
	v58 =	vadd.s32 $0x5D84, v43;
	v32 =	vadd.f32 v52, v41;
	v30 =	vld [tilespmem:s11+$0xFFFFFD80];
	[tilespmem:v26+s22+$0x0] =	vst.idx.msk $0xffff, v13  }
0x33d: {  	v56 =	vadd.f32 v54, v41;
	v14 =	vadd.s32 v58, v23;
	[tilespmem:v24+s22+$0x0] =	vst.idx.msk $0xffff, v15  }
0x33e: {  	s15 =	simm.s32 $0x12;
	s17 =	simm.s32 $0x11;
	v59 =	vadd.s32 $0x5D86, v43;
	v34 =	vshll.u32 v34, v1;
	v23 =	vadd.f32 v38, v40;
	v54 =	vld [tilespmem:s11+$0xFFFFFDC0];
	[tilespmem:v0+s22+$0x0] =	vst.idx.msk $0xffff, v32  }
0x33f: {  	v28 =	vmov s17;
	v18 =	vadd.s32 v57, v18;
	v33 =	vmov s15;
	v55 =	vld [tilespmem:s11+$0xFFFFFE00];
	[tilespmem:v35+s22+$0x0] =	vst.idx.msk $0xffff, v56  }
0x340: {  	s16 =	simm.s32 $0x13;
	v28 =	vshrl.u32 v28, $0x3;
	v26 =	vadd.f32 v39, v40;
	v56 =	vadd.s32 v59, v51;
	v0 =	vld [tilespmem:s11+$0xFFFFFE40];
	[tilespmem:v25+s22+$0x0] =	vst.idx.msk $0xffff, v23  }
0x341: {  	s17 =	simm.s32 $0x14;
	v37 =	vmov s16;
	v13 =	vadd.s32 $0x5D80, v43;
	v23 =	vadd.f32 v30, v40;
	v30 =	vld [tilespmem:s11+$0xFFFFFE80];
	[tilespmem:$0x1FBD0] =	vst v17  }
0x342: {  	s16 =	simm.s32 $0x15;
	v33 =	vshrl.u32 v33, $0x3;
	v52 =	vmov s17;
	s17 =	simm.s32 $0x16;
	v21 =	vadd.s32 v13, v21;
	[tilespmem:v14+s22+$0x0] =	vst.idx.msk $0xffff, v26  }
0x343: {  	v19 =	vmov s17;
	s17 =	simm.s32 $0x18;
	v31 =	vmov s16;
	s16 =	simm.s32 $0x17;
	v15 =	vadd.f32 v54, v40;
	v43 =	vld [tilespmem:s11+$0xFFFFFEC0];
	[tilespmem:$0x1FBE0] =	vst v44  }
0x344: {  	v39 =	vmov s17;
	v36 =	vmov s16;
	s16 =	simm.s32 $0x19;
	v14 =	vadd.f32 v55, v40;
	v51 =	vld [tilespmem:s11+$0xFFFFFF00];
	[tilespmem:v16+s22+$0x0] =	vst.idx.msk $0xffff, v23  }
0x345: {  	s17 =	simm.s32 $0x1A;
	v24 =	vshrl.u32 v37, $0x3;
	v29 =	vmov s16;
	s16 =	simm.s32 $0x1B;
	v0 =	vadd.f32 v0, v40;
	v16 =	vld [tilespmem:s11+$0xFFFFFF40];
	[tilespmem:v56+s22+$0x0] =	vst.idx.msk $0xffff, v15  }
0x346: {  	v25 =	vmov s17;
	s17 =	simm.s32 $0x1C;
	v54 =	vadd.s32 v45, v47;
	v26 =	vmov s16;
	s16 =	simm.s32 $0x1D;
	v17 =	vld [tilespmem:s11+$0xFFFFFF80];
	[tilespmem:v27+s22+$0x0] =	vst.idx.msk $0xffff, v14  }
0x347: {  	v53 =	vmov s16;
	v23 =	vmov s17;
	v27 =	vadd.s32 v58, v49;
	v15 =	vld [tilespmem:s11+$0xFFFFFFC0];
	[tilespmem:v21+s22+$0x0] =	vst.idx.msk $0xffff, v0  }
0x348: {  	s17 =	simm.s32 $0x1E;
	v56 =	vadd.s32 v59, v48;
	v0 =	vshrl.u32 v52, $0x3;
	v14 =	vadd.f32 v30, v40;
	[tilespmem:$0x1FBF0] =	vst v45  }
0x349: {  	v23 =	vshrl.u32 v23, $0x3;
	v30 =	vmov s17;
	v21 =	vadd.f32 v43, v40;
	v55 =	vld [tilespmem:s11+$0xFFFFFC40]  }
0x34a: {  	[tilespmem:v22+s22+$0x0] =	vst.idx.msk $0xffff, v14;
	v22 =	vshrl.u32 v26, $0x3;
	v26 =	vshrl.u32 v53, $0x3;
	v14 =	vadd.f32 v51, v40  }
0x34b: {  	[tilespmem:v20+s22+$0x0] =	vst.idx.msk $0xffff, v21;
	v20 =	vshrl.u32 v31, $0x3;
	v31 =	vadd.s32 v13, v46;
	v21 =	vadd.f32 v16, v40  }
0x34c: {  	v16 =	vshrl.u32 v36, $0x3;
	v15 =	vadd.f32 v15, v40;
	[tilespmem:v18+s22+$0x0] =	vst.idx.msk $0xffff, v14;
	v14 =	vadd.f32 v17, v40  }
0x34d: {  	v20 =	vshll.u32 v20, v1;
	v18 =	vshrl.u32 v19, $0x3;
	[tilespmem:v27+s22+$0x0] =	vst.idx.msk $0xffff, v21;
	v19 =	vshrl.u32 v39, $0x3  }
0x34e: {  	v17 =	vshrl.u32 v29, $0x3;
	v21 =	vshrl.u32 v25, $0x3;
	[tilespmem:v54+s22+$0x0] =	vst.idx.msk $0xffff, v14;
	v14 =	vadd.f32 v55, v40  }
0x34f: {  	[tilespmem:v56+s22+$0x0] =	vst.idx.msk $0xffff, v15;
	v29 =	vshrl.u32 v30, $0x3;
	v27 =	vshll.u32 v28, v1;
	v15 =	vshll.u32 v33, v1  }
0x350: {  	s14 =	simm.s32 $0x20;
	s15 =	simm.s32 $0x1F;
	v25 =	vshll.u32 v24, v1;
	v24 =	vshll.u32 v0, v1;
	[tilespmem:v31+s22+$0x0] =	vst.idx.msk $0xffff, v14;
	v14 =	vbroadcast v34, $0x0  }
.LBB2_11:
0x351: {  	v56 =	vld [tilespmem:$0x1FB30]  }
0x352: {  	v55 =	vld [tilespmem:$0x1FB40]  }
0x353: {  	v54 =	vld [tilespmem:$0x1FB50]  }
0x354: {  	v53 =	vld [tilespmem:$0x1FB60]  }
0x355: {  	v0 =	vshll.u32 v18, v1;
	v18 =	vmov s15;
	v52 =	vld [tilespmem:$0x1FB70]  }
0x356: {  	v31 =	vshll.u32 v17, v1;
	v51 =	vld [tilespmem:$0x1FB80];
	v17 =	vshrl.u32 v18, $0x3  }
0x357: {  	s11 =	sadd.s32 $0x400, s11;
	v49 =	vld [tilespmem:$0x1FB90];
	v17 =	vshll.u32 v17, v1  }
0x358: {  	v18 =	vld [tilespmem:s11+$0xFFFFFFD0];
	v30 =	vbroadcast v17, $0x0  }
0x359: {  	v16 =	vshll.u32 v16, v1;
	v32 =	vshll.u32 v22, v1;
	v33 =	vshll.u32 v23, v1;
	v22 =	vld [tilespmem:s11+$0xFFFFFC10]  }
0x35a: {  	v34 =	vshll.u32 v26, v1;
	v26 =	vbroadcast v15, $0x0;
	v38 =	vld [tilespmem:s11+$0xFFFFFC90];
	v36 =	vadd.s32 v63, v30  }
0x35b: {  	v27 =	vbroadcast v27, $0x0;
	v25 =	vbroadcast v25, $0x0;
	v23 =	vld [tilespmem:s11+$0xFFFFFC50];
	v37 =	vadd.s32 v56, v14  }
0x35c: {  	v28 =	vbroadcast v16, $0x0;
	v43 =	vld [tilespmem:s11+$0xFFFFFCD0];
	v17 =	vbroadcast v20, $0x0;
	v20 =	vadd.s32 v54, v26  }
0x35d: {  	v44 =	vld [tilespmem:s11+$0xFFFFFD10];
	v16 =	vbroadcast v0, $0x0;
	v39 =	vadd.s32 v55, v27;
	v0 =	vadd.f32 v18, v50  }
0x35e: {  	v46 =	vld [tilespmem:s11+$0xFFFFFD50];
	v18 =	vadd.f32 v22, v50;
	v22 =	vadd.s32 v53, v25  }
0x35f: {  	v19 =	vshll.u32 v19, v1;
	v24 =	vbroadcast v24, $0x0;
	v48 =	vld [tilespmem:s11+$0xFFFFFD90];
	[tilespmem:v36+s22+$0x0] =	vst.idx.msk $0xffff, v0;
	v0 =	vadd.f32 v38, v50  }
0x360: {  	v15 =	vbroadcast v19, $0x0;
	v47 =	vadd.s32 v51, v17;
	v23 =	vadd.f32 v23, v50;
	[tilespmem:v37+s22+$0x0] =	vst.idx.msk $0xffff, v18;
	v38 =	vld [tilespmem:s11+$0xFFFFFDD0]  }
0x361: {  	v45 =	vadd.s32 v52, v24;
	v19 =	vadd.f32 v43, v50;
	[tilespmem:v20+s22+$0x0] =	vst.idx.msk $0xffff, v0;
	v20 =	vld [tilespmem:$0x1FBA0]  }
0x362: {  	v21 =	vshll.u32 v21, v1;
	[tilespmem:v39+s22+$0x0] =	vst.idx.msk $0xffff, v23;
	v39 =	vadd.s32 v56, v15;
	v56 =	vld [tilespmem:s11+$0xFFFFFE10]  }
0x363: {  	v36 =	vadd.s32 v49, v16;
	v37 =	vld [tilespmem:s11+$0xFFFFFFE0];
	[tilespmem:v22+s22+$0x0] =	vst.idx.msk $0xffff, v19;
	v19 =	vadd.f32 v46, v50  }
0x364: {  	v29 =	vshll.u32 v29, v1;
	v18 =	vbroadcast v31, $0x0;
	v46 =	vld [tilespmem:s11+$0xFFFFFE50];
	v0 =	vadd.f32 v44, v50  }
0x365: {  	v35 =	vadd.s32 v63, v28;
	v22 =	vbroadcast v21, $0x0;
	v21 =	vbroadcast v29, $0x0;
	v29 =	vld [tilespmem:$0x1FBB0];
	[tilespmem:v47+s22+$0x0] =	vst.idx.msk $0xffff, v19  }
0x366: {  	v23 =	vbroadcast v32, $0x0;
	v47 =	vld [tilespmem:s11+$0xFFFFFED0];
	[tilespmem:v45+s22+$0x0] =	vst.idx.msk $0xffff, v0;
	v0 =	vadd.f32 v48, v50;
	v31 =	vadd.s32 v20, v30  }
0x367: {  	v32 =	vadd.s32 v54, v22;
	v54 =	vld [tilespmem:s11+$0xFFFFFF10];
	v45 =	vadd.s32 v55, v18;
	v55 =	vadd.f32 v56, v50  }
0x368: {  	v19 =	vbroadcast v33, $0x0;
	v48 =	vld [tilespmem:s11+$0xFFFFFE90];
	v33 =	vadd.f32 v37, v42;
	[tilespmem:v36+s22+$0x0] =	vst.idx.msk $0xffff, v0;
	v0 =	vadd.f32 v38, v50  }
0x369: {  	v56 =	vld [tilespmem:s11+$0xFFFFFF50];
	v36 =	vadd.s32 v53, v23;
	v44 =	vadd.s32 v20, v28;
	v20 =	vbroadcast v34, $0x0;
	[tilespmem:v39+s22+$0x0] =	vst.idx.msk $0xffff, v55  }
0x36a: {  	v38 =	vadd.s32 v52, v19;
	v52 =	vld [tilespmem:s11+$0xFFFFFCA0];
	[tilespmem:v35+s22+$0x0] =	vst.idx.msk $0xffff, v0;
	v0 =	vadd.f32 v46, v50  }
0x36b: {  	[tilespmem:v31+s22+$0x0] =	vst.idx.msk $0xffff, v33;
	v31 =	vadd.s32 v51, v20;
	v51 =	vld [tilespmem:s11+$0xFFFFFC60]  }
0x36c: {  	[tilespmem:v45+s22+$0x0] =	vst.idx.msk $0xffff, v0;
	v0 =	vadd.f32 v47, v50;
	v33 =	vld [tilespmem:s11+$0xFFFFFFF0]  }
0x36d: {  	v35 =	vld [tilespmem:s11+$0xFFFFFF90];
	v53 =	vadd.f32 v54, v50;
	v54 =	vadd.s32 v60, v27;
	v48 =	vadd.f32 v48, v50  }
0x36e: {  	v55 =	vld [tilespmem:s11+$0xFFFFFCE0];
	v45 =	vadd.s32 v29, v30;
	[tilespmem:v36+s22+$0x0] =	vst.idx.msk $0xffff, v0;
	v0 =	vadd.f32 v56, v50  }
0x36f: {  	v43 =	vld [tilespmem:s11+$0xFFFFFD20];
	v39 =	vadd.s32 v49, v21;
	v49 =	vadd.s32 v2, v24;
	[tilespmem:v32+s22+$0x0] =	vst.idx.msk $0xffff, v48  }
0x370: {  	v47 =	vld [tilespmem:$0x1FBC0];
	v36 =	vadd.s32 v61, v26;
	[tilespmem:v31+s22+$0x0] =	vst.idx.msk $0xffff, v0;
	v31 =	vadd.f32 v51, v42  }
0x371: {  	[tilespmem:v38+s22+$0x0] =	vst.idx.msk $0xffff, v53;
	v48 =	vld [tilespmem:s11+$0xFFFFFD60];
	v56 =	vadd.f32 v33, v41;
	v33 =	vadd.s32 v62, v25  }
0x372: {  	v52 =	vadd.f32 v52, v42;
	v0 =	vadd.f32 v35, v50;
	v51 =	vld [tilespmem:s11+$0xFFFFFDA0];
	[tilespmem:v54+s22+$0x0] =	vst.idx.msk $0xffff, v31  }
0x373: {  	v53 =	vadd.s32 v3, v17;
	v31 =	vadd.f32 v55, v42;
	v55 =	vld [tilespmem:s11+$0xFFFFFDE0];
	[tilespmem:v45+s22+$0x0] =	vst.idx.msk $0xffff, v56  }
0x374: {  	v29 =	vadd.s32 v29, v28;
	[tilespmem:v39+s22+$0x0] =	vst.idx.msk $0xffff, v0;
	v54 =	vadd.s32 v4, v16;
	v0 =	vld [tilespmem:s11+$0x0]  }
0x375: {  	v30 =	vadd.s32 v47, v30;
	[tilespmem:v36+s22+$0x0] =	vst.idx.msk $0xffff, v52;
	v56 =	vadd.f32 v43, v42;
	v43 =	vld [tilespmem:s11+$0xFFFFFE20]  }
0x376: {  	v28 =	vadd.s32 v47, v28;
	[tilespmem:v33+s22+$0x0] =	vst.idx.msk $0xffff, v31;
	v31 =	vadd.f32 v48, v42;
	v48 =	vld [tilespmem:s11+$0xFFFFFE60]  }
0x377: {  	v52 =	vld [tilespmem:s11+$0xFFFFFEA0];
	[tilespmem:v49+s22+$0x0] =	vst.idx.msk $0xffff, v56;
	v49 =	vadd.f32 v51, v42;
	v51 =	vadd.s32 v11, v15  }
0x378: {  	v39 =	vld [tilespmem:s11+$0xFFFFFEE0];
	[tilespmem:v53+s22+$0x0] =	vst.idx.msk $0xffff, v31;
	v31 =	vadd.s32 v60, v18;
	v53 =	vadd.f32 v55, v42  }
0x379: {  	[tilespmem:v54+s22+$0x0] =	vst.idx.msk $0xffff, v49;
	v54 =	vadd.s32 v61, v22;
	v55 =	vld [tilespmem:s11+$0xFFFFFF20];
	v0 =	vadd.f32 v0, v40  }
0x37a: {  	v56 =	vld [tilespmem:s11+$0xFFFFFF60];
	v36 =	vadd.f32 v43, v42;
	v43 =	vadd.s32 v62, v23;
	[tilespmem:v44+s22+$0x0] =	vst.idx.msk $0xffff, v53  }
0x37b: {  	v32 =	vld [tilespmem:s11+$0xFFFFFFA0];
	[tilespmem:v30+s22+$0x0] =	vst.idx.msk $0xffff, v0;
	v0 =	vadd.f32 v48, v42;
	v30 =	vadd.s32 v2, v19  }
0x37c: {  	v49 =	vadd.f32 v52, v42;
	[tilespmem:v51+s22+$0x0] =	vst.idx.msk $0xffff, v36;
	v51 =	vadd.s32 v3, v20;
	v48 =	vld [tilespmem:s11+$0xFFFFFC20]  }
0x37d: {  	v52 =	vld [tilespmem:s11+$0xFFFFFC70];
	[tilespmem:v31+s22+$0x0] =	vst.idx.msk $0xffff, v0;
	v0 =	vadd.f32 v39, v42;
	v31 =	vadd.s32 v4, v21  }
0x37e: {  	v44 =	vld [tilespmem:s11+$0xFFFFFCB0];
	[tilespmem:v54+s22+$0x0] =	vst.idx.msk $0xffff, v49;
	v39 =	vadd.s32 v11, v14;
	v53 =	vadd.f32 v55, v42  }
0x37f: {  	v54 =	vadd.s32 v5, v27;
	v55 =	vld [tilespmem:s11+$0xFFFFFCF0];
	[tilespmem:v43+s22+$0x0] =	vst.idx.msk $0xffff, v0;
	v0 =	vadd.f32 v56, v42  }
0x380: {  	v43 =	vadd.s32 v6, v26;
	v56 =	vld [tilespmem:s11+$0xFFFFFD30];
	[tilespmem:v30+s22+$0x0] =	vst.idx.msk $0xffff, v53;
	v30 =	vadd.f32 v32, v42  }
0x381: {  	v49 =	vld [tilespmem:s11+$0xFFFFFD70];
	v47 =	vadd.f32 v48, v42;
	v48 =	vadd.s32 v7, v25;
	[tilespmem:v51+s22+$0x0] =	vst.idx.msk $0xffff, v0  }
0x382: {  	v53 =	vld [tilespmem:s11+$0xFFFFFDF0];
	v0 =	vadd.f32 v52, v41;
	v51 =	vadd.s32 v8, v24;
	[tilespmem:v31+s22+$0x0] =	vst.idx.msk $0xffff, v30  }
0x383: {  	v52 =	vld [tilespmem:s11+$0xFFFFFDB0];
	[tilespmem:v39+s22+$0x0] =	vst.idx.msk $0xffff, v47;
	v30 =	vadd.f32 v44, v41;
	v31 =	vadd.s32 v9, v17  }
0x384: {  	v39 =	vld [tilespmem:s11+$0xFFFFFE70];
	[tilespmem:v54+s22+$0x0] =	vst.idx.msk $0xffff, v0;
	v0 =	vadd.f32 v55, v41  }
0x385: {  	v55 =	vld [tilespmem:s11+$0xFFFFFE30];
	[tilespmem:v43+s22+$0x0] =	vst.idx.msk $0xffff, v30;
	v30 =	vadd.f32 v56, v41  }
0x386: {  	v54 =	vadd.s32 v10, v16;
	v46 =	vld [tilespmem:s11+$0xFFFFFC30];
	[tilespmem:v48+s22+$0x0] =	vst.idx.msk $0xffff, v0;
	v0 =	vadd.f32 v49, v41  }
0x387: {  	v48 =	vld [tilespmem:s11+$0xFFFFFEB0];
	v49 =	vadd.s32 v5, v18;
	[tilespmem:v51+s22+$0x0] =	vst.idx.msk $0xffff, v30  }
0x388: {  	v51 =	vld [tilespmem:s11+$0xFFFFFEF0];
	[tilespmem:v31+s22+$0x0] =	vst.idx.msk $0xffff, v0;
	v0 =	vadd.f32 v53, v41  }
0x389: {  	v56 =	vadd.s32 v12, v15;
	v30 =	vadd.f32 v52, v41;
	v52 =	vmov s14;
	v53 =	vld [tilespmem:s11+$0xFFFFFF30]  }
0x38a: {  	v43 =	vshrl.u32 v52, $0x3;
	v52 =	vld [tilespmem:$0x1FBE0];
	[tilespmem:v29+s22+$0x0] =	vst.idx.msk $0xffff, v0;
	v0 =	vadd.f32 v39, v41  }
0x38b: {  	v31 =	vadd.s32 v6, v22;
	[tilespmem:v54+s22+$0x0] =	vst.idx.msk $0xffff, v30;
	v30 =	vadd.f32 v55, v41;
	v55 =	vld [tilespmem:s11+$0xFFFFFF70]  }
0x38c: {  	v54 =	vadd.s32 v7, v23;
	[tilespmem:v49+s22+$0x0] =	vst.idx.msk $0xffff, v0;
	v49 =	vld [tilespmem:s11+$0xFFFFFCC0]  }
0x38d: {  	s17 =	sadd.s32 $0x2, s14;
	v29 =	vadd.s32 v8, v19;
	v0 =	vadd.f32 v51, v41;
	v51 =	vld [tilespmem:$0x1FBD0]  }
0x38e: {  	v45 =	vmov s17;
	v33 =	vadd.s32 v9, v20;
	v37 =	vld [tilespmem:s11+$0xFFFFFD40];
	[tilespmem:v56+s22+$0x0] =	vst.idx.msk $0xffff, v30;
	v30 =	vadd.f32 v48, v41  }
0x38f: {  	s17 =	sadd.s32 $0x4, s14;
	v36 =	vadd.s32 v10, v21;
	v24 =	vadd.s32 v58, v24;
	v39 =	vld [tilespmem:s11+$0xFFFFFFB0];
	v26 =	vadd.s32 v52, v26  }
0x390: {  	v38 =	vmov s17;
	s17 =	sadd.s32 $0x6, s14;
	v56 =	vld [tilespmem:s11+$0xFFFFFC80];
	v48 =	vadd.s32 v12, v14;
	[tilespmem:v31+s22+$0x0] =	vst.idx.msk $0xffff, v30;
	v30 =	vadd.f32 v53, v41  }
0x391: {  	v35 =	vmov s17;
	[tilespmem:v54+s22+$0x0] =	vst.idx.msk $0xffff, v0;
	v0 =	vadd.f32 v55, v41;
	v53 =	vadd.f32 v49, v40;
	v49 =	vld [tilespmem:$0x1FBF0]  }
0x392: {  	s16 =	sadd.s32 $0x1, s14;
	v38 =	vshrl.u32 v38, $0x3;
	v25 =	vadd.s32 v57, v25;
	v32 =	vld [tilespmem:s11+$0xFFFFFD00];
	[tilespmem:v29+s22+$0x0] =	vst.idx.msk $0xffff, v30;
	v27 =	vadd.s32 v51, v27  }
0x393: {  	v44 =	vmov s16;
	s16 =	sadd.s32 $0x3, s14;
	v16 =	vadd.s32 v59, v16;
	v47 =	vld [tilespmem:s11+$0xFFFFFDC0];
	v55 =	vadd.f32 v46, v41;
	[tilespmem:v33+s22+$0x0] =	vst.idx.msk $0xffff, v0  }
0x394: {  	v34 =	vmov s16;
	v15 =	vadd.s32 v13, v15;
	v46 =	vld [tilespmem:s11+$0xFFFFFD80];
	[tilespmem:v26+s22+$0x0] =	vst.idx.msk $0xffff, v53;
	v26 =	vadd.f32 v37, v40  }
0x395: {  	s16 =	sadd.s32 $0x5, s14;
	v34 =	vshrl.u32 v34, $0x3;
	v23 =	vadd.s32 v57, v23;
	v56 =	vadd.f32 v56, v40;
	[tilespmem:v48+s22+$0x0] =	vst.idx.msk $0xffff, v55;
	v55 =	vld [tilespmem:s11+$0xFFFFFE40]  }
0x396: {  	v31 =	vmov s16;
	v54 =	vld [tilespmem:s11+$0xFFFFFE00];
	v29 =	vadd.f32 v39, v41;
	[tilespmem:v24+s22+$0x0] =	vst.idx.msk $0xffff, v26;
	v17 =	vadd.s32 v49, v17  }
0x397: {  	s16 =	sadd.s32 $0x7, s14;
	v22 =	vadd.s32 v52, v22;
	v52 =	vshrl.u32 v44, $0x3;
	v26 =	vld [tilespmem:s11+$0xFFFFFF00];
	[tilespmem:v27+s22+$0x0] =	vst.idx.msk $0xffff, v56;
	v27 =	vadd.f32 v32, v40  }
0x398: {  	s17 =	sadd.s32 $0x8, s14;
	v31 =	vshrl.u32 v31, $0x3;
	v30 =	vmov s16;
	[tilespmem:v36+s22+$0x0] =	vst.idx.msk $0xffff, v29;
	v24 =	vadd.f32 v47, v40;
	v56 =	vld [tilespmem:s11+$0xFFFFFE80]  }
0x399: {  	v0 =	vmov s17;
	s17 =	sadd.s32 $0xA, s14;
	v33 =	vshll.u32 v43, v1;
	[tilespmem:v25+s22+$0x0] =	vst.idx.msk $0xffff, v27;
	v25 =	vadd.f32 v46, v40;
	v27 =	vld [tilespmem:s11+$0xFFFFFEC0]  }
0x39a: {  	s16 =	sadd.s32 $0x9, s14;
	v48 =	vmov s17;
	s17 =	sadd.s32 $0xC, s14;
	v18 =	vadd.s32 v51, v18;
	[tilespmem:v16+s22+$0x0] =	vst.idx.msk $0xffff, v24;
	v16 =	vadd.f32 v55, v40;
	v24 =	vld [tilespmem:s11+$0xFFFFFF80]  }
0x39b: {  	v29 =	vmov s16;
	s16 =	sadd.s32 $0xB, s14;
	v37 =	vmov s17;
	s17 =	sadd.s32 $0xE, s14;
	v55 =	vld [tilespmem:s11+$0xFFFFFC40];
	[tilespmem:v17+s22+$0x0] =	vst.idx.msk $0xffff, v25;
	v17 =	vadd.f32 v54, v40  }
0x39c: {  	v43 =	vmov s16;
	s16 =	sadd.s32 $0xD, s14;
	v53 =	vshrl.u32 v45, $0x3;
	v51 =	vmov s17;
	[tilespmem:v15+s22+$0x0] =	vst.idx.msk $0xffff, v16;
	v25 =	vld [tilespmem:s11+$0xFFFFFF40]  }
0x39d: {  	v20 =	vadd.s32 v49, v20;
	v46 =	vmov s16;
	v54 =	vld [tilespmem:s11+$0xFFFFFFC0];
	[tilespmem:v28+s22+$0x0] =	vst.idx.msk $0xffff, v17;
	v17 =	vadd.f32 v56, v40  }
0x39e: {  	v28 =	vadd.s32 v58, v19;
	v15 =	vadd.f32 v27, v40;
	v27 =	vadd.s32 v59, v21  }
0x39f: {  	v16 =	vshrl.u32 v30, $0x3;
	v56 =	vadd.s32 v13, v14;
	[tilespmem:v18+s22+$0x0] =	vst.idx.msk $0xffff, v17;
	v17 =	vadd.f32 v26, v40  }
0x3a0: {  	p2 =	slt.u32 s14, $0x70;
	v19 =	vshrl.u32 v0, $0x3;
	v21 =	vshrl.u32 v48, $0x3;
	[tilespmem:v22+s22+$0x0] =	vst.idx.msk $0xffff, v15;
	v15 =	vadd.f32 v24, v40  }
.Ltmp4:
0x3a1: {  	v18 =	vshrl.u32 v35, $0x3;
	v22 =	vshrl.u32 v43, $0x3;
	v14 =	vadd.f32 v25, v40;
	[tilespmem:v23+s22+$0x0] =	vst.idx.msk $0xffff, v17;
	(pc) =	sbr.rel @p2 .LBB2_11-.Ltmp4, $4  }
0x3a2: {  	v24 =	vadd.f32 v55, v40;
	v26 =	vshrl.u32 v46, $0x3;
	v0 =	vadd.f32 v54, v40;
	[tilespmem:v20+s22+$0x0] =	vst.idx.msk $0xffff, v15  }
0x3a3: {  	v25 =	vshll.u32 v34, v1;
	v17 =	vshrl.u32 v29, $0x3;
	v23 =	vshrl.u32 v37, $0x3;
	[tilespmem:v28+s22+$0x0] =	vst.idx.msk $0xffff, v14  }
0x3a4: {  	v29 =	vshrl.u32 v51, $0x3;
	v15 =	vshll.u32 v53, v1;
	v20 =	vshll.u32 v31, v1;
	[tilespmem:v27+s22+$0x0] =	vst.idx.msk $0xffff, v0  }
0x3a5: {  	s15 =	sadd.s32 $0xF, s14;
	s14 =	sadd.s32 $0x10, s14;
	v14 =	vbroadcast v33, $0x0;
	v27 =	vshll.u32 v52, v1;
	[tilespmem:v56+s22+$0x0] =	vst.idx.msk $0xffff, v24;
	v24 =	vshll.u32 v38, v1  }
0x3a6: {  	v0 =	vmov s15  }
0x3a7: {  	v51 =	vld [tilespmem:$0x1FB30];
	v0 =	vshrl.u32 v0, $0x3  }
0x3a8: {  	s11 =	sadd.s32 $0x400, s11;
	v49 =	vld [tilespmem:$0x1FB40];
	v0 =	vshll.u32 v0, v1  }
0x3a9: {  	v28 =	vld [tilespmem:s11+$0xFFFFFFD0];
	v0 =	vbroadcast v0, $0x0  }
0x3aa: {  	v31 =	vld [tilespmem:s11+$0xFFFFFC10]  }
0x3ab: {  	v48 =	vld [tilespmem:$0x1FB50];
	v56 =	vadd.s32 v63, v0  }
0x3ac: {  	v34 =	vadd.s32 v51, v14  }
0x3ad: {  	v30 =	vbroadcast v27, $0x0;
	v32 =	vld [tilespmem:s11+$0xFFFFFC50]  }
0x3ae: {  	v33 =	vshll.u32 v18, v1;
	v18 =	vbroadcast v15, $0x0;
	v35 =	vld [tilespmem:s11+$0xFFFFFC90];
	v28 =	vadd.f32 v28, v50  }
0x3af: {  	v47 =	vld [tilespmem:$0x1FB60];
	v37 =	vadd.s32 v49, v30;
	v31 =	vadd.f32 v31, v50  }
0x3b0: {  	v52 =	vld [tilespmem:s11+$0xFFFFFCD0];
	v38 =	vadd.s32 v48, v18;
	[tilespmem:v56+s22+$0x0] =	vst.idx.msk $0xffff, v28  }
0x3b1: {  	v46 =	vld [tilespmem:$0x1FB70];
	[tilespmem:v34+s22+$0x0] =	vst.idx.msk $0xffff, v31  }
0x3b2: {  	v15 =	vshll.u32 v16, v1;
	v16 =	vbroadcast v25, $0x0;
	v53 =	vadd.f32 v32, v50;
	v45 =	vld [tilespmem:$0x1FB80]  }
0x3b3: {  	v55 =	vld [tilespmem:s11+$0xFFFFFD10];
	v54 =	vadd.f32 v35, v50  }
0x3b4: {  	v36 =	vshll.u32 v19, v1;
	v19 =	vbroadcast v24, $0x0;
	v43 =	vadd.s32 v47, v16;
	v56 =	vld [tilespmem:s11+$0xFFFFFD50];
	[tilespmem:v37+s22+$0x0] =	vst.idx.msk $0xffff, v53  }
0x3b5: {  	v39 =	vshll.u32 v17, v1;
	v17 =	vbroadcast v20, $0x0;
	v44 =	vld [tilespmem:$0x1FB90];
	[tilespmem:v38+s22+$0x0] =	vst.idx.msk $0xffff, v54  }
0x3b6: {  	v20 =	vbroadcast v33, $0x0;
	v25 =	vadd.f32 v52, v50;
	v52 =	vld [tilespmem:$0x1FBA0];
	v32 =	vadd.s32 v46, v19  }
0x3b7: {  	v33 =	vld [tilespmem:s11+$0xFFFFFDD0];
	v34 =	vshll.u32 v21, v1;
	v21 =	vbroadcast v15, $0x0;
	v35 =	vadd.s32 v45, v17  }
0x3b8: {  	v24 =	vadd.f32 v55, v50;
	v31 =	vld [tilespmem:s11+$0xFFFFFD90]  }
0x3b9: {  	v28 =	vld [tilespmem:s11+$0xFFFFFFE0];
	v37 =	vshll.u32 v22, v1;
	[tilespmem:v43+s22+$0x0] =	vst.idx.msk $0xffff, v25;
	v43 =	vadd.s32 v63, v21  }
0x3ba: {  	v22 =	vbroadcast v36, $0x0;
	v36 =	vld [tilespmem:s11+$0xFFFFFE10];
	v56 =	vadd.f32 v56, v50;
	v15 =	vadd.s32 v44, v20  }
0x3bb: {  	v63 =	vshll.u32 v23, v1;
	v23 =	vbroadcast v39, $0x0;
	v55 =	vadd.s32 v52, v0;
	[tilespmem:v32+s22+$0x0] =	vst.idx.msk $0xffff, v24;
	v32 =	vld [tilespmem:s11+$0xFFFFFE50]  }
0x3bc: {  	v33 =	vadd.f32 v33, v50;
	[tilespmem:v35+s22+$0x0] =	vst.idx.msk $0xffff, v56;
	v35 =	vadd.s32 v51, v22  }
0x3bd: {  	v25 =	vbroadcast v37, $0x0;
	v31 =	vadd.f32 v31, v50;
	v51 =	vadd.s32 v49, v23  }
0x3be: {  	v54 =	vshll.u32 v26, v1;
	v28 =	vadd.f32 v28, v42;
	[tilespmem:v43+s22+$0x0] =	vst.idx.msk $0xffff, v33;
	v24 =	vbroadcast v34, $0x0;
	v34 =	vld [tilespmem:s11+$0xFFFFFE90]  }
0x3bf: {  	v53 =	vld [tilespmem:s11+$0xFFFFFED0];
	v26 =	vbroadcast v63, $0x0;
	v63 =	vadd.s32 v47, v25;
	v47 =	vadd.f32 v36, v50;
	[tilespmem:v15+s22+$0x0] =	vst.idx.msk $0xffff, v31  }
0x3c0: {  	v33 =	vld [tilespmem:s11+$0xFFFFFF50];
	[tilespmem:v55+s22+$0x0] =	vst.idx.msk $0xffff, v28;
	v55 =	vadd.s32 v48, v24;
	v32 =	vadd.f32 v32, v50  }
0x3c1: {  	v27 =	vbroadcast v54, $0x0;
	v56 =	vld [tilespmem:s11+$0xFFFFFF10];
	[tilespmem:v35+s22+$0x0] =	vst.idx.msk $0xffff, v47  }
0x3c2: {  	v29 =	vshll.u32 v29, v1;
	v36 =	vadd.s32 v46, v26;
	v49 =	vld [tilespmem:s11+$0xFFFFFF90];
	[tilespmem:v51+s22+$0x0] =	vst.idx.msk $0xffff, v32  }
0x3c3: {  	v28 =	vbroadcast v29, $0x0;
	v48 =	vadd.s32 v45, v27;
	v34 =	vadd.f32 v34, v50;
	v45 =	vld [tilespmem:$0x1FBB0]  }
0x3c4: {  	v51 =	vld [tilespmem:s11+$0xFFFFFC60]  }
0x3c5: {  	v31 =	vadd.f32 v53, v50;
	v54 =	vadd.s32 v44, v28;
	[tilespmem:v55+s22+$0x0] =	vst.idx.msk $0xffff, v34;
	v55 =	vld [tilespmem:s11+$0xFFFFFCA0]  }
0x3c6: {  	v43 =	vld [tilespmem:s11+$0xFFFFFFF0];
	v38 =	vadd.f32 v56, v50;
	v56 =	vadd.s32 v60, v30  }
0x3c7: {  	v46 =	vadd.s32 v61, v18;
	v33 =	vadd.f32 v33, v50;
	[tilespmem:v63+s22+$0x0] =	vst.idx.msk $0xffff, v31  }
0x3c8: {  	v49 =	vadd.f32 v49, v50;
	[tilespmem:v36+s22+$0x0] =	vst.idx.msk $0xffff, v38;
	v53 =	vadd.s32 v45, v0  }
0x3c9: {  	[tilespmem:v48+s22+$0x0] =	vst.idx.msk $0xffff, v33;
	v15 =	vadd.f32 v51, v42  }
0x3ca: {  	[tilespmem:v54+s22+$0x0] =	vst.idx.msk $0xffff, v49;
	v37 =	vadd.f32 v55, v42  }
0x3cb: {  	v63 =	vld [tilespmem:s11+$0xFFFFFCE0];
	v43 =	vadd.f32 v43, v41;
	[tilespmem:v56+s22+$0x0] =	vst.idx.msk $0xffff, v15  }
0x3cc: {  	v47 =	vld [tilespmem:s11+$0xFFFFFD20];
	[tilespmem:v46+s22+$0x0] =	vst.idx.msk $0xffff, v37  }
0x3cd: {  	v50 =	vld [tilespmem:s11+$0xFFFFFD60];
	v48 =	vadd.s32 v62, v16;
	[tilespmem:v53+s22+$0x0] =	vst.idx.msk $0xffff, v43  }
0x3ce: {  	v51 =	vadd.s32 v2, v19;
	v44 =	vld [tilespmem:$0x1FBC0]  }
0x3cf: {  	v39 =	vld [tilespmem:s11+$0xFFFFFDE0];
	v54 =	vadd.s32 v3, v17  }
0x3d0: {  	v55 =	vadd.f32 v63, v42;
	v53 =	vld [tilespmem:s11+$0xFFFFFDA0]  }
0x3d1: {  	v56 =	vadd.f32 v47, v42;
	v34 =	vld [tilespmem:s11+$0x0]  }
0x3d2: {  	v49 =	vadd.f32 v50, v42;
	v50 =	vld [tilespmem:s11+$0xFFFFFE60];
	[tilespmem:v48+s22+$0x0] =	vst.idx.msk $0xffff, v55;
	v48 =	vadd.s32 v52, v21  }
0x3d3: {  	v63 =	vld [tilespmem:s11+$0xFFFFFE20];
	[tilespmem:v51+s22+$0x0] =	vst.idx.msk $0xffff, v56;
	v0 =	vadd.s32 v44, v0  }
0x3d4: {  	[tilespmem:v54+s22+$0x0] =	vst.idx.msk $0xffff, v49;
	v54 =	vadd.s32 v60, v23;
	v55 =	vld [tilespmem:s11+$0xFFFFFEE0]  }
0x3d5: {  	v52 =	vadd.s32 v11, v22;
	v56 =	vadd.f32 v39, v42;
	v60 =	vadd.s32 v61, v24;
	v61 =	vld [tilespmem:s11+$0xFFFFFF20]  }
0x3d6: {  	v31 =	vadd.s32 v4, v20;
	v51 =	vadd.f32 v53, v42;
	v53 =	vld [tilespmem:s11+$0xFFFFFEA0];
	v34 =	vadd.f32 v34, v40  }
0x3d7: {  	v2 =	vadd.s32 v2, v26;
	v46 =	vadd.f32 v50, v42;
	v49 =	vld [tilespmem:s11+$0xFFFFFC70];
	[tilespmem:v48+s22+$0x0] =	vst.idx.msk $0xffff, v56  }
0x3d8: {  	v43 =	vld [tilespmem:s11+$0xFFFFFF60];
	[tilespmem:v0+s22+$0x0] =	vst.idx.msk $0xffff, v34;
	v0 =	vadd.f32 v63, v42  }
0x3d9: {  	[tilespmem:v54+s22+$0x0] =	vst.idx.msk $0xffff, v46;
	v50 =	vadd.f32 v55, v42;
	v55 =	vadd.s32 v5, v30  }
0x3da: {  	v3 =	vadd.s32 v3, v27;
	v54 =	vadd.f32 v61, v42;
	[tilespmem:v52+s22+$0x0] =	vst.idx.msk $0xffff, v0;
	v0 =	vld [tilespmem:s11+$0xFFFFFC20]  }
0x3db: {  	v47 =	vld [tilespmem:s11+$0xFFFFFFA0];
	[tilespmem:v31+s22+$0x0] =	vst.idx.msk $0xffff, v51;
	v48 =	vadd.f32 v53, v42;
	v63 =	vadd.s32 v62, v25  }
0x3dc: {  	v15 =	vadd.f32 v49, v41;
	[tilespmem:v2+s22+$0x0] =	vst.idx.msk $0xffff, v54;
	v53 =	vld [tilespmem:s11+$0xFFFFFCB0];
	v52 =	vadd.s32 v11, v14  }
0x3dd: {  	v56 =	vld [tilespmem:s11+$0xFFFFFCF0];
	v51 =	vadd.s32 v4, v28;
	[tilespmem:v60+s22+$0x0] =	vst.idx.msk $0xffff, v48;
	v60 =	vadd.f32 v43, v42  }
0x3de: {  	v61 =	vld [tilespmem:s11+$0xFFFFFD30];
	v2 =	vadd.s32 v6, v18;
	[tilespmem:v55+s22+$0x0] =	vst.idx.msk $0xffff, v15  }
0x3df: {  	v62 =	vld [tilespmem:s11+$0xFFFFFD70];
	[tilespmem:v3+s22+$0x0] =	vst.idx.msk $0xffff, v60;
	v3 =	vadd.s32 v7, v16;
	v0 =	vadd.f32 v0, v42  }
0x3e0: {  	v31 =	vadd.f32 v47, v42;
	v36 =	vld [tilespmem:s11+$0xFFFFFDB0];
	[tilespmem:v63+s22+$0x0] =	vst.idx.msk $0xffff, v50;
	v63 =	vadd.s32 v8, v19  }
0x3e1: {  	v37 =	vadd.s32 v9, v17;
	v38 =	vld [tilespmem:s11+$0xFFFFFDF0];
	[tilespmem:v52+s22+$0x0] =	vst.idx.msk $0xffff, v0;
	v0 =	vadd.f32 v53, v41  }
0x3e2: {  	v39 =	vadd.f32 v56, v41;
	[tilespmem:v51+s22+$0x0] =	vst.idx.msk $0xffff, v31;
	v43 =	vld [tilespmem:s11+$0xFFFFFE30];
	v42 =	vadd.s32 v10, v20  }
0x3e3: {  	v47 =	vld [tilespmem:s11+$0xFFFFFEB0];
	[tilespmem:v2+s22+$0x0] =	vst.idx.msk $0xffff, v0;
	v0 =	vadd.s32 v45, v21;
	v2 =	vadd.f32 v61, v41  }
0x3e4: {  	v46 =	vadd.s32 v12, v22;
	v49 =	vld [tilespmem:s11+$0xFFFFFEF0];
	[tilespmem:v3+s22+$0x0] =	vst.idx.msk $0xffff, v39;
	v3 =	vadd.f32 v62, v41  }
0x3e5: {  	v50 =	vadd.s32 v6, v24;
	v45 =	vld [tilespmem:s11+$0xFFFFFE70];
	[tilespmem:v63+s22+$0x0] =	vst.idx.msk $0xffff, v2;
	v2 =	vadd.f32 v36, v41  }
0x3e6: {  	v51 =	vld [tilespmem:s11+$0xFFFFFF30];
	v52 =	vadd.s32 v7, v25;
	[tilespmem:v37+s22+$0x0] =	vst.idx.msk $0xffff, v3;
	v3 =	vadd.f32 v38, v41  }
0x3e7: {  	v48 =	vadd.s32 v5, v23;
	v53 =	vld [tilespmem:s11+$0xFFFFFF70];
	[tilespmem:v42+s22+$0x0] =	vst.idx.msk $0xffff, v2;
	v2 =	vadd.f32 v43, v41  }
0x3e8: {  	v54 =	vld [tilespmem:s11+$0xFFFFFFB0];
	v55 =	vadd.f32 v47, v41;
	[tilespmem:v0+s22+$0x0] =	vst.idx.msk $0xffff, v3;
	v3 =	vadd.s32 v8, v26  }
0x3e9: {  	v56 =	vadd.s32 v9, v27;
	v60 =	vadd.f32 v49, v41;
	[tilespmem:v46+s22+$0x0] =	vst.idx.msk $0xffff, v2;
	v2 =	vld [tilespmem:s11+$0xFFFFFC30]  }
0x3ea: {  	[tilespmem:v50+s22+$0x0] =	vst.idx.msk $0xffff, v55;
	v61 =	vadd.s32 v10, v28;
	v0 =	vadd.f32 v45, v41  }
0x3eb: {  	v11 =	vadd.f32 v51, v41;
	v62 =	vadd.s32 v12, v14;
	[tilespmem:v52+s22+$0x0] =	vst.idx.msk $0xffff, v60  }
0x3ec: {  	v34 =	vadd.f32 v53, v41;
	[tilespmem:v48+s22+$0x0] =	vst.idx.msk $0xffff, v0  }
0x3ed: {  	v8 =	vadd.f32 v54, v41;
	v15 =	vld [tilespmem:$0x1FBD0];
	[tilespmem:v3+s22+$0x0] =	vst.idx.msk $0xffff, v11  }
0x3ee: {  	v35 =	vld [tilespmem:$0x1FBE0];
	[tilespmem:v56+s22+$0x0] =	vst.idx.msk $0xffff, v34;
	v2 =	vadd.f32 v2, v41  }
0x3ef: {  	v63 =	vld [tilespmem:s11+$0xFFFFFCC0];
	[tilespmem:v61+s22+$0x0] =	vst.idx.msk $0xffff, v8  }
0x3f0: {  	v0 =	vld [tilespmem:s11+$0xFFFFFC80];
	[tilespmem:v62+s22+$0x0] =	vst.idx.msk $0xffff, v2  }
0x3f1: {  	v42 =	vld [tilespmem:$0x1FBF0]  }
0x3f2: {  	v33 =	vld [tilespmem:s11+$0xFFFFFD00];
	v32 =	vadd.s32 v15, v30  }
0x3f3: {  	v36 =	vld [tilespmem:s11+$0xFFFFFD40];
	v3 =	vadd.s32 v35, v18  }
0x3f4: {  	v37 =	vadd.s32 v57, v16;
	v38 =	vld [tilespmem:s11+$0xFFFFFD80]  }
0x3f5: {  	v39 =	vadd.s32 v58, v19;
	v41 =	vld [tilespmem:s11+$0xFFFFFDC0];
	v0 =	vadd.f32 v0, v40  }
0x3f6: {  	v45 =	vld [tilespmem:s11+$0xFFFFFE00];
	v2 =	vadd.f32 v63, v40;
	v43 =	vadd.s32 v42, v17  }
0x3f7: {  	v46 =	vadd.s32 v59, v20;
	v47 =	vld [tilespmem:s11+$0xFFFFFE40];
	[tilespmem:v32+s22+$0x0] =	vst.idx.msk $0xffff, v0;
	v0 =	vadd.f32 v33, v40  }
0x3f8: {  	v48 =	vld [tilespmem:s11+$0xFFFFFE80];
	[tilespmem:v3+s22+$0x0] =	vst.idx.msk $0xffff, v2;
	v2 =	vadd.s32 v44, v21;
	v3 =	vadd.f32 v36, v40  }
0x3f9: {  	v49 =	vadd.s32 v13, v22;
	v52 =	vld [tilespmem:s11+$0xFFFFFF00];
	[tilespmem:v37+s22+$0x0] =	vst.idx.msk $0xffff, v0;
	v0 =	vadd.f32 v38, v40  }
0x3fa: {  	v50 =	vld [tilespmem:s11+$0xFFFFFEC0];
	v51 =	vadd.s32 v15, v23;
	[tilespmem:v39+s22+$0x0] =	vst.idx.msk $0xffff, v3;
	v3 =	vadd.f32 v41, v40  }
0x3fb: {  	v55 =	vadd.s32 v57, v25;
	v54 =	vld [tilespmem:s11+$0xFFFFFF40];
	[tilespmem:v43+s22+$0x0] =	vst.idx.msk $0xffff, v0;
	v0 =	vadd.f32 v45, v40  }
0x3fc: {  	v56 =	vld [tilespmem:s11+$0xFFFFFF80];
	v53 =	vadd.s32 v35, v24;
	[tilespmem:v46+s22+$0x0] =	vst.idx.msk $0xffff, v3;
	v3 =	vadd.f32 v47, v40  }
0x3fd: {  	v57 =	vld [tilespmem:s11+$0xFFFFFFC0];
	[tilespmem:v2+s22+$0x0] =	vst.idx.msk $0xffff, v0;
	v0 =	vadd.f32 v48, v40;
	v2 =	vadd.s32 v58, v26  }
0x3fe: {  	v60 =	vadd.f32 v52, v40;
	v58 =	vld [tilespmem:s11+$0xFFFFFC40];
	[tilespmem:v49+s22+$0x0] =	vst.idx.msk $0xffff, v3;
	v3 =	vadd.s32 v42, v27  }
0x3ff: {  	v12 =	vadd.f32 v50, v40;
	[tilespmem:v51+s22+$0x0] =	vst.idx.msk $0xffff, v0;
	v0 =	vadd.s32 v59, v28  }
0x400: {  	v61 =	vadd.s32 v13, v14;
	[tilespmem:v55+s22+$0x0] =	vst.idx.msk $0xffff, v60;
	v62 =	vadd.f32 v54, v40  }
0x401: {  	v63 =	vadd.f32 v56, v40;
	[tilespmem:v53+s22+$0x0] =	vst.idx.msk $0xffff, v12  }
0x402: {  	[tilespmem:v2+s22+$0x0] =	vst.idx.msk $0xffff, v62;
	v2 =	vadd.f32 v57, v40  }
0x403: {  	s10 =	sshll.u32 s10, $0x12;
	[tilespmem:v3+s22+$0x0] =	vst.idx.msk $0xffff, v63;
	v3 =	vadd.f32 v58, v40  }
0x404: {  	s14 =	simm.s32 @!p0 $0x80;
	s10 =	sor.u32 s5, s10;
	s11 =	sadd.s32 @!p0 $0x300, s3;
	[tilespmem:v0+s22+$0x0] =	vst.idx.msk $0xffff, v2  }
0x405: {  	s15 =	simm.s32 @!p0 $0xA400;
	s10 =	sshrl.u32 s10, $0x3;
	s11 =	sand.u32 @!p0 $0xFF00, s11;
	[tilespmem:v61+s22+$0x0] =	vst.idx.msk $0xffff, v3  }
0x406: {  	[tilespmem:s15], [sflag:$0x3] =	stream.indirect.gather @!p0 [hbm4b:s4+s14], $0x40, s11, s14, $0xb8;
	[tilespmem:$0x19E00] =	vst v63  }
0x407: {  	s17 =	simm.s32 $0x12800;
	s11 =	sadd.s32 s1, s10  }
0x408: {  	[hbm4b:s11+s2] =	stream.linear.scatter [tilespmem:s17], [sflag:$0x7], $0x80, $0x38;
	[tilespmem:$0x19E00] =	vst v63  }
0x409: {  	s14 =	simm.s32 $0x12888;
	s15 =	sadd.s32 $0x10, s11  }
0x40a: {  	[hbm4b:s15+s2] =	stream.linear.scatter [tilespmem:s14], [sflag:$0x7], $0x80, $0x38;
	[tilespmem:$0x19E00] =	vst v63  }
0x40b: {  	s16 =	simm.s32 $0x12910;
	s17 =	sadd.s32 $0x20, s11  }
0x40c: {  	[hbm4b:s17+s2] =	stream.linear.scatter [tilespmem:s16], [sflag:$0x7], $0x80, $0x38;
	[tilespmem:$0x19E00] =	vst v63  }
0x40d: {  	s14 =	simm.s32 $0x12998;
	s15 =	sadd.s32 $0x30, s11  }
0x40e: {  	[hbm4b:s15+s2] =	stream.linear.scatter [tilespmem:s14], [sflag:$0x7], $0x80, $0x38;
	[tilespmem:$0x19E00] =	vst v63  }
0x40f: {  	s16 =	simm.s32 $0x12A20;
	s17 =	sadd.s32 $0x40, s11  }
0x410: {  	[hbm4b:s17+s2] =	stream.linear.scatter [tilespmem:s16], [sflag:$0x7], $0x80, $0x38;
	[tilespmem:$0x19E00] =	vst v63  }
0x411: {  	s10 =	simm.s32 $0x440;
	s14 =	simm.s32 $0x12AA8;
	s15 =	sadd.s32 $0x50, s11  }
0x412: {  	[hbm4b:s15+s2] =	stream.linear.scatter [tilespmem:s14], [sflag:$0x7], $0x80, $0x38;
	[tilespmem:$0x19E00] =	vst v63  }
0x413: {  	s16 =	simm.s32 $0x12B30;
	s17 =	sadd.s32 $0x60, s11;
	s14 =	simm.s32 $0x2200  }
0x414: {  	[hbm4b:s17+s2] =	stream.linear.scatter [tilespmem:s16], [sflag:$0x7], $0x80, $0x38;
	[tilespmem:$0x19E00] =	vst v63  }
0x415: {  	s15 =	simm.s32 $0x12BB8;
	s16 =	sadd.s32 $0x70, s11;
	s11 =	sadd.s32 $0x1000, s11  }
.LBB2_13:
0x416: {  	[hbm4b:s16+s2] =	stream.linear.scatter [tilespmem:s15], [sflag:$0x7], $0x80, $0x38;
	[tilespmem:$0x19E00] =	vst v63  }
0x417: {  	s15 =	smov.u32 s10;
	s10 =	smov.u32 s14  }
0x418: {  	s17 =	sadd.s32 $0x1100, s14;
	s10 =	sshra.s32 s10, $0x2;
	s16 =	sadd.s32 $0x12800, s15  }
0x419: {  	[hbm4b:s11+s2] =	stream.linear.scatter [tilespmem:s16], [sflag:$0x7], $0x80, $0x38;
	[tilespmem:$0x19E00] =	vst v63  }
0x41a: {  	p2 =	sne.s32 s14, $0x7700;
	s14 =	sadd.s32 $0x12888, s15;
	s16 =	sadd.s32 $0x10, s11  }
0x41b: {  	[hbm4b:s16+s2] =	stream.linear.scatter [tilespmem:s14], [sflag:$0x7], $0x80, $0x38;
	[tilespmem:$0x19E00] =	vst v63  }
0x41c: {  	s14 =	sadd.s32 $0x12910, s15;
	s16 =	sadd.s32 $0x20, s11  }
0x41d: {  	[hbm4b:s16+s2] =	stream.linear.scatter [tilespmem:s14], [sflag:$0x7], $0x80, $0x38;
	[tilespmem:$0x19E00] =	vst v63  }
0x41e: {  	s14 =	sadd.s32 $0x12998, s15;
	s16 =	sadd.s32 $0x30, s11  }
0x41f: {  	[hbm4b:s16+s2] =	stream.linear.scatter [tilespmem:s14], [sflag:$0x7], $0x80, $0x38;
	[tilespmem:$0x19E00] =	vst v63  }
0x420: {  	s14 =	sadd.s32 $0x12A20, s15;
	s16 =	sadd.s32 $0x40, s11  }
0x421: {  	[hbm4b:s16+s2] =	stream.linear.scatter [tilespmem:s14], [sflag:$0x7], $0x80, $0x38;
	[tilespmem:$0x19E00] =	vst v63  }
.Ltmp5:
0x422: {  	s14 =	sadd.s32 $0x12AA8, s15;
	s16 =	sadd.s32 $0x50, s11;
	(pc) =	sbr.rel @p2 .LBB2_13-.Ltmp5, $4  }
0x423: {  	[hbm4b:s16+s2] =	stream.linear.scatter [tilespmem:s14], [sflag:$0x7], $0x80, $0x38;
	[tilespmem:$0x19E00] =	vst v63  }
0x424: {  	s14 =	sadd.s32 $0x12B30, s15;
	s16 =	sadd.s32 $0x60, s11;
	s15 =	sadd.s32 $0x12BB8, s15  }
0x425: {  	[hbm4b:s16+s2] =	stream.linear.scatter [tilespmem:s14], [sflag:$0x7], $0x80, $0x38;
	[tilespmem:$0x19E00] =	vst v63  }
0x426: {  	s16 =	sadd.s32 $0x70, s11;
	s11 =	sadd.s32 $0x1000, s11;
	s14 =	smov.u32 s17  }
0x427: {  	[hbm4b:s16+s2] =	stream.linear.scatter [tilespmem:s15], [sflag:$0x7], $0x80, $0x38;
	[tilespmem:$0x19E00] =	vst v63  }
0x428: {  	s14 =	sadd.s32 $0x12800, s10  }
0x429: {  	[hbm4b:s11+s2] =	stream.linear.scatter [tilespmem:s14], [sflag:$0x7], $0x80, $0x38;
	[tilespmem:$0x19E00] =	vst v63  }
0x42a: {  	s16 =	sadd.s32 $0x12888, s10;
	s17 =	sadd.s32 $0x10, s11  }
0x42b: {  	[hbm4b:s17+s2] =	stream.linear.scatter [tilespmem:s16], [sflag:$0x7], $0x80, $0x38;
	[tilespmem:$0x19E00] =	vst v63  }
0x42c: {  	s15 =	simm.s32 $0x2;
	s16 =	sadd.s32 $0x12910, s10;
	s17 =	sadd.s32 $0x20, s11  }
0x42d: {  	[hbm4b:s17+s2] =	stream.linear.scatter [tilespmem:s16], [sflag:$0x7], $0x80, $0x38;
	[tilespmem:$0x19E00] =	vst v63  }
0x42e: {  	s9 =	sor.u32 $0x3, s9;
	s16 =	sadd.s32 $0x12998, s10;
	s17 =	sadd.s32 $0x30, s11  }
0x42f: {  	[hbm4b:s17+s2] =	stream.linear.scatter [tilespmem:s16], [sflag:$0x7], $0x80, $0x38;
	[tilespmem:$0x19E00] =	vst v63  }
0x430: {  	v3 =	vmov s15;
	s15 =	simm.s32 $0x5;
	s16 =	sadd.s32 $0x12A20, s10;
	s17 =	sadd.s32 $0x40, s11  }
0x431: {  	[hbm4b:s17+s2] =	stream.linear.scatter [tilespmem:s16], [sflag:$0x7], $0x80, $0x38;
	[tilespmem:$0x19E00] =	vst v63  }
0x432: {  	s14 =	simm.s32 $0x1;
	s16 =	sadd.s32 $0x12AA8, s10;
	s17 =	sadd.s32 $0x50, s11  }
0x433: {  	[hbm4b:s17+s2] =	stream.linear.scatter [tilespmem:s16], [sflag:$0x7], $0x80, $0x38;
	[tilespmem:$0x19E00] =	vst v63  }
0x434: {  	v6 =	vmov s15;
	s15 =	simm.s32 $0xA;
	s16 =	sadd.s32 $0x12B30, s10;
	s17 =	sadd.s32 $0x60, s11  }
0x435: {  	v43 =	vld [tilespmem:$0x1FDE0];
	[hbm4b:s17+s2] =	stream.linear.scatter [tilespmem:s16], [sflag:$0x7], $0x80, $0x38  }
0x436: {  	v2 =	vmov s14;
	s14 =	simm.s32 $0x9;
	s16 =	sadd.s32 $0x12BB8, s10;
	s17 =	sadd.s32 $0x70, s11  }
0x437: {  	v3 =	vshrl.u32 v3, $0x3;
	v11 =	vmov s15;
	[hbm4b:s17+s2] =	stream.linear.scatter [tilespmem:s16], [sflag:$0x7], $0x80, $0x38;
	[tilespmem:$0x19E00] =	vst v63  }
0x438: {  	v6 =	vshrl.u32 v6, $0x3;
	s15 =	sshll.u32 s9, $0x6;
	v3 =	vshll.u32 v3, v1;
	v10 =	vmov s14;
	_ =	swait.ge [sflag:s25], $0x2000  }
0x439: {  	v2 =	vshrl.u32 v2, $0x3;
	v6 =	vshll.u32 v6, v1;
	v26 =	vbroadcast v3, $0x0;
	s11 =	simm.s32 $0x0;
	s10 =	simm.s32 @!p1 $0x8;
	[sflag:s25] =	ssyncset.done $0x0  }
0x43a: {  	v44 =	vadd.s32 $0x6600, v43;
	v39 =	vadd.s32 $0x6601, v43;
	v38 =	vadd.s32 $0x6602, v43;
	s16 =	simm.s32 $0x3;
	s17 =	simm.s32 $0x4;
	[sflag:s25] =	ssyncadd.s32 $0xFFFFE000  }
0x43b: {  	v0 =	vmov s11;
	v4 =	vmov s16;
	v5 =	vmov s17;
	s16 =	simm.s32 $0x6;
	s17 =	simm.s32 $0x7;
	_ =	swait.ge @!p1 [sflag:s10], $0x2000  }
0x43c: {  	v0 =	vshrl.u32 v0, $0x3;
	v7 =	vmov s16;
	v8 =	vmov s17;
	s16 =	simm.s32 $0xB;
	s17 =	simm.s32 $0xC;
	[sflag:s10] =	ssyncset.done @!p1 $0x0  }
0x43d: {  	v0 =	vshll.u32 v0, v1;
	v12 =	vmov s16;
	v13 =	vmov s17;
	s16 =	sand.u32 $0x3FFFFFC0, s15;
	s17 =	simm.s32 $0xF;
	[sflag:s10] =	ssyncadd.s32 @!p1 $0xFFFFE000  }
0x43e: {  	v46 =	vbroadcast v0, $0x0;
	v0 =	vshll.u32 v2, v1;
	v2 =	vmov s17;
	v50 =	vld [tilespmem:s16+$0x16C00]  }
0x43f: {  	s14 =	simm.s32 $0xE;
	v37 =	vadd.s32 $0x6603, v43;
	v36 =	vadd.s32 $0x6604, v43;
	v2 =	vshrl.u32 v2, $0x3;
	v42 =	vld [tilespmem:s16+$0x16C10]  }
0x440: {  	v35 =	vadd.s32 $0x6605, v43;
	v15 =	vmov s14;
	s10 =	simm.s32 $0xC7F0;
	v2 =	vshll.u32 v2, v1;
	v41 =	vld [tilespmem:s16+$0x16C20]  }
0x441: {  	v34 =	vadd.s32 $0x6606, v43;
	v15 =	vshrl.u32 v15, $0x3;
	v17 =	vld [tilespmem:s10+$0xFFFFFFD0];
	v29 =	vbroadcast v2, $0x0  }
0x442: {  	v21 =	vbroadcast v6, $0x0;
	v3 =	vshll.u32 v15, v1;
	v18 =	vld [tilespmem:s10+$0xFFFFFC10];
	v2 =	vadd.s32 $0x6607, v43  }
0x443: {  	v4 =	vshrl.u32 v4, $0x3;
	v27 =	vbroadcast v0, $0x0;
	v20 =	vld [tilespmem:s10+$0xFFFFFC50];
	v0 =	vadd.s32 v2, v29  }
0x444: {  	v5 =	vshrl.u32 v5, $0x3;
	v4 =	vshll.u32 v4, v1;
	v22 =	vadd.s32 v44, v46;
	v23 =	vld [tilespmem:s10+$0xFFFFFC90]  }
0x445: {  	v5 =	vshll.u32 v5, v1;
	v25 =	vbroadcast v4, $0x0;
	v4 =	vadd.s32 v39, v27;
	v15 =	vld [tilespmem:s10+$0xFFFFFCD0]  }
0x446: {  	v24 =	vbroadcast v5, $0x0;
	v5 =	vadd.s32 v38, v26;
	v40 =	vld [tilespmem:s16+$0x16C30];
	v17 =	vadd.f32 v17, v50  }
0x447: {  	v7 =	vshrl.u32 v7, $0x3;
	v30 =	vld [tilespmem:s10+$0xFFFFFD10];
	v6 =	vadd.f32 v18, v50;
	v18 =	vadd.s32 v37, v25  }
0x448: {  	v10 =	vshrl.u32 v10, $0x3;
	v7 =	vshll.u32 v7, v1;
	v31 =	vld [tilespmem:s10+$0xFFFFFD50];
	v20 =	vadd.f32 v20, v50;
	[tilespmem:v0+s22+$0x0] =	vst.idx.msk $0xffff, v17  }
0x449: {  	v19 =	vbroadcast v7, $0x0;
	v7 =	vadd.s32 v36, v24;
	v32 =	vld [tilespmem:s10+$0xFFFFFD90];
	[tilespmem:v22+s22+$0x0] =	vst.idx.msk $0xffff, v6;
	v6 =	vadd.f32 v23, v50  }
0x44a: {  	v10 =	vshll.u32 v10, v1;
	v8 =	vshrl.u32 v8, $0x3;
	[tilespmem:v4+s22+$0x0] =	vst.idx.msk $0xffff, v20;
	v4 =	vadd.f32 v15, v50;
	v15 =	vld [tilespmem:s10+$0xFFFFFDD0]  }
0x44b: {  	s11 =	simm.s32 $0x8;
	v8 =	vshll.u32 v8, v1;
	v0 =	vadd.s32 v35, v21;
	v23 =	vbroadcast v10, $0x0;
	v10 =	vld [tilespmem:s10+$0xFFFFFE50];
	[tilespmem:v5+s22+$0x0] =	vst.idx.msk $0xffff, v6  }
0x44c: {  	v9 =	vmov s11;
	v28 =	vbroadcast v8, $0x0;
	v8 =	vld [tilespmem:s10+$0xFFFFFFE0];
	v5 =	vadd.f32 v30, v50;
	[tilespmem:v18+s22+$0x0] =	vst.idx.msk $0xffff, v4  }
0x44d: {  	v9 =	vshrl.u32 v9, $0x3;
	v33 =	vadd.s32 v34, v19;
	v6 =	vld [tilespmem:s10+$0xFFFFFE10];
	[tilespmem:$0x1FA60] =	vst v44  }
0x44e: {  	v9 =	vshll.u32 v9, v1;
	v17 =	vadd.s32 $0x6E87, v43;
	v4 =	vadd.f32 v31, v50;
	[tilespmem:v7+s22+$0x0] =	vst.idx.msk $0xffff, v5  }
0x44f: {  	v11 =	vshrl.u32 v11, $0x3;
	v22 =	vbroadcast v9, $0x0;
	v9 =	vadd.s32 v17, v29;
	v7 =	vld [tilespmem:s10+$0xFFFFFE90];
	[tilespmem:$0x1FA70] =	vst v39  }
0x450: {  	v11 =	vshll.u32 v11, v1;
	s11 =	simm.s32 $0xD;
	v5 =	vadd.f32 v32, v50;
	[tilespmem:v0+s22+$0x0] =	vst.idx.msk $0xffff, v4  }
0x451: {  	v14 =	vmov s11;
	v12 =	vshrl.u32 v12, $0x3;
	v30 =	vadd.s32 v2, v28;
	v0 =	vld [tilespmem:s10+$0xFFFFFED0];
	[tilespmem:$0x1FA80] =	vst v38  }
0x452: {  	v16 =	vshrl.u32 v14, $0x3;
	v12 =	vshll.u32 v12, v1;
	v4 =	vadd.f32 v8, v42;
	[tilespmem:v33+s22+$0x0] =	vst.idx.msk $0xffff, v5  }
0x453: {  	v13 =	vshrl.u32 v13, $0x3;
	v51 =	vbroadcast v12, $0x0;
	v31 =	vadd.s32 v44, v22;
	v12 =	vld [tilespmem:s10+$0xFFFFFF10];
	[tilespmem:$0x1FA90] =	vst v37  }
0x454: {  	v20 =	vbroadcast v11, $0x0;
	v11 =	vadd.s32 v39, v23;
	v5 =	vadd.f32 v15, v50;
	[tilespmem:v9+s22+$0x0] =	vst.idx.msk $0xffff, v4  }
0x455: {  	v48 =	vbroadcast v3, $0x0;
	v16 =	vshll.u32 v16, v1;
	v13 =	vshll.u32 v13, v1;
	v53 =	vld [tilespmem:s10+$0xFFFFFF50];
	[tilespmem:$0x1FAA0] =	vst v36  }
0x456: {  	v49 =	vbroadcast v13, $0x0;
	v8 =	vadd.s32 v38, v20;
	v6 =	vadd.f32 v6, v50;
	[tilespmem:v30+s22+$0x0] =	vst.idx.msk $0xffff, v5  }
0x457: {  	v47 =	vbroadcast v16, $0x0;
	v13 =	vadd.s32 v37, v51;
	v3 =	vadd.f32 v10, v50;
	v5 =	vld [tilespmem:s10+$0xFFFFFFF0];
	[tilespmem:$0x1FAB0] =	vst v35  }
0x458: {  	v4 =	vadd.s32 v36, v49;
	[tilespmem:v31+s22+$0x0] =	vst.idx.msk $0xffff, v6  }
0x459: {  	v15 =	vadd.s32 $0x7707, v43;
	v9 =	vadd.s32 v35, v47;
	v6 =	vadd.f32 v7, v50;
	v7 =	vld [tilespmem:s10+$0xFFFFFF90];
	[tilespmem:v11+s22+$0x0] =	vst.idx.msk $0xffff, v3  }
0x45a: {  	v0 =	vadd.f32 v0, v50;
	v10 =	vld [tilespmem:s10+$0xFFFFFC60];
	v11 =	vadd.s32 v15, v29;
	[tilespmem:$0x1FAC0] =	vst v34  }
0x45b: {  	v61 =	vadd.s32 $0x6E81, v43;
	v30 =	vadd.s32 v34, v48;
	v3 =	vadd.f32 v12, v50;
	v31 =	vld [tilespmem:s10+$0xFFFFFCA0];
	[tilespmem:v8+s22+$0x0] =	vst.idx.msk $0xffff, v6  }
0x45c: {  	v62 =	vadd.s32 $0x6E82, v43;
	v6 =	vadd.s32 v61, v27;
	[tilespmem:v13+s22+$0x0] =	vst.idx.msk $0xffff, v0;
	v0 =	vadd.f32 v53, v50  }
0x45d: {  	v12 =	vadd.s32 v62, v26;
	v8 =	vld [tilespmem:s10+$0xFFFFFCE0];
	[tilespmem:v4+s22+$0x0] =	vst.idx.msk $0xffff, v3;
	v5 =	vadd.f32 v5, v41  }
0x45e: {  	v63 =	vadd.s32 $0x6E83, v43;
	v13 =	vld [tilespmem:s10+$0xFFFFFD20];
	[tilespmem:v9+s22+$0x0] =	vst.idx.msk $0xffff, v0;
	v0 =	vadd.f32 v7, v50  }
0x45f: {  	v54 =	vadd.s32 v63, v25;
	v3 =	vadd.s32 $0x6E84, v43;
	v55 =	vld [tilespmem:s10+$0xFFFFFD60];
	v7 =	vadd.f32 v10, v42;
	[tilespmem:v11+s22+$0x0] =	vst.idx.msk $0xffff, v5  }
0x460: {  	v4 =	vadd.s32 $0x6E85, v43;
	v9 =	vadd.s32 v3, v24;
	v10 =	vld [tilespmem:s10+$0xFFFFFDA0];
	v11 =	vadd.f32 v31, v42;
	[tilespmem:v30+s22+$0x0] =	vst.idx.msk $0xffff, v0  }
0x461: {  	v5 =	vadd.s32 $0x6E86, v43;
	v31 =	vadd.s32 v4, v21;
	v0 =	vld [tilespmem:s10+$0x0];
	[tilespmem:v6+s22+$0x0] =	vst.idx.msk $0xffff, v7  }
0x462: {  	v14 =	vadd.s32 $0x7F87, v43;
	v6 =	vadd.f32 v8, v42;
	v7 =	vadd.s32 v5, v19;
	v8 =	vld [tilespmem:s10+$0xFFFFFDE0];
	[tilespmem:v12+s22+$0x0] =	vst.idx.msk $0xffff, v11  }
0x463: {  	v29 =	vadd.s32 v14, v29;
	v11 =	vadd.f32 v13, v42;
	v13 =	vld [tilespmem:s10+$0xFFFFFE20];
	[tilespmem:$0x1FAD0] =	vst v17  }
0x464: {  	v30 =	vadd.s32 v17, v28;
	v12 =	vadd.s32 $0x6E80, v43;
	[tilespmem:v54+s22+$0x0] =	vst.idx.msk $0xffff, v6;
	v6 =	vadd.f32 v55, v42;
	v56 =	vld [tilespmem:s10+$0xFFFFFE60]  }
0x465: {  	[tilespmem:v9+s22+$0x0] =	vst.idx.msk $0xffff, v11;
	v9 =	vadd.f32 v10, v42;
	v10 =	vadd.s32 v12, v22;
	v11 =	vld [tilespmem:s10+$0xFFFFFEA0]  }
0x466: {  	v0 =	vadd.f32 v0, v40;
	[tilespmem:v31+s22+$0x0] =	vst.idx.msk $0xffff, v6;
	v6 =	vadd.s32 v61, v23;
	v31 =	vld [tilespmem:s10+$0xFFFFFEE0]  }
0x467: {  	[tilespmem:v7+s22+$0x0] =	vst.idx.msk $0xffff, v9;
	v7 =	vadd.f32 v8, v42;
	v8 =	vadd.s32 v62, v20;
	v9 =	vld [tilespmem:s10+$0xFFFFFF20]  }
0x468: {  	v57 =	vadd.s32 v63, v51;
	v58 =	vld [tilespmem:s10+$0xFFFFFF60];
	v13 =	vadd.f32 v13, v42;
	[tilespmem:v29+s22+$0x0] =	vst.idx.msk $0xffff, v0  }
0x469: {  	v29 =	vadd.s32 v3, v49;
	[tilespmem:v30+s22+$0x0] =	vst.idx.msk $0xffff, v7;
	v30 =	vld [tilespmem:s10+$0xFFFFFFA0];
	v0 =	vadd.f32 v56, v42  }
0x46a: {  	v59 =	vld [tilespmem:s10+$0xFFFFFC20];
	[tilespmem:v10+s22+$0x0] =	vst.idx.msk $0xffff, v13;
	v7 =	vadd.f32 v11, v42;
	v10 =	vadd.s32 v4, v47  }
0x46b: {  	v11 =	vld [tilespmem:s10+$0xFFFFFC70];
	v13 =	vadd.s32 v5, v48;
	[tilespmem:v6+s22+$0x0] =	vst.idx.msk $0xffff, v0;
	v0 =	vadd.f32 v31, v42  }
0x46c: {  	v6 =	vadd.s32 $0x7701, v43;
	v31 =	vadd.s32 v12, v46;
	[tilespmem:v8+s22+$0x0] =	vst.idx.msk $0xffff, v7;
	v9 =	vadd.f32 v9, v42  }
0x46d: {  	v35 =	vld [tilespmem:s10+$0xFFFFFCB0];
	v36 =	vadd.s32 v6, v27;
	[tilespmem:v57+s22+$0x0] =	vst.idx.msk $0xffff, v0;
	v0 =	vadd.f32 v58, v42  }
0x46e: {  	v60 =	vld [tilespmem:s10+$0xFFFFFCF0];
	v7 =	vadd.s32 $0x7702, v43;
	[tilespmem:v29+s22+$0x0] =	vst.idx.msk $0xffff, v9;
	v29 =	vadd.f32 v30, v42  }
0x46f: {  	v45 =	vld [tilespmem:s10+$0xFFFFFD30];
	v8 =	vadd.s32 $0x7703, v43;
	v44 =	vadd.s32 v7, v26;
	v30 =	vadd.f32 v59, v42;
	[tilespmem:v10+s22+$0x0] =	vst.idx.msk $0xffff, v0  }
0x470: {  	v55 =	vld [tilespmem:s10+$0xFFFFFDB0];
	v9 =	vadd.s32 $0x7704, v43;
	v57 =	vadd.s32 v8, v25;
	v0 =	vadd.f32 v11, v41;
	[tilespmem:v13+s22+$0x0] =	vst.idx.msk $0xffff, v29  }
0x471: {  	v58 =	vld [tilespmem:s10+$0xFFFFFD70];
	v59 =	vadd.s32 v9, v24;
	[tilespmem:v31+s22+$0x0] =	vst.idx.msk $0xffff, v30  }
0x472: {  	v53 =	vld [tilespmem:s10+$0xFFFFFE30];
	v10 =	vadd.s32 $0x7705, v43;
	v29 =	vadd.f32 v35, v41;
	[tilespmem:v36+s22+$0x0] =	vst.idx.msk $0xffff, v0  }
0x473: {  	v11 =	vadd.s32 $0x7706, v43;
	v30 =	vadd.s32 v10, v21;
	v31 =	vld [tilespmem:s10+$0xFFFFFDF0];
	v0 =	vadd.f32 v60, v41;
	[tilespmem:$0x1FAE0] =	vst v15  }
0x474: {  	v35 =	vadd.s32 v11, v19;
	[tilespmem:v44+s22+$0x0] =	vst.idx.msk $0xffff, v29;
	v29 =	vadd.f32 v45, v41  }
0x475: {  	v17 =	vadd.s32 $0x7F81, v43;
	v54 =	vadd.s32 v15, v28;
	v28 =	vadd.s32 v14, v28;
	v60 =	vld [tilespmem:s10+$0xFFFFFE70];
	[tilespmem:v57+s22+$0x0] =	vst.idx.msk $0xffff, v0  }
0x476: {  	v38 =	vadd.s32 v6, v23;
	v13 =	vadd.s32 $0x7700, v43;
	v0 =	vadd.f32 v58, v41;
	v34 =	vld [tilespmem:s10+$0xFFFFFEB0];
	[tilespmem:v59+s22+$0x0] =	vst.idx.msk $0xffff, v29  }
0x477: {  	v27 =	vadd.s32 v17, v27;
	v32 =	vadd.s32 v13, v22;
	v52 =	vld [tilespmem:s10+$0xFFFFFEF0];
	v29 =	vadd.f32 v55, v41;
	[tilespmem:$0x1FAF0] =	vst v14  }
0x478: {  	v15 =	vadd.s32 v10, v47;
	v44 =	vadd.s32 $0x7F80, v43;
	[tilespmem:v30+s22+$0x0] =	vst.idx.msk $0xffff, v0;
	v0 =	vadd.f32 v31, v41  }
0x479: {  	v57 =	vadd.s32 $0x7F82, v43;
	v45 =	vadd.s32 $0x7F84, v43;
	v30 =	vld [tilespmem:s10+$0xFFFFFF30];
	[tilespmem:v35+s22+$0x0] =	vst.idx.msk $0xffff, v29;
	v35 =	vadd.s32 v7, v20  }
0x47a: {  	v58 =	vadd.s32 $0x7F85, v43;
	v29 =	vadd.f32 v53, v41;
	v31 =	vld [tilespmem:s10+$0xFFFFFF70];
	[tilespmem:v54+s22+$0x0] =	vst.idx.msk $0xffff, v0;
	v54 =	vadd.s32 v8, v51  }
0x47b: {  	s14 =	simm.s32 $0x10;
	v59 =	vadd.s32 $0x7F83, v43;
	v55 =	vadd.s32 v9, v49;
	v14 =	vld [tilespmem:s10+$0xFFFFFC30];
	v0 =	vadd.f32 v60, v41  }
0x47c: {  	v53 =	vmov s14;
	v16 =	vld [tilespmem:s10+$0xFFFFFD00];
	v34 =	vadd.f32 v34, v41;
	v60 =	vadd.s32 $0x7F86, v43;
	[tilespmem:v32+s22+$0x0] =	vst.idx.msk $0xffff, v29  }
0x47d: {  	v33 =	vld [tilespmem:s10+$0xFFFFFFB0];
	v29 =	vshrl.u32 v53, $0x3;
	v43 =	vadd.f32 v52, v41;
	v53 =	vadd.s32 v13, v46;
	[tilespmem:v38+s22+$0x0] =	vst.idx.msk $0xffff, v0  }
0x47e: {  	v25 =	vadd.s32 v59, v25;
	v56 =	vld [tilespmem:s10+$0xFFFFFC80];
	v30 =	vadd.f32 v30, v41;
	[tilespmem:v35+s22+$0x0] =	vst.idx.msk $0xffff, v34  }
0x47f: {  	v52 =	vld [tilespmem:s10+$0xFFFFFCC0];
	v0 =	vadd.s32 v11, v48;
	v31 =	vadd.f32 v31, v41;
	[tilespmem:v54+s22+$0x0] =	vst.idx.msk $0xffff, v43  }
0x480: {  	v23 =	vadd.s32 v17, v23;
	v14 =	vadd.f32 v14, v41;
	[tilespmem:v55+s22+$0x0] =	vst.idx.msk $0xffff, v30  }
0x481: {  	s16 =	simm.s32 $0x12;
	v26 =	vadd.s32 v57, v26;
	v16 =	vadd.f32 v16, v40;
	v54 =	vld [tilespmem:s10+$0xFFFFFD40];
	[tilespmem:v15+s22+$0x0] =	vst.idx.msk $0xffff, v31  }
0x482: {  	v37 =	vmov s16;
	s16 =	simm.s32 $0x15;
	v22 =	vadd.s32 v44, v22;
	v33 =	vadd.f32 v33, v41;
	v55 =	vld [tilespmem:s10+$0xFFFFFD80];
	[tilespmem:v53+s22+$0x0] =	vst.idx.msk $0xffff, v14  }
0x483: {  	v18 =	vmov s16;
	v30 =	vadd.f32 v56, v40;
	v15 =	vadd.s32 v45, v24;
	v56 =	vld [tilespmem:s10+$0xFFFFFDC0];
	[tilespmem:v25+s22+$0x0] =	vst.idx.msk $0xffff, v16  }
0x484: {  	s17 =	simm.s32 $0x13;
	v37 =	vshrl.u32 v37, $0x3;
	v24 =	vadd.f32 v52, v40;
	v52 =	vld [tilespmem:s10+$0xFFFFFE00];
	[tilespmem:v0+s22+$0x0] =	vst.idx.msk $0xffff, v33;
	v0 =	vadd.s32 v58, v21  }
0x485: {  	s15 =	simm.s32 $0x11;
	s16 =	simm.s32 $0x18;
	v20 =	vadd.s32 v57, v20;
	v32 =	vmov s17;
	v14 =	vadd.s32 v60, v19;
	[tilespmem:v27+s22+$0x0] =	vst.idx.msk $0xffff, v30  }
0x486: {  	s17 =	simm.s32 $0x16;
	v38 =	vmov s16;
	v34 =	vmov s15;
	s15 =	simm.s32 $0x14;
	v53 =	vld [tilespmem:s10+$0xFFFFFE40];
	[tilespmem:v26+s22+$0x0] =	vst.idx.msk $0xffff, v24;
	v27 =	vadd.f32 v54, v40  }
0x487: {  	v31 =	vmov s15;
	v19 =	vmov s17;
	s17 =	simm.s32 $0x19;
	v24 =	vadd.f32 v55, v40;
	v54 =	vld [tilespmem:s10+$0xFFFFFE80];
	[tilespmem:$0x1FB00] =	vst v17  }
0x488: {  	s15 =	simm.s32 $0x17;
	v43 =	vshll.u32 v29, v1;
	v29 =	vmov s17;
	v16 =	vadd.f32 v56, v40;
	v55 =	vld [tilespmem:s10+$0xFFFFFEC0];
	[tilespmem:v15+s22+$0x0] =	vst.idx.msk $0xffff, v27  }
0x489: {  	s16 =	simm.s32 $0x1A;
	v31 =	vshrl.u32 v31, $0x3;
	v30 =	vmov s15;
	s15 =	simm.s32 $0x1C;
	v15 =	vadd.f32 v52, v40;
	[tilespmem:v0+s22+$0x0] =	vst.idx.msk $0xffff, v24  }
0x48a: {  	v21 =	vmov s16;
	s16 =	simm.s32 $0x1D;
	v26 =	vshrl.u32 v34, $0x3;
	v34 =	vmov s15;
	v56 =	vld [tilespmem:s10+$0xFFFFFF00];
	[tilespmem:v14+s22+$0x0] =	vst.idx.msk $0xffff, v16  }
0x48b: {  	v25 =	vmov s16;
	v21 =	vshrl.u32 v21, $0x3;
	v24 =	vadd.f32 v53, v40;
	v52 =	vld [tilespmem:s10+$0xFFFFFF40];
	[tilespmem:v28+s22+$0x0] =	vst.idx.msk $0xffff, v15  }
0x48c: {  	s17 =	simm.s32 $0x1B;
	v25 =	vshrl.u32 v25, $0x3;
	v17 =	vld [tilespmem:s10+$0xFFFFFF80];
	v14 =	vadd.s32 v59, v51;
	v15 =	vadd.f32 v54, v40;
	[tilespmem:$0x1FB10] =	vst v45  }
0x48d: {  	v27 =	vmov s17;
	s17 =	simm.s32 $0x1E;
	v28 =	vadd.s32 v45, v49;
	v0 =	vld [tilespmem:s10+$0xFFFFFFC0];
	[tilespmem:v22+s22+$0x0] =	vst.idx.msk $0xffff, v24;
	v16 =	vadd.f32 v55, v40  }
0x48e: {  	v53 =	vmov s17;
	v22 =	vadd.s32 v58, v47;
	v54 =	vld [tilespmem:s10+$0xFFFFFC40];
	v55 =	vadd.s32 v60, v48;
	[tilespmem:v23+s22+$0x0] =	vst.idx.msk $0xffff, v15  }
0x48f: {  	v24 =	vshrl.u32 v32, $0x3;
	v15 =	vadd.f32 v56, v40;
	v56 =	vadd.s32 v44, v46;
	[tilespmem:v20+s22+$0x0] =	vst.idx.msk $0xffff, v16  }
0x490: {  	v23 =	vadd.f32 v52, v40;
	v20 =	vshrl.u32 v18, $0x3;
	v18 =	vshrl.u32 v19, $0x3;
	[tilespmem:$0x1FB20] =	vst v44  }
0x491: {  	v16 =	vshrl.u32 v30, $0x3;
	v19 =	vshrl.u32 v38, $0x3;
	[tilespmem:v14+s22+$0x0] =	vst.idx.msk $0xffff, v15;
	v14 =	vadd.f32 v17, v40  }
0x492: {  	v20 =	vshll.u32 v20, v1;
	[tilespmem:v28+s22+$0x0] =	vst.idx.msk $0xffff, v23;
	v17 =	vshrl.u32 v29, $0x3;
	v0 =	vadd.f32 v0, v40  }
0x493: {  	v23 =	vshrl.u32 v27, $0x3;
	v15 =	vshll.u32 v26, v1;
	[tilespmem:v22+s22+$0x0] =	vst.idx.msk $0xffff, v14;
	v14 =	vadd.f32 v54, v40  }
0x494: {  	v27 =	vshrl.u32 v53, $0x3;
	v26 =	vshll.u32 v37, v1;
	v29 =	vshll.u32 v24, v1;
	[tilespmem:v55+s22+$0x0] =	vst.idx.msk $0xffff, v0  }
0x495: {  	s11 =	simm.s32 $0x20;
	s14 =	simm.s32 $0x1F;
	v24 =	vshll.u32 v31, v1;
	v22 =	vshrl.u32 v34, $0x3;
	[tilespmem:v56+s22+$0x0] =	vst.idx.msk $0xffff, v14;
	v14 =	vbroadcast v43, $0x0  }
.LBB2_15:
0x496: {  	v56 =	vld [tilespmem:$0x1FA60]  }
0x497: {  	v55 =	vld [tilespmem:$0x1FA70]  }
0x498: {  	v54 =	vld [tilespmem:$0x1FA80]  }
0x499: {  	v53 =	vld [tilespmem:$0x1FA90]  }
0x49a: {  	v0 =	vshll.u32 v18, v1;
	v18 =	vmov s14;
	v52 =	vld [tilespmem:$0x1FAA0]  }
0x49b: {  	v31 =	vshll.u32 v17, v1;
	s10 =	sadd.s32 $0x400, s10;
	v51 =	vld [tilespmem:$0x1FAB0];
	v17 =	vshrl.u32 v18, $0x3  }
0x49c: {  	v18 =	vld [tilespmem:s10+$0xFFFFFFD0];
	v17 =	vshll.u32 v17, v1  }
0x49d: {  	v32 =	vshll.u32 v22, v1;
	v22 =	vld [tilespmem:s10+$0xFFFFFC10];
	v30 =	vbroadcast v17, $0x0  }
0x49e: {  	v34 =	vshll.u32 v27, v1;
	v27 =	vbroadcast v15, $0x0;
	v35 =	vld [tilespmem:s10+$0xFFFFFC50]  }
0x49f: {  	v16 =	vshll.u32 v16, v1;
	v33 =	vshll.u32 v25, v1;
	v49 =	vld [tilespmem:$0x1FAC0];
	v37 =	vadd.s32 v2, v30  }
0x4a0: {  	v26 =	vbroadcast v26, $0x0;
	v25 =	vbroadcast v29, $0x0;
	v39 =	vld [tilespmem:s10+$0xFFFFFC90];
	v29 =	vadd.s32 v55, v27  }
0x4a1: {  	v28 =	vbroadcast v16, $0x0;
	v43 =	vld [tilespmem:s10+$0xFFFFFCD0];
	v16 =	vbroadcast v0, $0x0  }
0x4a2: {  	v44 =	vld [tilespmem:s10+$0xFFFFFD10];
	v17 =	vbroadcast v20, $0x0;
	v20 =	vadd.s32 v54, v26;
	v0 =	vadd.f32 v18, v50  }
0x4a3: {  	v46 =	vld [tilespmem:s10+$0xFFFFFD50];
	v18 =	vadd.f32 v22, v50;
	v22 =	vadd.s32 v53, v25;
	v35 =	vadd.f32 v35, v50  }
0x4a4: {  	v19 =	vshll.u32 v19, v1;
	v24 =	vbroadcast v24, $0x0;
	v48 =	vld [tilespmem:s10+$0xFFFFFD90];
	v38 =	vadd.s32 v56, v14;
	[tilespmem:v37+s22+$0x0] =	vst.idx.msk $0xffff, v0  }
0x4a5: {  	v47 =	vadd.s32 v51, v17;
	v0 =	vadd.f32 v39, v50;
	[tilespmem:v29+s22+$0x0] =	vst.idx.msk $0xffff, v35;
	v29 =	vld [tilespmem:s10+$0xFFFFFDD0]  }
0x4a6: {  	v15 =	vbroadcast v19, $0x0;
	v45 =	vadd.s32 v52, v24;
	v19 =	vadd.f32 v43, v50;
	v39 =	vld [tilespmem:s10+$0xFFFFFE10]  }
0x4a7: {  	v37 =	vadd.s32 v49, v16;
	[tilespmem:v20+s22+$0x0] =	vst.idx.msk $0xffff, v0;
	v20 =	vld [tilespmem:$0x1FAD0]  }
0x4a8: {  	v35 =	vadd.s32 v56, v15;
	v56 =	vld [tilespmem:s10+$0xFFFFFF10];
	[tilespmem:v22+s22+$0x0] =	vst.idx.msk $0xffff, v19;
	v19 =	vadd.f32 v46, v50  }
0x4a9: {  	v21 =	vshll.u32 v21, v1;
	[tilespmem:v38+s22+$0x0] =	vst.idx.msk $0xffff, v18;
	v38 =	vld [tilespmem:s10+$0xFFFFFFE0];
	v0 =	vadd.f32 v44, v50  }
0x4aa: {  	v23 =	vshll.u32 v23, v1;
	v18 =	vbroadcast v31, $0x0;
	v22 =	vbroadcast v21, $0x0;
	v46 =	vld [tilespmem:s10+$0xFFFFFE90];
	[tilespmem:v47+s22+$0x0] =	vst.idx.msk $0xffff, v19  }
0x4ab: {  	v23 =	vbroadcast v23, $0x0;
	v36 =	vadd.s32 v2, v28;
	v44 =	vld [tilespmem:s10+$0xFFFFFE50];
	[tilespmem:v45+s22+$0x0] =	vst.idx.msk $0xffff, v0;
	v0 =	vadd.f32 v48, v50  }
0x4ac: {  	v47 =	vadd.s32 v54, v22;
	v54 =	vld [tilespmem:s10+$0xFFFFFED0];
	v45 =	vadd.s32 v55, v18;
	v31 =	vadd.s32 v20, v30  }
0x4ad: {  	[tilespmem:v37+s22+$0x0] =	vst.idx.msk $0xffff, v0;
	v0 =	vadd.f32 v29, v50;
	v29 =	vadd.f32 v39, v50;
	v39 =	vld [tilespmem:s10+$0xFFFFFF50]  }
0x4ae: {  	v21 =	vbroadcast v34, $0x0;
	v19 =	vbroadcast v32, $0x0;
	v37 =	vadd.s32 v53, v23;
	v53 =	vld [tilespmem:s10+$0xFFFFFC60]  }
0x4af: {  	v55 =	vadd.f32 v38, v42;
	v43 =	vadd.s32 v20, v28;
	v20 =	vbroadcast v33, $0x0;
	[tilespmem:v35+s22+$0x0] =	vst.idx.msk $0xffff, v29;
	v29 =	vld [tilespmem:$0x1FAE0]  }
0x4b0: {  	v33 =	vadd.s32 v52, v19;
	v52 =	vld [tilespmem:s10+$0xFFFFFF90];
	[tilespmem:v36+s22+$0x0] =	vst.idx.msk $0xffff, v0;
	v0 =	vadd.f32 v44, v50  }
0x4b1: {  	v36 =	vadd.s32 v49, v21;
	v49 =	vld [tilespmem:s10+$0xFFFFFD20];
	[tilespmem:v31+s22+$0x0] =	vst.idx.msk $0xffff, v55;
	v31 =	vadd.s32 v51, v20  }
0x4b2: {  	[tilespmem:v45+s22+$0x0] =	vst.idx.msk $0xffff, v0;
	v0 =	vadd.f32 v54, v50;
	v32 =	vld [tilespmem:s10+$0xFFFFFFF0]  }
0x4b3: {  	v54 =	vld [tilespmem:s10+$0xFFFFFCA0];
	v51 =	vadd.f32 v46, v50;
	v55 =	vadd.f32 v56, v50  }
0x4b4: {  	v56 =	vld [tilespmem:s10+$0xFFFFFCE0];
	[tilespmem:v37+s22+$0x0] =	vst.idx.msk $0xffff, v0;
	v0 =	vadd.f32 v39, v50;
	v45 =	vadd.s32 v29, v30  }
0x4b5: {  	v48 =	vadd.s32 v62, v26;
	v38 =	vadd.s32 v61, v27;
	v46 =	vld [tilespmem:s10+$0xFFFFFDE0];
	[tilespmem:v47+s22+$0x0] =	vst.idx.msk $0xffff, v51  }
0x4b6: {  	v47 =	vadd.f32 v49, v42;
	v49 =	vld [tilespmem:$0x1FAF0];
	[tilespmem:v31+s22+$0x0] =	vst.idx.msk $0xffff, v0;
	v0 =	vadd.f32 v52, v50  }
0x4b7: {  	[tilespmem:v33+s22+$0x0] =	vst.idx.msk $0xffff, v55;
	v33 =	vadd.s32 v63, v25;
	v51 =	vld [tilespmem:s10+$0xFFFFFD60];
	v32 =	vadd.f32 v32, v41  }
0x4b8: {  	v31 =	vadd.f32 v53, v42;
	v52 =	vadd.s32 v3, v24;
	v53 =	vld [tilespmem:s10+$0xFFFFFDA0];
	[tilespmem:v36+s22+$0x0] =	vst.idx.msk $0xffff, v0  }
0x4b9: {  	v39 =	vld [tilespmem:s10+$0xFFFFFEE0];
	v55 =	vadd.s32 v4, v17;
	v54 =	vadd.f32 v54, v42;
	[tilespmem:v45+s22+$0x0] =	vst.idx.msk $0xffff, v32  }
0x4ba: {  	[tilespmem:v38+s22+$0x0] =	vst.idx.msk $0xffff, v31;
	v31 =	vadd.f32 v56, v42;
	v56 =	vadd.s32 v5, v16;
	v0 =	vld [tilespmem:s10+$0x0]  }
0x4bb: {  	v29 =	vadd.s32 v29, v28;
	[tilespmem:v48+s22+$0x0] =	vst.idx.msk $0xffff, v54;
	v48 =	vld [tilespmem:s10+$0xFFFFFE20];
	v30 =	vadd.s32 v49, v30  }
0x4bc: {  	v28 =	vadd.s32 v49, v28;
	[tilespmem:v33+s22+$0x0] =	vst.idx.msk $0xffff, v31;
	v31 =	vadd.f32 v51, v42;
	v51 =	vld [tilespmem:s10+$0xFFFFFE60]  }
0x4bd: {  	v54 =	vld [tilespmem:s10+$0xFFFFFEA0];
	[tilespmem:v52+s22+$0x0] =	vst.idx.msk $0xffff, v47;
	v52 =	vadd.f32 v53, v42;
	v53 =	vadd.s32 v12, v15  }
0x4be: {  	v49 =	vld [tilespmem:s10+$0xFFFFFF60];
	[tilespmem:v55+s22+$0x0] =	vst.idx.msk $0xffff, v31;
	v31 =	vadd.s32 v61, v18;
	v55 =	vadd.f32 v46, v42  }
0x4bf: {  	v36 =	vadd.s32 v62, v22;
	[tilespmem:v56+s22+$0x0] =	vst.idx.msk $0xffff, v52;
	v56 =	vld [tilespmem:s10+$0xFFFFFF20];
	v0 =	vadd.f32 v0, v40  }
0x4c0: {  	v37 =	vadd.f32 v48, v42;
	v48 =	vadd.s32 v63, v23;
	v38 =	vld [tilespmem:s10+$0xFFFFFCF0];
	[tilespmem:v43+s22+$0x0] =	vst.idx.msk $0xffff, v55  }
0x4c1: {  	[tilespmem:v30+s22+$0x0] =	vst.idx.msk $0xffff, v0;
	v0 =	vadd.f32 v51, v42;
	v30 =	vadd.s32 v3, v19;
	v51 =	vld [tilespmem:s10+$0xFFFFFFA0]  }
0x4c2: {  	v52 =	vld [tilespmem:s10+$0xFFFFFC20];
	[tilespmem:v53+s22+$0x0] =	vst.idx.msk $0xffff, v37;
	v53 =	vadd.f32 v54, v42;
	v54 =	vadd.s32 v4, v20  }
0x4c3: {  	v55 =	vld [tilespmem:s10+$0xFFFFFC70];
	[tilespmem:v31+s22+$0x0] =	vst.idx.msk $0xffff, v0;
	v0 =	vadd.f32 v39, v42;
	v31 =	vadd.s32 v5, v21  }
0x4c4: {  	v43 =	vld [tilespmem:s10+$0xFFFFFCB0];
	[tilespmem:v36+s22+$0x0] =	vst.idx.msk $0xffff, v53;
	v56 =	vadd.f32 v56, v42;
	v39 =	vadd.s32 v12, v14  }
0x4c5: {  	v47 =	vld [tilespmem:s10+$0xFFFFFE30];
	v36 =	vadd.s32 v6, v27;
	[tilespmem:v48+s22+$0x0] =	vst.idx.msk $0xffff, v0;
	v0 =	vadd.f32 v49, v42  }
0x4c6: {  	v48 =	vadd.s32 v7, v26;
	v49 =	vld [tilespmem:s10+$0xFFFFFD30];
	[tilespmem:v30+s22+$0x0] =	vst.idx.msk $0xffff, v56;
	v30 =	vadd.f32 v51, v42  }
0x4c7: {  	v53 =	vld [tilespmem:s10+$0xFFFFFD70];
	v51 =	vadd.f32 v52, v42;
	v52 =	vadd.s32 v8, v25;
	[tilespmem:v54+s22+$0x0] =	vst.idx.msk $0xffff, v0  }
0x4c8: {  	v0 =	vadd.f32 v55, v41;
	v54 =	vadd.s32 v9, v24;
	v55 =	vld [tilespmem:s10+$0xFFFFFDB0];
	[tilespmem:v31+s22+$0x0] =	vst.idx.msk $0xffff, v30  }
0x4c9: {  	v56 =	vld [tilespmem:s10+$0xFFFFFDF0];
	[tilespmem:v39+s22+$0x0] =	vst.idx.msk $0xffff, v51;
	v30 =	vadd.f32 v43, v41;
	v31 =	vadd.s32 v10, v17  }
0x4ca: {  	v46 =	vadd.s32 v11, v16;
	v51 =	vld [tilespmem:s10+$0xFFFFFEB0];
	[tilespmem:v36+s22+$0x0] =	vst.idx.msk $0xffff, v0;
	v0 =	vadd.f32 v38, v41  }
0x4cb: {  	[tilespmem:v48+s22+$0x0] =	vst.idx.msk $0xffff, v30;
	v30 =	vadd.f32 v49, v41;
	v48 =	vld [tilespmem:s10+$0xFFFFFE70]  }
0x4cc: {  	v38 =	vld [tilespmem:s10+$0xFFFFFF70];
	v49 =	vadd.s32 v13, v15;
	[tilespmem:v52+s22+$0x0] =	vst.idx.msk $0xffff, v0;
	v0 =	vadd.f32 v53, v41  }
0x4cd: {  	v52 =	vadd.s32 v6, v18;
	v53 =	vld [tilespmem:s10+$0xFFFFFEF0];
	[tilespmem:v54+s22+$0x0] =	vst.idx.msk $0xffff, v30;
	v30 =	vadd.f32 v55, v41  }
0x4ce: {  	v55 =	vld [tilespmem:s10+$0xFFFFFF30];
	[tilespmem:v31+s22+$0x0] =	vst.idx.msk $0xffff, v0;
	v0 =	vadd.f32 v56, v41  }
0x4cf: {  	v36 =	vadd.s32 v8, v23;
	v56 =	vld [tilespmem:s10+$0xFFFFFCC0];
	[tilespmem:v46+s22+$0x0] =	vst.idx.msk $0xffff, v30;
	v30 =	vadd.f32 v47, v41  }
0x4d0: {  	v31 =	vadd.s32 v7, v22;
	v46 =	vld [tilespmem:s10+$0xFFFFFC30];
	[tilespmem:v29+s22+$0x0] =	vst.idx.msk $0xffff, v0;
	v0 =	vadd.f32 v48, v41  }
0x4d1: {  	s15 =	sadd.s32 $0x3, s11;
	[tilespmem:v49+s22+$0x0] =	vst.idx.msk $0xffff, v30;
	v30 =	vadd.f32 v51, v41;
	v51 =	vld [tilespmem:$0x1FB10]  }
0x4d2: {  	v34 =	vmov s15;
	v29 =	vadd.s32 v9, v19;
	[tilespmem:v52+s22+$0x0] =	vst.idx.msk $0xffff, v0;
	v0 =	vadd.f32 v53, v41;
	v52 =	vld [tilespmem:$0x1FB00]  }
0x4d3: {  	v35 =	vadd.s32 v11, v21;
	v33 =	vadd.s32 v10, v20;
	v26 =	vadd.s32 v57, v26;
	v47 =	vld [tilespmem:s10+$0xFFFFFC80]  }
0x4d4: {  	s16 =	sadd.s32 $0x1, s11;
	v34 =	vshrl.u32 v34, $0x3;
	v16 =	vadd.s32 v60, v16;
	[tilespmem:v36+s22+$0x0] =	vst.idx.msk $0xffff, v0;
	v0 =	vadd.f32 v38, v41;
	v38 =	vld [tilespmem:s10+$0xFFFFFD40]  }
0x4d5: {  	v44 =	vmov s16;
	v39 =	vld [tilespmem:s10+$0xFFFFFFB0];
	v48 =	vadd.s32 v13, v14;
	[tilespmem:v31+s22+$0x0] =	vst.idx.msk $0xffff, v30;
	v30 =	vadd.f32 v55, v41  }
0x4d6: {  	v54 =	vmov s11;
	v32 =	vld [tilespmem:s10+$0xFFFFFD00];
	v56 =	vadd.f32 v56, v40;
	v24 =	vadd.s32 v51, v24  }
0x4d7: {  	s17 =	sadd.s32 $0x2, s11;
	v43 =	vshrl.u32 v54, $0x3;
	v54 =	vadd.f32 v46, v41;
	v46 =	vld [tilespmem:s10+$0xFFFFFD80];
	[tilespmem:v29+s22+$0x0] =	vst.idx.msk $0xffff, v30;
	v27 =	vadd.s32 v52, v27  }
0x4d8: {  	s16 =	sadd.s32 $0x4, s11;
	v45 =	vmov s17;
	v20 =	vadd.s32 v58, v20;
	v55 =	vadd.f32 v47, v40;
	v47 =	vld [tilespmem:s10+$0xFFFFFDC0];
	[tilespmem:v26+s22+$0x0] =	vst.idx.msk $0xffff, v56  }
0x4d9: {  	v37 =	vmov s16;
	v25 =	vadd.s32 v59, v25;
	v56 =	vld [tilespmem:$0x1FB20];
	[tilespmem:v33+s22+$0x0] =	vst.idx.msk $0xffff, v0;
	v26 =	vadd.f32 v38, v40  }
0x4da: {  	s17 =	sadd.s32 $0x5, s11;
	v37 =	vshrl.u32 v37, $0x3;
	v17 =	vadd.s32 v58, v17;
	v23 =	vadd.s32 v59, v23;
	[tilespmem:v48+s22+$0x0] =	vst.idx.msk $0xffff, v54;
	v54 =	vld [tilespmem:s10+$0xFFFFFE40]  }
0x4db: {  	s15 =	sadd.s32 $0x6, s11;
	v22 =	vadd.s32 v57, v22;
	v53 =	vld [tilespmem:s10+$0xFFFFFE00];
	v31 =	vmov s17;
	v29 =	vadd.f32 v39, v41;
	[tilespmem:v24+s22+$0x0] =	vst.idx.msk $0xffff, v26  }
0x4dc: {  	s16 =	sadd.s32 $0x7, s11;
	v36 =	vmov s15;
	v31 =	vshrl.u32 v31, $0x3;
	v26 =	vld [tilespmem:s10+$0xFFFFFF00];
	[tilespmem:v27+s22+$0x0] =	vst.idx.msk $0xffff, v55;
	v27 =	vadd.f32 v32, v40  }
0x4dd: {  	s17 =	sadd.s32 $0x8, s11;
	v30 =	vmov s16;
	v33 =	vshll.u32 v43, v1;
	[tilespmem:v35+s22+$0x0] =	vst.idx.msk $0xffff, v29;
	v24 =	vadd.f32 v47, v40;
	v55 =	vld [tilespmem:s10+$0xFFFFFE80]  }
0x4de: {  	s16 =	sadd.s32 $0xA, s11;
	v0 =	vmov s17;
	v15 =	vadd.s32 v56, v15;
	[tilespmem:v25+s22+$0x0] =	vst.idx.msk $0xffff, v27;
	v25 =	vadd.f32 v46, v40;
	v27 =	vld [tilespmem:s10+$0xFFFFFEC0]  }
0x4df: {  	s15 =	sadd.s32 $0x9, s11;
	v48 =	vmov s16;
	s17 =	sadd.s32 $0xB, s11;
	v18 =	vadd.s32 v52, v18;
	[tilespmem:v16+s22+$0x0] =	vst.idx.msk $0xffff, v24;
	v16 =	vadd.f32 v54, v40;
	v54 =	vld [tilespmem:s10+$0xFFFFFFC0]  }
0x4e0: {  	v29 =	vmov s15;
	v43 =	vmov s17;
	s15 =	sadd.s32 $0xC, s11;
	[tilespmem:v17+s22+$0x0] =	vst.idx.msk $0xffff, v25;
	v17 =	vadd.f32 v53, v40;
	v25 =	vld [tilespmem:s10+$0xFFFFFF40]  }
0x4e1: {  	s17 =	sadd.s32 $0xE, s11;
	v52 =	vshrl.u32 v44, $0x3;
	v38 =	vmov s15;
	v56 =	vadd.s32 v56, v14;
	v24 =	vld [tilespmem:s10+$0xFFFFFF80]  }
0x4e2: {  	s16 =	sadd.s32 $0xD, s11;
	v47 =	vmov s17;
	[tilespmem:v28+s22+$0x0] =	vst.idx.msk $0xffff, v17;
	v17 =	vadd.f32 v55, v40;
	v28 =	vadd.s32 v51, v19  }
0x4e3: {  	v46 =	vmov s16;
	[tilespmem:v15+s22+$0x0] =	vst.idx.msk $0xffff, v16;
	v16 =	vshrl.u32 v30, $0x3;
	v55 =	vld [tilespmem:s10+$0xFFFFFC40];
	v15 =	vadd.f32 v27, v40  }
0x4e4: {  	v53 =	vshrl.u32 v45, $0x3;
	[tilespmem:v18+s22+$0x0] =	vst.idx.msk $0xffff, v17;
	v17 =	vadd.f32 v26, v40;
	v26 =	vadd.s32 v60, v21  }
0x4e5: {  	p1 =	slt.u32 s11, $0x70;
	v19 =	vshrl.u32 v0, $0x3;
	v0 =	vadd.f32 v54, v40;
	[tilespmem:v22+s22+$0x0] =	vst.idx.msk $0xffff, v15;
	v14 =	vadd.f32 v25, v40  }
.Ltmp6:
0x4e6: {  	v27 =	vshrl.u32 v47, $0x3;
	v18 =	vshrl.u32 v36, $0x3;
	v15 =	vadd.f32 v24, v40;
	[tilespmem:v23+s22+$0x0] =	vst.idx.msk $0xffff, v17;
	(pc) =	sbr.rel @p1 .LBB2_15-.Ltmp6, $4  }
0x4e7: {  	v21 =	vshrl.u32 v48, $0x3;
	v22 =	vshrl.u32 v38, $0x3;
	v25 =	vshrl.u32 v46, $0x3;
	[tilespmem:v28+s22+$0x0] =	vst.idx.msk $0xffff, v14  }
0x4e8: {  	v17 =	vshrl.u32 v29, $0x3;
	v29 =	vshll.u32 v34, v1;
	v24 =	vadd.f32 v55, v40;
	[tilespmem:v20+s22+$0x0] =	vst.idx.msk $0xffff, v15  }
0x4e9: {  	v23 =	vshrl.u32 v43, $0x3;
	v15 =	vshll.u32 v52, v1;
	v20 =	vshll.u32 v31, v1;
	[tilespmem:v26+s22+$0x0] =	vst.idx.msk $0xffff, v0  }
0x4ea: {  	s14 =	sadd.s32 $0xF, s11;
	s11 =	sadd.s32 $0x10, s11;
	v14 =	vbroadcast v33, $0x0;
	v26 =	vshll.u32 v53, v1;
	[tilespmem:v56+s22+$0x0] =	vst.idx.msk $0xffff, v24;
	v24 =	vshll.u32 v37, v1  }
0x4eb: {  	v0 =	vmov s14;
	v51 =	vld [tilespmem:$0x1FA60]  }
0x4ec: {  	v49 =	vld [tilespmem:$0x1FA70];
	v0 =	vshrl.u32 v0, $0x3  }
0x4ed: {  	s10 =	sadd.s32 $0x400, s10;
	v48 =	vld [tilespmem:$0x1FA80];
	v0 =	vshll.u32 v0, v1  }
0x4ee: {  	v28 =	vld [tilespmem:s10+$0xFFFFFFD0];
	v0 =	vbroadcast v0, $0x0  }
0x4ef: {  	v30 =	vld [tilespmem:s10+$0xFFFFFC10]  }
0x4f0: {  	v15 =	vbroadcast v15, $0x0;
	v31 =	vld [tilespmem:s10+$0xFFFFFC50];
	v32 =	vadd.s32 v2, v0  }
0x4f1: {  	v34 =	vadd.s32 v51, v14  }
0x4f2: {  	v47 =	vld [tilespmem:$0x1FA90];
	v37 =	vadd.s32 v49, v15  }
0x4f3: {  	v33 =	vshll.u32 v18, v1;
	v18 =	vbroadcast v26, $0x0;
	v35 =	vld [tilespmem:s10+$0xFFFFFC90];
	v28 =	vadd.f32 v28, v50  }
0x4f4: {  	v53 =	vld [tilespmem:s10+$0xFFFFFCD0];
	v30 =	vadd.f32 v30, v50  }
0x4f5: {  	v54 =	vld [tilespmem:s10+$0xFFFFFD10];
	v38 =	vadd.s32 v48, v18;
	v31 =	vadd.f32 v31, v50;
	[tilespmem:v32+s22+$0x0] =	vst.idx.msk $0xffff, v28  }
0x4f6: {  	v46 =	vld [tilespmem:$0x1FAA0];
	[tilespmem:v34+s22+$0x0] =	vst.idx.msk $0xffff, v30  }
0x4f7: {  	v45 =	vld [tilespmem:$0x1FAB0];
	[tilespmem:v37+s22+$0x0] =	vst.idx.msk $0xffff, v31  }
0x4f8: {  	v52 =	vshll.u32 v16, v1;
	v16 =	vbroadcast v29, $0x0;
	v55 =	vadd.f32 v35, v50;
	v44 =	vld [tilespmem:$0x1FAC0]  }
0x4f9: {  	v36 =	vshll.u32 v19, v1;
	v39 =	vshll.u32 v17, v1;
	v19 =	vbroadcast v24, $0x0;
	v28 =	vld [tilespmem:s10+$0xFFFFFD50]  }
0x4fa: {  	v17 =	vbroadcast v20, $0x0;
	v20 =	vbroadcast v33, $0x0;
	v43 =	vadd.s32 v47, v16;
	v30 =	vld [tilespmem:s10+$0xFFFFFD90];
	[tilespmem:v38+s22+$0x0] =	vst.idx.msk $0xffff, v55  }
0x4fb: {  	v34 =	vshll.u32 v21, v1;
	v21 =	vbroadcast v52, $0x0;
	v52 =	vld [tilespmem:$0x1FAD0];
	v32 =	vadd.s32 v46, v19  }
0x4fc: {  	v35 =	vadd.s32 v45, v17  }
0x4fd: {  	v33 =	vld [tilespmem:s10+$0xFFFFFDD0];
	v29 =	vadd.f32 v53, v50;
	v26 =	vadd.s32 v44, v20  }
0x4fe: {  	v56 =	vadd.f32 v54, v50;
	v31 =	vld [tilespmem:s10+$0xFFFFFFE0];
	v55 =	vshll.u32 v22, v1  }
0x4ff: {  	[tilespmem:v43+s22+$0x0] =	vst.idx.msk $0xffff, v29;
	v29 =	vadd.s32 v2, v21;
	v2 =	vbroadcast v36, $0x0;
	v36 =	vld [tilespmem:s10+$0xFFFFFE10];
	v54 =	vadd.f32 v28, v50  }
0x500: {  	v22 =	vbroadcast v39, $0x0;
	v30 =	vadd.f32 v30, v50;
	v53 =	vadd.s32 v52, v0;
	[tilespmem:v32+s22+$0x0] =	vst.idx.msk $0xffff, v56;
	v32 =	vld [tilespmem:s10+$0xFFFFFE50]  }
0x501: {  	[tilespmem:v35+s22+$0x0] =	vst.idx.msk $0xffff, v54;
	v35 =	vadd.s32 v51, v2  }
0x502: {  	v33 =	vadd.f32 v33, v50;
	[tilespmem:v26+s22+$0x0] =	vst.idx.msk $0xffff, v30;
	v30 =	vadd.s32 v49, v22  }
0x503: {  	v37 =	vshll.u32 v23, v1;
	v23 =	vbroadcast v34, $0x0;
	v34 =	vld [tilespmem:s10+$0xFFFFFE90];
	v31 =	vadd.f32 v31, v42  }
0x504: {  	v43 =	vshll.u32 v25, v1;
	v36 =	vadd.f32 v36, v50;
	[tilespmem:v29+s22+$0x0] =	vst.idx.msk $0xffff, v33;
	v56 =	vld [tilespmem:s10+$0xFFFFFED0]  }
0x505: {  	v24 =	vbroadcast v37, $0x0;
	v51 =	vld [tilespmem:s10+$0xFFFFFF10];
	v49 =	vadd.s32 v48, v23;
	[tilespmem:v53+s22+$0x0] =	vst.idx.msk $0xffff, v31;
	v32 =	vadd.f32 v32, v50  }
0x506: {  	v27 =	vshll.u32 v27, v1;
	v25 =	vbroadcast v55, $0x0;
	v54 =	vld [tilespmem:s10+$0xFFFFFF50];
	v26 =	vbroadcast v43, $0x0;
	[tilespmem:v35+s22+$0x0] =	vst.idx.msk $0xffff, v36  }
0x507: {  	v27 =	vbroadcast v27, $0x0;
	v53 =	vadd.s32 v47, v24;
	v36 =	vld [tilespmem:s10+$0xFFFFFF90];
	[tilespmem:v30+s22+$0x0] =	vst.idx.msk $0xffff, v32  }
0x508: {  	v55 =	vadd.s32 v46, v25;
	v34 =	vadd.f32 v34, v50;
	v35 =	vadd.s32 v45, v26;
	v45 =	vld [tilespmem:$0x1FAE0]  }
0x509: {  	v30 =	vld [tilespmem:s10+$0xFFFFFC60]  }
0x50a: {  	v43 =	vadd.s32 v44, v27;
	v56 =	vadd.f32 v56, v50;
	[tilespmem:v49+s22+$0x0] =	vst.idx.msk $0xffff, v34;
	v49 =	vld [tilespmem:s10+$0xFFFFFCA0]  }
0x50b: {  	v39 =	vld [tilespmem:s10+$0xFFFFFFF0];
	v28 =	vadd.f32 v51, v50;
	v51 =	vadd.s32 v61, v15  }
0x50c: {  	v29 =	vadd.f32 v54, v50;
	v54 =	vadd.s32 v62, v18;
	[tilespmem:v53+s22+$0x0] =	vst.idx.msk $0xffff, v56  }
0x50d: {  	v53 =	vld [tilespmem:s10+$0xFFFFFCE0];
	[tilespmem:v55+s22+$0x0] =	vst.idx.msk $0xffff, v28;
	v44 =	vadd.f32 v36, v50;
	v48 =	vadd.s32 v45, v0  }
0x50e: {  	[tilespmem:v35+s22+$0x0] =	vst.idx.msk $0xffff, v29;
	v30 =	vadd.f32 v30, v42  }
0x50f: {  	v34 =	vadd.f32 v49, v42;
	[tilespmem:v43+s22+$0x0] =	vst.idx.msk $0xffff, v44  }
0x510: {  	v46 =	vld [tilespmem:s10+$0xFFFFFD60];
	v56 =	vadd.s32 v63, v16;
	v39 =	vadd.f32 v39, v41;
	[tilespmem:v51+s22+$0x0] =	vst.idx.msk $0xffff, v30  }
0x511: {  	v55 =	vld [tilespmem:s10+$0xFFFFFD20];
	[tilespmem:v54+s22+$0x0] =	vst.idx.msk $0xffff, v34  }
0x512: {  	v49 =	vadd.s32 v4, v17;
	v50 =	vadd.f32 v53, v42;
	v53 =	vld [tilespmem:s10+$0xFFFFFDE0];
	[tilespmem:v48+s22+$0x0] =	vst.idx.msk $0xffff, v39  }
0x513: {  	v43 =	vld [tilespmem:$0x1FAF0]  }
0x514: {  	v48 =	vld [tilespmem:s10+$0xFFFFFDA0]  }
0x515: {  	v47 =	vadd.s32 v3, v19;
	v44 =	vld [tilespmem:s10+$0xFFFFFE60];
	[tilespmem:v56+s22+$0x0] =	vst.idx.msk $0xffff, v50;
	v56 =	vadd.f32 v46, v42  }
0x516: {  	v51 =	vadd.s32 v5, v20;
	v35 =	vld [tilespmem:s10+$0x0]  }
0x517: {  	v54 =	vadd.f32 v55, v42;
	v55 =	vld [tilespmem:s10+$0xFFFFFE20];
	[tilespmem:v49+s22+$0x0] =	vst.idx.msk $0xffff, v56;
	v49 =	vadd.s32 v61, v22  }
0x518: {  	v36 =	vld [tilespmem:s10+$0xFFFFFC70];
	v0 =	vadd.s32 v43, v0  }
0x519: {  	v3 =	vadd.s32 v3, v25;
	v29 =	vadd.s32 v52, v21;
	v46 =	vadd.f32 v48, v42;
	v48 =	vld [tilespmem:s10+$0xFFFFFEA0]  }
0x51a: {  	[tilespmem:v47+s22+$0x0] =	vst.idx.msk $0xffff, v54;
	v47 =	vadd.s32 v12, v2;
	v50 =	vld [tilespmem:s10+$0xFFFFFEE0];
	v56 =	vadd.f32 v44, v42  }
0x51b: {  	v52 =	vadd.s32 v62, v23;
	v61 =	vld [tilespmem:s10+$0xFFFFFFA0];
	v35 =	vadd.f32 v35, v40;
	[tilespmem:v51+s22+$0x0] =	vst.idx.msk $0xffff, v46  }
0x51c: {  	v54 =	vadd.s32 v63, v24;
	v51 =	vadd.f32 v53, v42;
	v53 =	vld [tilespmem:s10+$0xFFFFFF20];
	[tilespmem:v49+s22+$0x0] =	vst.idx.msk $0xffff, v56  }
0x51d: {  	v39 =	vadd.s32 v5, v27;
	v49 =	vld [tilespmem:s10+$0xFFFFFCF0];
	[tilespmem:v0+s22+$0x0] =	vst.idx.msk $0xffff, v35;
	v0 =	vadd.f32 v55, v42  }
0x51e: {  	v63 =	vadd.s32 v4, v26;
	[tilespmem:v29+s22+$0x0] =	vst.idx.msk $0xffff, v51;
	v62 =	vadd.f32 v48, v42;
	v55 =	vld [tilespmem:s10+$0xFFFFFF60]  }
0x51f: {  	v37 =	vadd.f32 v50, v42;
	v48 =	vadd.s32 v6, v15;
	[tilespmem:v47+s22+$0x0] =	vst.idx.msk $0xffff, v0;
	v0 =	vld [tilespmem:s10+$0xFFFFFC20]  }
0x520: {  	v29 =	vadd.f32 v61, v42;
	[tilespmem:v52+s22+$0x0] =	vst.idx.msk $0xffff, v62;
	v52 =	vadd.s32 v8, v16  }
0x521: {  	v44 =	vadd.s32 v12, v14;
	v46 =	vld [tilespmem:s10+$0xFFFFFCB0];
	[tilespmem:v54+s22+$0x0] =	vst.idx.msk $0xffff, v37;
	v47 =	vadd.f32 v53, v42  }
0x522: {  	v28 =	vadd.f32 v36, v41;
	v56 =	vadd.s32 v10, v17;
	[tilespmem:v39+s22+$0x0] =	vst.idx.msk $0xffff, v29;
	v53 =	vld [tilespmem:s10+$0xFFFFFD70]  }
0x523: {  	v51 =	vld [tilespmem:s10+$0xFFFFFD30];
	v62 =	vadd.f32 v49, v41;
	[tilespmem:v3+s22+$0x0] =	vst.idx.msk $0xffff, v47;
	v3 =	vadd.s32 v7, v18  }
0x524: {  	[tilespmem:v48+s22+$0x0] =	vst.idx.msk $0xffff, v28;
	v50 =	vadd.f32 v55, v42;
	v0 =	vadd.f32 v0, v42;
	v42 =	vld [tilespmem:s10+$0xFFFFFEB0]  }
0x525: {  	v54 =	vadd.s32 v9, v19;
	v55 =	vld [tilespmem:s10+$0xFFFFFDB0];
	[tilespmem:v52+s22+$0x0] =	vst.idx.msk $0xffff, v62  }
0x526: {  	v61 =	vld [tilespmem:s10+$0xFFFFFDF0];
	v47 =	vadd.s32 v7, v23;
	[tilespmem:v44+s22+$0x0] =	vst.idx.msk $0xffff, v0;
	v0 =	vadd.f32 v46, v41  }
0x527: {  	v36 =	vld [tilespmem:s10+$0xFFFFFE30];
	[tilespmem:v63+s22+$0x0] =	vst.idx.msk $0xffff, v50;
	v63 =	vadd.s32 v11, v20;
	v38 =	vadd.f32 v53, v41  }
0x528: {  	v37 =	vld [tilespmem:s10+$0xFFFFFE70];
	[tilespmem:v3+s22+$0x0] =	vst.idx.msk $0xffff, v0;
	v0 =	vadd.s32 v45, v21;
	v3 =	vadd.f32 v51, v41  }
0x529: {  	v39 =	vadd.s32 v13, v2;
	[tilespmem:v56+s22+$0x0] =	vst.idx.msk $0xffff, v38;
	v45 =	vld [tilespmem:s10+$0xFFFFFEF0];
	v53 =	vadd.f32 v42, v41  }
0x52a: {  	v44 =	vadd.s32 v6, v22;
	[tilespmem:v54+s22+$0x0] =	vst.idx.msk $0xffff, v3;
	v3 =	vadd.f32 v55, v41  }
0x52b: {  	v49 =	vadd.s32 v8, v24;
	v46 =	vadd.f32 v61, v41;
	[tilespmem:v47+s22+$0x0] =	vst.idx.msk $0xffff, v53  }
0x52c: {  	[tilespmem:v63+s22+$0x0] =	vst.idx.msk $0xffff, v3;
	v3 =	vadd.f32 v36, v41  }
0x52d: {  	[tilespmem:v0+s22+$0x0] =	vst.idx.msk $0xffff, v46;
	v0 =	vadd.f32 v37, v41  }
0x52e: {  	v55 =	vadd.f32 v45, v41;
	[tilespmem:v39+s22+$0x0] =	vst.idx.msk $0xffff, v3  }
0x52f: {  	v48 =	vld [tilespmem:s10+$0xFFFFFF30];
	[tilespmem:v44+s22+$0x0] =	vst.idx.msk $0xffff, v0  }
0x530: {  	v50 =	vld [tilespmem:s10+$0xFFFFFF70];
	[tilespmem:v49+s22+$0x0] =	vst.idx.msk $0xffff, v55  }
0x531: {  	v28 =	vld [tilespmem:$0x1FB00]  }
0x532: {  	v52 =	vld [tilespmem:s10+$0xFFFFFFB0];
	v51 =	vadd.s32 v9, v25  }
0x533: {  	v54 =	vadd.s32 v10, v26;
	v3 =	vld [tilespmem:s10+$0xFFFFFC30]  }
0x534: {  	v56 =	vadd.s32 v11, v27;
	v0 =	vld [tilespmem:s10+$0xFFFFFC80]  }
0x535: {  	v61 =	vadd.s32 v13, v14;
	v12 =	vadd.f32 v48, v41;
	v62 =	vld [tilespmem:s10+$0xFFFFFCC0]  }
0x536: {  	v30 =	vld [tilespmem:s10+$0xFFFFFD00];
	v31 =	vadd.f32 v50, v41;
	v63 =	vadd.s32 v28, v15  }
0x537: {  	v32 =	vadd.s32 v57, v18;
	v9 =	vadd.f32 v52, v41;
	[tilespmem:v51+s22+$0x0] =	vst.idx.msk $0xffff, v12  }
0x538: {  	v34 =	vadd.s32 v59, v16;
	[tilespmem:v54+s22+$0x0] =	vst.idx.msk $0xffff, v31;
	v3 =	vadd.f32 v3, v41  }
0x539: {  	[tilespmem:v56+s22+$0x0] =	vst.idx.msk $0xffff, v9;
	v0 =	vadd.f32 v0, v40  }
0x53a: {  	v36 =	vld [tilespmem:$0x1FB10];
	[tilespmem:v61+s22+$0x0] =	vst.idx.msk $0xffff, v3;
	v3 =	vadd.f32 v62, v40  }
0x53b: {  	[tilespmem:v63+s22+$0x0] =	vst.idx.msk $0xffff, v0;
	v0 =	vadd.f32 v30, v40  }
0x53c: {  	v35 =	vld [tilespmem:s10+$0xFFFFFD80];
	[tilespmem:v32+s22+$0x0] =	vst.idx.msk $0xffff, v3  }
0x53d: {  	v33 =	vld [tilespmem:s10+$0xFFFFFD40];
	[tilespmem:v34+s22+$0x0] =	vst.idx.msk $0xffff, v0  }
0x53e: {  	v47 =	vld [tilespmem:$0x1FB20]  }
0x53f: {  	v38 =	vld [tilespmem:s10+$0xFFFFFDC0];
	v37 =	vadd.s32 v36, v19  }
0x540: {  	v39 =	vadd.s32 v58, v17;
	v41 =	vld [tilespmem:s10+$0xFFFFFE00]  }
0x541: {  	v42 =	vadd.s32 v60, v20;
	v44 =	vld [tilespmem:s10+$0xFFFFFE40]  }
0x542: {  	v45 =	vadd.f32 v33, v40;
	v46 =	vld [tilespmem:s10+$0xFFFFFE80];
	v3 =	vadd.s32 v43, v21  }
0x543: {  	v48 =	vld [tilespmem:s10+$0xFFFFFEC0];
	v0 =	vadd.f32 v35, v40;
	v2 =	vadd.s32 v47, v2  }
0x544: {  	v51 =	vld [tilespmem:s10+$0xFFFFFF00];
	v49 =	vadd.f32 v38, v40;
	v50 =	vadd.s32 v28, v22;
	[tilespmem:v37+s22+$0x0] =	vst.idx.msk $0xffff, v45  }
0x545: {  	v52 =	vadd.s32 v57, v23;
	v53 =	vld [tilespmem:s10+$0xFFFFFF40];
	[tilespmem:v39+s22+$0x0] =	vst.idx.msk $0xffff, v0;
	v0 =	vadd.f32 v41, v40  }
0x546: {  	v55 =	vadd.s32 v59, v24;
	v56 =	vld [tilespmem:s10+$0xFFFFFF80];
	v54 =	vadd.f32 v44, v40;
	[tilespmem:v42+s22+$0x0] =	vst.idx.msk $0xffff, v49  }
0x547: {  	v57 =	vld [tilespmem:s10+$0xFFFFFFC0];
	[tilespmem:v3+s22+$0x0] =	vst.idx.msk $0xffff, v0;
	v0 =	vadd.f32 v46, v40;
	v3 =	vadd.s32 v36, v25  }
0x548: {  	v10 =	vadd.f32 v48, v40;
	v59 =	vld [tilespmem:s10+$0xFFFFFC40];
	[tilespmem:v2+s22+$0x0] =	vst.idx.msk $0xffff, v54;
	v2 =	vadd.s32 v58, v26  }
0x549: {  	[tilespmem:v50+s22+$0x0] =	vst.idx.msk $0xffff, v0;
	v0 =	vadd.s32 v60, v27;
	v60 =	vadd.f32 v51, v40  }
0x54a: {  	v62 =	vadd.f32 v53, v40;
	[tilespmem:v52+s22+$0x0] =	vst.idx.msk $0xffff, v10;
	v61 =	vadd.s32 v47, v14  }
0x54b: {  	v63 =	vadd.f32 v56, v40;
	[tilespmem:v55+s22+$0x0] =	vst.idx.msk $0xffff, v60  }
0x54c: {  	[tilespmem:v3+s22+$0x0] =	vst.idx.msk $0xffff, v62;
	v3 =	vadd.f32 v57, v40  }
0x54d: {  	[tilespmem:v2+s22+$0x0] =	vst.idx.msk $0xffff, v63;
	v2 =	vadd.f32 v59, v40  }
0x54e: {  	s3 =	sadd.s32 @!p0 $0x380, s3;
	s11 =	simm.s32 @!p0 $0xC400;
	[tilespmem:v0+s22+$0x0] =	vst.idx.msk $0xffff, v3  }
0x54f: {  	s16 =	sshll.u32 s9, $0x12;
	s3 =	sand.u32 @!p0 $0xFF80, s3;
	s10 =	simm.s32 @!p0 $0x80;
	[tilespmem:v61+s22+$0x0] =	vst.idx.msk $0xffff, v2  }
0x550: {  	[tilespmem:s11], [sflag:$0x4] =	stream.indirect.gather @!p0 [hbm4b:s4+s10], $0x40, s3, s10, $0xb8;
	[tilespmem:$0x19E00] =	vst v63  }
0x551: {  	s3 =	sor.u32 s5, s16  }
0x552: {  	s3 =	sshrl.u32 s3, $0x3  }
0x553: {  	s17 =	simm.s32 $0x14A00;
	s9 =	sadd.s32 s1, s3  }
0x554: {  	[hbm4b:s9+s2] =	stream.linear.scatter [tilespmem:s17], [sflag:$0x8], $0x80, $0x38;
	[tilespmem:$0x19E00] =	vst v63  }
0x555: {  	s10 =	simm.s32 $0x14A88;
	s11 =	sadd.s32 $0x10, s9  }
0x556: {  	[hbm4b:s11+s2] =	stream.linear.scatter [tilespmem:s10], [sflag:$0x8], $0x80, $0x38;
	[tilespmem:$0x19E00] =	vst v63  }
0x557: {  	s14 =	simm.s32 $0x14B10;
	s16 =	simm.s32 $0x14B98;
	s15 =	sadd.s32 $0x20, s9  }
0x558: {  	[hbm4b:s15+s2] =	stream.linear.scatter [tilespmem:s14], [sflag:$0x8], $0x80, $0x38;
	[tilespmem:$0x19E00] =	vst v63  }
0x559: {  	s3 =	simm.s32 $0x440;
	s17 =	sadd.s32 $0x30, s9;
	s10 =	simm.s32 $0x14C20  }
0x55a: {  	[hbm4b:s17+s2] =	stream.linear.scatter [tilespmem:s16], [sflag:$0x8], $0x80, $0x38;
	[tilespmem:$0x19E00] =	vst v63  }
0x55b: {  	s11 =	sadd.s32 $0x40, s9;
	s14 =	simm.s32 $0x14CA8;
	s15 =	sadd.s32 $0x50, s9  }
0x55c: {  	[hbm4b:s11+s2] =	stream.linear.scatter [tilespmem:s10], [sflag:$0x8], $0x80, $0x38;
	[tilespmem:$0x19E00] =	vst v63  }
0x55d: {  	s16 =	simm.s32 $0x14D30;
	s17 =	sadd.s32 $0x60, s9;
	s10 =	simm.s32 $0x2200  }
0x55e: {  	[hbm4b:s15+s2] =	stream.linear.scatter [tilespmem:s14], [sflag:$0x8], $0x80, $0x38;
	[tilespmem:$0x19E00] =	vst v63  }
0x55f: {  	s11 =	simm.s32 $0x14DB8;
	s14 =	sadd.s32 $0x70, s9;
	s9 =	sadd.s32 $0x1000, s9  }
0x560: {  	[hbm4b:s17+s2] =	stream.linear.scatter [tilespmem:s16], [sflag:$0x8], $0x80, $0x38;
	[tilespmem:$0x19E00] =	vst v63  }
.LBB2_17:
0x561: {  	[hbm4b:s14+s2] =	stream.linear.scatter [tilespmem:s11], [sflag:$0x8], $0x80, $0x38;
	[tilespmem:$0x19E00] =	vst v63  }
0x562: {  	s11 =	smov.u32 s3;
	s3 =	smov.u32 s10  }
0x563: {  	s15 =	sadd.s32 $0x1100, s10;
	s3 =	sshra.s32 s3, $0x2;
	s14 =	sadd.s32 $0x14A00, s11  }
0x564: {  	[hbm4b:s9+s2] =	stream.linear.scatter [tilespmem:s14], [sflag:$0x8], $0x80, $0x38;
	[tilespmem:$0x19E00] =	vst v63  }
0x565: {  	p0 =	sne.s32 s10, $0x7700;
	s10 =	sadd.s32 $0x14A88, s11;
	s14 =	sadd.s32 $0x10, s9  }
0x566: {  	[hbm4b:s14+s2] =	stream.linear.scatter [tilespmem:s10], [sflag:$0x8], $0x80, $0x38;
	[tilespmem:$0x19E00] =	vst v63  }
0x567: {  	s10 =	sadd.s32 $0x14B10, s11;
	s14 =	sadd.s32 $0x20, s9  }
0x568: {  	[hbm4b:s14+s2] =	stream.linear.scatter [tilespmem:s10], [sflag:$0x8], $0x80, $0x38;
	[tilespmem:$0x19E00] =	vst v63  }
0x569: {  	s10 =	sadd.s32 $0x14B98, s11;
	s14 =	sadd.s32 $0x30, s9  }
0x56a: {  	[hbm4b:s14+s2] =	stream.linear.scatter [tilespmem:s10], [sflag:$0x8], $0x80, $0x38;
	[tilespmem:$0x19E00] =	vst v63  }
0x56b: {  	s10 =	sadd.s32 $0x14C20, s11;
	s14 =	sadd.s32 $0x40, s9  }
0x56c: {  	[hbm4b:s14+s2] =	stream.linear.scatter [tilespmem:s10], [sflag:$0x8], $0x80, $0x38;
	[tilespmem:$0x19E00] =	vst v63  }
.Ltmp7:
0x56d: {  	s10 =	sadd.s32 $0x14CA8, s11;
	s14 =	sadd.s32 $0x50, s9;
	(pc) =	sbr.rel @p0 .LBB2_17-.Ltmp7, $4  }
0x56e: {  	[hbm4b:s14+s2] =	stream.linear.scatter [tilespmem:s10], [sflag:$0x8], $0x80, $0x38;
	[tilespmem:$0x19E00] =	vst v63  }
0x56f: {  	s10 =	sadd.s32 $0x14D30, s11;
	s14 =	sadd.s32 $0x60, s9;
	s11 =	sadd.s32 $0x14DB8, s11  }
0x570: {  	[hbm4b:s14+s2] =	stream.linear.scatter [tilespmem:s10], [sflag:$0x8], $0x80, $0x38;
	[tilespmem:$0x19E00] =	vst v63  }
0x571: {  	s14 =	sadd.s32 $0x70, s9;
	s9 =	sadd.s32 $0x1000, s9;
	s10 =	smov.u32 s15  }
0x572: {  	v52 =	vld [tilespmem:$0x1FDE0]  }
0x573: {  	v51 =	vld [tilespmem:$0x1FDF0]  }
0x574: {  	v55 =	vld [tilespmem:$0x1FE00]  }
0x575: {  	v34 =	vld [tilespmem:$0x1FE20]  }
0x576: {  	v36 =	vld [tilespmem:$0x1FE30]  }
0x577: {  	v59 =	vld [tilespmem:$0x1FE40]  }
0x578: {  	[hbm4b:s14+s2] =	stream.linear.scatter [tilespmem:s11], [sflag:$0x8], $0x80, $0x38;
	v60 =	vld [tilespmem:$0x1FE50]  }
0x579: {  	s10 =	sadd.s32 $0x14A00, s3;
	v38 =	vld [tilespmem:$0x1FE60]  }
0x57a: {  	v39 =	vld [tilespmem:$0x1FE70];
	[hbm4b:s9+s2] =	stream.linear.scatter [tilespmem:s10], [sflag:$0x8], $0x80, $0x38  }
0x57b: {  	s16 =	sadd.s32 $0x14A88, s3;
	s17 =	sadd.s32 $0x10, s9;
	v31 =	vld [tilespmem:$0x1FE80]  }
0x57c: {  	v32 =	vld [tilespmem:$0x1FE90];
	[hbm4b:s17+s2] =	stream.linear.scatter [tilespmem:s16], [sflag:$0x8], $0x80, $0x38  }
0x57d: {  	s14 =	sadd.s32 $0x14B10, s3;
	s15 =	sadd.s32 $0x20, s9;
	v49 =	vld [tilespmem:$0x1FEA0]  }
0x57e: {  	v50 =	vld [tilespmem:$0x1FEB0];
	[hbm4b:s15+s2] =	stream.linear.scatter [tilespmem:s14], [sflag:$0x8], $0x80, $0x38  }
0x57f: {  	v63 =	vld [tilespmem:$0x1FEC0];
	s16 =	sadd.s32 $0x14B98, s3;
	s17 =	sadd.s32 $0x30, s9  }
0x580: {  	v53 =	vld [tilespmem:$0x1FEE0];
	[hbm4b:s17+s2] =	stream.linear.scatter [tilespmem:s16], [sflag:$0x8], $0x80, $0x38  }
0x581: {  	s0 =	sadd.s32 $0x1, s0;
	v54 =	vld [tilespmem:$0x1FEF0];
	s14 =	sadd.s32 $0x14C20, s3;
	s15 =	sadd.s32 $0x40, s9  }
0x582: {  	v35 =	vld [tilespmem:$0x1FF00];
	[hbm4b:s15+s2] =	stream.linear.scatter [tilespmem:s14], [sflag:$0x8], $0x80, $0x38  }
0x583: {  	v57 =	vld [tilespmem:$0x1FF20];
	p0 =	sne.s32 s0, $0x32;
	s16 =	sadd.s32 $0x14CA8, s3;
	s17 =	sadd.s32 $0x50, s9  }
0x584: {  	v58 =	vld [tilespmem:$0x1FF30];
	[hbm4b:s17+s2] =	stream.linear.scatter [tilespmem:s16], [sflag:$0x8], $0x80, $0x38  }
.Ltmp8:
0x585: {  	v56 =	vld [tilespmem:$0x1FF40];
	(pc) =	sbr.rel @p0 .LBB2_2-.Ltmp8, $4  }
0x586: {  	v61 =	vld [tilespmem:$0x1FF60];
	s14 =	sadd.s32 $0x14D30, s3;
	s15 =	sadd.s32 $0x60, s9  }
0x587: {  	v62 =	vld [tilespmem:$0x1FF70];
	[hbm4b:s15+s2] =	stream.linear.scatter [tilespmem:s14], [sflag:$0x8], $0x80, $0x38  }
0x588: {  	v47 =	vld [tilespmem:$0x1FF80];
	s16 =	sadd.s32 $0x14DB8, s3;
	s17 =	sadd.s32 $0x70, s9  }
0x589: {  	v0 =	vld [tilespmem:$0x1FF90];
	[hbm4b:s17+s2] =	stream.linear.scatter [tilespmem:s16], [sflag:$0x8], $0x80, $0x38  }
0x58a: {  	_ =	swait.ge [sflag:s26], $0x2000  }
0x58b: {  	[sflag:s26] =	ssyncset.done $0x0  }
0x58c: {  	[sflag:s26] =	ssyncadd.s32 $0xFFFFE000  }
0x58d: {  	_ =	swait.ge [sflag:s28], $0x2000  }
0x58e: {  	[sflag:s28] =	ssyncset.done $0x0  }
0x58f: {  	s31 =	sadd.s32 $0x1, s31;
	[sflag:s28] =	ssyncadd.s32 $0xFFFFE000  }
0x590: {  	p0 =	sne.s32 s31, s8;
	_ =	swait.ge [sflag:s29], $0x2000  }
.Ltmp9:
0x591: {  	[sflag:s29] =	ssyncset.done $0x0;
	(pc) =	sbr.rel @p0 .LBB2_1-.Ltmp9, $4  }
0x592: {  	[sflag:s29] =	ssyncadd.s32 $0xFFFFE000  }
0x593: {  	_ =	swait.ge [sflag:s30], $0x2000  }
0x594: {  	[sflag:s30] =	ssyncset.done $0x0  }
0x595: {  	[sflag:s30] =	ssyncadd.s32 $0xFFFFE000  }
0x596: {  	_ =	sfence.sel $0x180000  }
0x597: {  	[bflag:$0x0] =	sbarrier.arrive $0xFFFF  }
0x598: {  	_ =	strace $0x90000047  }
0x599: {  	s0 =	stileid.u32;
	[bflag:$0x2] =	sbarrier.arrive $0xFFFF  }
0x59a: {  	p0 =	sne.s32 s0, $0x0;
	s0 =	rddreg [dreg:$0x3]  }
0x59b: {  	s0 =	sadd.s32 @!p0 $0x100000, s0  }
0x59c: {  	[sflag:s0] =	ssyncadd.tile.s32 @!p0 $0x1;
	_ =	shalt  }
.Lfunc_end2:
_tile_overlayer_lowered:
.L_overlay_start_2:
0x59d: {  	(tag) =	ssettag $0x2  }
0x59e: {  	s0 =	rddreg [dreg:$0x0];
	s2 =	stileid.u32  }
0x59f: {  	s1 =	rddreg [dreg:$0x1];
	p0 =	sne.s32 s2, $0x0  }
0x5a0: {  	s3 =	rddreg [dreg:$0x2];
	[bflag:$0x3] =	sbarrier.arrive $0xFFFF;
	s2 =	simm.s32 @!p0 $0x1C0B  }
0x5a1: {  	[timem:s3], [sflag:s2] =	dma.local @!p0 [hbm:s0], s1  }
0x5a2: {  	s0 =	simm.s32 @!p0 $0xB  }
0x5a3: {  	_ =	swait.ge @!p0 [sflag:s0], s1  }
0x5a4: {  	s1 =	ssub.s32 @!p0 $0x0, s1;
	[sflag:s0] =	ssyncset.done @!p0 $0x0  }
0x5a5: {  	[sflag:s0] =	ssyncadd.s32 @!p0 s1  }
0x5a6: {  	[bflag:$0x3] =	sbarrier.arrive $0xFFFF  }
0x5a7: {  	_ =	shalt  }

</sc_bundles>
